<compile_context>
chip_gen: v7x
topology: tpu7x:2x2x1
jax: 0.10.2.dev20260603
libtpu: 0.0.44.dev20260713+nightly
codegen_flags: <defaults>
</compile_context>

<pallas_src>
import functools
import math

import jax
import jax.numpy as jnp
from jax import lax
from jax.experimental import pallas as pl
from jax.experimental.pallas import tpu as pltpu
from jax.experimental.pallas import tpu_sc as plsc

_CUTOFF = 10.0
_LOG2 = math.log(2.0)

_NC = 2
_NS = 16
_L = 16
_NW = _NC * _NS


def _ssp(v):
    return jnp.maximum(v, 0.0) + jnp.log(1.0 + jnp.exp(-jnp.abs(v))) - _LOG2


def _ssp_fast(v):
    return jnp.log(0.5 + 0.5 * jnp.exp(v))


def _pack_pairs(w, fl):
    wa = w[:, : fl // 2].astype(jnp.bfloat16).astype(jnp.float32)
    wb = w[:, fl // 2:].astype(jnp.bfloat16).astype(jnp.float32)
    ia = lax.shift_right_logical(lax.bitcast_convert_type(wa, jnp.int32), 16)
    ib = lax.bitcast_convert_type(wb, jnp.int32) & jnp.int32(-65536)
    return ia | ib


def _filter_body(eat_ref, ew_ref, w1t_ref, b1_ref, w2t_ref, b2_ref,
                 wm_ref, c_ref):
    a = lax.dot_general(eat_ref[...], w1t_ref[...], (((0,), (0,)), ((), ())),
                        preferred_element_type=jnp.float32)
    a = _ssp_fast(a + b1_ref[...])
    w = jnp.dot(a, w2t_ref[...],
                preferred_element_type=jnp.float32) + b2_ref[...]
    wm_ref[...] = _pack_pairs(w, w.shape[1])
    c_ref[...] = 0.5 * (jnp.cos(ew_ref[...] * (math.pi / _CUTOFF)) + 1.0)


def _filter_call(ea_t, ew3, w1t, b1, w2t, b2, block_e):
    g, e = ea_t.shape
    fl = w1t.shape[1]
    nb = e // block_e
    sub = block_e // 8
    return pl.pallas_call(
        _filter_body,
        grid=(nb,),
        in_specs=[
            pl.BlockSpec((g, block_e), lambda i: (0, i)),
            pl.BlockSpec((1, 8, sub), lambda i: (i, 0, 0)),
            pl.BlockSpec((g, fl), lambda i: (0, 0)),
            pl.BlockSpec((1, fl), lambda i: (0, 0)),
            pl.BlockSpec((fl, fl), lambda i: (0, 0)),
            pl.BlockSpec((1, fl), lambda i: (0, 0)),
        ],
        out_specs=[
            pl.BlockSpec((block_e, fl // 2), lambda i: (i, 0)),
            pl.BlockSpec((1, 8, sub), lambda i: (i, 0, 0)),
        ],
        out_shape=[
            jax.ShapeDtypeStruct((e, fl // 2), jnp.int32),
            jax.ShapeDtypeStruct((nb, 8, sub), jnp.float32),
        ],
    )(ea_t, ew3, w1t, b1, w2t, b2)


def _lin1_body(x_ref, wt_ref, out_ref):
    v = jnp.dot(x_ref[...], wt_ref[...], preferred_element_type=jnp.float32)
    out_ref[...] = _pack_pairs(v, v.shape[1])


def _lin1_call(x, lin1t, block_n):
    n, h = x.shape
    fl = lin1t.shape[1]
    grid = n // block_n
    return pl.pallas_call(
        _lin1_body,
        grid=(grid,),
        in_specs=[
            pl.BlockSpec((block_n, h), lambda i: (i, 0)),
            pl.BlockSpec((h, fl), lambda i: (0, 0)),
        ],
        out_specs=pl.BlockSpec((block_n, fl // 2), lambda i: (i, 0)),
        out_shape=jax.ShapeDtypeStruct((n, fl // 2), jnp.int32),
    )(x, lin1t)


def _sc_aggregate(h, wm, ei, ced, n_pad, fl, ew, ch, nch):
    rps = n_pad // _NS
    flw = fl // 2

    mesh = plsc.VectorSubcoreMesh(core_axis_name="c", subcore_axis_name="s")

    @functools.partial(
        pl.kernel,
        out_type=jax.ShapeDtypeStruct((_NC, n_pad, fl), jnp.float32),
        mesh=mesh,
        compiler_params=pltpu.CompilerParams(use_tc_tiling_on_sc=False,
                                             needs_layout_passes=False),
        scratch_types=[
            pltpu.VMEM((nch, ch), jnp.int32),
            pltpu.VMEM((nch, ch), jnp.int32),
            pltpu.VMEM((ch, flw), jnp.int32),
            pltpu.VMEM((ch, flw), jnp.int32),
            pltpu.VMEM((ch, flw), jnp.int32),
            pltpu.VMEM((ch, flw), jnp.int32),
            pltpu.VMEM((ch, fl), jnp.float32),
            pltpu.VMEM((ch, fl), jnp.float32),
            pltpu.VMEM((ch + 8,), jnp.float32),
            pltpu.VMEM((ch + 8,), jnp.float32),
            pltpu.VMEM_SHARED((n_pad, fl), jnp.float32),
            pltpu.SemaphoreType.DMA,
            pltpu.SemaphoreType.DMA,
            pltpu.SemaphoreType.DMA,
            pltpu.SemaphoreType.DMA,
            pltpu.SemaphoreType.DMA,
            pltpu.SemaphoreType.DMA,
            pltpu.SemaphoreType.DMA,
            pltpu.SemaphoreType.DMA,
        ],
    )
    def sc_kernel(h_hbm, wm_hbm, ei_hbm, c_hbm, out_hbm,
                  src_v, dst_v, rows0, rows1, wmb0, wmb1, msg0, msg1,
                  cb0, cb1, agg_sh,
                  semw0, semw1, semg0, semg1, semc0, semc1, sema0, sema1):
        c = lax.axis_index("c")
        s = lax.axis_index("s")
        wid = s * _NC + c

        def zero_row(r, _):
            for j in range(fl // _L):
                msg0[r, pl.ds(j * _L, _L)] = jnp.zeros((_L,), jnp.float32)
            return 0
        lax.fori_loop(0, ch, zero_row, 0)
        for k in range(rps // ch):
            pltpu.sync_copy(msg0, agg_sh.at[pl.ds(s * rps + k * ch, ch)])

        pltpu.sync_copy(ei_hbm.at[0, wid], src_v)
        pltpu.sync_copy(ei_hbm.at[1, wid], dst_v)
        plsc.subcore_barrier()

        def issue(i, wmb, rowsb, cb, semw, semg, semc):
            base = wid * ew + i * ch
            pltpu.async_copy(wm_hbm.at[pl.ds(base, ch)], wmb, semw)
            pltpu.async_copy(h_hbm.at[src_v.at[i]], rowsb, semg)
            pltpu.async_copy(c_hbm.at[wid, i], cb.at[pl.ds(0, ch)], semc)

        def wait_in(wmb, rowsb, cb, semw, semg, semc):
            pltpu.make_async_copy(wm_hbm.at[pl.ds(0, ch)], wmb, semw).wait()
            pltpu.make_async_copy(wm_hbm.at[pl.ds(0, ch)], rowsb, semg).wait()
            pltpu.make_async_copy(c_hbm.at[0, 0], cb.at[pl.ds(0, ch)],
                                  semc).wait()

        def wait_add(msgb, sema):
            pltpu.make_async_copy(out_hbm.at[0, pl.ds(0, ch)], msgb,
                                  sema).wait()

        mask = jnp.int32(-65536)

        def mul_rows(msgb, wmb, rowsb, cb):
            def grp_body(g8, _):
                cvec = cb[pl.ds(g8 * 8, _L)]
                for k in range(8):
                    cs = cvec[k]
                    r = g8 * 8 + k
                    for g in range(flw // _L):
                        sl = pl.ds(g * _L, _L)
                        ww = wmb[r, sl]
                        hw = rowsb[r, sl]
                        wlo = plsc.bitcast(lax.shift_left(ww, 16),
                                           jnp.float32)
                        hlo = plsc.bitcast(lax.shift_left(hw, 16),
                                           jnp.float32)
                        whi = plsc.bitcast(ww & mask, jnp.float32)
                        hhi = plsc.bitcast(hw & mask, jnp.float32)
                        msgb[r, pl.ds(2 * g * _L, _L)] = wlo * hlo * cs
                        msgb[r, pl.ds((2 * g + 1) * _L, _L)] = whi * hhi * cs
                return 0
            lax.fori_loop(0, ch // 8, grp_body, 0)

        issue(0, wmb0, rows0, cb0, semw0, semg0, semc0)

        def body2(gidx, _):
            i0 = gidx * 2

            @pl.when(i0 > 0)
            def _():
                wait_add(msg0, sema0)
            issue(i0 + 1, wmb1, rows1, cb1, semw1, semg1, semc1)
            wait_in(wmb0, rows0, cb0, semw0, semg0, semc0)
            mul_rows(msg0, wmb0, rows0, cb0)
            pltpu.async_copy(msg0, agg_sh.at[dst_v.at[i0]], sema0, add=True)

            @pl.when(i0 > 0)
            def _():
                wait_add(msg1, sema1)

            @pl.when(i0 + 2 < nch)
            def _():
                issue(i0 + 2, wmb0, rows0, cb0, semw0, semg0, semc0)
            wait_in(wmb1, rows1, cb1, semw1, semg1, semc1)
            mul_rows(msg1, wmb1, rows1, cb1)
            pltpu.async_copy(msg1, agg_sh.at[dst_v.at[i0 + 1]], sema1,
                             add=True)
            return 0
        lax.fori_loop(0, nch // 2, body2, 0)

        wait_add(msg0, sema0)
        wait_add(msg1, sema1)

        plsc.subcore_barrier()
        pltpu.sync_copy(agg_sh.at[pl.ds(s * rps, rps)],
                        out_hbm.at[c, pl.ds(s * rps, rps)])

    return sc_kernel(h, wm, ei, ced)


def _tail_body(p_ref, lin2t_ref, b2_ref, lint_ref, b_ref, out_ref):
    agg = p_ref[0] + p_ref[1]
    v = jnp.dot(agg, lin2t_ref[...], preferred_element_type=jnp.float32)
    v = _ssp(v + b2_ref[...])
    out_ref[...] = jnp.dot(v, lint_ref[...],
                           preferred_element_type=jnp.float32) + b_ref[...]


def _tail_call(partial, lin2t, lin2_b, lint, lin_b, n, block_n):
    fl = partial.shape[2]
    h = lint.shape[1]
    grid = n // block_n
    return pl.pallas_call(
        _tail_body,
        grid=(grid,),
        in_specs=[
            pl.BlockSpec((_NC, block_n, fl), lambda i: (0, i, 0)),
            pl.BlockSpec((fl, h), lambda i: (0, 0)),
            pl.BlockSpec((1, h), lambda i: (0, 0)),
            pl.BlockSpec((h, h), lambda i: (0, 0)),
            pl.BlockSpec((1, h), lambda i: (0, 0)),
        ],
        out_specs=pl.BlockSpec((block_n, h), lambda i: (i, 0)),
        out_shape=jax.ShapeDtypeStruct((n, h), jnp.float32),
    )(partial, lin2t, lin2_b, lint, lin_b)


def kernel(x, edge_index, edge_weight, edge_attr,
           mlp_w1, mlp_b1, mlp_w2, mlp_b2,
           lin1_w, lin2_w, lin2_b, lin_w, lin_b):
    n, h = x.shape
    e = edge_index.shape[1]
    fl = mlp_w1.shape[0]

    ew = e // _NW
    ch = 40
    nch = ew // ch
    be = 2560

    wm, c3 = _filter_call(edge_attr.T, edge_weight.reshape(e // be, 8, be // 8),
                          mlp_w1.T, mlp_b1.reshape(1, fl),
                          mlp_w2.T, mlp_b2.reshape(1, fl), block_e=be)
    hmat = _lin1_call(x, lin1_w.T, block_n=1000)

    n_pad = 10240
    ei = edge_index.reshape(2, _NW, nch, ch)
    ced = c3.reshape(_NW, nch, ch)
    partial = _sc_aggregate(hmat, wm, ei, ced, n_pad, fl, ew, ch, nch)

    rho = [16 * (p // 32) + (p % 32 if p % 32 < 16
                             else fl // 2 + (p % 32 - 16))
           for p in range(fl)]
    lin2t_perm = lin2_w.T[jnp.array(rho, jnp.int32), :]

    return _tail_call(partial, lin2t_perm, lin2_b.reshape(1, h),
                      lin_w.T, lin_b.reshape(1, h), n, block_n=1000)

# --- scband reference (transcript-rebuilt; emitter-appended) ---
"""Pipeline reference for scband-interaction-block-41300405518873 (READ-ONLY COPY).

The authoritative reference and input builder live on the scoring server;
editing this copy changes nothing except your own understanding.
"""

import jax, jax.numpy as jnp
import numpy as np
import math

N = 10000
E = 320000
H = 128   # hidden_channels
G = 50    # num_gaussians
FL = 128  # num_filters
CUTOFF = 10.0


def shifted_softplus(x):
    return jax.nn.softplus(x) - math.log(2.0)


def _xavier(k, shape):
    fan_out, fan_in = shape
    a = math.sqrt(6.0 / (fan_in + fan_out))
    return jax.random.uniform(k, shape, jnp.float32, -a, a)


def setup_inputs(seed: int = 0) -> dict:
    key = jax.random.key(seed)
    ks = jax.random.split(key, 10)
    x = jax.random.normal(ks[0], (N, H), jnp.float32)
    edge_index = jax.random.randint(ks[1], (2, E), 0, N, dtype=jnp.int32)
    edge_weight = jax.random.uniform(ks[2], (E,), jnp.float32)
    edge_attr = jax.random.normal(ks[3], (E, G), jnp.float32)
    # parameters (Linear stores weight as [out, in])
    mlp_w1 = _xavier(ks[4], (FL, G)); mlp_b1 = jnp.zeros((FL,), jnp.float32)
    mlp_w2 = _xavier(ks[5], (FL, FL)); mlp_b2 = jnp.zeros((FL,), jnp.float32)
    lin1_w = _xavier(ks[6], (FL, H))  # CFConv lin1, no bias
    lin2_w = _xavier(ks[7], (H, FL)); lin2_b = jnp.zeros((H,), jnp.float32)
    lin_w = _xavier(ks[8], (H, H)); lin_b = jnp.zeros((H,), jnp.float32)
    return {
        'x': x, 'edge_index': edge_index, 'edge_weight': edge_weight,
        'edge_attr': edge_attr,
        'mlp_w1': mlp_w1, 'mlp_b1': mlp_b1, 'mlp_w2': mlp_w2, 'mlp_b2': mlp_b2,
        'lin1_w': lin1_w, 'lin2_w': lin2_w, 'lin2_b': lin2_b,
        'lin_w': lin_w, 'lin_b': lin_b,
    }


def reference(x, edge_index, edge_weight, edge_attr,
              mlp_w1, mlp_b1, mlp_w2, mlp_b2,
              lin1_w, lin2_w, lin2_b, lin_w, lin_b):
    # CFConv (SchNet continuous-filter convolution)
    C = 0.5 * (jnp.cos(edge_weight * jnp.pi / CUTOFF) + 1.0)
    W = shifted_softplus(edge_attr @ mlp_w1.T + mlp_b1) @ mlp_w2.T + mlp_b2
    W = W * C[:, None]
    h = x @ lin1_w.T
    src = edge_index[0]
    dst = edge_index[1]
    msg = jnp.take(h, src, axis=0) * W
    agg = jax.ops.segment_sum(msg, dst, num_segments=x.shape[0])
    h = agg @ lin2_w.T + lin2_b
    # InteractionBlock tail
    h = shifted_softplus(h)
    out = h @ lin_w.T + lin_b
    return out

if __name__ == "__main__":
    import jax
    _d = setup_inputs()
    print(jax.jit(kernel)(*tuple(_d.values())))

</pallas_src>

<mosaic_0001>
#map = affine_map<(d0, d1) -> (0, 0)>
#map1 = affine_map<(d0, d1) -> (0, 0, 0, 0)>
#map2 = affine_map<(d0, d1) -> (0, 0, 0)>
module attributes {stable_mosaic.version = 14 : i64} {
  func.func @sc_kernel(%arg0: i32, %arg1: i32, %arg2: memref<10000x64xi32, #tpu.memory_space<hbm>>, %arg3: memref<320000x64xi32, #tpu.memory_space<hbm>>, %arg4: memref<2x32x250x40xi32, #tpu.memory_space<hbm>>, %arg5: memref<32x250x40xf32, #tpu.memory_space<hbm>>, %arg6: memref<2x10240x128xf32, #tpu.memory_space<hbm>>, %arg7: memref<250x40xi32, #tpu.memory_space<vmem>>, %arg8: memref<250x40xi32, #tpu.memory_space<vmem>>, %arg9: memref<40x64xi32, #tpu.memory_space<vmem>>, %arg10: memref<40x64xi32, #tpu.memory_space<vmem>>, %arg11: memref<40x64xi32, #tpu.memory_space<vmem>>, %arg12: memref<40x64xi32, #tpu.memory_space<vmem>>, %arg13: memref<40x128xf32, #tpu.memory_space<vmem>>, %arg14: memref<40x128xf32, #tpu.memory_space<vmem>>, %arg15: memref<48xf32, #tpu.memory_space<vmem>>, %arg16: memref<48xf32, #tpu.memory_space<vmem>>, %arg17: memref<10240x128xf32, #tpu.memory_space<vmem_shared>>, %arg18: memref<!tpu.dma_semaphore, #tpu.memory_space<semaphore_mem>>, %arg19: memref<!tpu.dma_semaphore, #tpu.memory_space<semaphore_mem>>, %arg20: memref<!tpu.dma_semaphore, #tpu.memory_space<semaphore_mem>>, %arg21: memref<!tpu.dma_semaphore, #tpu.memory_space<semaphore_mem>>, %arg22: memref<!tpu.dma_semaphore, #tpu.memory_space<semaphore_mem>>, %arg23: memref<!tpu.dma_semaphore, #tpu.memory_space<semaphore_mem>>, %arg24: memref<!tpu.dma_semaphore, #tpu.memory_space<semaphore_mem>>, %arg25: memref<!tpu.dma_semaphore, #tpu.memory_space<semaphore_mem>>) attributes {dimension_semantics = [#tpu.dimension_semantics<core_parallel>, #tpu.dimension_semantics<subcore_parallel>], iteration_bounds = array<i64: 2, 16>, scalar_prefetch = 0 : i64, scratch_operands = 19 : i64, tpu.core_type = #tpu.core_type<sc_vector_subcore>, window_params = [{transform_indices = #map}, {transform_indices = #map}, {transform_indices = #map1}, {transform_indices = #map2}, {transform_indices = #map2}]} {
    %mul3A = arith.constant 2 : i32
    %mul3A_0 = arith.muli %arg1, %mul3A : i32
    %add3A = arith.addi %mul3A_0, %arg0 : i32
    %scan3A = arith.constant 0 : i32
    %scan3A_1 = arith.constant 0 : i32
    %scan3A_2 = arith.constant 40 : i32
    %scan3A_3 = arith.addi %scan3A_1, %scan3A_2 : i32
    %scan3A_4 = arith.constant 1 : i32
    %scan3A_5 = scf.for %scan3A_127 = %scan3A_1 to %scan3A_3 step %scan3A_4 iter_args(%scan3A_128 = %scan3A) -> (i32)  : i32 {
      %broadcast_in_dim3A = arith.constant 0.000000e+00 : f32
      %broadcast_in_dim3A_129 = vector.broadcast %broadcast_in_dim3A : f32 to vector<16xf32>
      %swap3A = arith.index_cast %scan3A_127 : i32 to index
      %swap3A_130 = arith.constant 0 : index
      %swap3A_131 = tpu.vector_load %arg13[%swap3A, %swap3A_130] {strides = array<i32>} : memref<40x128xf32, #tpu.memory_space<vmem>>, vector<16xf32>,
      tpu.vector_store %arg13[%swap3A, %swap3A_130], %broadcast_in_dim3A_129 {strides = array<i32>} : memref<40x128xf32, #tpu.memory_space<vmem>>, vector<16xf32>,
      %broadcast_in_dim3A_132 = arith.constant 0.000000e+00 : f32
      %broadcast_in_dim3A_133 = vector.broadcast %broadcast_in_dim3A_132 : f32 to vector<16xf32>
      %swap3A_134 = arith.index_cast %scan3A_127 : i32 to index
      %swap3A_135 = arith.constant 16 : index
      %swap3A_136 = tpu.vector_load %arg13[%swap3A_134, %swap3A_135] {strides = array<i32>} : memref<40x128xf32, #tpu.memory_space<vmem>>, vector<16xf32>,
      tpu.vector_store %arg13[%swap3A_134, %swap3A_135], %broadcast_in_dim3A_133 {strides = array<i32>} : memref<40x128xf32, #tpu.memory_space<vmem>>, vector<16xf32>,
      %broadcast_in_dim3A_137 = arith.constant 0.000000e+00 : f32
      %broadcast_in_dim3A_138 = vector.broadcast %broadcast_in_dim3A_137 : f32 to vector<16xf32>
      %swap3A_139 = arith.index_cast %scan3A_127 : i32 to index
      %swap3A_140 = arith.constant 32 : index
      %swap3A_141 = tpu.vector_load %arg13[%swap3A_139, %swap3A_140] {strides = array<i32>} : memref<40x128xf32, #tpu.memory_space<vmem>>, vector<16xf32>,
      tpu.vector_store %arg13[%swap3A_139, %swap3A_140], %broadcast_in_dim3A_138 {strides = array<i32>} : memref<40x128xf32, #tpu.memory_space<vmem>>, vector<16xf32>,
      %broadcast_in_dim3A_142 = arith.constant 0.000000e+00 : f32
      %broadcast_in_dim3A_143 = vector.broadcast %broadcast_in_dim3A_142 : f32 to vector<16xf32>
      %swap3A_144 = arith.index_cast %scan3A_127 : i32 to index
      %swap3A_145 = arith.constant 48 : index
      %swap3A_146 = tpu.vector_load %arg13[%swap3A_144, %swap3A_145] {strides = array<i32>} : memref<40x128xf32, #tpu.memory_space<vmem>>, vector<16xf32>,
      tpu.vector_store %arg13[%swap3A_144, %swap3A_145], %broadcast_in_dim3A_143 {strides = array<i32>} : memref<40x128xf32, #tpu.memory_space<vmem>>, vector<16xf32>,
      %broadcast_in_dim3A_147 = arith.constant 0.000000e+00 : f32
      %broadcast_in_dim3A_148 = vector.broadcast %broadcast_in_dim3A_147 : f32 to vector<16xf32>
      %swap3A_149 = arith.index_cast %scan3A_127 : i32 to index
      %swap3A_150 = arith.constant 64 : index
      %swap3A_151 = tpu.vector_load %arg13[%swap3A_149, %swap3A_150] {strides = array<i32>} : memref<40x128xf32, #tpu.memory_space<vmem>>, vector<16xf32>,
      tpu.vector_store %arg13[%swap3A_149, %swap3A_150], %broadcast_in_dim3A_148 {strides = array<i32>} : memref<40x128xf32, #tpu.memory_space<vmem>>, vector<16xf32>,
      %broadcast_in_dim3A_152 = arith.constant 0.000000e+00 : f32
      %broadcast_in_dim3A_153 = vector.broadcast %broadcast_in_dim3A_152 : f32 to vector<16xf32>
      %swap3A_154 = arith.index_cast %scan3A_127 : i32 to index
      %swap3A_155 = arith.constant 80 : index
      %swap3A_156 = tpu.vector_load %arg13[%swap3A_154, %swap3A_155] {strides = array<i32>} : memref<40x128xf32, #tpu.memory_space<vmem>>, vector<16xf32>,
      tpu.vector_store %arg13[%swap3A_154, %swap3A_155], %broadcast_in_dim3A_153 {strides = array<i32>} : memref<40x128xf32, #tpu.memory_space<vmem>>, vector<16xf32>,
      %broadcast_in_dim3A_157 = arith.constant 0.000000e+00 : f32
      %broadcast_in_dim3A_158 = vector.broadcast %broadcast_in_dim3A_157 : f32 to vector<16xf32>
      %swap3A_159 = arith.index_cast %scan3A_127 : i32 to index
      %swap3A_160 = arith.constant 96 : index
      %swap3A_161 = tpu.vector_load %arg13[%swap3A_159, %swap3A_160] {strides = array<i32>} : memref<40x128xf32, #tpu.memory_space<vmem>>, vector<16xf32>,
      tpu.vector_store %arg13[%swap3A_159, %swap3A_160], %broadcast_in_dim3A_158 {strides = array<i32>} : memref<40x128xf32, #tpu.memory_space<vmem>>, vector<16xf32>,
      %broadcast_in_dim3A_162 = arith.constant 0.000000e+00 : f32
      %broadcast_in_dim3A_163 = vector.broadcast %broadcast_in_dim3A_162 : f32 to vector<16xf32>
      %swap3A_164 = arith.index_cast %scan3A_127 : i32 to index
      %swap3A_165 = arith.constant 112 : index
      %swap3A_166 = tpu.vector_load %arg13[%swap3A_164, %swap3A_165] {strides = array<i32>} : memref<40x128xf32, #tpu.memory_space<vmem>>, vector<16xf32>,
      tpu.vector_store %arg13[%swap3A_164, %swap3A_165], %broadcast_in_dim3A_163 {strides = array<i32>} : memref<40x128xf32, #tpu.memory_space<vmem>>, vector<16xf32>,
      %scan3A_167 = arith.constant 0 : i32
      scf.yield %scan3A_167 : i32
    }
    %scan3A_6 = arith.constant 40 : i32
    %mul3A_7 = arith.constant 640 : i32
    %mul3A_8 = arith.muli %arg1, %mul3A_7 : i32
    %add3A_9 = arith.constant 0 : i32
    %add3A_10 = arith.addi %mul3A_8, %add3A_9 : i32
    "tpu.region"() ({
      %run_scoped3A_127 = tpu.sem_alloc : memref<!tpu.dma_semaphore, #tpu.memory_space<semaphore_mem>>
      %dma_start3A_128 = arith.constant 0 : i32
      %dma_start3A_129 = tpu.memref_slice %arg17[%add3A_10, %dma_start3A_128] : memref<10240x128xf32, #tpu.memory_space<vmem_shared>> -> memref<40x128xf32, #tpu.memory_space<vmem_shared>>
      %dma_start3A_130 = arith.constant 0 : i32
      %dma_start3A_131 = tpu.memref_slice %arg17[%add3A_10, %dma_start3A_130] : memref<10240x128xf32, #tpu.memory_space<vmem_shared>> -> memref<40x128xf32, #tpu.memory_space<vmem_shared>>
      tpu.enqueue_dma source(%arg13 : memref<40x128xf32, #tpu.memory_space<vmem>>) target(%dma_start3A_131 : memref<40x128xf32, #tpu.memory_space<vmem_shared>>) target_semaphore(%run_scoped3A_127 : memref<!tpu.dma_semaphore, #tpu.memory_space<semaphore_mem>>)
      %dma_wait3A_132 = arith.constant 0 : i32
      %dma_wait3A_133 = tpu.memref_slice %arg17[%add3A_10, %dma_wait3A_132] : memref<10240x128xf32, #tpu.memory_space<vmem_shared>> -> memref<40x128xf32, #tpu.memory_space<vmem_shared>>
      %dma_wait3A_134 = arith.constant 0 : i32
      %dma_wait3A_135 = tpu.memref_slice %arg17[%add3A_10, %dma_wait3A_134] : memref<10240x128xf32, #tpu.memory_space<vmem_shared>> -> memref<40x128xf32, #tpu.memory_space<vmem_shared>>
      tpu.wait_dma2 semaphore(%run_scoped3A_127 : memref<!tpu.dma_semaphore, #tpu.memory_space<semaphore_mem>>) src(%arg13 : memref<40x128xf32, #tpu.memory_space<vmem>>) dst(%dma_wait3A_135 : memref<40x128xf32, #tpu.memory_space<vmem_shared>>)
      tpu.yield
    }) : () -> ()
    %mul3A_11 = arith.constant 640 : i32
    %mul3A_12 = arith.muli %arg1, %mul3A_11 : i32
    %add3A_13 = arith.constant 40 : i32
    %add3A_14 = arith.addi %mul3A_12, %add3A_13 : i32
    "tpu.region"() ({
      %run_scoped3A_127 = tpu.sem_alloc : memref<!tpu.dma_semaphore, #tpu.memory_space<semaphore_mem>>
      %dma_start3A_128 = arith.constant 0 : i32
      %dma_start3A_129 = tpu.memref_slice %arg17[%add3A_14, %dma_start3A_128] : memref<10240x128xf32, #tpu.memory_space<vmem_shared>> -> memref<40x128xf32, #tpu.memory_space<vmem_shared>>
      %dma_start3A_130 = arith.constant 0 : i32
      %dma_start3A_131 = tpu.memref_slice %arg17[%add3A_14, %dma_start3A_130] : memref<10240x128xf32, #tpu.memory_space<vmem_shared>> -> memref<40x128xf32, #tpu.memory_space<vmem_shared>>
      tpu.enqueue_dma source(%arg13 : memref<40x128xf32, #tpu.memory_space<vmem>>) target(%dma_start3A_131 : memref<40x128xf32, #tpu.memory_space<vmem_shared>>) target_semaphore(%run_scoped3A_127 : memref<!tpu.dma_semaphore, #tpu.memory_space<semaphore_mem>>)
      %dma_wait3A_132 = arith.constant 0 : i32
      %dma_wait3A_133 = tpu.memref_slice %arg17[%add3A_14, %dma_wait3A_132] : memref<10240x128xf32, #tpu.memory_space<vmem_shared>> -> memref<40x128xf32, #tpu.memory_space<vmem_shared>>
      %dma_wait3A_134 = arith.constant 0 : i32
      %dma_wait3A_135 = tpu.memref_slice %arg17[%add3A_14, %dma_wait3A_134] : memref<10240x128xf32, #tpu.memory_space<vmem_shared>> -> memref<40x128xf32, #tpu.memory_space<vmem_shared>>
      tpu.wait_dma2 semaphore(%run_scoped3A_127 : memref<!tpu.dma_semaphore, #tpu.memory_space<semaphore_mem>>) src(%arg13 : memref<40x128xf32, #tpu.memory_space<vmem>>) dst(%dma_wait3A_135 : memref<40x128xf32, #tpu.memory_space<vmem_shared>>)
      tpu.yield
    }) : () -> ()
    %mul3A_15 = arith.constant 640 : i32
    %mul3A_16 = arith.muli %arg1, %mul3A_15 : i32
    %add3A_17 = arith.constant 80 : i32
    %add3A_18 = arith.addi %mul3A_16, %add3A_17 : i32
    "tpu.region"() ({
      %run_scoped3A_127 = tpu.sem_alloc : memref<!tpu.dma_semaphore, #tpu.memory_space<semaphore_mem>>
      %dma_start3A_128 = arith.constant 0 : i32
      %dma_start3A_129 = tpu.memref_slice %arg17[%add3A_18, %dma_start3A_128] : memref<10240x128xf32, #tpu.memory_space<vmem_shared>> -> memref<40x128xf32, #tpu.memory_space<vmem_shared>>
      %dma_start3A_130 = arith.constant 0 : i32
      %dma_start3A_131 = tpu.memref_slice %arg17[%add3A_18, %dma_start3A_130] : memref<10240x128xf32, #tpu.memory_space<vmem_shared>> -> memref<40x128xf32, #tpu.memory_space<vmem_shared>>
      tpu.enqueue_dma source(%arg13 : memref<40x128xf32, #tpu.memory_space<vmem>>) target(%dma_start3A_131 : memref<40x128xf32, #tpu.memory_space<vmem_shared>>) target_semaphore(%run_scoped3A_127 : memref<!tpu.dma_semaphore, #tpu.memory_space<semaphore_mem>>)
      %dma_wait3A_132 = arith.constant 0 : i32
      %dma_wait3A_133 = tpu.memref_slice %arg17[%add3A_18, %dma_wait3A_132] : memref<10240x128xf32, #tpu.memory_space<vmem_shared>> -> memref<40x128xf32, #tpu.memory_space<vmem_shared>>
      %dma_wait3A_134 = arith.constant 0 : i32
      %dma_wait3A_135 = tpu.memref_slice %arg17[%add3A_18, %dma_wait3A_134] : memref<10240x128xf32, #tpu.memory_space<vmem_shared>> -> memref<40x128xf32, #tpu.memory_space<vmem_shared>>
      tpu.wait_dma2 semaphore(%run_scoped3A_127 : memref<!tpu.dma_semaphore, #tpu.memory_space<semaphore_mem>>) src(%arg13 : memref<40x128xf32, #tpu.memory_space<vmem>>) dst(%dma_wait3A_135 : memref<40x128xf32, #tpu.memory_space<vmem_shared>>)
      tpu.yield
    }) : () -> ()
    %mul3A_19 = arith.constant 640 : i32
    %mul3A_20 = arith.muli %arg1, %mul3A_19 : i32
    %add3A_21 = arith.constant 120 : i32
    %add3A_22 = arith.addi %mul3A_20, %add3A_21 : i32
    "tpu.region"() ({
      %run_scoped3A_127 = tpu.sem_alloc : memref<!tpu.dma_semaphore, #tpu.memory_space<semaphore_mem>>
      %dma_start3A_128 = arith.constant 0 : i32
      %dma_start3A_129 = tpu.memref_slice %arg17[%add3A_22, %dma_start3A_128] : memref<10240x128xf32, #tpu.memory_space<vmem_shared>> -> memref<40x128xf32, #tpu.memory_space<vmem_shared>>
      %dma_start3A_130 = arith.constant 0 : i32
      %dma_start3A_131 = tpu.memref_slice %arg17[%add3A_22, %dma_start3A_130] : memref<10240x128xf32, #tpu.memory_space<vmem_shared>> -> memref<40x128xf32, #tpu.memory_space<vmem_shared>>
      tpu.enqueue_dma source(%arg13 : memref<40x128xf32, #tpu.memory_space<vmem>>) target(%dma_start3A_131 : memref<40x128xf32, #tpu.memory_space<vmem_shared>>) target_semaphore(%run_scoped3A_127 : memref<!tpu.dma_semaphore, #tpu.memory_space<semaphore_mem>>)
      %dma_wait3A_132 = arith.constant 0 : i32
      %dma_wait3A_133 = tpu.memref_slice %arg17[%add3A_22, %dma_wait3A_132] : memref<10240x128xf32, #tpu.memory_space<vmem_shared>> -> memref<40x128xf32, #tpu.memory_space<vmem_shared>>
      %dma_wait3A_134 = arith.constant 0 : i32
      %dma_wait3A_135 = tpu.memref_slice %arg17[%add3A_22, %dma_wait3A_134] : memref<10240x128xf32, #tpu.memory_space<vmem_shared>> -> memref<40x128xf32, #tpu.memory_space<vmem_shared>>
      tpu.wait_dma2 semaphore(%run_scoped3A_127 : memref<!tpu.dma_semaphore, #tpu.memory_space<semaphore_mem>>) src(%arg13 : memref<40x128xf32, #tpu.memory_space<vmem>>) dst(%dma_wait3A_135 : memref<40x128xf32, #tpu.memory_space<vmem_shared>>)
      tpu.yield
    }) : () -> ()
    %mul3A_23 = arith.constant 640 : i32
    %mul3A_24 = arith.muli %arg1, %mul3A_23 : i32
    %add3A_25 = arith.constant 160 : i32
    %add3A_26 = arith.addi %mul3A_24, %add3A_25 : i32
    "tpu.region"() ({
      %run_scoped3A_127 = tpu.sem_alloc : memref<!tpu.dma_semaphore, #tpu.memory_space<semaphore_mem>>
      %dma_start3A_128 = arith.constant 0 : i32
      %dma_start3A_129 = tpu.memref_slice %arg17[%add3A_26, %dma_start3A_128] : memref<10240x128xf32, #tpu.memory_space<vmem_shared>> -> memref<40x128xf32, #tpu.memory_space<vmem_shared>>
      %dma_start3A_130 = arith.constant 0 : i32
      %dma_start3A_131 = tpu.memref_slice %arg17[%add3A_26, %dma_start3A_130] : memref<10240x128xf32, #tpu.memory_space<vmem_shared>> -> memref<40x128xf32, #tpu.memory_space<vmem_shared>>
      tpu.enqueue_dma source(%arg13 : memref<40x128xf32, #tpu.memory_space<vmem>>) target(%dma_start3A_131 : memref<40x128xf32, #tpu.memory_space<vmem_shared>>) target_semaphore(%run_scoped3A_127 : memref<!tpu.dma_semaphore, #tpu.memory_space<semaphore_mem>>)
      %dma_wait3A_132 = arith.constant 0 : i32
      %dma_wait3A_133 = tpu.memref_slice %arg17[%add3A_26, %dma_wait3A_132] : memref<10240x128xf32, #tpu.memory_space<vmem_shared>> -> memref<40x128xf32, #tpu.memory_space<vmem_shared>>
      %dma_wait3A_134 = arith.constant 0 : i32
      %dma_wait3A_135 = tpu.memref_slice %arg17[%add3A_26, %dma_wait3A_134] : memref<10240x128xf32, #tpu.memory_space<vmem_shared>> -> memref<40x128xf32, #tpu.memory_space<vmem_shared>>
      tpu.wait_dma2 semaphore(%run_scoped3A_127 : memref<!tpu.dma_semaphore, #tpu.memory_space<semaphore_mem>>) src(%arg13 : memref<40x128xf32, #tpu.memory_space<vmem>>) dst(%dma_wait3A_135 : memref<40x128xf32, #tpu.memory_space<vmem_shared>>)
      tpu.yield
    }) : () -> ()
    %mul3A_27 = arith.constant 640 : i32
    %mul3A_28 = arith.muli %arg1, %mul3A_27 : i32
    %add3A_29 = arith.constant 200 : i32
    %add3A_30 = arith.addi %mul3A_28, %add3A_29 : i32
    "tpu.region"() ({
      %run_scoped3A_127 = tpu.sem_alloc : memref<!tpu.dma_semaphore, #tpu.memory_space<semaphore_mem>>
      %dma_start3A_128 = arith.constant 0 : i32
      %dma_start3A_129 = tpu.memref_slice %arg17[%add3A_30, %dma_start3A_128] : memref<10240x128xf32, #tpu.memory_space<vmem_shared>> -> memref<40x128xf32, #tpu.memory_space<vmem_shared>>
      %dma_start3A_130 = arith.constant 0 : i32
      %dma_start3A_131 = tpu.memref_slice %arg17[%add3A_30, %dma_start3A_130] : memref<10240x128xf32, #tpu.memory_space<vmem_shared>> -> memref<40x128xf32, #tpu.memory_space<vmem_shared>>
      tpu.enqueue_dma source(%arg13 : memref<40x128xf32, #tpu.memory_space<vmem>>) target(%dma_start3A_131 : memref<40x128xf32, #tpu.memory_space<vmem_shared>>) target_semaphore(%run_scoped3A_127 : memref<!tpu.dma_semaphore, #tpu.memory_space<semaphore_mem>>)
      %dma_wait3A_132 = arith.constant 0 : i32
      %dma_wait3A_133 = tpu.memref_slice %arg17[%add3A_30, %dma_wait3A_132] : memref<10240x128xf32, #tpu.memory_space<vmem_shared>> -> memref<40x128xf32, #tpu.memory_space<vmem_shared>>
      %dma_wait3A_134 = arith.constant 0 : i32
      %dma_wait3A_135 = tpu.memref_slice %arg17[%add3A_30, %dma_wait3A_134] : memref<10240x128xf32, #tpu.memory_space<vmem_shared>> -> memref<40x128xf32, #tpu.memory_space<vmem_shared>>
      tpu.wait_dma2 semaphore(%run_scoped3A_127 : memref<!tpu.dma_semaphore, #tpu.memory_space<semaphore_mem>>) src(%arg13 : memref<40x128xf32, #tpu.memory_space<vmem>>) dst(%dma_wait3A_135 : memref<40x128xf32, #tpu.memory_space<vmem_shared>>)
      tpu.yield
    }) : () -> ()
    %mul3A_31 = arith.constant 640 : i32
    %mul3A_32 = arith.muli %arg1, %mul3A_31 : i32
    %add3A_33 = arith.constant 240 : i32
    %add3A_34 = arith.addi %mul3A_32, %add3A_33 : i32
    "tpu.region"() ({
      %run_scoped3A_127 = tpu.sem_alloc : memref<!tpu.dma_semaphore, #tpu.memory_space<semaphore_mem>>
      %dma_start3A_128 = arith.constant 0 : i32
      %dma_start3A_129 = tpu.memref_slice %arg17[%add3A_34, %dma_start3A_128] : memref<10240x128xf32, #tpu.memory_space<vmem_shared>> -> memref<40x128xf32, #tpu.memory_space<vmem_shared>>
      %dma_start3A_130 = arith.constant 0 : i32
      %dma_start3A_131 = tpu.memref_slice %arg17[%add3A_34, %dma_start3A_130] : memref<10240x128xf32, #tpu.memory_space<vmem_shared>> -> memref<40x128xf32, #tpu.memory_space<vmem_shared>>
      tpu.enqueue_dma source(%arg13 : memref<40x128xf32, #tpu.memory_space<vmem>>) target(%dma_start3A_131 : memref<40x128xf32, #tpu.memory_space<vmem_shared>>) target_semaphore(%run_scoped3A_127 : memref<!tpu.dma_semaphore, #tpu.memory_space<semaphore_mem>>)
      %dma_wait3A_132 = arith.constant 0 : i32
      %dma_wait3A_133 = tpu.memref_slice %arg17[%add3A_34, %dma_wait3A_132] : memref<10240x128xf32, #tpu.memory_space<vmem_shared>> -> memref<40x128xf32, #tpu.memory_space<vmem_shared>>
      %dma_wait3A_134 = arith.constant 0 : i32
      %dma_wait3A_135 = tpu.memref_slice %arg17[%add3A_34, %dma_wait3A_134] : memref<10240x128xf32, #tpu.memory_space<vmem_shared>> -> memref<40x128xf32, #tpu.memory_space<vmem_shared>>
      tpu.wait_dma2 semaphore(%run_scoped3A_127 : memref<!tpu.dma_semaphore, #tpu.memory_space<semaphore_mem>>) src(%arg13 : memref<40x128xf32, #tpu.memory_space<vmem>>) dst(%dma_wait3A_135 : memref<40x128xf32, #tpu.memory_space<vmem_shared>>)
      tpu.yield
    }) : () -> ()
    %mul3A_35 = arith.constant 640 : i32
    %mul3A_36 = arith.muli %arg1, %mul3A_35 : i32
    %add3A_37 = arith.constant 280 : i32
    %add3A_38 = arith.addi %mul3A_36, %add3A_37 : i32
    "tpu.region"() ({
      %run_scoped3A_127 = tpu.sem_alloc : memref<!tpu.dma_semaphore, #tpu.memory_space<semaphore_mem>>
      %dma_start3A_128 = arith.constant 0 : i32
      %dma_start3A_129 = tpu.memref_slice %arg17[%add3A_38, %dma_start3A_128] : memref<10240x128xf32, #tpu.memory_space<vmem_shared>> -> memref<40x128xf32, #tpu.memory_space<vmem_shared>>
      %dma_start3A_130 = arith.constant 0 : i32
      %dma_start3A_131 = tpu.memref_slice %arg17[%add3A_38, %dma_start3A_130] : memref<10240x128xf32, #tpu.memory_space<vmem_shared>> -> memref<40x128xf32, #tpu.memory_space<vmem_shared>>
      tpu.enqueue_dma source(%arg13 : memref<40x128xf32, #tpu.memory_space<vmem>>) target(%dma_start3A_131 : memref<40x128xf32, #tpu.memory_space<vmem_shared>>) target_semaphore(%run_scoped3A_127 : memref<!tpu.dma_semaphore, #tpu.memory_space<semaphore_mem>>)
      %dma_wait3A_132 = arith.constant 0 : i32
      %dma_wait3A_133 = tpu.memref_slice %arg17[%add3A_38, %dma_wait3A_132] : memref<10240x128xf32, #tpu.memory_space<vmem_shared>> -> memref<40x128xf32, #tpu.memory_space<vmem_shared>>
      %dma_wait3A_134 = arith.constant 0 : i32
      %dma_wait3A_135 = tpu.memref_slice %arg17[%add3A_38, %dma_wait3A_134] : memref<10240x128xf32, #tpu.memory_space<vmem_shared>> -> memref<40x128xf32, #tpu.memory_space<vmem_shared>>
      tpu.wait_dma2 semaphore(%run_scoped3A_127 : memref<!tpu.dma_semaphore, #tpu.memory_space<semaphore_mem>>) src(%arg13 : memref<40x128xf32, #tpu.memory_space<vmem>>) dst(%dma_wait3A_135 : memref<40x128xf32, #tpu.memory_space<vmem_shared>>)
      tpu.yield
    }) : () -> ()
    %mul3A_39 = arith.constant 640 : i32
    %mul3A_40 = arith.muli %arg1, %mul3A_39 : i32
    %add3A_41 = arith.constant 320 : i32
    %add3A_42 = arith.addi %mul3A_40, %add3A_41 : i32
    "tpu.region"() ({
      %run_scoped3A_127 = tpu.sem_alloc : memref<!tpu.dma_semaphore, #tpu.memory_space<semaphore_mem>>
      %dma_start3A_128 = arith.constant 0 : i32
      %dma_start3A_129 = tpu.memref_slice %arg17[%add3A_42, %dma_start3A_128] : memref<10240x128xf32, #tpu.memory_space<vmem_shared>> -> memref<40x128xf32, #tpu.memory_space<vmem_shared>>
      %dma_start3A_130 = arith.constant 0 : i32
      %dma_start3A_131 = tpu.memref_slice %arg17[%add3A_42, %dma_start3A_130] : memref<10240x128xf32, #tpu.memory_space<vmem_shared>> -> memref<40x128xf32, #tpu.memory_space<vmem_shared>>
      tpu.enqueue_dma source(%arg13 : memref<40x128xf32, #tpu.memory_space<vmem>>) target(%dma_start3A_131 : memref<40x128xf32, #tpu.memory_space<vmem_shared>>) target_semaphore(%run_scoped3A_127 : memref<!tpu.dma_semaphore, #tpu.memory_space<semaphore_mem>>)
      %dma_wait3A_132 = arith.constant 0 : i32
      %dma_wait3A_133 = tpu.memref_slice %arg17[%add3A_42, %dma_wait3A_132] : memref<10240x128xf32, #tpu.memory_space<vmem_shared>> -> memref<40x128xf32, #tpu.memory_space<vmem_shared>>
      %dma_wait3A_134 = arith.constant 0 : i32
      %dma_wait3A_135 = tpu.memref_slice %arg17[%add3A_42, %dma_wait3A_134] : memref<10240x128xf32, #tpu.memory_space<vmem_shared>> -> memref<40x128xf32, #tpu.memory_space<vmem_shared>>
      tpu.wait_dma2 semaphore(%run_scoped3A_127 : memref<!tpu.dma_semaphore, #tpu.memory_space<semaphore_mem>>) src(%arg13 : memref<40x128xf32, #tpu.memory_space<vmem>>) dst(%dma_wait3A_135 : memref<40x128xf32, #tpu.memory_space<vmem_shared>>)
      tpu.yield
    }) : () -> ()
    %mul3A_43 = arith.constant 640 : i32
    %mul3A_44 = arith.muli %arg1, %mul3A_43 : i32
    %add3A_45 = arith.constant 360 : i32
    %add3A_46 = arith.addi %mul3A_44, %add3A_45 : i32
    "tpu.region"() ({
      %run_scoped3A_127 = tpu.sem_alloc : memref<!tpu.dma_semaphore, #tpu.memory_space<semaphore_mem>>
      %dma_start3A_128 = arith.constant 0 : i32
      %dma_start3A_129 = tpu.memref_slice %arg17[%add3A_46, %dma_start3A_128] : memref<10240x128xf32, #tpu.memory_space<vmem_shared>> -> memref<40x128xf32, #tpu.memory_space<vmem_shared>>
      %dma_start3A_130 = arith.constant 0 : i32
      %dma_start3A_131 = tpu.memref_slice %arg17[%add3A_46, %dma_start3A_130] : memref<10240x128xf32, #tpu.memory_space<vmem_shared>> -> memref<40x128xf32, #tpu.memory_space<vmem_shared>>
      tpu.enqueue_dma source(%arg13 : memref<40x128xf32, #tpu.memory_space<vmem>>) target(%dma_start3A_131 : memref<40x128xf32, #tpu.memory_space<vmem_shared>>) target_semaphore(%run_scoped3A_127 : memref<!tpu.dma_semaphore, #tpu.memory_space<semaphore_mem>>)
      %dma_wait3A_132 = arith.constant 0 : i32
      %dma_wait3A_133 = tpu.memref_slice %arg17[%add3A_46, %dma_wait3A_132] : memref<10240x128xf32, #tpu.memory_space<vmem_shared>> -> memref<40x128xf32, #tpu.memory_space<vmem_shared>>
      %dma_wait3A_134 = arith.constant 0 : i32
      %dma_wait3A_135 = tpu.memref_slice %arg17[%add3A_46, %dma_wait3A_134] : memref<10240x128xf32, #tpu.memory_space<vmem_shared>> -> memref<40x128xf32, #tpu.memory_space<vmem_shared>>
      tpu.wait_dma2 semaphore(%run_scoped3A_127 : memref<!tpu.dma_semaphore, #tpu.memory_space<semaphore_mem>>) src(%arg13 : memref<40x128xf32, #tpu.memory_space<vmem>>) dst(%dma_wait3A_135 : memref<40x128xf32, #tpu.memory_space<vmem_shared>>)
      tpu.yield
    }) : () -> ()
    %mul3A_47 = arith.constant 640 : i32
    %mul3A_48 = arith.muli %arg1, %mul3A_47 : i32
    %add3A_49 = arith.constant 400 : i32
    %add3A_50 = arith.addi %mul3A_48, %add3A_49 : i32
    "tpu.region"() ({
      %run_scoped3A_127 = tpu.sem_alloc : memref<!tpu.dma_semaphore, #tpu.memory_space<semaphore_mem>>
      %dma_start3A_128 = arith.constant 0 : i32
      %dma_start3A_129 = tpu.memref_slice %arg17[%add3A_50, %dma_start3A_128] : memref<10240x128xf32, #tpu.memory_space<vmem_shared>> -> memref<40x128xf32, #tpu.memory_space<vmem_shared>>
      %dma_start3A_130 = arith.constant 0 : i32
      %dma_start3A_131 = tpu.memref_slice %arg17[%add3A_50, %dma_start3A_130] : memref<10240x128xf32, #tpu.memory_space<vmem_shared>> -> memref<40x128xf32, #tpu.memory_space<vmem_shared>>
      tpu.enqueue_dma source(%arg13 : memref<40x128xf32, #tpu.memory_space<vmem>>) target(%dma_start3A_131 : memref<40x128xf32, #tpu.memory_space<vmem_shared>>) target_semaphore(%run_scoped3A_127 : memref<!tpu.dma_semaphore, #tpu.memory_space<semaphore_mem>>)
      %dma_wait3A_132 = arith.constant 0 : i32
      %dma_wait3A_133 = tpu.memref_slice %arg17[%add3A_50, %dma_wait3A_132] : memref<10240x128xf32, #tpu.memory_space<vmem_shared>> -> memref<40x128xf32, #tpu.memory_space<vmem_shared>>
      %dma_wait3A_134 = arith.constant 0 : i32
      %dma_wait3A_135 = tpu.memref_slice %arg17[%add3A_50, %dma_wait3A_134] : memref<10240x128xf32, #tpu.memory_space<vmem_shared>> -> memref<40x128xf32, #tpu.memory_space<vmem_shared>>
      tpu.wait_dma2 semaphore(%run_scoped3A_127 : memref<!tpu.dma_semaphore, #tpu.memory_space<semaphore_mem>>) src(%arg13 : memref<40x128xf32, #tpu.memory_space<vmem>>) dst(%dma_wait3A_135 : memref<40x128xf32, #tpu.memory_space<vmem_shared>>)
      tpu.yield
    }) : () -> ()
    %mul3A_51 = arith.constant 640 : i32
    %mul3A_52 = arith.muli %arg1, %mul3A_51 : i32
    %add3A_53 = arith.constant 440 : i32
    %add3A_54 = arith.addi %mul3A_52, %add3A_53 : i32
    "tpu.region"() ({
      %run_scoped3A_127 = tpu.sem_alloc : memref<!tpu.dma_semaphore, #tpu.memory_space<semaphore_mem>>
      %dma_start3A_128 = arith.constant 0 : i32
      %dma_start3A_129 = tpu.memref_slice %arg17[%add3A_54, %dma_start3A_128] : memref<10240x128xf32, #tpu.memory_space<vmem_shared>> -> memref<40x128xf32, #tpu.memory_space<vmem_shared>>
      %dma_start3A_130 = arith.constant 0 : i32
      %dma_start3A_131 = tpu.memref_slice %arg17[%add3A_54, %dma_start3A_130] : memref<10240x128xf32, #tpu.memory_space<vmem_shared>> -> memref<40x128xf32, #tpu.memory_space<vmem_shared>>
      tpu.enqueue_dma source(%arg13 : memref<40x128xf32, #tpu.memory_space<vmem>>) target(%dma_start3A_131 : memref<40x128xf32, #tpu.memory_space<vmem_shared>>) target_semaphore(%run_scoped3A_127 : memref<!tpu.dma_semaphore, #tpu.memory_space<semaphore_mem>>)
      %dma_wait3A_132 = arith.constant 0 : i32
      %dma_wait3A_133 = tpu.memref_slice %arg17[%add3A_54, %dma_wait3A_132] : memref<10240x128xf32, #tpu.memory_space<vmem_shared>> -> memref<40x128xf32, #tpu.memory_space<vmem_shared>>
      %dma_wait3A_134 = arith.constant 0 : i32
      %dma_wait3A_135 = tpu.memref_slice %arg17[%add3A_54, %dma_wait3A_134] : memref<10240x128xf32, #tpu.memory_space<vmem_shared>> -> memref<40x128xf32, #tpu.memory_space<vmem_shared>>
      tpu.wait_dma2 semaphore(%run_scoped3A_127 : memref<!tpu.dma_semaphore, #tpu.memory_space<semaphore_mem>>) src(%arg13 : memref<40x128xf32, #tpu.memory_space<vmem>>) dst(%dma_wait3A_135 : memref<40x128xf32, #tpu.memory_space<vmem_shared>>)
      tpu.yield
    }) : () -> ()
    %mul3A_55 = arith.constant 640 : i32
    %mul3A_56 = arith.muli %arg1, %mul3A_55 : i32
    %add3A_57 = arith.constant 480 : i32
    %add3A_58 = arith.addi %mul3A_56, %add3A_57 : i32
    "tpu.region"() ({
      %run_scoped3A_127 = tpu.sem_alloc : memref<!tpu.dma_semaphore, #tpu.memory_space<semaphore_mem>>
      %dma_start3A_128 = arith.constant 0 : i32
      %dma_start3A_129 = tpu.memref_slice %arg17[%add3A_58, %dma_start3A_128] : memref<10240x128xf32, #tpu.memory_space<vmem_shared>> -> memref<40x128xf32, #tpu.memory_space<vmem_shared>>
      %dma_start3A_130 = arith.constant 0 : i32
      %dma_start3A_131 = tpu.memref_slice %arg17[%add3A_58, %dma_start3A_130] : memref<10240x128xf32, #tpu.memory_space<vmem_shared>> -> memref<40x128xf32, #tpu.memory_space<vmem_shared>>
      tpu.enqueue_dma source(%arg13 : memref<40x128xf32, #tpu.memory_space<vmem>>) target(%dma_start3A_131 : memref<40x128xf32, #tpu.memory_space<vmem_shared>>) target_semaphore(%run_scoped3A_127 : memref<!tpu.dma_semaphore, #tpu.memory_space<semaphore_mem>>)
      %dma_wait3A_132 = arith.constant 0 : i32
      %dma_wait3A_133 = tpu.memref_slice %arg17[%add3A_58, %dma_wait3A_132] : memref<10240x128xf32, #tpu.memory_space<vmem_shared>> -> memref<40x128xf32, #tpu.memory_space<vmem_shared>>
      %dma_wait3A_134 = arith.constant 0 : i32
      %dma_wait3A_135 = tpu.memref_slice %arg17[%add3A_58, %dma_wait3A_134] : memref<10240x128xf32, #tpu.memory_space<vmem_shared>> -> memref<40x128xf32, #tpu.memory_space<vmem_shared>>
      tpu.wait_dma2 semaphore(%run_scoped3A_127 : memref<!tpu.dma_semaphore, #tpu.memory_space<semaphore_mem>>) src(%arg13 : memref<40x128xf32, #tpu.memory_space<vmem>>) dst(%dma_wait3A_135 : memref<40x128xf32, #tpu.memory_space<vmem_shared>>)
      tpu.yield
    }) : () -> ()
    %mul3A_59 = arith.constant 640 : i32
    %mul3A_60 = arith.muli %arg1, %mul3A_59 : i32
    %add3A_61 = arith.constant 520 : i32
    %add3A_62 = arith.addi %mul3A_60, %add3A_61 : i32
    "tpu.region"() ({
      %run_scoped3A_127 = tpu.sem_alloc : memref<!tpu.dma_semaphore, #tpu.memory_space<semaphore_mem>>
      %dma_start3A_128 = arith.constant 0 : i32
      %dma_start3A_129 = tpu.memref_slice %arg17[%add3A_62, %dma_start3A_128] : memref<10240x128xf32, #tpu.memory_space<vmem_shared>> -> memref<40x128xf32, #tpu.memory_space<vmem_shared>>
      %dma_start3A_130 = arith.constant 0 : i32
      %dma_start3A_131 = tpu.memref_slice %arg17[%add3A_62, %dma_start3A_130] : memref<10240x128xf32, #tpu.memory_space<vmem_shared>> -> memref<40x128xf32, #tpu.memory_space<vmem_shared>>
      tpu.enqueue_dma source(%arg13 : memref<40x128xf32, #tpu.memory_space<vmem>>) target(%dma_start3A_131 : memref<40x128xf32, #tpu.memory_space<vmem_shared>>) target_semaphore(%run_scoped3A_127 : memref<!tpu.dma_semaphore, #tpu.memory_space<semaphore_mem>>)
      %dma_wait3A_132 = arith.constant 0 : i32
      %dma_wait3A_133 = tpu.memref_slice %arg17[%add3A_62, %dma_wait3A_132] : memref<10240x128xf32, #tpu.memory_space<vmem_shared>> -> memref<40x128xf32, #tpu.memory_space<vmem_shared>>
      %dma_wait3A_134 = arith.constant 0 : i32
      %dma_wait3A_135 = tpu.memref_slice %arg17[%add3A_62, %dma_wait3A_134] : memref<10240x128xf32, #tpu.memory_space<vmem_shared>> -> memref<40x128xf32, #tpu.memory_space<vmem_shared>>
      tpu.wait_dma2 semaphore(%run_scoped3A_127 : memref<!tpu.dma_semaphore, #tpu.memory_space<semaphore_mem>>) src(%arg13 : memref<40x128xf32, #tpu.memory_space<vmem>>) dst(%dma_wait3A_135 : memref<40x128xf32, #tpu.memory_space<vmem_shared>>)
      tpu.yield
    }) : () -> ()
    %mul3A_63 = arith.constant 640 : i32
    %mul3A_64 = arith.muli %arg1, %mul3A_63 : i32
    %add3A_65 = arith.constant 560 : i32
    %add3A_66 = arith.addi %mul3A_64, %add3A_65 : i32
    "tpu.region"() ({
      %run_scoped3A_127 = tpu.sem_alloc : memref<!tpu.dma_semaphore, #tpu.memory_space<semaphore_mem>>
      %dma_start3A_128 = arith.constant 0 : i32
      %dma_start3A_129 = tpu.memref_slice %arg17[%add3A_66, %dma_start3A_128] : memref<10240x128xf32, #tpu.memory_space<vmem_shared>> -> memref<40x128xf32, #tpu.memory_space<vmem_shared>>
      %dma_start3A_130 = arith.constant 0 : i32
      %dma_start3A_131 = tpu.memref_slice %arg17[%add3A_66, %dma_start3A_130] : memref<10240x128xf32, #tpu.memory_space<vmem_shared>> -> memref<40x128xf32, #tpu.memory_space<vmem_shared>>
      tpu.enqueue_dma source(%arg13 : memref<40x128xf32, #tpu.memory_space<vmem>>) target(%dma_start3A_131 : memref<40x128xf32, #tpu.memory_space<vmem_shared>>) target_semaphore(%run_scoped3A_127 : memref<!tpu.dma_semaphore, #tpu.memory_space<semaphore_mem>>)
      %dma_wait3A_132 = arith.constant 0 : i32
      %dma_wait3A_133 = tpu.memref_slice %arg17[%add3A_66, %dma_wait3A_132] : memref<10240x128xf32, #tpu.memory_space<vmem_shared>> -> memref<40x128xf32, #tpu.memory_space<vmem_shared>>
      %dma_wait3A_134 = arith.constant 0 : i32
      %dma_wait3A_135 = tpu.memref_slice %arg17[%add3A_66, %dma_wait3A_134] : memref<10240x128xf32, #tpu.memory_space<vmem_shared>> -> memref<40x128xf32, #tpu.memory_space<vmem_shared>>
      tpu.wait_dma2 semaphore(%run_scoped3A_127 : memref<!tpu.dma_semaphore, #tpu.memory_space<semaphore_mem>>) src(%arg13 : memref<40x128xf32, #tpu.memory_space<vmem>>) dst(%dma_wait3A_135 : memref<40x128xf32, #tpu.memory_space<vmem_shared>>)
      tpu.yield
    }) : () -> ()
    %mul3A_67 = arith.constant 640 : i32
    %mul3A_68 = arith.muli %arg1, %mul3A_67 : i32
    %add3A_69 = arith.constant 600 : i32
    %add3A_70 = arith.addi %mul3A_68, %add3A_69 : i32
    "tpu.region"() ({
      %run_scoped3A_127 = tpu.sem_alloc : memref<!tpu.dma_semaphore, #tpu.memory_space<semaphore_mem>>
      %dma_start3A_128 = arith.constant 0 : i32
      %dma_start3A_129 = tpu.memref_slice %arg17[%add3A_70, %dma_start3A_128] : memref<10240x128xf32, #tpu.memory_space<vmem_shared>> -> memref<40x128xf32, #tpu.memory_space<vmem_shared>>
      %dma_start3A_130 = arith.constant 0 : i32
      %dma_start3A_131 = tpu.memref_slice %arg17[%add3A_70, %dma_start3A_130] : memref<10240x128xf32, #tpu.memory_space<vmem_shared>> -> memref<40x128xf32, #tpu.memory_space<vmem_shared>>
      tpu.enqueue_dma source(%arg13 : memref<40x128xf32, #tpu.memory_space<vmem>>) target(%dma_start3A_131 : memref<40x128xf32, #tpu.memory_space<vmem_shared>>) target_semaphore(%run_scoped3A_127 : memref<!tpu.dma_semaphore, #tpu.memory_space<semaphore_mem>>)
      %dma_wait3A_132 = arith.constant 0 : i32
      %dma_wait3A_133 = tpu.memref_slice %arg17[%add3A_70, %dma_wait3A_132] : memref<10240x128xf32, #tpu.memory_space<vmem_shared>> -> memref<40x128xf32, #tpu.memory_space<vmem_shared>>
      %dma_wait3A_134 = arith.constant 0 : i32
      %dma_wait3A_135 = tpu.memref_slice %arg17[%add3A_70, %dma_wait3A_134] : memref<10240x128xf32, #tpu.memory_space<vmem_shared>> -> memref<40x128xf32, #tpu.memory_space<vmem_shared>>
      tpu.wait_dma2 semaphore(%run_scoped3A_127 : memref<!tpu.dma_semaphore, #tpu.memory_space<semaphore_mem>>) src(%arg13 : memref<40x128xf32, #tpu.memory_space<vmem>>) dst(%dma_wait3A_135 : memref<40x128xf32, #tpu.memory_space<vmem_shared>>)
      tpu.yield
    }) : () -> ()
    %run_scoped3A = arith.constant 0 : i32
    "tpu.region"() ({
      %run_scoped3A_127 = tpu.sem_alloc : memref<!tpu.dma_semaphore, #tpu.memory_space<semaphore_mem>>
      %dma_start3A_128 = arith.constant 0 : i32
      %dma_start3A_129 = arith.constant 0 : i32
      %dma_start3A_130 = tpu.memref_slice %arg4[%run_scoped3A, %add3A, %dma_start3A_128, %dma_start3A_129] : memref<2x32x250x40xi32, #tpu.memory_space<hbm>> -> memref<1x1x250x40xi32, #tpu.memory_space<hbm>>
      %dma_start3A_131 = tpu.memref_squeeze %dma_start3A_130 : memref<1x1x250x40xi32, #tpu.memory_space<hbm>> -> memref<250x40xi32, #tpu.memory_space<hbm>>
      %dma_start3A_132 = arith.constant 0 : i32
      %dma_start3A_133 = arith.constant 0 : i32
      %dma_start3A_134 = tpu.memref_slice %arg4[%run_scoped3A, %add3A, %dma_start3A_132, %dma_start3A_133] : memref<2x32x250x40xi32, #tpu.memory_space<hbm>> -> memref<1x1x250x40xi32, #tpu.memory_space<hbm>>
      %dma_start3A_135 = tpu.memref_squeeze %dma_start3A_134 : memref<1x1x250x40xi32, #tpu.memory_space<hbm>> -> memref<250x40xi32, #tpu.memory_space<hbm>>
      tpu.enqueue_dma source(%dma_start3A_135 : memref<250x40xi32, #tpu.memory_space<hbm>>) target(%arg7 : memref<250x40xi32, #tpu.memory_space<vmem>>) target_semaphore(%run_scoped3A_127 : memref<!tpu.dma_semaphore, #tpu.memory_space<semaphore_mem>>)
      %dma_wait3A_136 = arith.constant 0 : i32
      %dma_wait3A_137 = arith.constant 0 : i32
      %dma_wait3A_138 = tpu.memref_slice %arg4[%run_scoped3A, %add3A, %dma_wait3A_136, %dma_wait3A_137] : memref<2x32x250x40xi32, #tpu.memory_space<hbm>> -> memref<1x1x250x40xi32, #tpu.memory_space<hbm>>
      %dma_wait3A_139 = tpu.memref_squeeze %dma_wait3A_138 : memref<1x1x250x40xi32, #tpu.memory_space<hbm>> -> memref<250x40xi32, #tpu.memory_space<hbm>>
      %dma_wait3A_140 = arith.constant 0 : i32
      %dma_wait3A_141 = arith.constant 0 : i32
      %dma_wait3A_142 = tpu.memref_slice %arg4[%run_scoped3A, %add3A, %dma_wait3A_140, %dma_wait3A_141] : memref<2x32x250x40xi32, #tpu.memory_space<hbm>> -> memref<1x1x250x40xi32, #tpu.memory_space<hbm>>
      %dma_wait3A_143 = tpu.memref_squeeze %dma_wait3A_142 : memref<1x1x250x40xi32, #tpu.memory_space<hbm>> -> memref<250x40xi32, #tpu.memory_space<hbm>>
      tpu.wait_dma2 semaphore(%run_scoped3A_127 : memref<!tpu.dma_semaphore, #tpu.memory_space<semaphore_mem>>) src(%dma_wait3A_143 : memref<250x40xi32, #tpu.memory_space<hbm>>) dst(%arg7 : memref<250x40xi32, #tpu.memory_space<vmem>>)
      tpu.yield
    }) : () -> ()
    %run_scoped3A_71 = arith.constant 1 : i32
    "tpu.region"() ({
      %run_scoped3A_127 = tpu.sem_alloc : memref<!tpu.dma_semaphore, #tpu.memory_space<semaphore_mem>>
      %dma_start3A_128 = arith.constant 0 : i32
      %dma_start3A_129 = arith.constant 0 : i32
      %dma_start3A_130 = tpu.memref_slice %arg4[%run_scoped3A_71, %add3A, %dma_start3A_128, %dma_start3A_129] : memref<2x32x250x40xi32, #tpu.memory_space<hbm>> -> memref<1x1x250x40xi32, #tpu.memory_space<hbm>>
      %dma_start3A_131 = tpu.memref_squeeze %dma_start3A_130 : memref<1x1x250x40xi32, #tpu.memory_space<hbm>> -> memref<250x40xi32, #tpu.memory_space<hbm>>
      %dma_start3A_132 = arith.constant 0 : i32
      %dma_start3A_133 = arith.constant 0 : i32
      %dma_start3A_134 = tpu.memref_slice %arg4[%run_scoped3A_71, %add3A, %dma_start3A_132, %dma_start3A_133] : memref<2x32x250x40xi32, #tpu.memory_space<hbm>> -> memref<1x1x250x40xi32, #tpu.memory_space<hbm>>
      %dma_start3A_135 = tpu.memref_squeeze %dma_start3A_134 : memref<1x1x250x40xi32, #tpu.memory_space<hbm>> -> memref<250x40xi32, #tpu.memory_space<hbm>>
      tpu.enqueue_dma source(%dma_start3A_135 : memref<250x40xi32, #tpu.memory_space<hbm>>) target(%arg8 : memref<250x40xi32, #tpu.memory_space<vmem>>) target_semaphore(%run_scoped3A_127 : memref<!tpu.dma_semaphore, #tpu.memory_space<semaphore_mem>>)
      %dma_wait3A_136 = arith.constant 0 : i32
      %dma_wait3A_137 = arith.constant 0 : i32
      %dma_wait3A_138 = tpu.memref_slice %arg4[%run_scoped3A_71, %add3A, %dma_wait3A_136, %dma_wait3A_137] : memref<2x32x250x40xi32, #tpu.memory_space<hbm>> -> memref<1x1x250x40xi32, #tpu.memory_space<hbm>>
      %dma_wait3A_139 = tpu.memref_squeeze %dma_wait3A_138 : memref<1x1x250x40xi32, #tpu.memory_space<hbm>> -> memref<250x40xi32, #tpu.memory_space<hbm>>
      %dma_wait3A_140 = arith.constant 0 : i32
      %dma_wait3A_141 = arith.constant 0 : i32
      %dma_wait3A_142 = tpu.memref_slice %arg4[%run_scoped3A_71, %add3A, %dma_wait3A_140, %dma_wait3A_141] : memref<2x32x250x40xi32, #tpu.memory_space<hbm>> -> memref<1x1x250x40xi32, #tpu.memory_space<hbm>>
      %dma_wait3A_143 = tpu.memref_squeeze %dma_wait3A_142 : memref<1x1x250x40xi32, #tpu.memory_space<hbm>> -> memref<250x40xi32, #tpu.memory_space<hbm>>
      tpu.wait_dma2 semaphore(%run_scoped3A_127 : memref<!tpu.dma_semaphore, #tpu.memory_space<semaphore_mem>>) src(%dma_wait3A_143 : memref<250x40xi32, #tpu.memory_space<hbm>>) dst(%arg8 : memref<250x40xi32, #tpu.memory_space<vmem>>)
      tpu.yield
    }) : () -> ()
    %barrier3A = arith.constant 0 : index
    tpu.barrier barrier_id(%barrier3A)
    %mul3A_72 = arith.constant 10000 : i32
    %mul3A_73 = arith.muli %add3A, %mul3A_72 : i32
    %add3A_74 = arith.constant 0 : i32
    %add3A_75 = arith.addi %mul3A_73, %add3A_74 : i32
    %dma_start3A = arith.constant 0 : i32
    %dma_start3A_76 = tpu.memref_slice %arg3[%add3A_75, %dma_start3A] : memref<320000x64xi32, #tpu.memory_space<hbm>> -> memref<40x64xi32, #tpu.memory_space<hbm>>
    %dma_start3A_77 = arith.constant 0 : i32
    %dma_start3A_78 = tpu.memref_slice %arg3[%add3A_75, %dma_start3A_77] : memref<320000x64xi32, #tpu.memory_space<hbm>> -> memref<40x64xi32, #tpu.memory_space<hbm>>
    tpu.enqueue_dma source(%dma_start3A_78 : memref<40x64xi32, #tpu.memory_space<hbm>>) target(%arg11 : memref<40x64xi32, #tpu.memory_space<vmem>>) target_semaphore(%arg18 : memref<!tpu.dma_semaphore, #tpu.memory_space<semaphore_mem>>)
    %dma_start3A_79 = arith.constant 0 : i32
    %dma_start3A_80 = arith.constant 0 : i32
    %dma_start3A_81 = tpu.memref_slice %arg7[%dma_start3A_79, %dma_start3A_80] : memref<250x40xi32, #tpu.memory_space<vmem>> -> memref<1x40xi32, #tpu.memory_space<vmem>>
    %dma_start3A_82 = tpu.memref_squeeze %dma_start3A_81 : memref<1x40xi32, #tpu.memory_space<vmem>> -> memref<40xi32, #tpu.memory_space<vmem>>
    %dma_start3A_83 = arith.constant 0 : i32
    %dma_start3A_84 = arith.constant 0 : i32
    %dma_start3A_85 = tpu.memref_slice %arg2[%dma_start3A_83, %dma_start3A_84] : memref<10000x64xi32, #tpu.memory_space<hbm>> -> memref<10000x64xi32, #tpu.memory_space<hbm>>
    tpu.enqueue_indirect_dma source(%dma_start3A_85 : memref<10000x64xi32, #tpu.memory_space<hbm>>) target(%arg9 : memref<40x64xi32, #tpu.memory_space<vmem>>) offsets(%dma_start3A_82 : memref<40xi32, #tpu.memory_space<vmem>>) semaphore(%arg20 : memref<!tpu.dma_semaphore, #tpu.memory_space<semaphore_mem>>)
    %dma_start3A_86 = arith.constant 0 : i32
    %dma_start3A_87 = arith.constant 0 : i32
    %dma_start3A_88 = tpu.memref_slice %arg15[%dma_start3A_87] : memref<48xf32, #tpu.memory_space<vmem>> -> memref<40xf32, #tpu.memory_space<vmem>>
    %dma_start3A_89 = arith.constant 0 : i32
    %dma_start3A_90 = tpu.memref_slice %arg5[%add3A, %dma_start3A_86, %dma_start3A_89] : memref<32x250x40xf32, #tpu.memory_space<hbm>> -> memref<1x1x40xf32, #tpu.memory_space<hbm>>
    %dma_start3A_91 = tpu.memref_squeeze %dma_start3A_90 : memref<1x1x40xf32, #tpu.memory_space<hbm>> -> memref<40xf32, #tpu.memory_space<hbm>>
    %dma_start3A_92 = arith.constant 0 : i32
    %dma_start3A_93 = tpu.memref_slice %arg15[%dma_start3A_92] : memref<48xf32, #tpu.memory_space<vmem>> -> memref<40xf32, #tpu.memory_space<vmem>>
    %dma_start3A_94 = arith.constant 0 : i32
    %dma_start3A_95 = tpu.memref_slice %arg5[%add3A, %dma_start3A_86, %dma_start3A_94] : memref<32x250x40xf32, #tpu.memory_space<hbm>> -> memref<1x1x40xf32, #tpu.memory_space<hbm>>
    %dma_start3A_96 = tpu.memref_squeeze %dma_start3A_95 : memref<1x1x40xf32, #tpu.memory_space<hbm>> -> memref<40xf32, #tpu.memory_space<hbm>>
    tpu.enqueue_dma source(%dma_start3A_96 : memref<40xf32, #tpu.memory_space<hbm>>) target(%dma_start3A_93 : memref<40xf32, #tpu.memory_space<vmem>>) target_semaphore(%arg22 : memref<!tpu.dma_semaphore, #tpu.memory_space<semaphore_mem>>)
    %scan3A_97 = arith.constant -65536 : i32
    %scan3A_98 = arith.constant 0 : i32
    %scan3A_99 = arith.constant 0 : i32
    %scan3A_100 = arith.constant 125 : i32
    %scan3A_101 = arith.addi %scan3A_99, %scan3A_100 : i32
    %scan3A_102 = arith.constant 1 : i32
    %scan3A_103 = scf.for %scan3A_127 = %scan3A_99 to %scan3A_101 step %scan3A_102 iter_args(%scan3A_128 = %scan3A_98) -> (i32)  : i32 {
      %mul3A_129 = arith.constant 2 : i32
      %mul3A_130 = arith.muli %scan3A_127, %mul3A_129 : i32
      %gt3A = arith.constant 0 : i32
      %gt3A_131 = arith.cmpi sgt, %mul3A_130, %gt3A : i32
      %convert_element_type3A = arith.extui %gt3A_131 : i1 to i32
      %cond3A = arith.constant 0 : i32
      %cond3A_132 = arith.cmpi ne, %convert_element_type3A, %cond3A : i32
      scf.if %cond3A_132 {
        %dma_wait3A_248 = arith.constant 0 : i32
        %dma_wait3A_249 = arith.constant 0 : i32
        %dma_wait3A_250 = arith.constant 0 : i32
        %dma_wait3A_251 = tpu.memref_slice %arg6[%dma_wait3A_248, %dma_wait3A_249, %dma_wait3A_250] : memref<2x10240x128xf32, #tpu.memory_space<hbm>> -> memref<1x40x128xf32, #tpu.memory_space<hbm>>
        %dma_wait3A_252 = tpu.memref_squeeze %dma_wait3A_251 : memref<1x40x128xf32, #tpu.memory_space<hbm>> -> memref<40x128xf32, #tpu.memory_space<hbm>>
        %dma_wait3A_253 = arith.constant 0 : i32
        %dma_wait3A_254 = arith.constant 0 : i32
        %dma_wait3A_255 = tpu.memref_slice %arg6[%dma_wait3A_248, %dma_wait3A_253, %dma_wait3A_254] : memref<2x10240x128xf32, #tpu.memory_space<hbm>> -> memref<1x40x128xf32, #tpu.memory_space<hbm>>
        %dma_wait3A_256 = tpu.memref_squeeze %dma_wait3A_255 : memref<1x40x128xf32, #tpu.memory_space<hbm>> -> memref<40x128xf32, #tpu.memory_space<hbm>>
        tpu.wait_dma2 semaphore(%arg24 : memref<!tpu.dma_semaphore, #tpu.memory_space<semaphore_mem>>) src(%dma_wait3A_256 : memref<40x128xf32, #tpu.memory_space<hbm>>) dst(%arg13 : memref<40x128xf32, #tpu.memory_space<vmem>>)
      } else {
      }
      %add3A_133 = arith.constant 1 : i32
      %add3A_134 = arith.addi %mul3A_130, %add3A_133 : i32
      %mul3A_135 = arith.constant 10000 : i32
      %mul3A_136 = arith.muli %add3A, %mul3A_135 : i32
      %mul3A_137 = arith.constant 40 : i32
      %mul3A_138 = arith.muli %add3A_134, %mul3A_137 : i32
      %add3A_139 = arith.addi %mul3A_136, %mul3A_138 : i32
      %dma_start3A_140 = arith.constant 0 : i32
      %dma_start3A_141 = tpu.memref_slice %arg3[%add3A_139, %dma_start3A_140] : memref<320000x64xi32, #tpu.memory_space<hbm>> -> memref<40x64xi32, #tpu.memory_space<hbm>>
      %dma_start3A_142 = arith.constant 0 : i32
      %dma_start3A_143 = tpu.memref_slice %arg3[%add3A_139, %dma_start3A_142] : memref<320000x64xi32, #tpu.memory_space<hbm>> -> memref<40x64xi32, #tpu.memory_space<hbm>>
      tpu.enqueue_dma source(%dma_start3A_143 : memref<40x64xi32, #tpu.memory_space<hbm>>) target(%arg12 : memref<40x64xi32, #tpu.memory_space<vmem>>) target_semaphore(%arg19 : memref<!tpu.dma_semaphore, #tpu.memory_space<semaphore_mem>>)
      %dma_start3A_144 = arith.constant 0 : i32
      %dma_start3A_145 = tpu.memref_slice %arg7[%add3A_134, %dma_start3A_144] : memref<250x40xi32, #tpu.memory_space<vmem>> -> memref<1x40xi32, #tpu.memory_space<vmem>>
      %dma_start3A_146 = tpu.memref_squeeze %dma_start3A_145 : memref<1x40xi32, #tpu.memory_space<vmem>> -> memref<40xi32, #tpu.memory_space<vmem>>
      %dma_start3A_147 = arith.constant 0 : i32
      %dma_start3A_148 = arith.constant 0 : i32
      %dma_start3A_149 = tpu.memref_slice %arg2[%dma_start3A_147, %dma_start3A_148] : memref<10000x64xi32, #tpu.memory_space<hbm>> -> memref<10000x64xi32, #tpu.memory_space<hbm>>
      tpu.enqueue_indirect_dma source(%dma_start3A_149 : memref<10000x64xi32, #tpu.memory_space<hbm>>) target(%arg10 : memref<40x64xi32, #tpu.memory_space<vmem>>) offsets(%dma_start3A_146 : memref<40xi32, #tpu.memory_space<vmem>>) semaphore(%arg21 : memref<!tpu.dma_semaphore, #tpu.memory_space<semaphore_mem>>)
      %dma_start3A_150 = arith.constant 0 : i32
      %dma_start3A_151 = tpu.memref_slice %arg16[%dma_start3A_150] : memref<48xf32, #tpu.memory_space<vmem>> -> memref<40xf32, #tpu.memory_space<vmem>>
      %dma_start3A_152 = arith.constant 0 : i32
      %dma_start3A_153 = tpu.memref_slice %arg5[%add3A, %add3A_134, %dma_start3A_152] : memref<32x250x40xf32, #tpu.memory_space<hbm>> -> memref<1x1x40xf32, #tpu.memory_space<hbm>>
      %dma_start3A_154 = tpu.memref_squeeze %dma_start3A_153 : memref<1x1x40xf32, #tpu.memory_space<hbm>> -> memref<40xf32, #tpu.memory_space<hbm>>
      %dma_start3A_155 = arith.constant 0 : i32
      %dma_start3A_156 = tpu.memref_slice %arg16[%dma_start3A_155] : memref<48xf32, #tpu.memory_space<vmem>> -> memref<40xf32, #tpu.memory_space<vmem>>
      %dma_start3A_157 = arith.constant 0 : i32
      %dma_start3A_158 = tpu.memref_slice %arg5[%add3A, %add3A_134, %dma_start3A_157] : memref<32x250x40xf32, #tpu.memory_space<hbm>> -> memref<1x1x40xf32, #tpu.memory_space<hbm>>
      %dma_start3A_159 = tpu.memref_squeeze %dma_start3A_158 : memref<1x1x40xf32, #tpu.memory_space<hbm>> -> memref<40xf32, #tpu.memory_space<hbm>>
      tpu.enqueue_dma source(%dma_start3A_159 : memref<40xf32, #tpu.memory_space<hbm>>) target(%dma_start3A_156 : memref<40xf32, #tpu.memory_space<vmem>>) target_semaphore(%arg23 : memref<!tpu.dma_semaphore, #tpu.memory_space<semaphore_mem>>)
      %dma_wait3A_160 = arith.constant 0 : i32
      %dma_wait3A_161 = arith.constant 0 : i32
      %dma_wait3A_162 = tpu.memref_slice %arg3[%dma_wait3A_160, %dma_wait3A_161] : memref<320000x64xi32, #tpu.memory_space<hbm>> -> memref<40x64xi32, #tpu.memory_space<hbm>>
      %dma_wait3A_163 = arith.constant 0 : i32
      %dma_wait3A_164 = arith.constant 0 : i32
      %dma_wait3A_165 = tpu.memref_slice %arg3[%dma_wait3A_163, %dma_wait3A_164] : memref<320000x64xi32, #tpu.memory_space<hbm>> -> memref<40x64xi32, #tpu.memory_space<hbm>>
      tpu.wait_dma2 semaphore(%arg18 : memref<!tpu.dma_semaphore, #tpu.memory_space<semaphore_mem>>) src(%dma_wait3A_165 : memref<40x64xi32, #tpu.memory_space<hbm>>) dst(%arg11 : memref<40x64xi32, #tpu.memory_space<vmem>>)
      %dma_wait3A_166 = arith.constant 0 : i32
      %dma_wait3A_167 = arith.constant 0 : i32
      %dma_wait3A_168 = tpu.memref_slice %arg3[%dma_wait3A_166, %dma_wait3A_167] : memref<320000x64xi32, #tpu.memory_space<hbm>> -> memref<40x64xi32, #tpu.memory_space<hbm>>
      %dma_wait3A_169 = arith.constant 0 : i32
      %dma_wait3A_170 = arith.constant 0 : i32
      %dma_wait3A_171 = tpu.memref_slice %arg3[%dma_wait3A_169, %dma_wait3A_170] : memref<320000x64xi32, #tpu.memory_space<hbm>> -> memref<40x64xi32, #tpu.memory_space<hbm>>
      tpu.wait_dma2 semaphore(%arg20 : memref<!tpu.dma_semaphore, #tpu.memory_space<semaphore_mem>>) src(%dma_wait3A_171 : memref<40x64xi32, #tpu.memory_space<hbm>>) dst(%arg9 : memref<40x64xi32, #tpu.memory_space<vmem>>)
      %dma_wait3A_172 = arith.constant 0 : i32
      %dma_wait3A_173 = arith.constant 0 : i32
      %dma_wait3A_174 = arith.constant 0 : i32
      %dma_wait3A_175 = tpu.memref_slice %arg15[%dma_wait3A_174] : memref<48xf32, #tpu.memory_space<vmem>> -> memref<40xf32, #tpu.memory_space<vmem>>
      %dma_wait3A_176 = arith.constant 0 : i32
      %dma_wait3A_177 = tpu.memref_slice %arg5[%dma_wait3A_172, %dma_wait3A_173, %dma_wait3A_176] : memref<32x250x40xf32, #tpu.memory_space<hbm>> -> memref<1x1x40xf32, #tpu.memory_space<hbm>>
      %dma_wait3A_178 = tpu.memref_squeeze %dma_wait3A_177 : memref<1x1x40xf32, #tpu.memory_space<hbm>> -> memref<40xf32, #tpu.memory_space<hbm>>
      %dma_wait3A_179 = arith.constant 0 : i32
      %dma_wait3A_180 = tpu.memref_slice %arg15[%dma_wait3A_179] : memref<48xf32, #tpu.memory_space<vmem>> -> memref<40xf32, #tpu.memory_space<vmem>>
      %dma_wait3A_181 = arith.constant 0 : i32
      %dma_wait3A_182 = tpu.memref_slice %arg5[%dma_wait3A_172, %dma_wait3A_173, %dma_wait3A_181] : memref<32x250x40xf32, #tpu.memory_space<hbm>> -> memref<1x1x40xf32, #tpu.memory_space<hbm>>
      %dma_wait3A_183 = tpu.memref_squeeze %dma_wait3A_182 : memref<1x1x40xf32, #tpu.memory_space<hbm>> -> memref<40xf32, #tpu.memory_space<hbm>>
      tpu.wait_dma2 semaphore(%arg22 : memref<!tpu.dma_semaphore, #tpu.memory_space<semaphore_mem>>) src(%dma_wait3A_183 : memref<40xf32, #tpu.memory_space<hbm>>) dst(%dma_wait3A_180 : memref<40xf32, #tpu.memory_space<vmem>>)
      %scan3A_184 = arith.constant 0 : i32
      %scan3A_185 = arith.constant 0 : i32
      %scan3A_186 = arith.constant 5 : i32
      %scan3A_187 = arith.addi %scan3A_185, %scan3A_186 : i32
      %scan3A_188 = arith.constant 1 : i32
      %scan3A_189 = scf.for %scan3A_248 = %scan3A_185 to %scan3A_187 step %scan3A_188 iter_args(%scan3A_249 = %scan3A_184) -> (i32)  : i32 {
        %mul3A_250 = arith.constant 8 : i32
        %mul3A_251 = arith.muli %scan3A_248, %mul3A_250 : i32
        %get3A = arith.index_cast %mul3A_251 : i32 to index
        %get3A_252 = tpu.vector_load %arg15[%get3A] {strides = array<i32>} : memref<48xf32, #tpu.memory_space<vmem>>, vector<16xf32>,
        %slice3A = vector.extract_strided_slice %get3A_252 {offsets = [0], sizes = [1], strides = [1]} : vector<16xf32> to vector<1xf32>
        %squeeze3A = vector.extract %slice3A[0] : f32 from vector<1xf32>
        %mul3A_253 = arith.constant 8 : i32
        %mul3A_254 = arith.muli %scan3A_248, %mul3A_253 : i32
        %add3A_255 = arith.constant 0 : i32
        %add3A_256 = arith.addi %mul3A_254, %add3A_255 : i32
        %get3A_257 = arith.index_cast %add3A_256 : i32 to index
        %get3A_258 = arith.constant 0 : index
        %get3A_259 = tpu.vector_load %arg11[%get3A_257, %get3A_258] {strides = array<i32>} : memref<40x64xi32, #tpu.memory_space<vmem>>, vector<16xi32>,
        %get3A_260 = arith.index_cast %add3A_256 : i32 to index
        %get3A_261 = arith.constant 0 : index
        %get3A_262 = tpu.vector_load %arg9[%get3A_260, %get3A_261] {strides = array<i32>} : memref<40x64xi32, #tpu.memory_space<vmem>>, vector<16xi32>,
        %shift_left3A = arith.constant 16 : i32
        %shift_left3A_263 = vector.broadcast %shift_left3A : i32 to vector<16xi32>
        %shift_left3A_264 = arith.shli %get3A_259, %shift_left3A_263 : vector<16xi32>
        %bitcast3A = vector.bitcast %shift_left3A_264 : vector<16xi32> to vector<16xf32>
        %shift_left3A_265 = arith.constant 16 : i32
        %shift_left3A_266 = vector.broadcast %shift_left3A_265 : i32 to vector<16xi32>
        %shift_left3A_267 = arith.shli %get3A_262, %shift_left3A_266 : vector<16xi32>
        %bitcast3A_268 = vector.bitcast %shift_left3A_267 : vector<16xi32> to vector<16xf32>
        %and3A = vector.broadcast %scan3A_97 : i32 to vector<16xi32>
        %and3A_269 = arith.andi %get3A_259, %and3A : vector<16xi32>
        %bitcast3A_270 = vector.bitcast %and3A_269 : vector<16xi32> to vector<16xf32>
        %and3A_271 = vector.broadcast %scan3A_97 : i32 to vector<16xi32>
        %and3A_272 = arith.andi %get3A_262, %and3A_271 : vector<16xi32>
        %bitcast3A_273 = vector.bitcast %and3A_272 : vector<16xi32> to vector<16xf32>
        %mul3A_274 = arith.mulf %bitcast3A, %bitcast3A_268 : vector<16xf32>
        %mul3A_275 = vector.broadcast %squeeze3A : f32 to vector<16xf32>
        %mul3A_276 = arith.mulf %mul3A_274, %mul3A_275 : vector<16xf32>
        %swap3A = arith.index_cast %add3A_256 : i32 to index
        %swap3A_277 = arith.constant 0 : index
        %swap3A_278 = tpu.vector_load %arg13[%swap3A, %swap3A_277] {strides = array<i32>} : memref<40x128xf32, #tpu.memory_space<vmem>>, vector<16xf32>,
        tpu.vector_store %arg13[%swap3A, %swap3A_277], %mul3A_276 {strides = array<i32>} : memref<40x128xf32, #tpu.memory_space<vmem>>, vector<16xf32>,
        %mul3A_279 = arith.mulf %bitcast3A_270, %bitcast3A_273 : vector<16xf32>
        %mul3A_280 = vector.broadcast %squeeze3A : f32 to vector<16xf32>
        %mul3A_281 = arith.mulf %mul3A_279, %mul3A_280 : vector<16xf32>
        %swap3A_282 = arith.index_cast %add3A_256 : i32 to index
        %swap3A_283 = arith.constant 16 : index
        %swap3A_284 = tpu.vector_load %arg13[%swap3A_282, %swap3A_283] {strides = array<i32>} : memref<40x128xf32, #tpu.memory_space<vmem>>, vector<16xf32>,
        tpu.vector_store %arg13[%swap3A_282, %swap3A_283], %mul3A_281 {strides = array<i32>} : memref<40x128xf32, #tpu.memory_space<vmem>>, vector<16xf32>,
        %get3A_285 = arith.index_cast %add3A_256 : i32 to index
        %get3A_286 = arith.constant 16 : index
        %get3A_287 = tpu.vector_load %arg11[%get3A_285, %get3A_286] {strides = array<i32>} : memref<40x64xi32, #tpu.memory_space<vmem>>, vector<16xi32>,
        %get3A_288 = arith.index_cast %add3A_256 : i32 to index
        %get3A_289 = arith.constant 16 : index
        %get3A_290 = tpu.vector_load %arg9[%get3A_288, %get3A_289] {strides = array<i32>} : memref<40x64xi32, #tpu.memory_space<vmem>>, vector<16xi32>,
        %shift_left3A_291 = arith.constant 16 : i32
        %shift_left3A_292 = vector.broadcast %shift_left3A_291 : i32 to vector<16xi32>
        %shift_left3A_293 = arith.shli %get3A_287, %shift_left3A_292 : vector<16xi32>
        %bitcast3A_294 = vector.bitcast %shift_left3A_293 : vector<16xi32> to vector<16xf32>
        %shift_left3A_295 = arith.constant 16 : i32
        %shift_left3A_296 = vector.broadcast %shift_left3A_295 : i32 to vector<16xi32>
        %shift_left3A_297 = arith.shli %get3A_290, %shift_left3A_296 : vector<16xi32>
        %bitcast3A_298 = vector.bitcast %shift_left3A_297 : vector<16xi32> to vector<16xf32>
        %and3A_299 = vector.broadcast %scan3A_97 : i32 to vector<16xi32>
        %and3A_300 = arith.andi %get3A_287, %and3A_299 : vector<16xi32>
        %bitcast3A_301 = vector.bitcast %and3A_300 : vector<16xi32> to vector<16xf32>
        %and3A_302 = vector.broadcast %scan3A_97 : i32 to vector<16xi32>
        %and3A_303 = arith.andi %get3A_290, %and3A_302 : vector<16xi32>
        %bitcast3A_304 = vector.bitcast %and3A_303 : vector<16xi32> to vector<16xf32>
        %mul3A_305 = arith.mulf %bitcast3A_294, %bitcast3A_298 : vector<16xf32>
        %mul3A_306 = vector.broadcast %squeeze3A : f32 to vector<16xf32>
        %mul3A_307 = arith.mulf %mul3A_305, %mul3A_306 : vector<16xf32>
        %swap3A_308 = arith.index_cast %add3A_256 : i32 to index
        %swap3A_309 = arith.constant 32 : index
        %swap3A_310 = tpu.vector_load %arg13[%swap3A_308, %swap3A_309] {strides = array<i32>} : memref<40x128xf32, #tpu.memory_space<vmem>>, vector<16xf32>,
        tpu.vector_store %arg13[%swap3A_308, %swap3A_309], %mul3A_307 {strides = array<i32>} : memref<40x128xf32, #tpu.memory_space<vmem>>, vector<16xf32>,
        %mul3A_311 = arith.mulf %bitcast3A_301, %bitcast3A_304 : vector<16xf32>
        %mul3A_312 = vector.broadcast %squeeze3A : f32 to vector<16xf32>
        %mul3A_313 = arith.mulf %mul3A_311, %mul3A_312 : vector<16xf32>
        %swap3A_314 = arith.index_cast %add3A_256 : i32 to index
        %swap3A_315 = arith.constant 48 : index
        %swap3A_316 = tpu.vector_load %arg13[%swap3A_314, %swap3A_315] {strides = array<i32>} : memref<40x128xf32, #tpu.memory_space<vmem>>, vector<16xf32>,
        tpu.vector_store %arg13[%swap3A_314, %swap3A_315], %mul3A_313 {strides = array<i32>} : memref<40x128xf32, #tpu.memory_space<vmem>>, vector<16xf32>,
        %get3A_317 = arith.index_cast %add3A_256 : i32 to index
        %get3A_318 = arith.constant 32 : index
        %get3A_319 = tpu.vector_load %arg11[%get3A_317, %get3A_318] {strides = array<i32>} : memref<40x64xi32, #tpu.memory_space<vmem>>, vector<16xi32>,
        %get3A_320 = arith.index_cast %add3A_256 : i32 to index
        %get3A_321 = arith.constant 32 : index
        %get3A_322 = tpu.vector_load %arg9[%get3A_320, %get3A_321] {strides = array<i32>} : memref<40x64xi32, #tpu.memory_space<vmem>>, vector<16xi32>,
        %shift_left3A_323 = arith.constant 16 : i32
        %shift_left3A_324 = vector.broadcast %shift_left3A_323 : i32 to vector<16xi32>
        %shift_left3A_325 = arith.shli %get3A_319, %shift_left3A_324 : vector<16xi32>
        %bitcast3A_326 = vector.bitcast %shift_left3A_325 : vector<16xi32> to vector<16xf32>
        %shift_left3A_327 = arith.constant 16 : i32
        %shift_left3A_328 = vector.broadcast %shift_left3A_327 : i32 to vector<16xi32>
        %shift_left3A_329 = arith.shli %get3A_322, %shift_left3A_328 : vector<16xi32>
        %bitcast3A_330 = vector.bitcast %shift_left3A_329 : vector<16xi32> to vector<16xf32>
        %and3A_331 = vector.broadcast %scan3A_97 : i32 to vector<16xi32>
        %and3A_332 = arith.andi %get3A_319, %and3A_331 : vector<16xi32>
        %bitcast3A_333 = vector.bitcast %and3A_332 : vector<16xi32> to vector<16xf32>
        %and3A_334 = vector.broadcast %scan3A_97 : i32 to vector<16xi32>
        %and3A_335 = arith.andi %get3A_322, %and3A_334 : vector<16xi32>
        %bitcast3A_336 = vector.bitcast %and3A_335 : vector<16xi32> to vector<16xf32>
        %mul3A_337 = arith.mulf %bitcast3A_326, %bitcast3A_330 : vector<16xf32>
        %mul3A_338 = vector.broadcast %squeeze3A : f32 to vector<16xf32>
        %mul3A_339 = arith.mulf %mul3A_337, %mul3A_338 : vector<16xf32>
        %swap3A_340 = arith.index_cast %add3A_256 : i32 to index
        %swap3A_341 = arith.constant 64 : index
        %swap3A_342 = tpu.vector_load %arg13[%swap3A_340, %swap3A_341] {strides = array<i32>} : memref<40x128xf32, #tpu.memory_space<vmem>>, vector<16xf32>,
        tpu.vector_store %arg13[%swap3A_340, %swap3A_341], %mul3A_339 {strides = array<i32>} : memref<40x128xf32, #tpu.memory_space<vmem>>, vector<16xf32>,
        %mul3A_343 = arith.mulf %bitcast3A_333, %bitcast3A_336 : vector<16xf32>
        %mul3A_344 = vector.broadcast %squeeze3A : f32 to vector<16xf32>
        %mul3A_345 = arith.mulf %mul3A_343, %mul3A_344 : vector<16xf32>
        %swap3A_346 = arith.index_cast %add3A_256 : i32 to index
        %swap3A_347 = arith.constant 80 : index
        %swap3A_348 = tpu.vector_load %arg13[%swap3A_346, %swap3A_347] {strides = array<i32>} : memref<40x128xf32, #tpu.memory_space<vmem>>, vector<16xf32>,
        tpu.vector_store %arg13[%swap3A_346, %swap3A_347], %mul3A_345 {strides = array<i32>} : memref<40x128xf32, #tpu.memory_space<vmem>>, vector<16xf32>,
        %get3A_349 = arith.index_cast %add3A_256 : i32 to index
        %get3A_350 = arith.constant 48 : index
        %get3A_351 = tpu.vector_load %arg11[%get3A_349, %get3A_350] {strides = array<i32>} : memref<40x64xi32, #tpu.memory_space<vmem>>, vector<16xi32>,
        %get3A_352 = arith.index_cast %add3A_256 : i32 to index
        %get3A_353 = arith.constant 48 : index
        %get3A_354 = tpu.vector_load %arg9[%get3A_352, %get3A_353] {strides = array<i32>} : memref<40x64xi32, #tpu.memory_space<vmem>>, vector<16xi32>,
        %shift_left3A_355 = arith.constant 16 : i32
        %shift_left3A_356 = vector.broadcast %shift_left3A_355 : i32 to vector<16xi32>
        %shift_left3A_357 = arith.shli %get3A_351, %shift_left3A_356 : vector<16xi32>
        %bitcast3A_358 = vector.bitcast %shift_left3A_357 : vector<16xi32> to vector<16xf32>
        %shift_left3A_359 = arith.constant 16 : i32
        %shift_left3A_360 = vector.broadcast %shift_left3A_359 : i32 to vector<16xi32>
        %shift_left3A_361 = arith.shli %get3A_354, %shift_left3A_360 : vector<16xi32>
        %bitcast3A_362 = vector.bitcast %shift_left3A_361 : vector<16xi32> to vector<16xf32>
        %and3A_363 = vector.broadcast %scan3A_97 : i32 to vector<16xi32>
        %and3A_364 = arith.andi %get3A_351, %and3A_363 : vector<16xi32>
        %bitcast3A_365 = vector.bitcast %and3A_364 : vector<16xi32> to vector<16xf32>
        %and3A_366 = vector.broadcast %scan3A_97 : i32 to vector<16xi32>
        %and3A_367 = arith.andi %get3A_354, %and3A_366 : vector<16xi32>
        %bitcast3A_368 = vector.bitcast %and3A_367 : vector<16xi32> to vector<16xf32>
        %mul3A_369 = arith.mulf %bitcast3A_358, %bitcast3A_362 : vector<16xf32>
        %mul3A_370 = vector.broadcast %squeeze3A : f32 to vector<16xf32>
        %mul3A_371 = arith.mulf %mul3A_369, %mul3A_370 : vector<16xf32>
        %swap3A_372 = arith.index_cast %add3A_256 : i32 to index
        %swap3A_373 = arith.constant 96 : index
        %swap3A_374 = tpu.vector_load %arg13[%swap3A_372, %swap3A_373] {strides = array<i32>} : memref<40x128xf32, #tpu.memory_space<vmem>>, vector<16xf32>,
        tpu.vector_store %arg13[%swap3A_372, %swap3A_373], %mul3A_371 {strides = array<i32>} : memref<40x128xf32, #tpu.memory_space<vmem>>, vector<16xf32>,
        %mul3A_375 = arith.mulf %bitcast3A_365, %bitcast3A_368 : vector<16xf32>
        %mul3A_376 = vector.broadcast %squeeze3A : f32 to vector<16xf32>
        %mul3A_377 = arith.mulf %mul3A_375, %mul3A_376 : vector<16xf32>
        %swap3A_378 = arith.index_cast %add3A_256 : i32 to index
        %swap3A_379 = arith.constant 112 : index
        %swap3A_380 = tpu.vector_load %arg13[%swap3A_378, %swap3A_379] {strides = array<i32>} : memref<40x128xf32, #tpu.memory_space<vmem>>, vector<16xf32>,
        tpu.vector_store %arg13[%swap3A_378, %swap3A_379], %mul3A_377 {strides = array<i32>} : memref<40x128xf32, #tpu.memory_space<vmem>>, vector<16xf32>,
        %slice3A_381 = vector.extract_strided_slice %get3A_252 {offsets = [1], sizes = [1], strides = [1]} : vector<16xf32> to vector<1xf32>
        %squeeze3A_382 = vector.extract %slice3A_381[0] : f32 from vector<1xf32>
        %mul3A_383 = arith.constant 8 : i32
        %mul3A_384 = arith.muli %scan3A_248, %mul3A_383 : i32
        %add3A_385 = arith.constant 1 : i32
        %add3A_386 = arith.addi %mul3A_384, %add3A_385 : i32
        %get3A_387 = arith.index_cast %add3A_386 : i32 to index
        %get3A_388 = arith.constant 0 : index
        %get3A_389 = tpu.vector_load %arg11[%get3A_387, %get3A_388] {strides = array<i32>} : memref<40x64xi32, #tpu.memory_space<vmem>>, vector<16xi32>,
        %get3A_390 = arith.index_cast %add3A_386 : i32 to index
        %get3A_391 = arith.constant 0 : index
        %get3A_392 = tpu.vector_load %arg9[%get3A_390, %get3A_391] {strides = array<i32>} : memref<40x64xi32, #tpu.memory_space<vmem>>, vector<16xi32>,
        %shift_left3A_393 = arith.constant 16 : i32
        %shift_left3A_394 = vector.broadcast %shift_left3A_393 : i32 to vector<16xi32>
        %shift_left3A_395 = arith.shli %get3A_389, %shift_left3A_394 : vector<16xi32>
        %bitcast3A_396 = vector.bitcast %shift_left3A_395 : vector<16xi32> to vector<16xf32>
        %shift_left3A_397 = arith.constant 16 : i32
        %shift_left3A_398 = vector.broadcast %shift_left3A_397 : i32 to vector<16xi32>
        %shift_left3A_399 = arith.shli %get3A_392, %shift_left3A_398 : vector<16xi32>
        %bitcast3A_400 = vector.bitcast %shift_left3A_399 : vector<16xi32> to vector<16xf32>
        %and3A_401 = vector.broadcast %scan3A_97 : i32 to vector<16xi32>
        %and3A_402 = arith.andi %get3A_389, %and3A_401 : vector<16xi32>
        %bitcast3A_403 = vector.bitcast %and3A_402 : vector<16xi32> to vector<16xf32>
        %and3A_404 = vector.broadcast %scan3A_97 : i32 to vector<16xi32>
        %and3A_405 = arith.andi %get3A_392, %and3A_404 : vector<16xi32>
        %bitcast3A_406 = vector.bitcast %and3A_405 : vector<16xi32> to vector<16xf32>
        %mul3A_407 = arith.mulf %bitcast3A_396, %bitcast3A_400 : vector<16xf32>
        %mul3A_408 = vector.broadcast %squeeze3A_382 : f32 to vector<16xf32>
        %mul3A_409 = arith.mulf %mul3A_407, %mul3A_408 : vector<16xf32>
        %swap3A_410 = arith.index_cast %add3A_386 : i32 to index
        %swap3A_411 = arith.constant 0 : index
        %swap3A_412 = tpu.vector_load %arg13[%swap3A_410, %swap3A_411] {strides = array<i32>} : memref<40x128xf32, #tpu.memory_space<vmem>>, vector<16xf32>,
        tpu.vector_store %arg13[%swap3A_410, %swap3A_411], %mul3A_409 {strides = array<i32>} : memref<40x128xf32, #tpu.memory_space<vmem>>, vector<16xf32>,
        %mul3A_413 = arith.mulf %bitcast3A_403, %bitcast3A_406 : vector<16xf32>
        %mul3A_414 = vector.broadcast %squeeze3A_382 : f32 to vector<16xf32>
        %mul3A_415 = arith.mulf %mul3A_413, %mul3A_414 : vector<16xf32>
        %swap3A_416 = arith.index_cast %add3A_386 : i32 to index
        %swap3A_417 = arith.constant 16 : index
        %swap3A_418 = tpu.vector_load %arg13[%swap3A_416, %swap3A_417] {strides = array<i32>} : memref<40x128xf32, #tpu.memory_space<vmem>>, vector<16xf32>,
        tpu.vector_store %arg13[%swap3A_416, %swap3A_417], %mul3A_415 {strides = array<i32>} : memref<40x128xf32, #tpu.memory_space<vmem>>, vector<16xf32>,
        %get3A_419 = arith.index_cast %add3A_386 : i32 to index
        %get3A_420 = arith.constant 16 : index
        %get3A_421 = tpu.vector_load %arg11[%get3A_419, %get3A_420] {strides = array<i32>} : memref<40x64xi32, #tpu.memory_space<vmem>>, vector<16xi32>,
        %get3A_422 = arith.index_cast %add3A_386 : i32 to index
        %get3A_423 = arith.constant 16 : index
        %get3A_424 = tpu.vector_load %arg9[%get3A_422, %get3A_423] {strides = array<i32>} : memref<40x64xi32, #tpu.memory_space<vmem>>, vector<16xi32>,
        %shift_left3A_425 = arith.constant 16 : i32
        %shift_left3A_426 = vector.broadcast %shift_left3A_425 : i32 to vector<16xi32>
        %shift_left3A_427 = arith.shli %get3A_421, %shift_left3A_426 : vector<16xi32>
        %bitcast3A_428 = vector.bitcast %shift_left3A_427 : vector<16xi32> to vector<16xf32>
        %shift_left3A_429 = arith.constant 16 : i32
        %shift_left3A_430 = vector.broadcast %shift_left3A_429 : i32 to vector<16xi32>
        %shift_left3A_431 = arith.shli %get3A_424, %shift_left3A_430 : vector<16xi32>
        %bitcast3A_432 = vector.bitcast %shift_left3A_431 : vector<16xi32> to vector<16xf32>
        %and3A_433 = vector.broadcast %scan3A_97 : i32 to vector<16xi32>
        %and3A_434 = arith.andi %get3A_421, %and3A_433 : vector<16xi32>
        %bitcast3A_435 = vector.bitcast %and3A_434 : vector<16xi32> to vector<16xf32>
        %and3A_436 = vector.broadcast %scan3A_97 : i32 to vector<16xi32>
        %and3A_437 = arith.andi %get3A_424, %and3A_436 : vector<16xi32>
        %bitcast3A_438 = vector.bitcast %and3A_437 : vector<16xi32> to vector<16xf32>
        %mul3A_439 = arith.mulf %bitcast3A_428, %bitcast3A_432 : vector<16xf32>
        %mul3A_440 = vector.broadcast %squeeze3A_382 : f32 to vector<16xf32>
        %mul3A_441 = arith.mulf %mul3A_439, %mul3A_440 : vector<16xf32>
        %swap3A_442 = arith.index_cast %add3A_386 : i32 to index
        %swap3A_443 = arith.constant 32 : index
        %swap3A_444 = tpu.vector_load %arg13[%swap3A_442, %swap3A_443] {strides = array<i32>} : memref<40x128xf32, #tpu.memory_space<vmem>>, vector<16xf32>,
        tpu.vector_store %arg13[%swap3A_442, %swap3A_443], %mul3A_441 {strides = array<i32>} : memref<40x128xf32, #tpu.memory_space<vmem>>, vector<16xf32>,
        %mul3A_445 = arith.mulf %bitcast3A_435, %bitcast3A_438 : vector<16xf32>
        %mul3A_446 = vector.broadcast %squeeze3A_382 : f32 to vector<16xf32>
        %mul3A_447 = arith.mulf %mul3A_445, %mul3A_446 : vector<16xf32>
        %swap3A_448 = arith.index_cast %add3A_386 : i32 to index
        %swap3A_449 = arith.constant 48 : index
        %swap3A_450 = tpu.vector_load %arg13[%swap3A_448, %swap3A_449] {strides = array<i32>} : memref<40x128xf32, #tpu.memory_space<vmem>>, vector<16xf32>,
        tpu.vector_store %arg13[%swap3A_448, %swap3A_449], %mul3A_447 {strides = array<i32>} : memref<40x128xf32, #tpu.memory_space<vmem>>, vector<16xf32>,
        %get3A_451 = arith.index_cast %add3A_386 : i32 to index
        %get3A_452 = arith.constant 32 : index
        %get3A_453 = tpu.vector_load %arg11[%get3A_451, %get3A_452] {strides = array<i32>} : memref<40x64xi32, #tpu.memory_space<vmem>>, vector<16xi32>,
        %get3A_454 = arith.index_cast %add3A_386 : i32 to index
        %get3A_455 = arith.constant 32 : index
        %get3A_456 = tpu.vector_load %arg9[%get3A_454, %get3A_455] {strides = array<i32>} : memref<40x64xi32, #tpu.memory_space<vmem>>, vector<16xi32>,
        %shift_left3A_457 = arith.constant 16 : i32
        %shift_left3A_458 = vector.broadcast %shift_left3A_457 : i32 to vector<16xi32>
        %shift_left3A_459 = arith.shli %get3A_453, %shift_left3A_458 : vector<16xi32>
        %bitcast3A_460 = vector.bitcast %shift_left3A_459 : vector<16xi32> to vector<16xf32>
        %shift_left3A_461 = arith.constant 16 : i32
        %shift_left3A_462 = vector.broadcast %shift_left3A_461 : i32 to vector<16xi32>
        %shift_left3A_463 = arith.shli %get3A_456, %shift_left3A_462 : vector<16xi32>
        %bitcast3A_464 = vector.bitcast %shift_left3A_463 : vector<16xi32> to vector<16xf32>
        %and3A_465 = vector.broadcast %scan3A_97 : i32 to vector<16xi32>
        %and3A_466 = arith.andi %get3A_453, %and3A_465 : vector<16xi32>
        %bitcast3A_467 = vector.bitcast %and3A_466 : vector<16xi32> to vector<16xf32>
        %and3A_468 = vector.broadcast %scan3A_97 : i32 to vector<16xi32>
        %and3A_469 = arith.andi %get3A_456, %and3A_468 : vector<16xi32>
        %bitcast3A_470 = vector.bitcast %and3A_469 : vector<16xi32> to vector<16xf32>
        %mul3A_471 = arith.mulf %bitcast3A_460, %bitcast3A_464 : vector<16xf32>
        %mul3A_472 = vector.broadcast %squeeze3A_382 : f32 to vector<16xf32>
        %mul3A_473 = arith.mulf %mul3A_471, %mul3A_472 : vector<16xf32>
        %swap3A_474 = arith.index_cast %add3A_386 : i32 to index
        %swap3A_475 = arith.constant 64 : index
        %swap3A_476 = tpu.vector_load %arg13[%swap3A_474, %swap3A_475] {strides = array<i32>} : memref<40x128xf32, #tpu.memory_space<vmem>>, vector<16xf32>,
        tpu.vector_store %arg13[%swap3A_474, %swap3A_475], %mul3A_473 {strides = array<i32>} : memref<40x128xf32, #tpu.memory_space<vmem>>, vector<16xf32>,
        %mul3A_477 = arith.mulf %bitcast3A_467, %bitcast3A_470 : vector<16xf32>
        %mul3A_478 = vector.broadcast %squeeze3A_382 : f32 to vector<16xf32>
        %mul3A_479 = arith.mulf %mul3A_477, %mul3A_478 : vector<16xf32>
        %swap3A_480 = arith.index_cast %add3A_386 : i32 to index
        %swap3A_481 = arith.constant 80 : index
        %swap3A_482 = tpu.vector_load %arg13[%swap3A_480, %swap3A_481] {strides = array<i32>} : memref<40x128xf32, #tpu.memory_space<vmem>>, vector<16xf32>,
        tpu.vector_store %arg13[%swap3A_480, %swap3A_481], %mul3A_479 {strides = array<i32>} : memref<40x128xf32, #tpu.memory_space<vmem>>, vector<16xf32>,
        %get3A_483 = arith.index_cast %add3A_386 : i32 to index
        %get3A_484 = arith.constant 48 : index
        %get3A_485 = tpu.vector_load %arg11[%get3A_483, %get3A_484] {strides = array<i32>} : memref<40x64xi32, #tpu.memory_space<vmem>>, vector<16xi32>,
        %get3A_486 = arith.index_cast %add3A_386 : i32 to index
        %get3A_487 = arith.constant 48 : index
        %get3A_488 = tpu.vector_load %arg9[%get3A_486, %get3A_487] {strides = array<i32>} : memref<40x64xi32, #tpu.memory_space<vmem>>, vector<16xi32>,
        %shift_left3A_489 = arith.constant 16 : i32
        %shift_left3A_490 = vector.broadcast %shift_left3A_489 : i32 to vector<16xi32>
        %shift_left3A_491 = arith.shli %get3A_485, %shift_left3A_490 : vector<16xi32>
        %bitcast3A_492 = vector.bitcast %shift_left3A_491 : vector<16xi32> to vector<16xf32>
        %shift_left3A_493 = arith.constant 16 : i32
        %shift_left3A_494 = vector.broadcast %shift_left3A_493 : i32 to vector<16xi32>
        %shift_left3A_495 = arith.shli %get3A_488, %shift_left3A_494 : vector<16xi32>
        %bitcast3A_496 = vector.bitcast %shift_left3A_495 : vector<16xi32> to vector<16xf32>
        %and3A_497 = vector.broadcast %scan3A_97 : i32 to vector<16xi32>
        %and3A_498 = arith.andi %get3A_485, %and3A_497 : vector<16xi32>
        %bitcast3A_499 = vector.bitcast %and3A_498 : vector<16xi32> to vector<16xf32>
        %and3A_500 = vector.broadcast %scan3A_97 : i32 to vector<16xi32>
        %and3A_501 = arith.andi %get3A_488, %and3A_500 : vector<16xi32>
        %bitcast3A_502 = vector.bitcast %and3A_501 : vector<16xi32> to vector<16xf32>
        %mul3A_503 = arith.mulf %bitcast3A_492, %bitcast3A_496 : vector<16xf32>
        %mul3A_504 = vector.broadcast %squeeze3A_382 : f32 to vector<16xf32>
        %mul3A_505 = arith.mulf %mul3A_503, %mul3A_504 : vector<16xf32>
        %swap3A_506 = arith.index_cast %add3A_386 : i32 to index
        %swap3A_507 = arith.constant 96 : index
        %swap3A_508 = tpu.vector_load %arg13[%swap3A_506, %swap3A_507] {strides = array<i32>} : memref<40x128xf32, #tpu.memory_space<vmem>>, vector<16xf32>,
        tpu.vector_store %arg13[%swap3A_506, %swap3A_507], %mul3A_505 {strides = array<i32>} : memref<40x128xf32, #tpu.memory_space<vmem>>, vector<16xf32>,
        %mul3A_509 = arith.mulf %bitcast3A_499, %bitcast3A_502 : vector<16xf32>
        %mul3A_510 = vector.broadcast %squeeze3A_382 : f32 to vector<16xf32>
        %mul3A_511 = arith.mulf %mul3A_509, %mul3A_510 : vector<16xf32>
        %swap3A_512 = arith.index_cast %add3A_386 : i32 to index
        %swap3A_513 = arith.constant 112 : index
        %swap3A_514 = tpu.vector_load %arg13[%swap3A_512, %swap3A_513] {strides = array<i32>} : memref<40x128xf32, #tpu.memory_space<vmem>>, vector<16xf32>,
        tpu.vector_store %arg13[%swap3A_512, %swap3A_513], %mul3A_511 {strides = array<i32>} : memref<40x128xf32, #tpu.memory_space<vmem>>, vector<16xf32>,
        %slice3A_515 = vector.extract_strided_slice %get3A_252 {offsets = [2], sizes = [1], strides = [1]} : vector<16xf32> to vector<1xf32>
        %squeeze3A_516 = vector.extract %slice3A_515[0] : f32 from vector<1xf32>
        %mul3A_517 = arith.constant 8 : i32
        %mul3A_518 = arith.muli %scan3A_248, %mul3A_517 : i32
        %add3A_519 = arith.constant 2 : i32
        %add3A_520 = arith.addi %mul3A_518, %add3A_519 : i32
        %get3A_521 = arith.index_cast %add3A_520 : i32 to index
        %get3A_522 = arith.constant 0 : index
        %get3A_523 = tpu.vector_load %arg11[%get3A_521, %get3A_522] {strides = array<i32>} : memref<40x64xi32, #tpu.memory_space<vmem>>, vector<16xi32>,
        %get3A_524 = arith.index_cast %add3A_520 : i32 to index
        %get3A_525 = arith.constant 0 : index
        %get3A_526 = tpu.vector_load %arg9[%get3A_524, %get3A_525] {strides = array<i32>} : memref<40x64xi32, #tpu.memory_space<vmem>>, vector<16xi32>,
        %shift_left3A_527 = arith.constant 16 : i32
        %shift_left3A_528 = vector.broadcast %shift_left3A_527 : i32 to vector<16xi32>
        %shift_left3A_529 = arith.shli %get3A_523, %shift_left3A_528 : vector<16xi32>
        %bitcast3A_530 = vector.bitcast %shift_left3A_529 : vector<16xi32> to vector<16xf32>
        %shift_left3A_531 = arith.constant 16 : i32
        %shift_left3A_532 = vector.broadcast %shift_left3A_531 : i32 to vector<16xi32>
        %shift_left3A_533 = arith.shli %get3A_526, %shift_left3A_532 : vector<16xi32>
        %bitcast3A_534 = vector.bitcast %shift_left3A_533 : vector<16xi32> to vector<16xf32>
        %and3A_535 = vector.broadcast %scan3A_97 : i32 to vector<16xi32>
        %and3A_536 = arith.andi %get3A_523, %and3A_535 : vector<16xi32>
        %bitcast3A_537 = vector.bitcast %and3A_536 : vector<16xi32> to vector<16xf32>
        %and3A_538 = vector.broadcast %scan3A_97 : i32 to vector<16xi32>
        %and3A_539 = arith.andi %get3A_526, %and3A_538 : vector<16xi32>
        %bitcast3A_540 = vector.bitcast %and3A_539 : vector<16xi32> to vector<16xf32>
        %mul3A_541 = arith.mulf %bitcast3A_530, %bitcast3A_534 : vector<16xf32>
        %mul3A_542 = vector.broadcast %squeeze3A_516 : f32 to vector<16xf32>
        %mul3A_543 = arith.mulf %mul3A_541, %mul3A_542 : vector<16xf32>
        %swap3A_544 = arith.index_cast %add3A_520 : i32 to index
        %swap3A_545 = arith.constant 0 : index
        %swap3A_546 = tpu.vector_load %arg13[%swap3A_544, %swap3A_545] {strides = array<i32>} : memref<40x128xf32, #tpu.memory_space<vmem>>, vector<16xf32>,
        tpu.vector_store %arg13[%swap3A_544, %swap3A_545], %mul3A_543 {strides = array<i32>} : memref<40x128xf32, #tpu.memory_space<vmem>>, vector<16xf32>,
        %mul3A_547 = arith.mulf %bitcast3A_537, %bitcast3A_540 : vector<16xf32>
        %mul3A_548 = vector.broadcast %squeeze3A_516 : f32 to vector<16xf32>
        %mul3A_549 = arith.mulf %mul3A_547, %mul3A_548 : vector<16xf32>
        %swap3A_550 = arith.index_cast %add3A_520 : i32 to index
        %swap3A_551 = arith.constant 16 : index
        %swap3A_552 = tpu.vector_load %arg13[%swap3A_550, %swap3A_551] {strides = array<i32>} : memref<40x128xf32, #tpu.memory_space<vmem>>, vector<16xf32>,
        tpu.vector_store %arg13[%swap3A_550, %swap3A_551], %mul3A_549 {strides = array<i32>} : memref<40x128xf32, #tpu.memory_space<vmem>>, vector<16xf32>,
        %get3A_553 = arith.index_cast %add3A_520 : i32 to index
        %get3A_554 = arith.constant 16 : index
        %get3A_555 = tpu.vector_load %arg11[%get3A_553, %get3A_554] {strides = array<i32>} : memref<40x64xi32, #tpu.memory_space<vmem>>, vector<16xi32>,
        %get3A_556 = arith.index_cast %add3A_520 : i32 to index
        %get3A_557 = arith.constant 16 : index
        %get3A_558 = tpu.vector_load %arg9[%get3A_556, %get3A_557] {strides = array<i32>} : memref<40x64xi32, #tpu.memory_space<vmem>>, vector<16xi32>,
        %shift_left3A_559 = arith.constant 16 : i32
        %shift_left3A_560 = vector.broadcast %shift_left3A_559 : i32 to vector<16xi32>
        %shift_left3A_561 = arith.shli %get3A_555, %shift_left3A_560 : vector<16xi32>
        %bitcast3A_562 = vector.bitcast %shift_left3A_561 : vector<16xi32> to vector<16xf32>
        %shift_left3A_563 = arith.constant 16 : i32
        %shift_left3A_564 = vector.broadcast %shift_left3A_563 : i32 to vector<16xi32>
        %shift_left3A_565 = arith.shli %get3A_558, %shift_left3A_564 : vector<16xi32>
        %bitcast3A_566 = vector.bitcast %shift_left3A_565 : vector<16xi32> to vector<16xf32>
        %and3A_567 = vector.broadcast %scan3A_97 : i32 to vector<16xi32>
        %and3A_568 = arith.andi %get3A_555, %and3A_567 : vector<16xi32>
        %bitcast3A_569 = vector.bitcast %and3A_568 : vector<16xi32> to vector<16xf32>
        %and3A_570 = vector.broadcast %scan3A_97 : i32 to vector<16xi32>
        %and3A_571 = arith.andi %get3A_558, %and3A_570 : vector<16xi32>
        %bitcast3A_572 = vector.bitcast %and3A_571 : vector<16xi32> to vector<16xf32>
        %mul3A_573 = arith.mulf %bitcast3A_562, %bitcast3A_566 : vector<16xf32>
        %mul3A_574 = vector.broadcast %squeeze3A_516 : f32 to vector<16xf32>
        %mul3A_575 = arith.mulf %mul3A_573, %mul3A_574 : vector<16xf32>
        %swap3A_576 = arith.index_cast %add3A_520 : i32 to index
        %swap3A_577 = arith.constant 32 : index
        %swap3A_578 = tpu.vector_load %arg13[%swap3A_576, %swap3A_577] {strides = array<i32>} : memref<40x128xf32, #tpu.memory_space<vmem>>, vector<16xf32>,
        tpu.vector_store %arg13[%swap3A_576, %swap3A_577], %mul3A_575 {strides = array<i32>} : memref<40x128xf32, #tpu.memory_space<vmem>>, vector<16xf32>,
        %mul3A_579 = arith.mulf %bitcast3A_569, %bitcast3A_572 : vector<16xf32>
        %mul3A_580 = vector.broadcast %squeeze3A_516 : f32 to vector<16xf32>
        %mul3A_581 = arith.mulf %mul3A_579, %mul3A_580 : vector<16xf32>
        %swap3A_582 = arith.index_cast %add3A_520 : i32 to index
        %swap3A_583 = arith.constant 48 : index
        %swap3A_584 = tpu.vector_load %arg13[%swap3A_582, %swap3A_583] {strides = array<i32>} : memref<40x128xf32, #tpu.memory_space<vmem>>, vector<16xf32>,
        tpu.vector_store %arg13[%swap3A_582, %swap3A_583], %mul3A_581 {strides = array<i32>} : memref<40x128xf32, #tpu.memory_space<vmem>>, vector<16xf32>,
        %get3A_585 = arith.index_cast %add3A_520 : i32 to index
        %get3A_586 = arith.constant 32 : index
        %get3A_587 = tpu.vector_load %arg11[%get3A_585, %get3A_586] {strides = array<i32>} : memref<40x64xi32, #tpu.memory_space<vmem>>, vector<16xi32>,
        %get3A_588 = arith.index_cast %add3A_520 : i32 to index
        %get3A_589 = arith.constant 32 : index
        %get3A_590 = tpu.vector_load %arg9[%get3A_588, %get3A_589] {strides = array<i32>} : memref<40x64xi32, #tpu.memory_space<vmem>>, vector<16xi32>,
        %shift_left3A_591 = arith.constant 16 : i32
        %shift_left3A_592 = vector.broadcast %shift_left3A_591 : i32 to vector<16xi32>
        %shift_left3A_593 = arith.shli %get3A_587, %shift_left3A_592 : vector<16xi32>
        %bitcast3A_594 = vector.bitcast %shift_left3A_593 : vector<16xi32> to vector<16xf32>
        %shift_left3A_595 = arith.constant 16 : i32
        %shift_left3A_596 = vector.broadcast %shift_left3A_595 : i32 to vector<16xi32>
        %shift_left3A_597 = arith.shli %get3A_590, %shift_left3A_596 : vector<16xi32>
        %bitcast3A_598 = vector.bitcast %shift_left3A_597 : vector<16xi32> to vector<16xf32>
        %and3A_599 = vector.broadcast %scan3A_97 : i32 to vector<16xi32>
        %and3A_600 = arith.andi %get3A_587, %and3A_599 : vector<16xi32>
        %bitcast3A_601 = vector.bitcast %and3A_600 : vector<16xi32> to vector<16xf32>
        %and3A_602 = vector.broadcast %scan3A_97 : i32 to vector<16xi32>
        %and3A_603 = arith.andi %get3A_590, %and3A_602 : vector<16xi32>
        %bitcast3A_604 = vector.bitcast %and3A_603 : vector<16xi32> to vector<16xf32>
        %mul3A_605 = arith.mulf %bitcast3A_594, %bitcast3A_598 : vector<16xf32>
        %mul3A_606 = vector.broadcast %squeeze3A_516 : f32 to vector<16xf32>
        %mul3A_607 = arith.mulf %mul3A_605, %mul3A_606 : vector<16xf32>
        %swap3A_608 = arith.index_cast %add3A_520 : i32 to index
        %swap3A_609 = arith.constant 64 : index
        %swap3A_610 = tpu.vector_load %arg13[%swap3A_608, %swap3A_609] {strides = array<i32>} : memref<40x128xf32, #tpu.memory_space<vmem>>, vector<16xf32>,
        tpu.vector_store %arg13[%swap3A_608, %swap3A_609], %mul3A_607 {strides = array<i32>} : memref<40x128xf32, #tpu.memory_space<vmem>>, vector<16xf32>,
        %mul3A_611 = arith.mulf %bitcast3A_601, %bitcast3A_604 : vector<16xf32>
        %mul3A_612 = vector.broadcast %squeeze3A_516 : f32 to vector<16xf32>
        %mul3A_613 = arith.mulf %mul3A_611, %mul3A_612 : vector<16xf32>
        %swap3A_614 = arith.index_cast %add3A_520 : i32 to index
        %swap3A_615 = arith.constant 80 : index
        %swap3A_616 = tpu.vector_load %arg13[%swap3A_614, %swap3A_615] {strides = array<i32>} : memref<40x128xf32, #tpu.memory_space<vmem>>, vector<16xf32>,
        tpu.vector_store %arg13[%swap3A_614, %swap3A_615], %mul3A_613 {strides = array<i32>} : memref<40x128xf32, #tpu.memory_space<vmem>>, vector<16xf32>,
        %get3A_617 = arith.index_cast %add3A_520 : i32 to index
        %get3A_618 = arith.constant 48 : index
        %get3A_619 = tpu.vector_load %arg11[%get3A_617, %get3A_618] {strides = array<i32>} : memref<40x64xi32, #tpu.memory_space<vmem>>, vector<16xi32>,
        %get3A_620 = arith.index_cast %add3A_520 : i32 to index
        %get3A_621 = arith.constant 48 : index
        %get3A_622 = tpu.vector_load %arg9[%get3A_620, %get3A_621] {strides = array<i32>} : memref<40x64xi32, #tpu.memory_space<vmem>>, vector<16xi32>,
        %shift_left3A_623 = arith.constant 16 : i32
        %shift_left3A_624 = vector.broadcast %shift_left3A_623 : i32 to vector<16xi32>
        %shift_left3A_625 = arith.shli %get3A_619, %shift_left3A_624 : vector<16xi32>
        %bitcast3A_626 = vector.bitcast %shift_left3A_625 : vector<16xi32> to vector<16xf32>
        %shift_left3A_627 = arith.constant 16 : i32
        %shift_left3A_628 = vector.broadcast %shift_left3A_627 : i32 to vector<16xi32>
        %shift_left3A_629 = arith.shli %get3A_622, %shift_left3A_628 : vector<16xi32>
        %bitcast3A_630 = vector.bitcast %shift_left3A_629 : vector<16xi32> to vector<16xf32>
        %and3A_631 = vector.broadcast %scan3A_97 : i32 to vector<16xi32>
        %and3A_632 = arith.andi %get3A_619, %and3A_631 : vector<16xi32>
        %bitcast3A_633 = vector.bitcast %and3A_632 : vector<16xi32> to vector<16xf32>
        %and3A_634 = vector.broadcast %scan3A_97 : i32 to vector<16xi32>
        %and3A_635 = arith.andi %get3A_622, %and3A_634 : vector<16xi32>
        %bitcast3A_636 = vector.bitcast %and3A_635 : vector<16xi32> to vector<16xf32>
        %mul3A_637 = arith.mulf %bitcast3A_626, %bitcast3A_630 : vector<16xf32>
        %mul3A_638 = vector.broadcast %squeeze3A_516 : f32 to vector<16xf32>
        %mul3A_639 = arith.mulf %mul3A_637, %mul3A_638 : vector<16xf32>
        %swap3A_640 = arith.index_cast %add3A_520 : i32 to index
        %swap3A_641 = arith.constant 96 : index
        %swap3A_642 = tpu.vector_load %arg13[%swap3A_640, %swap3A_641] {strides = array<i32>} : memref<40x128xf32, #tpu.memory_space<vmem>>, vector<16xf32>,
        tpu.vector_store %arg13[%swap3A_640, %swap3A_641], %mul3A_639 {strides = array<i32>} : memref<40x128xf32, #tpu.memory_space<vmem>>, vector<16xf32>,
        %mul3A_643 = arith.mulf %bitcast3A_633, %bitcast3A_636 : vector<16xf32>
        %mul3A_644 = vector.broadcast %squeeze3A_516 : f32 to vector<16xf32>
        %mul3A_645 = arith.mulf %mul3A_643, %mul3A_644 : vector<16xf32>
        %swap3A_646 = arith.index_cast %add3A_520 : i32 to index
        %swap3A_647 = arith.constant 112 : index
        %swap3A_648 = tpu.vector_load %arg13[%swap3A_646, %swap3A_647] {strides = array<i32>} : memref<40x128xf32, #tpu.memory_space<vmem>>, vector<16xf32>,
        tpu.vector_store %arg13[%swap3A_646, %swap3A_647], %mul3A_645 {strides = array<i32>} : memref<40x128xf32, #tpu.memory_space<vmem>>, vector<16xf32>,
        %slice3A_649 = vector.extract_strided_slice %get3A_252 {offsets = [3], sizes = [1], strides = [1]} : vector<16xf32> to vector<1xf32>
        %squeeze3A_650 = vector.extract %slice3A_649[0] : f32 from vector<1xf32>
        %mul3A_651 = arith.constant 8 : i32
        %mul3A_652 = arith.muli %scan3A_248, %mul3A_651 : i32
        %add3A_653 = arith.constant 3 : i32
        %add3A_654 = arith.addi %mul3A_652, %add3A_653 : i32
        %get3A_655 = arith.index_cast %add3A_654 : i32 to index
        %get3A_656 = arith.constant 0 : index
        %get3A_657 = tpu.vector_load %arg11[%get3A_655, %get3A_656] {strides = array<i32>} : memref<40x64xi32, #tpu.memory_space<vmem>>, vector<16xi32>,
        %get3A_658 = arith.index_cast %add3A_654 : i32 to index
        %get3A_659 = arith.constant 0 : index
        %get3A_660 = tpu.vector_load %arg9[%get3A_658, %get3A_659] {strides = array<i32>} : memref<40x64xi32, #tpu.memory_space<vmem>>, vector<16xi32>,
        %shift_left3A_661 = arith.constant 16 : i32
        %shift_left3A_662 = vector.broadcast %shift_left3A_661 : i32 to vector<16xi32>
        %shift_left3A_663 = arith.shli %get3A_657, %shift_left3A_662 : vector<16xi32>
        %bitcast3A_664 = vector.bitcast %shift_left3A_663 : vector<16xi32> to vector<16xf32>
        %shift_left3A_665 = arith.constant 16 : i32
        %shift_left3A_666 = vector.broadcast %shift_left3A_665 : i32 to vector<16xi32>
        %shift_left3A_667 = arith.shli %get3A_660, %shift_left3A_666 : vector<16xi32>
        %bitcast3A_668 = vector.bitcast %shift_left3A_667 : vector<16xi32> to vector<16xf32>
        %and3A_669 = vector.broadcast %scan3A_97 : i32 to vector<16xi32>
        %and3A_670 = arith.andi %get3A_657, %and3A_669 : vector<16xi32>
        %bitcast3A_671 = vector.bitcast %and3A_670 : vector<16xi32> to vector<16xf32>
        %and3A_672 = vector.broadcast %scan3A_97 : i32 to vector<16xi32>
        %and3A_673 = arith.andi %get3A_660, %and3A_672 : vector<16xi32>
        %bitcast3A_674 = vector.bitcast %and3A_673 : vector<16xi32> to vector<16xf32>
        %mul3A_675 = arith.mulf %bitcast3A_664, %bitcast3A_668 : vector<16xf32>
        %mul3A_676 = vector.broadcast %squeeze3A_650 : f32 to vector<16xf32>
        %mul3A_677 = arith.mulf %mul3A_675, %mul3A_676 : vector<16xf32>
        %swap3A_678 = arith.index_cast %add3A_654 : i32 to index
        %swap3A_679 = arith.constant 0 : index
        %swap3A_680 = tpu.vector_load %arg13[%swap3A_678, %swap3A_679] {strides = array<i32>} : memref<40x128xf32, #tpu.memory_space<vmem>>, vector<16xf32>,
        tpu.vector_store %arg13[%swap3A_678, %swap3A_679], %mul3A_677 {strides = array<i32>} : memref<40x128xf32, #tpu.memory_space<vmem>>, vector<16xf32>,
        %mul3A_681 = arith.mulf %bitcast3A_671, %bitcast3A_674 : vector<16xf32>
        %mul3A_682 = vector.broadcast %squeeze3A_650 : f32 to vector<16xf32>
        %mul3A_683 = arith.mulf %mul3A_681, %mul3A_682 : vector<16xf32>
        %swap3A_684 = arith.index_cast %add3A_654 : i32 to index
        %swap3A_685 = arith.constant 16 : index
        %swap3A_686 = tpu.vector_load %arg13[%swap3A_684, %swap3A_685] {strides = array<i32>} : memref<40x128xf32, #tpu.memory_space<vmem>>, vector<16xf32>,
        tpu.vector_store %arg13[%swap3A_684, %swap3A_685], %mul3A_683 {strides = array<i32>} : memref<40x128xf32, #tpu.memory_space<vmem>>, vector<16xf32>,
        %get3A_687 = arith.index_cast %add3A_654 : i32 to index
        %get3A_688 = arith.constant 16 : index
        %get3A_689 = tpu.vector_load %arg11[%get3A_687, %get3A_688] {strides = array<i32>} : memref<40x64xi32, #tpu.memory_space<vmem>>, vector<16xi32>,
        %get3A_690 = arith.index_cast %add3A_654 : i32 to index
        %get3A_691 = arith.constant 16 : index
        %get3A_692 = tpu.vector_load %arg9[%get3A_690, %get3A_691] {strides = array<i32>} : memref<40x64xi32, #tpu.memory_space<vmem>>, vector<16xi32>,
        %shift_left3A_693 = arith.constant 16 : i32
        %shift_left3A_694 = vector.broadcast %shift_left3A_693 : i32 to vector<16xi32>
        %shift_left3A_695 = arith.shli %get3A_689, %shift_left3A_694 : vector<16xi32>
        %bitcast3A_696 = vector.bitcast %shift_left3A_695 : vector<16xi32> to vector<16xf32>
        %shift_left3A_697 = arith.constant 16 : i32
        %shift_left3A_698 = vector.broadcast %shift_left3A_697 : i32 to vector<16xi32>
        %shift_left3A_699 = arith.shli %get3A_692, %shift_left3A_698 : vector<16xi32>
        %bitcast3A_700 = vector.bitcast %shift_left3A_699 : vector<16xi32> to vector<16xf32>
        %and3A_701 = vector.broadcast %scan3A_97 : i32 to vector<16xi32>
        %and3A_702 = arith.andi %get3A_689, %and3A_701 : vector<16xi32>
        %bitcast3A_703 = vector.bitcast %and3A_702 : vector<16xi32> to vector<16xf32>
        %and3A_704 = vector.broadcast %scan3A_97 : i32 to vector<16xi32>
        %and3A_705 = arith.andi %get3A_692, %and3A_704 : vector<16xi32>
        %bitcast3A_706 = vector.bitcast %and3A_705 : vector<16xi32> to vector<16xf32>
        %mul3A_707 = arith.mulf %bitcast3A_696, %bitcast3A_700 : vector<16xf32>
        %mul3A_708 = vector.broadcast %squeeze3A_650 : f32 to vector<16xf32>
        %mul3A_709 = arith.mulf %mul3A_707, %mul3A_708 : vector<16xf32>
        %swap3A_710 = arith.index_cast %add3A_654 : i32 to index
        %swap3A_711 = arith.constant 32 : index
        %swap3A_712 = tpu.vector_load %arg13[%swap3A_710, %swap3A_711] {strides = array<i32>} : memref<40x128xf32, #tpu.memory_space<vmem>>, vector<16xf32>,
        tpu.vector_store %arg13[%swap3A_710, %swap3A_711], %mul3A_709 {strides = array<i32>} : memref<40x128xf32, #tpu.memory_space<vmem>>, vector<16xf32>,
        %mul3A_713 = arith.mulf %bitcast3A_703, %bitcast3A_706 : vector<16xf32>
        %mul3A_714 = vector.broadcast %squeeze3A_650 : f32 to vector<16xf32>
        %mul3A_715 = arith.mulf %mul3A_713, %mul3A_714 : vector<16xf32>
        %swap3A_716 = arith.index_cast %add3A_654 : i32 to index
        %swap3A_717 = arith.constant 48 : index
        %swap3A_718 = tpu.vector_load %arg13[%swap3A_716, %swap3A_717] {strides = array<i32>} : memref<40x128xf32, #tpu.memory_space<vmem>>, vector<16xf32>,
        tpu.vector_store %arg13[%swap3A_716, %swap3A_717], %mul3A_715 {strides = array<i32>} : memref<40x128xf32, #tpu.memory_space<vmem>>, vector<16xf32>,
        %get3A_719 = arith.index_cast %add3A_654 : i32 to index
        %get3A_720 = arith.constant 32 : index
        %get3A_721 = tpu.vector_load %arg11[%get3A_719, %get3A_720] {strides = array<i32>} : memref<40x64xi32, #tpu.memory_space<vmem>>, vector<16xi32>,
        %get3A_722 = arith.index_cast %add3A_654 : i32 to index
        %get3A_723 = arith.constant 32 : index
        %get3A_724 = tpu.vector_load %arg9[%get3A_722, %get3A_723] {strides = array<i32>} : memref<40x64xi32, #tpu.memory_space<vmem>>, vector<16xi32>,
        %shift_left3A_725 = arith.constant 16 : i32
        %shift_left3A_726 = vector.broadcast %shift_left3A_725 : i32 to vector<16xi32>
        %shift_left3A_727 = arith.shli %get3A_721, %shift_left3A_726 : vector<16xi32>
        %bitcast3A_728 = vector.bitcast %shift_left3A_727 : vector<16xi32> to vector<16xf32>
        %shift_left3A_729 = arith.constant 16 : i32
        %shift_left3A_730 = vector.broadcast %shift_left3A_729 : i32 to vector<16xi32>
        %shift_left3A_731 = arith.shli %get3A_724, %shift_left3A_730 : vector<16xi32>
        %bitcast3A_732 = vector.bitcast %shift_left3A_731 : vector<16xi32> to vector<16xf32>
        %and3A_733 = vector.broadcast %scan3A_97 : i32 to vector<16xi32>
        %and3A_734 = arith.andi %get3A_721, %and3A_733 : vector<16xi32>
        %bitcast3A_735 = vector.bitcast %and3A_734 : vector<16xi32> to vector<16xf32>
        %and3A_736 = vector.broadcast %scan3A_97 : i32 to vector<16xi32>
        %and3A_737 = arith.andi %get3A_724, %and3A_736 : vector<16xi32>
        %bitcast3A_738 = vector.bitcast %and3A_737 : vector<16xi32> to vector<16xf32>
        %mul3A_739 = arith.mulf %bitcast3A_728, %bitcast3A_732 : vector<16xf32>
        %mul3A_740 = vector.broadcast %squeeze3A_650 : f32 to vector<16xf32>
        %mul3A_741 = arith.mulf %mul3A_739, %mul3A_740 : vector<16xf32>
        %swap3A_742 = arith.index_cast %add3A_654 : i32 to index
        %swap3A_743 = arith.constant 64 : index
        %swap3A_744 = tpu.vector_load %arg13[%swap3A_742, %swap3A_743] {strides = array<i32>} : memref<40x128xf32, #tpu.memory_space<vmem>>, vector<16xf32>,
        tpu.vector_store %arg13[%swap3A_742, %swap3A_743], %mul3A_741 {strides = array<i32>} : memref<40x128xf32, #tpu.memory_space<vmem>>, vector<16xf32>,
        %mul3A_745 = arith.mulf %bitcast3A_735, %bitcast3A_738 : vector<16xf32>
        %mul3A_746 = vector.broadcast %squeeze3A_650 : f32 to vector<16xf32>
        %mul3A_747 = arith.mulf %mul3A_745, %mul3A_746 : vector<16xf32>
        %swap3A_748 = arith.index_cast %add3A_654 : i32 to index
        %swap3A_749 = arith.constant 80 : index
        %swap3A_750 = tpu.vector_load %arg13[%swap3A_748, %swap3A_749] {strides = array<i32>} : memref<40x128xf32, #tpu.memory_space<vmem>>, vector<16xf32>,
        tpu.vector_store %arg13[%swap3A_748, %swap3A_749], %mul3A_747 {strides = array<i32>} : memref<40x128xf32, #tpu.memory_space<vmem>>, vector<16xf32>,
        %get3A_751 = arith.index_cast %add3A_654 : i32 to index
        %get3A_752 = arith.constant 48 : index
        %get3A_753 = tpu.vector_load %arg11[%get3A_751, %get3A_752] {strides = array<i32>} : memref<40x64xi32, #tpu.memory_space<vmem>>, vector<16xi32>,
        %get3A_754 = arith.index_cast %add3A_654 : i32 to index
        %get3A_755 = arith.constant 48 : index
        %get3A_756 = tpu.vector_load %arg9[%get3A_754, %get3A_755] {strides = array<i32>} : memref<40x64xi32, #tpu.memory_space<vmem>>, vector<16xi32>,
        %shift_left3A_757 = arith.constant 16 : i32
        %shift_left3A_758 = vector.broadcast %shift_left3A_757 : i32 to vector<16xi32>
        %shift_left3A_759 = arith.shli %get3A_753, %shift_left3A_758 : vector<16xi32>
        %bitcast3A_760 = vector.bitcast %shift_left3A_759 : vector<16xi32> to vector<16xf32>
        %shift_left3A_761 = arith.constant 16 : i32
        %shift_left3A_762 = vector.broadcast %shift_left3A_761 : i32 to vector<16xi32>
        %shift_left3A_763 = arith.shli %get3A_756, %shift_left3A_762 : vector<16xi32>
        %bitcast3A_764 = vector.bitcast %shift_left3A_763 : vector<16xi32> to vector<16xf32>
        %and3A_765 = vector.broadcast %scan3A_97 : i32 to vector<16xi32>
        %and3A_766 = arith.andi %get3A_753, %and3A_765 : vector<16xi32>
        %bitcast3A_767 = vector.bitcast %and3A_766 : vector<16xi32> to vector<16xf32>
        %and3A_768 = vector.broadcast %scan3A_97 : i32 to vector<16xi32>
        %and3A_769 = arith.andi %get3A_756, %and3A_768 : vector<16xi32>
        %bitcast3A_770 = vector.bitcast %and3A_769 : vector<16xi32> to vector<16xf32>
        %mul3A_771 = arith.mulf %bitcast3A_760, %bitcast3A_764 : vector<16xf32>
        %mul3A_772 = vector.broadcast %squeeze3A_650 : f32 to vector<16xf32>
        %mul3A_773 = arith.mulf %mul3A_771, %mul3A_772 : vector<16xf32>
        %swap3A_774 = arith.index_cast %add3A_654 : i32 to index
        %swap3A_775 = arith.constant 96 : index
        %swap3A_776 = tpu.vector_load %arg13[%swap3A_774, %swap3A_775] {strides = array<i32>} : memref<40x128xf32, #tpu.memory_space<vmem>>, vector<16xf32>,
        tpu.vector_store %arg13[%swap3A_774, %swap3A_775], %mul3A_773 {strides = array<i32>} : memref<40x128xf32, #tpu.memory_space<vmem>>, vector<16xf32>,
        %mul3A_777 = arith.mulf %bitcast3A_767, %bitcast3A_770 : vector<16xf32>
        %mul3A_778 = vector.broadcast %squeeze3A_650 : f32 to vector<16xf32>
        %mul3A_779 = arith.mulf %mul3A_777, %mul3A_778 : vector<16xf32>
        %swap3A_780 = arith.index_cast %add3A_654 : i32 to index
        %swap3A_781 = arith.constant 112 : index
        %swap3A_782 = tpu.vector_load %arg13[%swap3A_780, %swap3A_781] {strides = array<i32>} : memref<40x128xf32, #tpu.memory_space<vmem>>, vector<16xf32>,
        tpu.vector_store %arg13[%swap3A_780, %swap3A_781], %mul3A_779 {strides = array<i32>} : memref<40x128xf32, #tpu.memory_space<vmem>>, vector<16xf32>,
        %slice3A_783 = vector.extract_strided_slice %get3A_252 {offsets = [4], sizes = [1], strides = [1]} : vector<16xf32> to vector<1xf32>
        %squeeze3A_784 = vector.extract %slice3A_783[0] : f32 from vector<1xf32>
        %mul3A_785 = arith.constant 8 : i32
        %mul3A_786 = arith.muli %scan3A_248, %mul3A_785 : i32
        %add3A_787 = arith.constant 4 : i32
        %add3A_788 = arith.addi %mul3A_786, %add3A_787 : i32
        %get3A_789 = arith.index_cast %add3A_788 : i32 to index
        %get3A_790 = arith.constant 0 : index
        %get3A_791 = tpu.vector_load %arg11[%get3A_789, %get3A_790] {strides = array<i32>} : memref<40x64xi32, #tpu.memory_space<vmem>>, vector<16xi32>,
        %get3A_792 = arith.index_cast %add3A_788 : i32 to index
        %get3A_793 = arith.constant 0 : index
        %get3A_794 = tpu.vector_load %arg9[%get3A_792, %get3A_793] {strides = array<i32>} : memref<40x64xi32, #tpu.memory_space<vmem>>, vector<16xi32>,
        %shift_left3A_795 = arith.constant 16 : i32
        %shift_left3A_796 = vector.broadcast %shift_left3A_795 : i32 to vector<16xi32>
        %shift_left3A_797 = arith.shli %get3A_791, %shift_left3A_796 : vector<16xi32>
        %bitcast3A_798 = vector.bitcast %shift_left3A_797 : vector<16xi32> to vector<16xf32>
        %shift_left3A_799 = arith.constant 16 : i32
        %shift_left3A_800 = vector.broadcast %shift_left3A_799 : i32 to vector<16xi32>
        %shift_left3A_801 = arith.shli %get3A_794, %shift_left3A_800 : vector<16xi32>
        %bitcast3A_802 = vector.bitcast %shift_left3A_801 : vector<16xi32> to vector<16xf32>
        %and3A_803 = vector.broadcast %scan3A_97 : i32 to vector<16xi32>
        %and3A_804 = arith.andi %get3A_791, %and3A_803 : vector<16xi32>
        %bitcast3A_805 = vector.bitcast %and3A_804 : vector<16xi32> to vector<16xf32>
        %and3A_806 = vector.broadcast %scan3A_97 : i32 to vector<16xi32>
        %and3A_807 = arith.andi %get3A_794, %and3A_806 : vector<16xi32>
        %bitcast3A_808 = vector.bitcast %and3A_807 : vector<16xi32> to vector<16xf32>
        %mul3A_809 = arith.mulf %bitcast3A_798, %bitcast3A_802 : vector<16xf32>
        %mul3A_810 = vector.broadcast %squeeze3A_784 : f32 to vector<16xf32>
        %mul3A_811 = arith.mulf %mul3A_809, %mul3A_810 : vector<16xf32>
        %swap3A_812 = arith.index_cast %add3A_788 : i32 to index
        %swap3A_813 = arith.constant 0 : index
        %swap3A_814 = tpu.vector_load %arg13[%swap3A_812, %swap3A_813] {strides = array<i32>} : memref<40x128xf32, #tpu.memory_space<vmem>>, vector<16xf32>,
        tpu.vector_store %arg13[%swap3A_812, %swap3A_813], %mul3A_811 {strides = array<i32>} : memref<40x128xf32, #tpu.memory_space<vmem>>, vector<16xf32>,
        %mul3A_815 = arith.mulf %bitcast3A_805, %bitcast3A_808 : vector<16xf32>
        %mul3A_816 = vector.broadcast %squeeze3A_784 : f32 to vector<16xf32>
        %mul3A_817 = arith.mulf %mul3A_815, %mul3A_816 : vector<16xf32>
        %swap3A_818 = arith.index_cast %add3A_788 : i32 to index
        %swap3A_819 = arith.constant 16 : index
        %swap3A_820 = tpu.vector_load %arg13[%swap3A_818, %swap3A_819] {strides = array<i32>} : memref<40x128xf32, #tpu.memory_space<vmem>>, vector<16xf32>,
        tpu.vector_store %arg13[%swap3A_818, %swap3A_819], %mul3A_817 {strides = array<i32>} : memref<40x128xf32, #tpu.memory_space<vmem>>, vector<16xf32>,
        %get3A_821 = arith.index_cast %add3A_788 : i32 to index
        %get3A_822 = arith.constant 16 : index
        %get3A_823 = tpu.vector_load %arg11[%get3A_821, %get3A_822] {strides = array<i32>} : memref<40x64xi32, #tpu.memory_space<vmem>>, vector<16xi32>,
        %get3A_824 = arith.index_cast %add3A_788 : i32 to index
        %get3A_825 = arith.constant 16 : index
        %get3A_826 = tpu.vector_load %arg9[%get3A_824, %get3A_825] {strides = array<i32>} : memref<40x64xi32, #tpu.memory_space<vmem>>, vector<16xi32>,
        %shift_left3A_827 = arith.constant 16 : i32
        %shift_left3A_828 = vector.broadcast %shift_left3A_827 : i32 to vector<16xi32>
        %shift_left3A_829 = arith.shli %get3A_823, %shift_left3A_828 : vector<16xi32>
        %bitcast3A_830 = vector.bitcast %shift_left3A_829 : vector<16xi32> to vector<16xf32>
        %shift_left3A_831 = arith.constant 16 : i32
        %shift_left3A_832 = vector.broadcast %shift_left3A_831 : i32 to vector<16xi32>
        %shift_left3A_833 = arith.shli %get3A_826, %shift_left3A_832 : vector<16xi32>
        %bitcast3A_834 = vector.bitcast %shift_left3A_833 : vector<16xi32> to vector<16xf32>
        %and3A_835 = vector.broadcast %scan3A_97 : i32 to vector<16xi32>
        %and3A_836 = arith.andi %get3A_823, %and3A_835 : vector<16xi32>
        %bitcast3A_837 = vector.bitcast %and3A_836 : vector<16xi32> to vector<16xf32>
        %and3A_838 = vector.broadcast %scan3A_97 : i32 to vector<16xi32>
        %and3A_839 = arith.andi %get3A_826, %and3A_838 : vector<16xi32>
        %bitcast3A_840 = vector.bitcast %and3A_839 : vector<16xi32> to vector<16xf32>
        %mul3A_841 = arith.mulf %bitcast3A_830, %bitcast3A_834 : vector<16xf32>
        %mul3A_842 = vector.broadcast %squeeze3A_784 : f32 to vector<16xf32>
        %mul3A_843 = arith.mulf %mul3A_841, %mul3A_842 : vector<16xf32>
        %swap3A_844 = arith.index_cast %add3A_788 : i32 to index
        %swap3A_845 = arith.constant 32 : index
        %swap3A_846 = tpu.vector_load %arg13[%swap3A_844, %swap3A_845] {strides = array<i32>} : memref<40x128xf32, #tpu.memory_space<vmem>>, vector<16xf32>,
        tpu.vector_store %arg13[%swap3A_844, %swap3A_845], %mul3A_843 {strides = array<i32>} : memref<40x128xf32, #tpu.memory_space<vmem>>, vector<16xf32>,
        %mul3A_847 = arith.mulf %bitcast3A_837, %bitcast3A_840 : vector<16xf32>
        %mul3A_848 = vector.broadcast %squeeze3A_784 : f32 to vector<16xf32>
        %mul3A_849 = arith.mulf %mul3A_847, %mul3A_848 : vector<16xf32>
        %swap3A_850 = arith.index_cast %add3A_788 : i32 to index
        %swap3A_851 = arith.constant 48 : index
        %swap3A_852 = tpu.vector_load %arg13[%swap3A_850, %swap3A_851] {strides = array<i32>} : memref<40x128xf32, #tpu.memory_space<vmem>>, vector<16xf32>,
        tpu.vector_store %arg13[%swap3A_850, %swap3A_851], %mul3A_849 {strides = array<i32>} : memref<40x128xf32, #tpu.memory_space<vmem>>, vector<16xf32>,
        %get3A_853 = arith.index_cast %add3A_788 : i32 to index
        %get3A_854 = arith.constant 32 : index
        %get3A_855 = tpu.vector_load %arg11[%get3A_853, %get3A_854] {strides = array<i32>} : memref<40x64xi32, #tpu.memory_space<vmem>>, vector<16xi32>,
        %get3A_856 = arith.index_cast %add3A_788 : i32 to index
        %get3A_857 = arith.constant 32 : index
        %get3A_858 = tpu.vector_load %arg9[%get3A_856, %get3A_857] {strides = array<i32>} : memref<40x64xi32, #tpu.memory_space<vmem>>, vector<16xi32>,
        %shift_left3A_859 = arith.constant 16 : i32
        %shift_left3A_860 = vector.broadcast %shift_left3A_859 : i32 to vector<16xi32>
        %shift_left3A_861 = arith.shli %get3A_855, %shift_left3A_860 : vector<16xi32>
        %bitcast3A_862 = vector.bitcast %shift_left3A_861 : vector<16xi32> to vector<16xf32>
        %shift_left3A_863 = arith.constant 16 : i32
        %shift_left3A_864 = vector.broadcast %shift_left3A_863 : i32 to vector<16xi32>
        %shift_left3A_865 = arith.shli %get3A_858, %shift_left3A_864 : vector<16xi32>
        %bitcast3A_866 = vector.bitcast %shift_left3A_865 : vector<16xi32> to vector<16xf32>
        %and3A_867 = vector.broadcast %scan3A_97 : i32 to vector<16xi32>
        %and3A_868 = arith.andi %get3A_855, %and3A_867 : vector<16xi32>
        %bitcast3A_869 = vector.bitcast %and3A_868 : vector<16xi32> to vector<16xf32>
        %and3A_870 = vector.broadcast %scan3A_97 : i32 to vector<16xi32>
        %and3A_871 = arith.andi %get3A_858, %and3A_870 : vector<16xi32>
        %bitcast3A_872 = vector.bitcast %and3A_871 : vector<16xi32> to vector<16xf32>
        %mul3A_873 = arith.mulf %bitcast3A_862, %bitcast3A_866 : vector<16xf32>
        %mul3A_874 = vector.broadcast %squeeze3A_784 : f32 to vector<16xf32>
        %mul3A_875 = arith.mulf %mul3A_873, %mul3A_874 : vector<16xf32>
        %swap3A_876 = arith.index_cast %add3A_788 : i32 to index
        %swap3A_877 = arith.constant 64 : index
        %swap3A_878 = tpu.vector_load %arg13[%swap3A_876, %swap3A_877] {strides = array<i32>} : memref<40x128xf32, #tpu.memory_space<vmem>>, vector<16xf32>,
        tpu.vector_store %arg13[%swap3A_876, %swap3A_877], %mul3A_875 {strides = array<i32>} : memref<40x128xf32, #tpu.memory_space<vmem>>, vector<16xf32>,
        %mul3A_879 = arith.mulf %bitcast3A_869, %bitcast3A_872 : vector<16xf32>
        %mul3A_880 = vector.broadcast %squeeze3A_784 : f32 to vector<16xf32>
        %mul3A_881 = arith.mulf %mul3A_879, %mul3A_880 : vector<16xf32>
        %swap3A_882 = arith.index_cast %add3A_788 : i32 to index
        %swap3A_883 = arith.constant 80 : index
        %swap3A_884 = tpu.vector_load %arg13[%swap3A_882, %swap3A_883] {strides = array<i32>} : memref<40x128xf32, #tpu.memory_space<vmem>>, vector<16xf32>,
        tpu.vector_store %arg13[%swap3A_882, %swap3A_883], %mul3A_881 {strides = array<i32>} : memref<40x128xf32, #tpu.memory_space<vmem>>, vector<16xf32>,
        %get3A_885 = arith.index_cast %add3A_788 : i32 to index
        %get3A_886 = arith.constant 48 : index
        %get3A_887 = tpu.vector_load %arg11[%get3A_885, %get3A_886] {strides = array<i32>} : memref<40x64xi32, #tpu.memory_space<vmem>>, vector<16xi32>,
        %get3A_888 = arith.index_cast %add3A_788 : i32 to index
        %get3A_889 = arith.constant 48 : index
        %get3A_890 = tpu.vector_load %arg9[%get3A_888, %get3A_889] {strides = array<i32>} : memref<40x64xi32, #tpu.memory_space<vmem>>, vector<16xi32>,
        %shift_left3A_891 = arith.constant 16 : i32
        %shift_left3A_892 = vector.broadcast %shift_left3A_891 : i32 to vector<16xi32>
        %shift_left3A_893 = arith.shli %get3A_887, %shift_left3A_892 : vector<16xi32>
        %bitcast3A_894 = vector.bitcast %shift_left3A_893 : vector<16xi32> to vector<16xf32>
        %shift_left3A_895 = arith.constant 16 : i32
        %shift_left3A_896 = vector.broadcast %shift_left3A_895 : i32 to vector<16xi32>
        %shift_left3A_897 = arith.shli %get3A_890, %shift_left3A_896 : vector<16xi32>
        %bitcast3A_898 = vector.bitcast %shift_left3A_897 : vector<16xi32> to vector<16xf32>
        %and3A_899 = vector.broadcast %scan3A_97 : i32 to vector<16xi32>
        %and3A_900 = arith.andi %get3A_887, %and3A_899 : vector<16xi32>
        %bitcast3A_901 = vector.bitcast %and3A_900 : vector<16xi32> to vector<16xf32>
        %and3A_902 = vector.broadcast %scan3A_97 : i32 to vector<16xi32>
        %and3A_903 = arith.andi %get3A_890, %and3A_902 : vector<16xi32>
        %bitcast3A_904 = vector.bitcast %and3A_903 : vector<16xi32> to vector<16xf32>
        %mul3A_905 = arith.mulf %bitcast3A_894, %bitcast3A_898 : vector<16xf32>
        %mul3A_906 = vector.broadcast %squeeze3A_784 : f32 to vector<16xf32>
        %mul3A_907 = arith.mulf %mul3A_905, %mul3A_906 : vector<16xf32>
        %swap3A_908 = arith.index_cast %add3A_788 : i32 to index
        %swap3A_909 = arith.constant 96 : index
        %swap3A_910 = tpu.vector_load %arg13[%swap3A_908, %swap3A_909] {strides = array<i32>} : memref<40x128xf32, #tpu.memory_space<vmem>>, vector<16xf32>,
        tpu.vector_store %arg13[%swap3A_908, %swap3A_909], %mul3A_907 {strides = array<i32>} : memref<40x128xf32, #tpu.memory_space<vmem>>, vector<16xf32>,
        %mul3A_911 = arith.mulf %bitcast3A_901, %bitcast3A_904 : vector<16xf32>
        %mul3A_912 = vector.broadcast %squeeze3A_784 : f32 to vector<16xf32>
        %mul3A_913 = arith.mulf %mul3A_911, %mul3A_912 : vector<16xf32>
        %swap3A_914 = arith.index_cast %add3A_788 : i32 to index
        %swap3A_915 = arith.constant 112 : index
        %swap3A_916 = tpu.vector_load %arg13[%swap3A_914, %swap3A_915] {strides = array<i32>} : memref<40x128xf32, #tpu.memory_space<vmem>>, vector<16xf32>,
        tpu.vector_store %arg13[%swap3A_914, %swap3A_915], %mul3A_913 {strides = array<i32>} : memref<40x128xf32, #tpu.memory_space<vmem>>, vector<16xf32>,
        %slice3A_917 = vector.extract_strided_slice %get3A_252 {offsets = [5], sizes = [1], strides = [1]} : vector<16xf32> to vector<1xf32>
        %squeeze3A_918 = vector.extract %slice3A_917[0] : f32 from vector<1xf32>
        %mul3A_919 = arith.constant 8 : i32
        %mul3A_920 = arith.muli %scan3A_248, %mul3A_919 : i32
        %add3A_921 = arith.constant 5 : i32
        %add3A_922 = arith.addi %mul3A_920, %add3A_921 : i32
        %get3A_923 = arith.index_cast %add3A_922 : i32 to index
        %get3A_924 = arith.constant 0 : index
        %get3A_925 = tpu.vector_load %arg11[%get3A_923, %get3A_924] {strides = array<i32>} : memref<40x64xi32, #tpu.memory_space<vmem>>, vector<16xi32>,
        %get3A_926 = arith.index_cast %add3A_922 : i32 to index
        %get3A_927 = arith.constant 0 : index
        %get3A_928 = tpu.vector_load %arg9[%get3A_926, %get3A_927] {strides = array<i32>} : memref<40x64xi32, #tpu.memory_space<vmem>>, vector<16xi32>,
        %shift_left3A_929 = arith.constant 16 : i32
        %shift_left3A_930 = vector.broadcast %shift_left3A_929 : i32 to vector<16xi32>
        %shift_left3A_931 = arith.shli %get3A_925, %shift_left3A_930 : vector<16xi32>
        %bitcast3A_932 = vector.bitcast %shift_left3A_931 : vector<16xi32> to vector<16xf32>
        %shift_left3A_933 = arith.constant 16 : i32
        %shift_left3A_934 = vector.broadcast %shift_left3A_933 : i32 to vector<16xi32>
        %shift_left3A_935 = arith.shli %get3A_928, %shift_left3A_934 : vector<16xi32>
        %bitcast3A_936 = vector.bitcast %shift_left3A_935 : vector<16xi32> to vector<16xf32>
        %and3A_937 = vector.broadcast %scan3A_97 : i32 to vector<16xi32>
        %and3A_938 = arith.andi %get3A_925, %and3A_937 : vector<16xi32>
        %bitcast3A_939 = vector.bitcast %and3A_938 : vector<16xi32> to vector<16xf32>
        %and3A_940 = vector.broadcast %scan3A_97 : i32 to vector<16xi32>
        %and3A_941 = arith.andi %get3A_928, %and3A_940 : vector<16xi32>
        %bitcast3A_942 = vector.bitcast %and3A_941 : vector<16xi32> to vector<16xf32>
        %mul3A_943 = arith.mulf %bitcast3A_932, %bitcast3A_936 : vector<16xf32>
        %mul3A_944 = vector.broadcast %squeeze3A_918 : f32 to vector<16xf32>
        %mul3A_945 = arith.mulf %mul3A_943, %mul3A_944 : vector<16xf32>
        %swap3A_946 = arith.index_cast %add3A_922 : i32 to index
        %swap3A_947 = arith.constant 0 : index
        %swap3A_948 = tpu.vector_load %arg13[%swap3A_946, %swap3A_947] {strides = array<i32>} : memref<40x128xf32, #tpu.memory_space<vmem>>, vector<16xf32>,
        tpu.vector_store %arg13[%swap3A_946, %swap3A_947], %mul3A_945 {strides = array<i32>} : memref<40x128xf32, #tpu.memory_space<vmem>>, vector<16xf32>,
        %mul3A_949 = arith.mulf %bitcast3A_939, %bitcast3A_942 : vector<16xf32>
        %mul3A_950 = vector.broadcast %squeeze3A_918 : f32 to vector<16xf32>
        %mul3A_951 = arith.mulf %mul3A_949, %mul3A_950 : vector<16xf32>
        %swap3A_952 = arith.index_cast %add3A_922 : i32 to index
        %swap3A_953 = arith.constant 16 : index
        %swap3A_954 = tpu.vector_load %arg13[%swap3A_952, %swap3A_953] {strides = array<i32>} : memref<40x128xf32, #tpu.memory_space<vmem>>, vector<16xf32>,
        tpu.vector_store %arg13[%swap3A_952, %swap3A_953], %mul3A_951 {strides = array<i32>} : memref<40x128xf32, #tpu.memory_space<vmem>>, vector<16xf32>,
        %get3A_955 = arith.index_cast %add3A_922 : i32 to index
        %get3A_956 = arith.constant 16 : index
        %get3A_957 = tpu.vector_load %arg11[%get3A_955, %get3A_956] {strides = array<i32>} : memref<40x64xi32, #tpu.memory_space<vmem>>, vector<16xi32>,
        %get3A_958 = arith.index_cast %add3A_922 : i32 to index
        %get3A_959 = arith.constant 16 : index
        %get3A_960 = tpu.vector_load %arg9[%get3A_958, %get3A_959] {strides = array<i32>} : memref<40x64xi32, #tpu.memory_space<vmem>>, vector<16xi32>,
        %shift_left3A_961 = arith.constant 16 : i32
        %shift_left3A_962 = vector.broadcast %shift_left3A_961 : i32 to vector<16xi32>
        %shift_left3A_963 = arith.shli %get3A_957, %shift_left3A_962 : vector<16xi32>
        %bitcast3A_964 = vector.bitcast %shift_left3A_963 : vector<16xi32> to vector<16xf32>
        %shift_left3A_965 = arith.constant 16 : i32
        %shift_left3A_966 = vector.broadcast %shift_left3A_965 : i32 to vector<16xi32>
        %shift_left3A_967 = arith.shli %get3A_960, %shift_left3A_966 : vector<16xi32>
        %bitcast3A_968 = vector.bitcast %shift_left3A_967 : vector<16xi32> to vector<16xf32>
        %and3A_969 = vector.broadcast %scan3A_97 : i32 to vector<16xi32>
        %and3A_970 = arith.andi %get3A_957, %and3A_969 : vector<16xi32>
        %bitcast3A_971 = vector.bitcast %and3A_970 : vector<16xi32> to vector<16xf32>
        %and3A_972 = vector.broadcast %scan3A_97 : i32 to vector<16xi32>
        %and3A_973 = arith.andi %get3A_960, %and3A_972 : vector<16xi32>
        %bitcast3A_974 = vector.bitcast %and3A_973 : vector<16xi32> to vector<16xf32>
        %mul3A_975 = arith.mulf %bitcast3A_964, %bitcast3A_968 : vector<16xf32>
        %mul3A_976 = vector.broadcast %squeeze3A_918 : f32 to vector<16xf32>
        %mul3A_977 = arith.mulf %mul3A_975, %mul3A_976 : vector<16xf32>
        %swap3A_978 = arith.index_cast %add3A_922 : i32 to index
        %swap3A_979 = arith.constant 32 : index
        %swap3A_980 = tpu.vector_load %arg13[%swap3A_978, %swap3A_979] {strides = array<i32>} : memref<40x128xf32, #tpu.memory_space<vmem>>, vector<16xf32>,
        tpu.vector_store %arg13[%swap3A_978, %swap3A_979], %mul3A_977 {strides = array<i32>} : memref<40x128xf32, #tpu.memory_space<vmem>>, vector<16xf32>,
        %mul3A_981 = arith.mulf %bitcast3A_971, %bitcast3A_974 : vector<16xf32>
        %mul3A_982 = vector.broadcast %squeeze3A_918 : f32 to vector<16xf32>
        %mul3A_983 = arith.mulf %mul3A_981, %mul3A_982 : vector<16xf32>
        %swap3A_984 = arith.index_cast %add3A_922 : i32 to index
        %swap3A_985 = arith.constant 48 : index
        %swap3A_986 = tpu.vector_load %arg13[%swap3A_984, %swap3A_985] {strides = array<i32>} : memref<40x128xf32, #tpu.memory_space<vmem>>, vector<16xf32>,
        tpu.vector_store %arg13[%swap3A_984, %swap3A_985], %mul3A_983 {strides = array<i32>} : memref<40x128xf32, #tpu.memory_space<vmem>>, vector<16xf32>,
        %get3A_987 = arith.index_cast %add3A_922 : i32 to index
        %get3A_988 = arith.constant 32 : index
        %get3A_989 = tpu.vector_load %arg11[%get3A_987, %get3A_988] {strides = array<i32>} : memref<40x64xi32, #tpu.memory_space<vmem>>, vector<16xi32>,
        %get3A_990 = arith.index_cast %add3A_922 : i32 to index
        %get3A_991 = arith.constant 32 : index
        %get3A_992 = tpu.vector_load %arg9[%get3A_990, %get3A_991] {strides = array<i32>} : memref<40x64xi32, #tpu.memory_space<vmem>>, vector<16xi32>,
        %shift_left3A_993 = arith.constant 16 : i32
        %shift_left3A_994 = vector.broadcast %shift_left3A_993 : i32 to vector<16xi32>
        %shift_left3A_995 = arith.shli %get3A_989, %shift_left3A_994 : vector<16xi32>
        %bitcast3A_996 = vector.bitcast %shift_left3A_995 : vector<16xi32> to vector<16xf32>
        %shift_left3A_997 = arith.constant 16 : i32
        %shift_left3A_998 = vector.broadcast %shift_left3A_997 : i32 to vector<16xi32>
        %shift_left3A_999 = arith.shli %get3A_992, %shift_left3A_998 : vector<16xi32>
        %bitcast3A_1000 = vector.bitcast %shift_left3A_999 : vector<16xi32> to vector<16xf32>
        %and3A_1001 = vector.broadcast %scan3A_97 : i32 to vector<16xi32>
        %and3A_1002 = arith.andi %get3A_989, %and3A_1001 : vector<16xi32>
        %bitcast3A_1003 = vector.bitcast %and3A_1002 : vector<16xi32> to vector<16xf32>
        %and3A_1004 = vector.broadcast %scan3A_97 : i32 to vector<16xi32>
        %and3A_1005 = arith.andi %get3A_992, %and3A_1004 : vector<16xi32>
        %bitcast3A_1006 = vector.bitcast %and3A_1005 : vector<16xi32> to vector<16xf32>
        %mul3A_1007 = arith.mulf %bitcast3A_996, %bitcast3A_1000 : vector<16xf32>
        %mul3A_1008 = vector.broadcast %squeeze3A_918 : f32 to vector<16xf32>
        %mul3A_1009 = arith.mulf %mul3A_1007, %mul3A_1008 : vector<16xf32>
        %swap3A_1010 = arith.index_cast %add3A_922 : i32 to index
        %swap3A_1011 = arith.constant 64 : index
        %swap3A_1012 = tpu.vector_load %arg13[%swap3A_1010, %swap3A_1011] {strides = array<i32>} : memref<40x128xf32, #tpu.memory_space<vmem>>, vector<16xf32>,
        tpu.vector_store %arg13[%swap3A_1010, %swap3A_1011], %mul3A_1009 {strides = array<i32>} : memref<40x128xf32, #tpu.memory_space<vmem>>, vector<16xf32>,
        %mul3A_1013 = arith.mulf %bitcast3A_1003, %bitcast3A_1006 : vector<16xf32>
        %mul3A_1014 = vector.broadcast %squeeze3A_918 : f32 to vector<16xf32>
        %mul3A_1015 = arith.mulf %mul3A_1013, %mul3A_1014 : vector<16xf32>
        %swap3A_1016 = arith.index_cast %add3A_922 : i32 to index
        %swap3A_1017 = arith.constant 80 : index
        %swap3A_1018 = tpu.vector_load %arg13[%swap3A_1016, %swap3A_1017] {strides = array<i32>} : memref<40x128xf32, #tpu.memory_space<vmem>>, vector<16xf32>,
        tpu.vector_store %arg13[%swap3A_1016, %swap3A_1017], %mul3A_1015 {strides = array<i32>} : memref<40x128xf32, #tpu.memory_space<vmem>>, vector<16xf32>,
        %get3A_1019 = arith.index_cast %add3A_922 : i32 to index
        %get3A_1020 = arith.constant 48 : index
        %get3A_1021 = tpu.vector_load %arg11[%get3A_1019, %get3A_1020] {strides = array<i32>} : memref<40x64xi32, #tpu.memory_space<vmem>>, vector<16xi32>,
        %get3A_1022 = arith.index_cast %add3A_922 : i32 to index
        %get3A_1023 = arith.constant 48 : index
        %get3A_1024 = tpu.vector_load %arg9[%get3A_1022, %get3A_1023] {strides = array<i32>} : memref<40x64xi32, #tpu.memory_space<vmem>>, vector<16xi32>,
        %shift_left3A_1025 = arith.constant 16 : i32
        %shift_left3A_1026 = vector.broadcast %shift_left3A_1025 : i32 to vector<16xi32>
        %shift_left3A_1027 = arith.shli %get3A_1021, %shift_left3A_1026 : vector<16xi32>
        %bitcast3A_1028 = vector.bitcast %shift_left3A_1027 : vector<16xi32> to vector<16xf32>
        %shift_left3A_1029 = arith.constant 16 : i32
        %shift_left3A_1030 = vector.broadcast %shift_left3A_1029 : i32 to vector<16xi32>
        %shift_left3A_1031 = arith.shli %get3A_1024, %shift_left3A_1030 : vector<16xi32>
        %bitcast3A_1032 = vector.bitcast %shift_left3A_1031 : vector<16xi32> to vector<16xf32>
        %and3A_1033 = vector.broadcast %scan3A_97 : i32 to vector<16xi32>
        %and3A_1034 = arith.andi %get3A_1021, %and3A_1033 : vector<16xi32>
        %bitcast3A_1035 = vector.bitcast %and3A_1034 : vector<16xi32> to vector<16xf32>
        %and3A_1036 = vector.broadcast %scan3A_97 : i32 to vector<16xi32>
        %and3A_1037 = arith.andi %get3A_1024, %and3A_1036 : vector<16xi32>
        %bitcast3A_1038 = vector.bitcast %and3A_1037 : vector<16xi32> to vector<16xf32>
        %mul3A_1039 = arith.mulf %bitcast3A_1028, %bitcast3A_1032 : vector<16xf32>
        %mul3A_1040 = vector.broadcast %squeeze3A_918 : f32 to vector<16xf32>
        %mul3A_1041 = arith.mulf %mul3A_1039, %mul3A_1040 : vector<16xf32>
        %swap3A_1042 = arith.index_cast %add3A_922 : i32 to index
        %swap3A_1043 = arith.constant 96 : index
        %swap3A_1044 = tpu.vector_load %arg13[%swap3A_1042, %swap3A_1043] {strides = array<i32>} : memref<40x128xf32, #tpu.memory_space<vmem>>, vector<16xf32>,
        tpu.vector_store %arg13[%swap3A_1042, %swap3A_1043], %mul3A_1041 {strides = array<i32>} : memref<40x128xf32, #tpu.memory_space<vmem>>, vector<16xf32>,
        %mul3A_1045 = arith.mulf %bitcast3A_1035, %bitcast3A_1038 : vector<16xf32>
        %mul3A_1046 = vector.broadcast %squeeze3A_918 : f32 to vector<16xf32>
        %mul3A_1047 = arith.mulf %mul3A_1045, %mul3A_1046 : vector<16xf32>
        %swap3A_1048 = arith.index_cast %add3A_922 : i32 to index
        %swap3A_1049 = arith.constant 112 : index
        %swap3A_1050 = tpu.vector_load %arg13[%swap3A_1048, %swap3A_1049] {strides = array<i32>} : memref<40x128xf32, #tpu.memory_space<vmem>>, vector<16xf32>,
        tpu.vector_store %arg13[%swap3A_1048, %swap3A_1049], %mul3A_1047 {strides = array<i32>} : memref<40x128xf32, #tpu.memory_space<vmem>>, vector<16xf32>,
        %slice3A_1051 = vector.extract_strided_slice %get3A_252 {offsets = [6], sizes = [1], strides = [1]} : vector<16xf32> to vector<1xf32>
        %squeeze3A_1052 = vector.extract %slice3A_1051[0] : f32 from vector<1xf32>
        %mul3A_1053 = arith.constant 8 : i32
        %mul3A_1054 = arith.muli %scan3A_248, %mul3A_1053 : i32
        %add3A_1055 = arith.constant 6 : i32
        %add3A_1056 = arith.addi %mul3A_1054, %add3A_1055 : i32
        %get3A_1057 = arith.index_cast %add3A_1056 : i32 to index
        %get3A_1058 = arith.constant 0 : index
        %get3A_1059 = tpu.vector_load %arg11[%get3A_1057, %get3A_1058] {strides = array<i32>} : memref<40x64xi32, #tpu.memory_space<vmem>>, vector<16xi32>,
        %get3A_1060 = arith.index_cast %add3A_1056 : i32 to index
        %get3A_1061 = arith.constant 0 : index
        %get3A_1062 = tpu.vector_load %arg9[%get3A_1060, %get3A_1061] {strides = array<i32>} : memref<40x64xi32, #tpu.memory_space<vmem>>, vector<16xi32>,
        %shift_left3A_1063 = arith.constant 16 : i32
        %shift_left3A_1064 = vector.broadcast %shift_left3A_1063 : i32 to vector<16xi32>
        %shift_left3A_1065 = arith.shli %get3A_1059, %shift_left3A_1064 : vector<16xi32>
        %bitcast3A_1066 = vector.bitcast %shift_left3A_1065 : vector<16xi32> to vector<16xf32>
        %shift_left3A_1067 = arith.constant 16 : i32
        %shift_left3A_1068 = vector.broadcast %shift_left3A_1067 : i32 to vector<16xi32>
        %shift_left3A_1069 = arith.shli %get3A_1062, %shift_left3A_1068 : vector<16xi32>
        %bitcast3A_1070 = vector.bitcast %shift_left3A_1069 : vector<16xi32> to vector<16xf32>
        %and3A_1071 = vector.broadcast %scan3A_97 : i32 to vector<16xi32>
        %and3A_1072 = arith.andi %get3A_1059, %and3A_1071 : vector<16xi32>
        %bitcast3A_1073 = vector.bitcast %and3A_1072 : vector<16xi32> to vector<16xf32>
        %and3A_1074 = vector.broadcast %scan3A_97 : i32 to vector<16xi32>
        %and3A_1075 = arith.andi %get3A_1062, %and3A_1074 : vector<16xi32>
        %bitcast3A_1076 = vector.bitcast %and3A_1075 : vector<16xi32> to vector<16xf32>
        %mul3A_1077 = arith.mulf %bitcast3A_1066, %bitcast3A_1070 : vector<16xf32>
        %mul3A_1078 = vector.broadcast %squeeze3A_1052 : f32 to vector<16xf32>
        %mul3A_1079 = arith.mulf %mul3A_1077, %mul3A_1078 : vector<16xf32>
        %swap3A_1080 = arith.index_cast %add3A_1056 : i32 to index
        %swap3A_1081 = arith.constant 0 : index
        %swap3A_1082 = tpu.vector_load %arg13[%swap3A_1080, %swap3A_1081] {strides = array<i32>} : memref<40x128xf32, #tpu.memory_space<vmem>>, vector<16xf32>,
        tpu.vector_store %arg13[%swap3A_1080, %swap3A_1081], %mul3A_1079 {strides = array<i32>} : memref<40x128xf32, #tpu.memory_space<vmem>>, vector<16xf32>,
        %mul3A_1083 = arith.mulf %bitcast3A_1073, %bitcast3A_1076 : vector<16xf32>
        %mul3A_1084 = vector.broadcast %squeeze3A_1052 : f32 to vector<16xf32>
        %mul3A_1085 = arith.mulf %mul3A_1083, %mul3A_1084 : vector<16xf32>
        %swap3A_1086 = arith.index_cast %add3A_1056 : i32 to index
        %swap3A_1087 = arith.constant 16 : index
        %swap3A_1088 = tpu.vector_load %arg13[%swap3A_1086, %swap3A_1087] {strides = array<i32>} : memref<40x128xf32, #tpu.memory_space<vmem>>, vector<16xf32>,
        tpu.vector_store %arg13[%swap3A_1086, %swap3A_1087], %mul3A_1085 {strides = array<i32>} : memref<40x128xf32, #tpu.memory_space<vmem>>, vector<16xf32>,
        %get3A_1089 = arith.index_cast %add3A_1056 : i32 to index
        %get3A_1090 = arith.constant 16 : index
        %get3A_1091 = tpu.vector_load %arg11[%get3A_1089, %get3A_1090] {strides = array<i32>} : memref<40x64xi32, #tpu.memory_space<vmem>>, vector<16xi32>,
        %get3A_1092 = arith.index_cast %add3A_1056 : i32 to index
        %get3A_1093 = arith.constant 16 : index
        %get3A_1094 = tpu.vector_load %arg9[%get3A_1092, %get3A_1093] {strides = array<i32>} : memref<40x64xi32, #tpu.memory_space<vmem>>, vector<16xi32>,
        %shift_left3A_1095 = arith.constant 16 : i32
        %shift_left3A_1096 = vector.broadcast %shift_left3A_1095 : i32 to vector<16xi32>
        %shift_left3A_1097 = arith.shli %get3A_1091, %shift_left3A_1096 : vector<16xi32>
        %bitcast3A_1098 = vector.bitcast %shift_left3A_1097 : vector<16xi32> to vector<16xf32>
        %shift_left3A_1099 = arith.constant 16 : i32
        %shift_left3A_1100 = vector.broadcast %shift_left3A_1099 : i32 to vector<16xi32>
        %shift_left3A_1101 = arith.shli %get3A_1094, %shift_left3A_1100 : vector<16xi32>
        %bitcast3A_1102 = vector.bitcast %shift_left3A_1101 : vector<16xi32> to vector<16xf32>
        %and3A_1103 = vector.broadcast %scan3A_97 : i32 to vector<16xi32>
        %and3A_1104 = arith.andi %get3A_1091, %and3A_1103 : vector<16xi32>
        %bitcast3A_1105 = vector.bitcast %and3A_1104 : vector<16xi32> to vector<16xf32>
        %and3A_1106 = vector.broadcast %scan3A_97 : i32 to vector<16xi32>
        %and3A_1107 = arith.andi %get3A_1094, %and3A_1106 : vector<16xi32>
        %bitcast3A_1108 = vector.bitcast %and3A_1107 : vector<16xi32> to vector<16xf32>
        %mul3A_1109 = arith.mulf %bitcast3A_1098, %bitcast3A_1102 : vector<16xf32>
        %mul3A_1110 = vector.broadcast %squeeze3A_1052 : f32 to vector<16xf32>
        %mul3A_1111 = arith.mulf %mul3A_1109, %mul3A_1110 : vector<16xf32>
        %swap3A_1112 = arith.index_cast %add3A_1056 : i32 to index
        %swap3A_1113 = arith.constant 32 : index
        %swap3A_1114 = tpu.vector_load %arg13[%swap3A_1112, %swap3A_1113] {strides = array<i32>} : memref<40x128xf32, #tpu.memory_space<vmem>>, vector<16xf32>,
        tpu.vector_store %arg13[%swap3A_1112, %swap3A_1113], %mul3A_1111 {strides = array<i32>} : memref<40x128xf32, #tpu.memory_space<vmem>>, vector<16xf32>,
        %mul3A_1115 = arith.mulf %bitcast3A_1105, %bitcast3A_1108 : vector<16xf32>
        %mul3A_1116 = vector.broadcast %squeeze3A_1052 : f32 to vector<16xf32>
        %mul3A_1117 = arith.mulf %mul3A_1115, %mul3A_1116 : vector<16xf32>
        %swap3A_1118 = arith.index_cast %add3A_1056 : i32 to index
        %swap3A_1119 = arith.constant 48 : index
        %swap3A_1120 = tpu.vector_load %arg13[%swap3A_1118, %swap3A_1119] {strides = array<i32>} : memref<40x128xf32, #tpu.memory_space<vmem>>, vector<16xf32>,
        tpu.vector_store %arg13[%swap3A_1118, %swap3A_1119], %mul3A_1117 {strides = array<i32>} : memref<40x128xf32, #tpu.memory_space<vmem>>, vector<16xf32>,
        %get3A_1121 = arith.index_cast %add3A_1056 : i32 to index
        %get3A_1122 = arith.constant 32 : index
        %get3A_1123 = tpu.vector_load %arg11[%get3A_1121, %get3A_1122] {strides = array<i32>} : memref<40x64xi32, #tpu.memory_space<vmem>>, vector<16xi32>,
        %get3A_1124 = arith.index_cast %add3A_1056 : i32 to index
        %get3A_1125 = arith.constant 32 : index
        %get3A_1126 = tpu.vector_load %arg9[%get3A_1124, %get3A_1125] {strides = array<i32>} : memref<40x64xi32, #tpu.memory_space<vmem>>, vector<16xi32>,
        %shift_left3A_1127 = arith.constant 16 : i32
        %shift_left3A_1128 = vector.broadcast %shift_left3A_1127 : i32 to vector<16xi32>
        %shift_left3A_1129 = arith.shli %get3A_1123, %shift_left3A_1128 : vector<16xi32>
        %bitcast3A_1130 = vector.bitcast %shift_left3A_1129 : vector<16xi32> to vector<16xf32>
        %shift_left3A_1131 = arith.constant 16 : i32
        %shift_left3A_1132 = vector.broadcast %shift_left3A_1131 : i32 to vector<16xi32>
        %shift_left3A_1133 = arith.shli %get3A_1126, %shift_left3A_1132 : vector<16xi32>
        %bitcast3A_1134 = vector.bitcast %shift_left3A_1133 : vector<16xi32> to vector<16xf32>
        %and3A_1135 = vector.broadcast %scan3A_97 : i32 to vector<16xi32>
        %and3A_1136 = arith.andi %get3A_1123, %and3A_1135 : vector<16xi32>
        %bitcast3A_1137 = vector.bitcast %and3A_1136 : vector<16xi32> to vector<16xf32>
        %and3A_1138 = vector.broadcast %scan3A_97 : i32 to vector<16xi32>
        %and3A_1139 = arith.andi %get3A_1126, %and3A_1138 : vector<16xi32>
        %bitcast3A_1140 = vector.bitcast %and3A_1139 : vector<16xi32> to vector<16xf32>
        %mul3A_1141 = arith.mulf %bitcast3A_1130, %bitcast3A_1134 : vector<16xf32>
        %mul3A_1142 = vector.broadcast %squeeze3A_1052 : f32 to vector<16xf32>
        %mul3A_1143 = arith.mulf %mul3A_1141, %mul3A_1142 : vector<16xf32>
        %swap3A_1144 = arith.index_cast %add3A_1056 : i32 to index
        %swap3A_1145 = arith.constant 64 : index
        %swap3A_1146 = tpu.vector_load %arg13[%swap3A_1144, %swap3A_1145] {strides = array<i32>} : memref<40x128xf32, #tpu.memory_space<vmem>>, vector<16xf32>,
        tpu.vector_store %arg13[%swap3A_1144, %swap3A_1145], %mul3A_1143 {strides = array<i32>} : memref<40x128xf32, #tpu.memory_space<vmem>>, vector<16xf32>,
        %mul3A_1147 = arith.mulf %bitcast3A_1137, %bitcast3A_1140 : vector<16xf32>
        %mul3A_1148 = vector.broadcast %squeeze3A_1052 : f32 to vector<16xf32>
        %mul3A_1149 = arith.mulf %mul3A_1147, %mul3A_1148 : vector<16xf32>
        %swap3A_1150 = arith.index_cast %add3A_1056 : i32 to index
        %swap3A_1151 = arith.constant 80 : index
        %swap3A_1152 = tpu.vector_load %arg13[%swap3A_1150, %swap3A_1151] {strides = array<i32>} : memref<40x128xf32, #tpu.memory_space<vmem>>, vector<16xf32>,
        tpu.vector_store %arg13[%swap3A_1150, %swap3A_1151], %mul3A_1149 {strides = array<i32>} : memref<40x128xf32, #tpu.memory_space<vmem>>, vector<16xf32>,
        %get3A_1153 = arith.index_cast %add3A_1056 : i32 to index
        %get3A_1154 = arith.constant 48 : index
        %get3A_1155 = tpu.vector_load %arg11[%get3A_1153, %get3A_1154] {strides = array<i32>} : memref<40x64xi32, #tpu.memory_space<vmem>>, vector<16xi32>,
        %get3A_1156 = arith.index_cast %add3A_1056 : i32 to index
        %get3A_1157 = arith.constant 48 : index
        %get3A_1158 = tpu.vector_load %arg9[%get3A_1156, %get3A_1157] {strides = array<i32>} : memref<40x64xi32, #tpu.memory_space<vmem>>, vector<16xi32>,
        %shift_left3A_1159 = arith.constant 16 : i32
        %shift_left3A_1160 = vector.broadcast %shift_left3A_1159 : i32 to vector<16xi32>
        %shift_left3A_1161 = arith.shli %get3A_1155, %shift_left3A_1160 : vector<16xi32>
        %bitcast3A_1162 = vector.bitcast %shift_left3A_1161 : vector<16xi32> to vector<16xf32>
        %shift_left3A_1163 = arith.constant 16 : i32
        %shift_left3A_1164 = vector.broadcast %shift_left3A_1163 : i32 to vector<16xi32>
        %shift_left3A_1165 = arith.shli %get3A_1158, %shift_left3A_1164 : vector<16xi32>
        %bitcast3A_1166 = vector.bitcast %shift_left3A_1165 : vector<16xi32> to vector<16xf32>
        %and3A_1167 = vector.broadcast %scan3A_97 : i32 to vector<16xi32>
        %and3A_1168 = arith.andi %get3A_1155, %and3A_1167 : vector<16xi32>
        %bitcast3A_1169 = vector.bitcast %and3A_1168 : vector<16xi32> to vector<16xf32>
        %and3A_1170 = vector.broadcast %scan3A_97 : i32 to vector<16xi32>
        %and3A_1171 = arith.andi %get3A_1158, %and3A_1170 : vector<16xi32>
        %bitcast3A_1172 = vector.bitcast %and3A_1171 : vector<16xi32> to vector<16xf32>
        %mul3A_1173 = arith.mulf %bitcast3A_1162, %bitcast3A_1166 : vector<16xf32>
        %mul3A_1174 = vector.broadcast %squeeze3A_1052 : f32 to vector<16xf32>
        %mul3A_1175 = arith.mulf %mul3A_1173, %mul3A_1174 : vector<16xf32>
        %swap3A_1176 = arith.index_cast %add3A_1056 : i32 to index
        %swap3A_1177 = arith.constant 96 : index
        %swap3A_1178 = tpu.vector_load %arg13[%swap3A_1176, %swap3A_1177] {strides = array<i32>} : memref<40x128xf32, #tpu.memory_space<vmem>>, vector<16xf32>,
        tpu.vector_store %arg13[%swap3A_1176, %swap3A_1177], %mul3A_1175 {strides = array<i32>} : memref<40x128xf32, #tpu.memory_space<vmem>>, vector<16xf32>,
        %mul3A_1179 = arith.mulf %bitcast3A_1169, %bitcast3A_1172 : vector<16xf32>
        %mul3A_1180 = vector.broadcast %squeeze3A_1052 : f32 to vector<16xf32>
        %mul3A_1181 = arith.mulf %mul3A_1179, %mul3A_1180 : vector<16xf32>
        %swap3A_1182 = arith.index_cast %add3A_1056 : i32 to index
        %swap3A_1183 = arith.constant 112 : index
        %swap3A_1184 = tpu.vector_load %arg13[%swap3A_1182, %swap3A_1183] {strides = array<i32>} : memref<40x128xf32, #tpu.memory_space<vmem>>, vector<16xf32>,
        tpu.vector_store %arg13[%swap3A_1182, %swap3A_1183], %mul3A_1181 {strides = array<i32>} : memref<40x128xf32, #tpu.memory_space<vmem>>, vector<16xf32>,
        %slice3A_1185 = vector.extract_strided_slice %get3A_252 {offsets = [7], sizes = [1], strides = [1]} : vector<16xf32> to vector<1xf32>
        %squeeze3A_1186 = vector.extract %slice3A_1185[0] : f32 from vector<1xf32>
        %mul3A_1187 = arith.constant 8 : i32
        %mul3A_1188 = arith.muli %scan3A_248, %mul3A_1187 : i32
        %add3A_1189 = arith.constant 7 : i32
        %add3A_1190 = arith.addi %mul3A_1188, %add3A_1189 : i32
        %get3A_1191 = arith.index_cast %add3A_1190 : i32 to index
        %get3A_1192 = arith.constant 0 : index
        %get3A_1193 = tpu.vector_load %arg11[%get3A_1191, %get3A_1192] {strides = array<i32>} : memref<40x64xi32, #tpu.memory_space<vmem>>, vector<16xi32>,
        %get3A_1194 = arith.index_cast %add3A_1190 : i32 to index
        %get3A_1195 = arith.constant 0 : index
        %get3A_1196 = tpu.vector_load %arg9[%get3A_1194, %get3A_1195] {strides = array<i32>} : memref<40x64xi32, #tpu.memory_space<vmem>>, vector<16xi32>,
        %shift_left3A_1197 = arith.constant 16 : i32
        %shift_left3A_1198 = vector.broadcast %shift_left3A_1197 : i32 to vector<16xi32>
        %shift_left3A_1199 = arith.shli %get3A_1193, %shift_left3A_1198 : vector<16xi32>
        %bitcast3A_1200 = vector.bitcast %shift_left3A_1199 : vector<16xi32> to vector<16xf32>
        %shift_left3A_1201 = arith.constant 16 : i32
        %shift_left3A_1202 = vector.broadcast %shift_left3A_1201 : i32 to vector<16xi32>
        %shift_left3A_1203 = arith.shli %get3A_1196, %shift_left3A_1202 : vector<16xi32>
        %bitcast3A_1204 = vector.bitcast %shift_left3A_1203 : vector<16xi32> to vector<16xf32>
        %and3A_1205 = vector.broadcast %scan3A_97 : i32 to vector<16xi32>
        %and3A_1206 = arith.andi %get3A_1193, %and3A_1205 : vector<16xi32>
        %bitcast3A_1207 = vector.bitcast %and3A_1206 : vector<16xi32> to vector<16xf32>
        %and3A_1208 = vector.broadcast %scan3A_97 : i32 to vector<16xi32>
        %and3A_1209 = arith.andi %get3A_1196, %and3A_1208 : vector<16xi32>
        %bitcast3A_1210 = vector.bitcast %and3A_1209 : vector<16xi32> to vector<16xf32>
        %mul3A_1211 = arith.mulf %bitcast3A_1200, %bitcast3A_1204 : vector<16xf32>
        %mul3A_1212 = vector.broadcast %squeeze3A_1186 : f32 to vector<16xf32>
        %mul3A_1213 = arith.mulf %mul3A_1211, %mul3A_1212 : vector<16xf32>
        %swap3A_1214 = arith.index_cast %add3A_1190 : i32 to index
        %swap3A_1215 = arith.constant 0 : index
        %swap3A_1216 = tpu.vector_load %arg13[%swap3A_1214, %swap3A_1215] {strides = array<i32>} : memref<40x128xf32, #tpu.memory_space<vmem>>, vector<16xf32>,
        tpu.vector_store %arg13[%swap3A_1214, %swap3A_1215], %mul3A_1213 {strides = array<i32>} : memref<40x128xf32, #tpu.memory_space<vmem>>, vector<16xf32>,
        %mul3A_1217 = arith.mulf %bitcast3A_1207, %bitcast3A_1210 : vector<16xf32>
        %mul3A_1218 = vector.broadcast %squeeze3A_1186 : f32 to vector<16xf32>
        %mul3A_1219 = arith.mulf %mul3A_1217, %mul3A_1218 : vector<16xf32>
        %swap3A_1220 = arith.index_cast %add3A_1190 : i32 to index
        %swap3A_1221 = arith.constant 16 : index
        %swap3A_1222 = tpu.vector_load %arg13[%swap3A_1220, %swap3A_1221] {strides = array<i32>} : memref<40x128xf32, #tpu.memory_space<vmem>>, vector<16xf32>,
        tpu.vector_store %arg13[%swap3A_1220, %swap3A_1221], %mul3A_1219 {strides = array<i32>} : memref<40x128xf32, #tpu.memory_space<vmem>>, vector<16xf32>,
        %get3A_1223 = arith.index_cast %add3A_1190 : i32 to index
        %get3A_1224 = arith.constant 16 : index
        %get3A_1225 = tpu.vector_load %arg11[%get3A_1223, %get3A_1224] {strides = array<i32>} : memref<40x64xi32, #tpu.memory_space<vmem>>, vector<16xi32>,
        %get3A_1226 = arith.index_cast %add3A_1190 : i32 to index
        %get3A_1227 = arith.constant 16 : index
        %get3A_1228 = tpu.vector_load %arg9[%get3A_1226, %get3A_1227] {strides = array<i32>} : memref<40x64xi32, #tpu.memory_space<vmem>>, vector<16xi32>,
        %shift_left3A_1229 = arith.constant 16 : i32
        %shift_left3A_1230 = vector.broadcast %shift_left3A_1229 : i32 to vector<16xi32>
        %shift_left3A_1231 = arith.shli %get3A_1225, %shift_left3A_1230 : vector<16xi32>
        %bitcast3A_1232 = vector.bitcast %shift_left3A_1231 : vector<16xi32> to vector<16xf32>
        %shift_left3A_1233 = arith.constant 16 : i32
        %shift_left3A_1234 = vector.broadcast %shift_left3A_1233 : i32 to vector<16xi32>
        %shift_left3A_1235 = arith.shli %get3A_1228, %shift_left3A_1234 : vector<16xi32>
        %bitcast3A_1236 = vector.bitcast %shift_left3A_1235 : vector<16xi32> to vector<16xf32>
        %and3A_1237 = vector.broadcast %scan3A_97 : i32 to vector<16xi32>
        %and3A_1238 = arith.andi %get3A_1225, %and3A_1237 : vector<16xi32>
        %bitcast3A_1239 = vector.bitcast %and3A_1238 : vector<16xi32> to vector<16xf32>
        %and3A_1240 = vector.broadcast %scan3A_97 : i32 to vector<16xi32>
        %and3A_1241 = arith.andi %get3A_1228, %and3A_1240 : vector<16xi32>
        %bitcast3A_1242 = vector.bitcast %and3A_1241 : vector<16xi32> to vector<16xf32>
        %mul3A_1243 = arith.mulf %bitcast3A_1232, %bitcast3A_1236 : vector<16xf32>
        %mul3A_1244 = vector.broadcast %squeeze3A_1186 : f32 to vector<16xf32>
        %mul3A_1245 = arith.mulf %mul3A_1243, %mul3A_1244 : vector<16xf32>
        %swap3A_1246 = arith.index_cast %add3A_1190 : i32 to index
        %swap3A_1247 = arith.constant 32 : index
        %swap3A_1248 = tpu.vector_load %arg13[%swap3A_1246, %swap3A_1247] {strides = array<i32>} : memref<40x128xf32, #tpu.memory_space<vmem>>, vector<16xf32>,
        tpu.vector_store %arg13[%swap3A_1246, %swap3A_1247], %mul3A_1245 {strides = array<i32>} : memref<40x128xf32, #tpu.memory_space<vmem>>, vector<16xf32>,
        %mul3A_1249 = arith.mulf %bitcast3A_1239, %bitcast3A_1242 : vector<16xf32>
        %mul3A_1250 = vector.broadcast %squeeze3A_1186 : f32 to vector<16xf32>
        %mul3A_1251 = arith.mulf %mul3A_1249, %mul3A_1250 : vector<16xf32>
        %swap3A_1252 = arith.index_cast %add3A_1190 : i32 to index
        %swap3A_1253 = arith.constant 48 : index
        %swap3A_1254 = tpu.vector_load %arg13[%swap3A_1252, %swap3A_1253] {strides = array<i32>} : memref<40x128xf32, #tpu.memory_space<vmem>>, vector<16xf32>,
        tpu.vector_store %arg13[%swap3A_1252, %swap3A_1253], %mul3A_1251 {strides = array<i32>} : memref<40x128xf32, #tpu.memory_space<vmem>>, vector<16xf32>,
        %get3A_1255 = arith.index_cast %add3A_1190 : i32 to index
        %get3A_1256 = arith.constant 32 : index
        %get3A_1257 = tpu.vector_load %arg11[%get3A_1255, %get3A_1256] {strides = array<i32>} : memref<40x64xi32, #tpu.memory_space<vmem>>, vector<16xi32>,
        %get3A_1258 = arith.index_cast %add3A_1190 : i32 to index
        %get3A_1259 = arith.constant 32 : index
        %get3A_1260 = tpu.vector_load %arg9[%get3A_1258, %get3A_1259] {strides = array<i32>} : memref<40x64xi32, #tpu.memory_space<vmem>>, vector<16xi32>,
        %shift_left3A_1261 = arith.constant 16 : i32
        %shift_left3A_1262 = vector.broadcast %shift_left3A_1261 : i32 to vector<16xi32>
        %shift_left3A_1263 = arith.shli %get3A_1257, %shift_left3A_1262 : vector<16xi32>
        %bitcast3A_1264 = vector.bitcast %shift_left3A_1263 : vector<16xi32> to vector<16xf32>
        %shift_left3A_1265 = arith.constant 16 : i32
        %shift_left3A_1266 = vector.broadcast %shift_left3A_1265 : i32 to vector<16xi32>
        %shift_left3A_1267 = arith.shli %get3A_1260, %shift_left3A_1266 : vector<16xi32>
        %bitcast3A_1268 = vector.bitcast %shift_left3A_1267 : vector<16xi32> to vector<16xf32>
        %and3A_1269 = vector.broadcast %scan3A_97 : i32 to vector<16xi32>
        %and3A_1270 = arith.andi %get3A_1257, %and3A_1269 : vector<16xi32>
        %bitcast3A_1271 = vector.bitcast %and3A_1270 : vector<16xi32> to vector<16xf32>
        %and3A_1272 = vector.broadcast %scan3A_97 : i32 to vector<16xi32>
        %and3A_1273 = arith.andi %get3A_1260, %and3A_1272 : vector<16xi32>
        %bitcast3A_1274 = vector.bitcast %and3A_1273 : vector<16xi32> to vector<16xf32>
        %mul3A_1275 = arith.mulf %bitcast3A_1264, %bitcast3A_1268 : vector<16xf32>
        %mul3A_1276 = vector.broadcast %squeeze3A_1186 : f32 to vector<16xf32>
        %mul3A_1277 = arith.mulf %mul3A_1275, %mul3A_1276 : vector<16xf32>
        %swap3A_1278 = arith.index_cast %add3A_1190 : i32 to index
        %swap3A_1279 = arith.constant 64 : index
        %swap3A_1280 = tpu.vector_load %arg13[%swap3A_1278, %swap3A_1279] {strides = array<i32>} : memref<40x128xf32, #tpu.memory_space<vmem>>, vector<16xf32>,
        tpu.vector_store %arg13[%swap3A_1278, %swap3A_1279], %mul3A_1277 {strides = array<i32>} : memref<40x128xf32, #tpu.memory_space<vmem>>, vector<16xf32>,
        %mul3A_1281 = arith.mulf %bitcast3A_1271, %bitcast3A_1274 : vector<16xf32>
        %mul3A_1282 = vector.broadcast %squeeze3A_1186 : f32 to vector<16xf32>
        %mul3A_1283 = arith.mulf %mul3A_1281, %mul3A_1282 : vector<16xf32>
        %swap3A_1284 = arith.index_cast %add3A_1190 : i32 to index
        %swap3A_1285 = arith.constant 80 : index
        %swap3A_1286 = tpu.vector_load %arg13[%swap3A_1284, %swap3A_1285] {strides = array<i32>} : memref<40x128xf32, #tpu.memory_space<vmem>>, vector<16xf32>,
        tpu.vector_store %arg13[%swap3A_1284, %swap3A_1285], %mul3A_1283 {strides = array<i32>} : memref<40x128xf32, #tpu.memory_space<vmem>>, vector<16xf32>,
        %get3A_1287 = arith.index_cast %add3A_1190 : i32 to index
        %get3A_1288 = arith.constant 48 : index
        %get3A_1289 = tpu.vector_load %arg11[%get3A_1287, %get3A_1288] {strides = array<i32>} : memref<40x64xi32, #tpu.memory_space<vmem>>, vector<16xi32>,
        %get3A_1290 = arith.index_cast %add3A_1190 : i32 to index
        %get3A_1291 = arith.constant 48 : index
        %get3A_1292 = tpu.vector_load %arg9[%get3A_1290, %get3A_1291] {strides = array<i32>} : memref<40x64xi32, #tpu.memory_space<vmem>>, vector<16xi32>,
        %shift_left3A_1293 = arith.constant 16 : i32
        %shift_left3A_1294 = vector.broadcast %shift_left3A_1293 : i32 to vector<16xi32>
        %shift_left3A_1295 = arith.shli %get3A_1289, %shift_left3A_1294 : vector<16xi32>
        %bitcast3A_1296 = vector.bitcast %shift_left3A_1295 : vector<16xi32> to vector<16xf32>
        %shift_left3A_1297 = arith.constant 16 : i32
        %shift_left3A_1298 = vector.broadcast %shift_left3A_1297 : i32 to vector<16xi32>
        %shift_left3A_1299 = arith.shli %get3A_1292, %shift_left3A_1298 : vector<16xi32>
        %bitcast3A_1300 = vector.bitcast %shift_left3A_1299 : vector<16xi32> to vector<16xf32>
        %and3A_1301 = vector.broadcast %scan3A_97 : i32 to vector<16xi32>
        %and3A_1302 = arith.andi %get3A_1289, %and3A_1301 : vector<16xi32>
        %bitcast3A_1303 = vector.bitcast %and3A_1302 : vector<16xi32> to vector<16xf32>
        %and3A_1304 = vector.broadcast %scan3A_97 : i32 to vector<16xi32>
        %and3A_1305 = arith.andi %get3A_1292, %and3A_1304 : vector<16xi32>
        %bitcast3A_1306 = vector.bitcast %and3A_1305 : vector<16xi32> to vector<16xf32>
        %mul3A_1307 = arith.mulf %bitcast3A_1296, %bitcast3A_1300 : vector<16xf32>
        %mul3A_1308 = vector.broadcast %squeeze3A_1186 : f32 to vector<16xf32>
        %mul3A_1309 = arith.mulf %mul3A_1307, %mul3A_1308 : vector<16xf32>
        %swap3A_1310 = arith.index_cast %add3A_1190 : i32 to index
        %swap3A_1311 = arith.constant 96 : index
        %swap3A_1312 = tpu.vector_load %arg13[%swap3A_1310, %swap3A_1311] {strides = array<i32>} : memref<40x128xf32, #tpu.memory_space<vmem>>, vector<16xf32>,
        tpu.vector_store %arg13[%swap3A_1310, %swap3A_1311], %mul3A_1309 {strides = array<i32>} : memref<40x128xf32, #tpu.memory_space<vmem>>, vector<16xf32>,
        %mul3A_1313 = arith.mulf %bitcast3A_1303, %bitcast3A_1306 : vector<16xf32>
        %mul3A_1314 = vector.broadcast %squeeze3A_1186 : f32 to vector<16xf32>
        %mul3A_1315 = arith.mulf %mul3A_1313, %mul3A_1314 : vector<16xf32>
        %swap3A_1316 = arith.index_cast %add3A_1190 : i32 to index
        %swap3A_1317 = arith.constant 112 : index
        %swap3A_1318 = tpu.vector_load %arg13[%swap3A_1316, %swap3A_1317] {strides = array<i32>} : memref<40x128xf32, #tpu.memory_space<vmem>>, vector<16xf32>,
        tpu.vector_store %arg13[%swap3A_1316, %swap3A_1317], %mul3A_1315 {strides = array<i32>} : memref<40x128xf32, #tpu.memory_space<vmem>>, vector<16xf32>,
        %scan3A_1319 = arith.constant 0 : i32
        scf.yield %scan3A_1319 : i32
      }
      %scan3A_190 = arith.constant 5 : i32
      %dma_start3A_191 = arith.constant 0 : i32
      %dma_start3A_192 = tpu.memref_slice %arg8[%mul3A_130, %dma_start3A_191] : memref<250x40xi32, #tpu.memory_space<vmem>> -> memref<1x40xi32, #tpu.memory_space<vmem>>
      %dma_start3A_193 = tpu.memref_squeeze %dma_start3A_192 : memref<1x40xi32, #tpu.memory_space<vmem>> -> memref<40xi32, #tpu.memory_space<vmem>>
      %dma_start3A_194 = arith.constant 0 : i32
      %dma_start3A_195 = arith.constant 0 : i32
      %dma_start3A_196 = tpu.memref_slice %arg17[%dma_start3A_194, %dma_start3A_195] : memref<10240x128xf32, #tpu.memory_space<vmem_shared>> -> memref<10240x128xf32, #tpu.memory_space<vmem_shared>>
      tpu.enqueue_indirect_dma source(%arg13 : memref<40x128xf32, #tpu.memory_space<vmem>>) target(%dma_start3A_196 : memref<10240x128xf32, #tpu.memory_space<vmem_shared>>) offsets(%dma_start3A_193 : memref<40xi32, #tpu.memory_space<vmem>>) semaphore(%arg24 : memref<!tpu.dma_semaphore, #tpu.memory_space<semaphore_mem>>) {add = true}
      %gt3A_197 = arith.constant 0 : i32
      %gt3A_198 = arith.cmpi sgt, %mul3A_130, %gt3A_197 : i32
      %convert_element_type3A_199 = arith.extui %gt3A_198 : i1 to i32
      %cond3A_200 = arith.constant 0 : i32
      %cond3A_201 = arith.cmpi ne, %convert_element_type3A_199, %cond3A_200 : i32
      scf.if %cond3A_201 {
        %dma_wait3A_248 = arith.constant 0 : i32
        %dma_wait3A_249 = arith.constant 0 : i32
        %dma_wait3A_250 = arith.constant 0 : i32
        %dma_wait3A_251 = tpu.memref_slice %arg6[%dma_wait3A_248, %dma_wait3A_249, %dma_wait3A_250] : memref<2x10240x128xf32, #tpu.memory_space<hbm>> -> memref<1x40x128xf32, #tpu.memory_space<hbm>>
        %dma_wait3A_252 = tpu.memref_squeeze %dma_wait3A_251 : memref<1x40x128xf32, #tpu.memory_space<hbm>> -> memref<40x128xf32, #tpu.memory_space<hbm>>
        %dma_wait3A_253 = arith.constant 0 : i32
        %dma_wait3A_254 = arith.constant 0 : i32
        %dma_wait3A_255 = tpu.memref_slice %arg6[%dma_wait3A_248, %dma_wait3A_253, %dma_wait3A_254] : memref<2x10240x128xf32, #tpu.memory_space<hbm>> -> memref<1x40x128xf32, #tpu.memory_space<hbm>>
        %dma_wait3A_256 = tpu.memref_squeeze %dma_wait3A_255 : memref<1x40x128xf32, #tpu.memory_space<hbm>> -> memref<40x128xf32, #tpu.memory_space<hbm>>
        tpu.wait_dma2 semaphore(%arg25 : memref<!tpu.dma_semaphore, #tpu.memory_space<semaphore_mem>>) src(%dma_wait3A_256 : memref<40x128xf32, #tpu.memory_space<hbm>>) dst(%arg14 : memref<40x128xf32, #tpu.memory_space<vmem>>)
      } else {
      }
      %add3A_202 = arith.constant 2 : i32
      %add3A_203 = arith.addi %mul3A_130, %add3A_202 : i32
      %lt3A = arith.constant 250 : i32
      %lt3A_204 = arith.cmpi slt, %add3A_203, %lt3A : i32
      %convert_element_type3A_205 = arith.extui %lt3A_204 : i1 to i32
      %cond3A_206 = arith.constant 0 : i32
      %cond3A_207 = arith.cmpi ne, %convert_element_type3A_205, %cond3A_206 : i32
      scf.if %cond3A_207 {
        %add3A_248 = arith.constant 2 : i32
        %add3A_249 = arith.addi %mul3A_130, %add3A_248 : i32
        %mul3A_250 = arith.constant 10000 : i32
        %mul3A_251 = arith.muli %add3A, %mul3A_250 : i32
        %mul3A_252 = arith.constant 40 : i32
        %mul3A_253 = arith.muli %add3A_249, %mul3A_252 : i32
        %add3A_254 = arith.addi %mul3A_251, %mul3A_253 : i32
        %dma_start3A_255 = arith.constant 0 : i32
        %dma_start3A_256 = tpu.memref_slice %arg3[%add3A_254, %dma_start3A_255] : memref<320000x64xi32, #tpu.memory_space<hbm>> -> memref<40x64xi32, #tpu.memory_space<hbm>>
        %dma_start3A_257 = arith.constant 0 : i32
        %dma_start3A_258 = tpu.memref_slice %arg3[%add3A_254, %dma_start3A_257] : memref<320000x64xi32, #tpu.memory_space<hbm>> -> memref<40x64xi32, #tpu.memory_space<hbm>>
        tpu.enqueue_dma source(%dma_start3A_258 : memref<40x64xi32, #tpu.memory_space<hbm>>) target(%arg11 : memref<40x64xi32, #tpu.memory_space<vmem>>) target_semaphore(%arg18 : memref<!tpu.dma_semaphore, #tpu.memory_space<semaphore_mem>>)
        %dma_start3A_259 = arith.constant 0 : i32
        %dma_start3A_260 = tpu.memref_slice %arg7[%add3A_249, %dma_start3A_259] : memref<250x40xi32, #tpu.memory_space<vmem>> -> memref<1x40xi32, #tpu.memory_space<vmem>>
        %dma_start3A_261 = tpu.memref_squeeze %dma_start3A_260 : memref<1x40xi32, #tpu.memory_space<vmem>> -> memref<40xi32, #tpu.memory_space<vmem>>
        %dma_start3A_262 = arith.constant 0 : i32
        %dma_start3A_263 = arith.constant 0 : i32
        %dma_start3A_264 = tpu.memref_slice %arg2[%dma_start3A_262, %dma_start3A_263] : memref<10000x64xi32, #tpu.memory_space<hbm>> -> memref<10000x64xi32, #tpu.memory_space<hbm>>
        tpu.enqueue_indirect_dma source(%dma_start3A_264 : memref<10000x64xi32, #tpu.memory_space<hbm>>) target(%arg9 : memref<40x64xi32, #tpu.memory_space<vmem>>) offsets(%dma_start3A_261 : memref<40xi32, #tpu.memory_space<vmem>>) semaphore(%arg20 : memref<!tpu.dma_semaphore, #tpu.memory_space<semaphore_mem>>)
        %dma_start3A_265 = arith.constant 0 : i32
        %dma_start3A_266 = tpu.memref_slice %arg15[%dma_start3A_265] : memref<48xf32, #tpu.memory_space<vmem>> -> memref<40xf32, #tpu.memory_space<vmem>>
        %dma_start3A_267 = arith.constant 0 : i32
        %dma_start3A_268 = tpu.memref_slice %arg5[%add3A, %add3A_249, %dma_start3A_267] : memref<32x250x40xf32, #tpu.memory_space<hbm>> -> memref<1x1x40xf32, #tpu.memory_space<hbm>>
        %dma_start3A_269 = tpu.memref_squeeze %dma_start3A_268 : memref<1x1x40xf32, #tpu.memory_space<hbm>> -> memref<40xf32, #tpu.memory_space<hbm>>
        %dma_start3A_270 = arith.constant 0 : i32
        %dma_start3A_271 = tpu.memref_slice %arg15[%dma_start3A_270] : memref<48xf32, #tpu.memory_space<vmem>> -> memref<40xf32, #tpu.memory_space<vmem>>
        %dma_start3A_272 = arith.constant 0 : i32
        %dma_start3A_273 = tpu.memref_slice %arg5[%add3A, %add3A_249, %dma_start3A_272] : memref<32x250x40xf32, #tpu.memory_space<hbm>> -> memref<1x1x40xf32, #tpu.memory_space<hbm>>
        %dma_start3A_274 = tpu.memref_squeeze %dma_start3A_273 : memref<1x1x40xf32, #tpu.memory_space<hbm>> -> memref<40xf32, #tpu.memory_space<hbm>>
        tpu.enqueue_dma source(%dma_start3A_274 : memref<40xf32, #tpu.memory_space<hbm>>) target(%dma_start3A_271 : memref<40xf32, #tpu.memory_space<vmem>>) target_semaphore(%arg22 : memref<!tpu.dma_semaphore, #tpu.memory_space<semaphore_mem>>)
      } else {
      }
      %dma_wait3A_208 = arith.constant 0 : i32
      %dma_wait3A_209 = arith.constant 0 : i32
      %dma_wait3A_210 = tpu.memref_slice %arg3[%dma_wait3A_208, %dma_wait3A_209] : memref<320000x64xi32, #tpu.memory_space<hbm>> -> memref<40x64xi32, #tpu.memory_space<hbm>>
      %dma_wait3A_211 = arith.constant 0 : i32
      %dma_wait3A_212 = arith.constant 0 : i32
      %dma_wait3A_213 = tpu.memref_slice %arg3[%dma_wait3A_211, %dma_wait3A_212] : memref<320000x64xi32, #tpu.memory_space<hbm>> -> memref<40x64xi32, #tpu.memory_space<hbm>>
      tpu.wait_dma2 semaphore(%arg19 : memref<!tpu.dma_semaphore, #tpu.memory_space<semaphore_mem>>) src(%dma_wait3A_213 : memref<40x64xi32, #tpu.memory_space<hbm>>) dst(%arg12 : memref<40x64xi32, #tpu.memory_space<vmem>>)
      %dma_wait3A_214 = arith.constant 0 : i32
      %dma_wait3A_215 = arith.constant 0 : i32
      %dma_wait3A_216 = tpu.memref_slice %arg3[%dma_wait3A_214, %dma_wait3A_215] : memref<320000x64xi32, #tpu.memory_space<hbm>> -> memref<40x64xi32, #tpu.memory_space<hbm>>
      %dma_wait3A_217 = arith.constant 0 : i32
      %dma_wait3A_218 = arith.constant 0 : i32
      %dma_wait3A_219 = tpu.memref_slice %arg3[%dma_wait3A_217, %dma_wait3A_218] : memref<320000x64xi32, #tpu.memory_space<hbm>> -> memref<40x64xi32, #tpu.memory_space<hbm>>
      tpu.wait_dma2 semaphore(%arg21 : memref<!tpu.dma_semaphore, #tpu.memory_space<semaphore_mem>>) src(%dma_wait3A_219 : memref<40x64xi32, #tpu.memory_space<hbm>>) dst(%arg10 : memref<40x64xi32, #tpu.memory_space<vmem>>)
      %dma_wait3A_220 = arith.constant 0 : i32
      %dma_wait3A_221 = arith.constant 0 : i32
      %dma_wait3A_222 = arith.constant 0 : i32
      %dma_wait3A_223 = tpu.memref_slice %arg16[%dma_wait3A_222] : memref<48xf32, #tpu.memory_space<vmem>> -> memref<40xf32, #tpu.memory_space<vmem>>
      %dma_wait3A_224 = arith.constant 0 : i32
      %dma_wait3A_225 = tpu.memref_slice %arg5[%dma_wait3A_220, %dma_wait3A_221, %dma_wait3A_224] : memref<32x250x40xf32, #tpu.memory_space<hbm>> -> memref<1x1x40xf32, #tpu.memory_space<hbm>>
      %dma_wait3A_226 = tpu.memref_squeeze %dma_wait3A_225 : memref<1x1x40xf32, #tpu.memory_space<hbm>> -> memref<40xf32, #tpu.memory_space<hbm>>
      %dma_wait3A_227 = arith.constant 0 : i32
      %dma_wait3A_228 = tpu.memref_slice %arg16[%dma_wait3A_227] : memref<48xf32, #tpu.memory_space<vmem>> -> memref<40xf32, #tpu.memory_space<vmem>>
      %dma_wait3A_229 = arith.constant 0 : i32
      %dma_wait3A_230 = tpu.memref_slice %arg5[%dma_wait3A_220, %dma_wait3A_221, %dma_wait3A_229] : memref<32x250x40xf32, #tpu.memory_space<hbm>> -> memref<1x1x40xf32, #tpu.memory_space<hbm>>
      %dma_wait3A_231 = tpu.memref_squeeze %dma_wait3A_230 : memref<1x1x40xf32, #tpu.memory_space<hbm>> -> memref<40xf32, #tpu.memory_space<hbm>>
      tpu.wait_dma2 semaphore(%arg23 : memref<!tpu.dma_semaphore, #tpu.memory_space<semaphore_mem>>) src(%dma_wait3A_231 : memref<40xf32, #tpu.memory_space<hbm>>) dst(%dma_wait3A_228 : memref<40xf32, #tpu.memory_space<vmem>>)
      %scan3A_232 = arith.constant 0 : i32
      %scan3A_233 = arith.constant 0 : i32
      %scan3A_234 = arith.constant 5 : i32
      %scan3A_235 = arith.addi %scan3A_233, %scan3A_234 : i32
      %scan3A_236 = arith.constant 1 : i32
      %scan3A_237 = scf.for %scan3A_248 = %scan3A_233 to %scan3A_235 step %scan3A_236 iter_args(%scan3A_249 = %scan3A_232) -> (i32)  : i32 {
        %mul3A_250 = arith.constant 8 : i32
        %mul3A_251 = arith.muli %scan3A_248, %mul3A_250 : i32
        %get3A = arith.index_cast %mul3A_251 : i32 to index
        %get3A_252 = tpu.vector_load %arg16[%get3A] {strides = array<i32>} : memref<48xf32, #tpu.memory_space<vmem>>, vector<16xf32>,
        %slice3A = vector.extract_strided_slice %get3A_252 {offsets = [0], sizes = [1], strides = [1]} : vector<16xf32> to vector<1xf32>
        %squeeze3A = vector.extract %slice3A[0] : f32 from vector<1xf32>
        %mul3A_253 = arith.constant 8 : i32
        %mul3A_254 = arith.muli %scan3A_248, %mul3A_253 : i32
        %add3A_255 = arith.constant 0 : i32
        %add3A_256 = arith.addi %mul3A_254, %add3A_255 : i32
        %get3A_257 = arith.index_cast %add3A_256 : i32 to index
        %get3A_258 = arith.constant 0 : index
        %get3A_259 = tpu.vector_load %arg12[%get3A_257, %get3A_258] {strides = array<i32>} : memref<40x64xi32, #tpu.memory_space<vmem>>, vector<16xi32>,
        %get3A_260 = arith.index_cast %add3A_256 : i32 to index
        %get3A_261 = arith.constant 0 : index
        %get3A_262 = tpu.vector_load %arg10[%get3A_260, %get3A_261] {strides = array<i32>} : memref<40x64xi32, #tpu.memory_space<vmem>>, vector<16xi32>,
        %shift_left3A = arith.constant 16 : i32
        %shift_left3A_263 = vector.broadcast %shift_left3A : i32 to vector<16xi32>
        %shift_left3A_264 = arith.shli %get3A_259, %shift_left3A_263 : vector<16xi32>
        %bitcast3A = vector.bitcast %shift_left3A_264 : vector<16xi32> to vector<16xf32>
        %shift_left3A_265 = arith.constant 16 : i32
        %shift_left3A_266 = vector.broadcast %shift_left3A_265 : i32 to vector<16xi32>
        %shift_left3A_267 = arith.shli %get3A_262, %shift_left3A_266 : vector<16xi32>
        %bitcast3A_268 = vector.bitcast %shift_left3A_267 : vector<16xi32> to vector<16xf32>
        %and3A = vector.broadcast %scan3A_97 : i32 to vector<16xi32>
        %and3A_269 = arith.andi %get3A_259, %and3A : vector<16xi32>
        %bitcast3A_270 = vector.bitcast %and3A_269 : vector<16xi32> to vector<16xf32>
        %and3A_271 = vector.broadcast %scan3A_97 : i32 to vector<16xi32>
        %and3A_272 = arith.andi %get3A_262, %and3A_271 : vector<16xi32>
        %bitcast3A_273 = vector.bitcast %and3A_272 : vector<16xi32> to vector<16xf32>
        %mul3A_274 = arith.mulf %bitcast3A, %bitcast3A_268 : vector<16xf32>
        %mul3A_275 = vector.broadcast %squeeze3A : f32 to vector<16xf32>
        %mul3A_276 = arith.mulf %mul3A_274, %mul3A_275 : vector<16xf32>
        %swap3A = arith.index_cast %add3A_256 : i32 to index
        %swap3A_277 = arith.constant 0 : index
        %swap3A_278 = tpu.vector_load %arg14[%swap3A, %swap3A_277] {strides = array<i32>} : memref<40x128xf32, #tpu.memory_space<vmem>>, vector<16xf32>,
        tpu.vector_store %arg14[%swap3A, %swap3A_277], %mul3A_276 {strides = array<i32>} : memref<40x128xf32, #tpu.memory_space<vmem>>, vector<16xf32>,
        %mul3A_279 = arith.mulf %bitcast3A_270, %bitcast3A_273 : vector<16xf32>
        %mul3A_280 = vector.broadcast %squeeze3A : f32 to vector<16xf32>
        %mul3A_281 = arith.mulf %mul3A_279, %mul3A_280 : vector<16xf32>
        %swap3A_282 = arith.index_cast %add3A_256 : i32 to index
        %swap3A_283 = arith.constant 16 : index
        %swap3A_284 = tpu.vector_load %arg14[%swap3A_282, %swap3A_283] {strides = array<i32>} : memref<40x128xf32, #tpu.memory_space<vmem>>, vector<16xf32>,
        tpu.vector_store %arg14[%swap3A_282, %swap3A_283], %mul3A_281 {strides = array<i32>} : memref<40x128xf32, #tpu.memory_space<vmem>>, vector<16xf32>,
        %get3A_285 = arith.index_cast %add3A_256 : i32 to index
        %get3A_286 = arith.constant 16 : index
        %get3A_287 = tpu.vector_load %arg12[%get3A_285, %get3A_286] {strides = array<i32>} : memref<40x64xi32, #tpu.memory_space<vmem>>, vector<16xi32>,
        %get3A_288 = arith.index_cast %add3A_256 : i32 to index
        %get3A_289 = arith.constant 16 : index
        %get3A_290 = tpu.vector_load %arg10[%get3A_288, %get3A_289] {strides = array<i32>} : memref<40x64xi32, #tpu.memory_space<vmem>>, vector<16xi32>,
        %shift_left3A_291 = arith.constant 16 : i32
        %shift_left3A_292 = vector.broadcast %shift_left3A_291 : i32 to vector<16xi32>
        %shift_left3A_293 = arith.shli %get3A_287, %shift_left3A_292 : vector<16xi32>
        %bitcast3A_294 = vector.bitcast %shift_left3A_293 : vector<16xi32> to vector<16xf32>
        %shift_left3A_295 = arith.constant 16 : i32
        %shift_left3A_296 = vector.broadcast %shift_left3A_295 : i32 to vector<16xi32>
        %shift_left3A_297 = arith.shli %get3A_290, %shift_left3A_296 : vector<16xi32>
        %bitcast3A_298 = vector.bitcast %shift_left3A_297 : vector<16xi32> to vector<16xf32>
        %and3A_299 = vector.broadcast %scan3A_97 : i32 to vector<16xi32>
        %and3A_300 = arith.andi %get3A_287, %and3A_299 : vector<16xi32>
        %bitcast3A_301 = vector.bitcast %and3A_300 : vector<16xi32> to vector<16xf32>
        %and3A_302 = vector.broadcast %scan3A_97 : i32 to vector<16xi32>
        %and3A_303 = arith.andi %get3A_290, %and3A_302 : vector<16xi32>
        %bitcast3A_304 = vector.bitcast %and3A_303 : vector<16xi32> to vector<16xf32>
        %mul3A_305 = arith.mulf %bitcast3A_294, %bitcast3A_298 : vector<16xf32>
        %mul3A_306 = vector.broadcast %squeeze3A : f32 to vector<16xf32>
        %mul3A_307 = arith.mulf %mul3A_305, %mul3A_306 : vector<16xf32>
        %swap3A_308 = arith.index_cast %add3A_256 : i32 to index
        %swap3A_309 = arith.constant 32 : index
        %swap3A_310 = tpu.vector_load %arg14[%swap3A_308, %swap3A_309] {strides = array<i32>} : memref<40x128xf32, #tpu.memory_space<vmem>>, vector<16xf32>,
        tpu.vector_store %arg14[%swap3A_308, %swap3A_309], %mul3A_307 {strides = array<i32>} : memref<40x128xf32, #tpu.memory_space<vmem>>, vector<16xf32>,
        %mul3A_311 = arith.mulf %bitcast3A_301, %bitcast3A_304 : vector<16xf32>
        %mul3A_312 = vector.broadcast %squeeze3A : f32 to vector<16xf32>
        %mul3A_313 = arith.mulf %mul3A_311, %mul3A_312 : vector<16xf32>
        %swap3A_314 = arith.index_cast %add3A_256 : i32 to index
        %swap3A_315 = arith.constant 48 : index
        %swap3A_316 = tpu.vector_load %arg14[%swap3A_314, %swap3A_315] {strides = array<i32>} : memref<40x128xf32, #tpu.memory_space<vmem>>, vector<16xf32>,
        tpu.vector_store %arg14[%swap3A_314, %swap3A_315], %mul3A_313 {strides = array<i32>} : memref<40x128xf32, #tpu.memory_space<vmem>>, vector<16xf32>,
        %get3A_317 = arith.index_cast %add3A_256 : i32 to index
        %get3A_318 = arith.constant 32 : index
        %get3A_319 = tpu.vector_load %arg12[%get3A_317, %get3A_318] {strides = array<i32>} : memref<40x64xi32, #tpu.memory_space<vmem>>, vector<16xi32>,
        %get3A_320 = arith.index_cast %add3A_256 : i32 to index
        %get3A_321 = arith.constant 32 : index
        %get3A_322 = tpu.vector_load %arg10[%get3A_320, %get3A_321] {strides = array<i32>} : memref<40x64xi32, #tpu.memory_space<vmem>>, vector<16xi32>,
        %shift_left3A_323 = arith.constant 16 : i32
        %shift_left3A_324 = vector.broadcast %shift_left3A_323 : i32 to vector<16xi32>
        %shift_left3A_325 = arith.shli %get3A_319, %shift_left3A_324 : vector<16xi32>
        %bitcast3A_326 = vector.bitcast %shift_left3A_325 : vector<16xi32> to vector<16xf32>
        %shift_left3A_327 = arith.constant 16 : i32
        %shift_left3A_328 = vector.broadcast %shift_left3A_327 : i32 to vector<16xi32>
        %shift_left3A_329 = arith.shli %get3A_322, %shift_left3A_328 : vector<16xi32>
        %bitcast3A_330 = vector.bitcast %shift_left3A_329 : vector<16xi32> to vector<16xf32>
        %and3A_331 = vector.broadcast %scan3A_97 : i32 to vector<16xi32>
        %and3A_332 = arith.andi %get3A_319, %and3A_331 : vector<16xi32>
        %bitcast3A_333 = vector.bitcast %and3A_332 : vector<16xi32> to vector<16xf32>
        %and3A_334 = vector.broadcast %scan3A_97 : i32 to vector<16xi32>
        %and3A_335 = arith.andi %get3A_322, %and3A_334 : vector<16xi32>
        %bitcast3A_336 = vector.bitcast %and3A_335 : vector<16xi32> to vector<16xf32>
        %mul3A_337 = arith.mulf %bitcast3A_326, %bitcast3A_330 : vector<16xf32>
        %mul3A_338 = vector.broadcast %squeeze3A : f32 to vector<16xf32>
        %mul3A_339 = arith.mulf %mul3A_337, %mul3A_338 : vector<16xf32>
        %swap3A_340 = arith.index_cast %add3A_256 : i32 to index
        %swap3A_341 = arith.constant 64 : index
        %swap3A_342 = tpu.vector_load %arg14[%swap3A_340, %swap3A_341] {strides = array<i32>} : memref<40x128xf32, #tpu.memory_space<vmem>>, vector<16xf32>,
        tpu.vector_store %arg14[%swap3A_340, %swap3A_341], %mul3A_339 {strides = array<i32>} : memref<40x128xf32, #tpu.memory_space<vmem>>, vector<16xf32>,
        %mul3A_343 = arith.mulf %bitcast3A_333, %bitcast3A_336 : vector<16xf32>
        %mul3A_344 = vector.broadcast %squeeze3A : f32 to vector<16xf32>
        %mul3A_345 = arith.mulf %mul3A_343, %mul3A_344 : vector<16xf32>
        %swap3A_346 = arith.index_cast %add3A_256 : i32 to index
        %swap3A_347 = arith.constant 80 : index
        %swap3A_348 = tpu.vector_load %arg14[%swap3A_346, %swap3A_347] {strides = array<i32>} : memref<40x128xf32, #tpu.memory_space<vmem>>, vector<16xf32>,
        tpu.vector_store %arg14[%swap3A_346, %swap3A_347], %mul3A_345 {strides = array<i32>} : memref<40x128xf32, #tpu.memory_space<vmem>>, vector<16xf32>,
        %get3A_349 = arith.index_cast %add3A_256 : i32 to index
        %get3A_350 = arith.constant 48 : index
        %get3A_351 = tpu.vector_load %arg12[%get3A_349, %get3A_350] {strides = array<i32>} : memref<40x64xi32, #tpu.memory_space<vmem>>, vector<16xi32>,
        %get3A_352 = arith.index_cast %add3A_256 : i32 to index
        %get3A_353 = arith.constant 48 : index
        %get3A_354 = tpu.vector_load %arg10[%get3A_352, %get3A_353] {strides = array<i32>} : memref<40x64xi32, #tpu.memory_space<vmem>>, vector<16xi32>,
        %shift_left3A_355 = arith.constant 16 : i32
        %shift_left3A_356 = vector.broadcast %shift_left3A_355 : i32 to vector<16xi32>
        %shift_left3A_357 = arith.shli %get3A_351, %shift_left3A_356 : vector<16xi32>
        %bitcast3A_358 = vector.bitcast %shift_left3A_357 : vector<16xi32> to vector<16xf32>
        %shift_left3A_359 = arith.constant 16 : i32
        %shift_left3A_360 = vector.broadcast %shift_left3A_359 : i32 to vector<16xi32>
        %shift_left3A_361 = arith.shli %get3A_354, %shift_left3A_360 : vector<16xi32>
        %bitcast3A_362 = vector.bitcast %shift_left3A_361 : vector<16xi32> to vector<16xf32>
        %and3A_363 = vector.broadcast %scan3A_97 : i32 to vector<16xi32>
        %and3A_364 = arith.andi %get3A_351, %and3A_363 : vector<16xi32>
        %bitcast3A_365 = vector.bitcast %and3A_364 : vector<16xi32> to vector<16xf32>
        %and3A_366 = vector.broadcast %scan3A_97 : i32 to vector<16xi32>
        %and3A_367 = arith.andi %get3A_354, %and3A_366 : vector<16xi32>
        %bitcast3A_368 = vector.bitcast %and3A_367 : vector<16xi32> to vector<16xf32>
        %mul3A_369 = arith.mulf %bitcast3A_358, %bitcast3A_362 : vector<16xf32>
        %mul3A_370 = vector.broadcast %squeeze3A : f32 to vector<16xf32>
        %mul3A_371 = arith.mulf %mul3A_369, %mul3A_370 : vector<16xf32>
        %swap3A_372 = arith.index_cast %add3A_256 : i32 to index
        %swap3A_373 = arith.constant 96 : index
        %swap3A_374 = tpu.vector_load %arg14[%swap3A_372, %swap3A_373] {strides = array<i32>} : memref<40x128xf32, #tpu.memory_space<vmem>>, vector<16xf32>,
        tpu.vector_store %arg14[%swap3A_372, %swap3A_373], %mul3A_371 {strides = array<i32>} : memref<40x128xf32, #tpu.memory_space<vmem>>, vector<16xf32>,
        %mul3A_375 = arith.mulf %bitcast3A_365, %bitcast3A_368 : vector<16xf32>
        %mul3A_376 = vector.broadcast %squeeze3A : f32 to vector<16xf32>
        %mul3A_377 = arith.mulf %mul3A_375, %mul3A_376 : vector<16xf32>
        %swap3A_378 = arith.index_cast %add3A_256 : i32 to index
        %swap3A_379 = arith.constant 112 : index
        %swap3A_380 = tpu.vector_load %arg14[%swap3A_378, %swap3A_379] {strides = array<i32>} : memref<40x128xf32, #tpu.memory_space<vmem>>, vector<16xf32>,
        tpu.vector_store %arg14[%swap3A_378, %swap3A_379], %mul3A_377 {strides = array<i32>} : memref<40x128xf32, #tpu.memory_space<vmem>>, vector<16xf32>,
        %slice3A_381 = vector.extract_strided_slice %get3A_252 {offsets = [1], sizes = [1], strides = [1]} : vector<16xf32> to vector<1xf32>
        %squeeze3A_382 = vector.extract %slice3A_381[0] : f32 from vector<1xf32>
        %mul3A_383 = arith.constant 8 : i32
        %mul3A_384 = arith.muli %scan3A_248, %mul3A_383 : i32
        %add3A_385 = arith.constant 1 : i32
        %add3A_386 = arith.addi %mul3A_384, %add3A_385 : i32
        %get3A_387 = arith.index_cast %add3A_386 : i32 to index
        %get3A_388 = arith.constant 0 : index
        %get3A_389 = tpu.vector_load %arg12[%get3A_387, %get3A_388] {strides = array<i32>} : memref<40x64xi32, #tpu.memory_space<vmem>>, vector<16xi32>,
        %get3A_390 = arith.index_cast %add3A_386 : i32 to index
        %get3A_391 = arith.constant 0 : index
        %get3A_392 = tpu.vector_load %arg10[%get3A_390, %get3A_391] {strides = array<i32>} : memref<40x64xi32, #tpu.memory_space<vmem>>, vector<16xi32>,
        %shift_left3A_393 = arith.constant 16 : i32
        %shift_left3A_394 = vector.broadcast %shift_left3A_393 : i32 to vector<16xi32>
        %shift_left3A_395 = arith.shli %get3A_389, %shift_left3A_394 : vector<16xi32>
        %bitcast3A_396 = vector.bitcast %shift_left3A_395 : vector<16xi32> to vector<16xf32>
        %shift_left3A_397 = arith.constant 16 : i32
        %shift_left3A_398 = vector.broadcast %shift_left3A_397 : i32 to vector<16xi32>
        %shift_left3A_399 = arith.shli %get3A_392, %shift_left3A_398 : vector<16xi32>
        %bitcast3A_400 = vector.bitcast %shift_left3A_399 : vector<16xi32> to vector<16xf32>
        %and3A_401 = vector.broadcast %scan3A_97 : i32 to vector<16xi32>
        %and3A_402 = arith.andi %get3A_389, %and3A_401 : vector<16xi32>
        %bitcast3A_403 = vector.bitcast %and3A_402 : vector<16xi32> to vector<16xf32>
        %and3A_404 = vector.broadcast %scan3A_97 : i32 to vector<16xi32>
        %and3A_405 = arith.andi %get3A_392, %and3A_404 : vector<16xi32>
        %bitcast3A_406 = vector.bitcast %and3A_405 : vector<16xi32> to vector<16xf32>
        %mul3A_407 = arith.mulf %bitcast3A_396, %bitcast3A_400 : vector<16xf32>
        %mul3A_408 = vector.broadcast %squeeze3A_382 : f32 to vector<16xf32>
        %mul3A_409 = arith.mulf %mul3A_407, %mul3A_408 : vector<16xf32>
        %swap3A_410 = arith.index_cast %add3A_386 : i32 to index
        %swap3A_411 = arith.constant 0 : index
        %swap3A_412 = tpu.vector_load %arg14[%swap3A_410, %swap3A_411] {strides = array<i32>} : memref<40x128xf32, #tpu.memory_space<vmem>>, vector<16xf32>,
        tpu.vector_store %arg14[%swap3A_410, %swap3A_411], %mul3A_409 {strides = array<i32>} : memref<40x128xf32, #tpu.memory_space<vmem>>, vector<16xf32>,
        %mul3A_413 = arith.mulf %bitcast3A_403, %bitcast3A_406 : vector<16xf32>
        %mul3A_414 = vector.broadcast %squeeze3A_382 : f32 to vector<16xf32>
        %mul3A_415 = arith.mulf %mul3A_413, %mul3A_414 : vector<16xf32>
        %swap3A_416 = arith.index_cast %add3A_386 : i32 to index
        %swap3A_417 = arith.constant 16 : index
        %swap3A_418 = tpu.vector_load %arg14[%swap3A_416, %swap3A_417] {strides = array<i32>} : memref<40x128xf32, #tpu.memory_space<vmem>>, vector<16xf32>,
        tpu.vector_store %arg14[%swap3A_416, %swap3A_417], %mul3A_415 {strides = array<i32>} : memref<40x128xf32, #tpu.memory_space<vmem>>, vector<16xf32>,
        %get3A_419 = arith.index_cast %add3A_386 : i32 to index
        %get3A_420 = arith.constant 16 : index
        %get3A_421 = tpu.vector_load %arg12[%get3A_419, %get3A_420] {strides = array<i32>} : memref<40x64xi32, #tpu.memory_space<vmem>>, vector<16xi32>,
        %get3A_422 = arith.index_cast %add3A_386 : i32 to index
        %get3A_423 = arith.constant 16 : index
        %get3A_424 = tpu.vector_load %arg10[%get3A_422, %get3A_423] {strides = array<i32>} : memref<40x64xi32, #tpu.memory_space<vmem>>, vector<16xi32>,
        %shift_left3A_425 = arith.constant 16 : i32
        %shift_left3A_426 = vector.broadcast %shift_left3A_425 : i32 to vector<16xi32>
        %shift_left3A_427 = arith.shli %get3A_421, %shift_left3A_426 : vector<16xi32>
        %bitcast3A_428 = vector.bitcast %shift_left3A_427 : vector<16xi32> to vector<16xf32>
        %shift_left3A_429 = arith.constant 16 : i32
        %shift_left3A_430 = vector.broadcast %shift_left3A_429 : i32 to vector<16xi32>
        %shift_left3A_431 = arith.shli %get3A_424, %shift_left3A_430 : vector<16xi32>
        %bitcast3A_432 = vector.bitcast %shift_left3A_431 : vector<16xi32> to vector<16xf32>
        %and3A_433 = vector.broadcast %scan3A_97 : i32 to vector<16xi32>
        %and3A_434 = arith.andi %get3A_421, %and3A_433 : vector<16xi32>
        %bitcast3A_435 = vector.bitcast %and3A_434 : vector<16xi32> to vector<16xf32>
        %and3A_436 = vector.broadcast %scan3A_97 : i32 to vector<16xi32>
        %and3A_437 = arith.andi %get3A_424, %and3A_436 : vector<16xi32>
        %bitcast3A_438 = vector.bitcast %and3A_437 : vector<16xi32> to vector<16xf32>
        %mul3A_439 = arith.mulf %bitcast3A_428, %bitcast3A_432 : vector<16xf32>
        %mul3A_440 = vector.broadcast %squeeze3A_382 : f32 to vector<16xf32>
        %mul3A_441 = arith.mulf %mul3A_439, %mul3A_440 : vector<16xf32>
        %swap3A_442 = arith.index_cast %add3A_386 : i32 to index
        %swap3A_443 = arith.constant 32 : index
        %swap3A_444 = tpu.vector_load %arg14[%swap3A_442, %swap3A_443] {strides = array<i32>} : memref<40x128xf32, #tpu.memory_space<vmem>>, vector<16xf32>,
        tpu.vector_store %arg14[%swap3A_442, %swap3A_443], %mul3A_441 {strides = array<i32>} : memref<40x128xf32, #tpu.memory_space<vmem>>, vector<16xf32>,
        %mul3A_445 = arith.mulf %bitcast3A_435, %bitcast3A_438 : vector<16xf32>
        %mul3A_446 = vector.broadcast %squeeze3A_382 : f32 to vector<16xf32>
        %mul3A_447 = arith.mulf %mul3A_445, %mul3A_446 : vector<16xf32>
        %swap3A_448 = arith.index_cast %add3A_386 : i32 to index
        %swap3A_449 = arith.constant 48 : index
        %swap3A_450 = tpu.vector_load %arg14[%swap3A_448, %swap3A_449] {strides = array<i32>} : memref<40x128xf32, #tpu.memory_space<vmem>>, vector<16xf32>,
        tpu.vector_store %arg14[%swap3A_448, %swap3A_449], %mul3A_447 {strides = array<i32>} : memref<40x128xf32, #tpu.memory_space<vmem>>, vector<16xf32>,
        %get3A_451 = arith.index_cast %add3A_386 : i32 to index
        %get3A_452 = arith.constant 32 : index
        %get3A_453 = tpu.vector_load %arg12[%get3A_451, %get3A_452] {strides = array<i32>} : memref<40x64xi32, #tpu.memory_space<vmem>>, vector<16xi32>,
        %get3A_454 = arith.index_cast %add3A_386 : i32 to index
        %get3A_455 = arith.constant 32 : index
        %get3A_456 = tpu.vector_load %arg10[%get3A_454, %get3A_455] {strides = array<i32>} : memref<40x64xi32, #tpu.memory_space<vmem>>, vector<16xi32>,
        %shift_left3A_457 = arith.constant 16 : i32
        %shift_left3A_458 = vector.broadcast %shift_left3A_457 : i32 to vector<16xi32>
        %shift_left3A_459 = arith.shli %get3A_453, %shift_left3A_458 : vector<16xi32>
        %bitcast3A_460 = vector.bitcast %shift_left3A_459 : vector<16xi32> to vector<16xf32>
        %shift_left3A_461 = arith.constant 16 : i32
        %shift_left3A_462 = vector.broadcast %shift_left3A_461 : i32 to vector<16xi32>
        %shift_left3A_463 = arith.shli %get3A_456, %shift_left3A_462 : vector<16xi32>
        %bitcast3A_464 = vector.bitcast %shift_left3A_463 : vector<16xi32> to vector<16xf32>
        %and3A_465 = vector.broadcast %scan3A_97 : i32 to vector<16xi32>
        %and3A_466 = arith.andi %get3A_453, %and3A_465 : vector<16xi32>
        %bitcast3A_467 = vector.bitcast %and3A_466 : vector<16xi32> to vector<16xf32>
        %and3A_468 = vector.broadcast %scan3A_97 : i32 to vector<16xi32>
        %and3A_469 = arith.andi %get3A_456, %and3A_468 : vector<16xi32>
        %bitcast3A_470 = vector.bitcast %and3A_469 : vector<16xi32> to vector<16xf32>
        %mul3A_471 = arith.mulf %bitcast3A_460, %bitcast3A_464 : vector<16xf32>
        %mul3A_472 = vector.broadcast %squeeze3A_382 : f32 to vector<16xf32>
        %mul3A_473 = arith.mulf %mul3A_471, %mul3A_472 : vector<16xf32>
        %swap3A_474 = arith.index_cast %add3A_386 : i32 to index
        %swap3A_475 = arith.constant 64 : index
        %swap3A_476 = tpu.vector_load %arg14[%swap3A_474, %swap3A_475] {strides = array<i32>} : memref<40x128xf32, #tpu.memory_space<vmem>>, vector<16xf32>,
        tpu.vector_store %arg14[%swap3A_474, %swap3A_475], %mul3A_473 {strides = array<i32>} : memref<40x128xf32, #tpu.memory_space<vmem>>, vector<16xf32>,
        %mul3A_477 = arith.mulf %bitcast3A_467, %bitcast3A_470 : vector<16xf32>
        %mul3A_478 = vector.broadcast %squeeze3A_382 : f32 to vector<16xf32>
        %mul3A_479 = arith.mulf %mul3A_477, %mul3A_478 : vector<16xf32>
        %swap3A_480 = arith.index_cast %add3A_386 : i32 to index
        %swap3A_481 = arith.constant 80 : index
        %swap3A_482 = tpu.vector_load %arg14[%swap3A_480, %swap3A_481] {strides = array<i32>} : memref<40x128xf32, #tpu.memory_space<vmem>>, vector<16xf32>,
        tpu.vector_store %arg14[%swap3A_480, %swap3A_481], %mul3A_479 {strides = array<i32>} : memref<40x128xf32, #tpu.memory_space<vmem>>, vector<16xf32>,
        %get3A_483 = arith.index_cast %add3A_386 : i32 to index
        %get3A_484 = arith.constant 48 : index
        %get3A_485 = tpu.vector_load %arg12[%get3A_483, %get3A_484] {strides = array<i32>} : memref<40x64xi32, #tpu.memory_space<vmem>>, vector<16xi32>,
        %get3A_486 = arith.index_cast %add3A_386 : i32 to index
        %get3A_487 = arith.constant 48 : index
        %get3A_488 = tpu.vector_load %arg10[%get3A_486, %get3A_487] {strides = array<i32>} : memref<40x64xi32, #tpu.memory_space<vmem>>, vector<16xi32>,
        %shift_left3A_489 = arith.constant 16 : i32
        %shift_left3A_490 = vector.broadcast %shift_left3A_489 : i32 to vector<16xi32>
        %shift_left3A_491 = arith.shli %get3A_485, %shift_left3A_490 : vector<16xi32>
        %bitcast3A_492 = vector.bitcast %shift_left3A_491 : vector<16xi32> to vector<16xf32>
        %shift_left3A_493 = arith.constant 16 : i32
        %shift_left3A_494 = vector.broadcast %shift_left3A_493 : i32 to vector<16xi32>
        %shift_left3A_495 = arith.shli %get3A_488, %shift_left3A_494 : vector<16xi32>
        %bitcast3A_496 = vector.bitcast %shift_left3A_495 : vector<16xi32> to vector<16xf32>
        %and3A_497 = vector.broadcast %scan3A_97 : i32 to vector<16xi32>
        %and3A_498 = arith.andi %get3A_485, %and3A_497 : vector<16xi32>
        %bitcast3A_499 = vector.bitcast %and3A_498 : vector<16xi32> to vector<16xf32>
        %and3A_500 = vector.broadcast %scan3A_97 : i32 to vector<16xi32>
        %and3A_501 = arith.andi %get3A_488, %and3A_500 : vector<16xi32>
        %bitcast3A_502 = vector.bitcast %and3A_501 : vector<16xi32> to vector<16xf32>
        %mul3A_503 = arith.mulf %bitcast3A_492, %bitcast3A_496 : vector<16xf32>
        %mul3A_504 = vector.broadcast %squeeze3A_382 : f32 to vector<16xf32>
        %mul3A_505 = arith.mulf %mul3A_503, %mul3A_504 : vector<16xf32>
        %swap3A_506 = arith.index_cast %add3A_386 : i32 to index
        %swap3A_507 = arith.constant 96 : index
        %swap3A_508 = tpu.vector_load %arg14[%swap3A_506, %swap3A_507] {strides = array<i32>} : memref<40x128xf32, #tpu.memory_space<vmem>>, vector<16xf32>,
        tpu.vector_store %arg14[%swap3A_506, %swap3A_507], %mul3A_505 {strides = array<i32>} : memref<40x128xf32, #tpu.memory_space<vmem>>, vector<16xf32>,
        %mul3A_509 = arith.mulf %bitcast3A_499, %bitcast3A_502 : vector<16xf32>
        %mul3A_510 = vector.broadcast %squeeze3A_382 : f32 to vector<16xf32>
        %mul3A_511 = arith.mulf %mul3A_509, %mul3A_510 : vector<16xf32>
        %swap3A_512 = arith.index_cast %add3A_386 : i32 to index
        %swap3A_513 = arith.constant 112 : index
        %swap3A_514 = tpu.vector_load %arg14[%swap3A_512, %swap3A_513] {strides = array<i32>} : memref<40x128xf32, #tpu.memory_space<vmem>>, vector<16xf32>,
        tpu.vector_store %arg14[%swap3A_512, %swap3A_513], %mul3A_511 {strides = array<i32>} : memref<40x128xf32, #tpu.memory_space<vmem>>, vector<16xf32>,
        %slice3A_515 = vector.extract_strided_slice %get3A_252 {offsets = [2], sizes = [1], strides = [1]} : vector<16xf32> to vector<1xf32>
        %squeeze3A_516 = vector.extract %slice3A_515[0] : f32 from vector<1xf32>
        %mul3A_517 = arith.constant 8 : i32
        %mul3A_518 = arith.muli %scan3A_248, %mul3A_517 : i32
        %add3A_519 = arith.constant 2 : i32
        %add3A_520 = arith.addi %mul3A_518, %add3A_519 : i32
        %get3A_521 = arith.index_cast %add3A_520 : i32 to index
        %get3A_522 = arith.constant 0 : index
        %get3A_523 = tpu.vector_load %arg12[%get3A_521, %get3A_522] {strides = array<i32>} : memref<40x64xi32, #tpu.memory_space<vmem>>, vector<16xi32>,
        %get3A_524 = arith.index_cast %add3A_520 : i32 to index
        %get3A_525 = arith.constant 0 : index
        %get3A_526 = tpu.vector_load %arg10[%get3A_524, %get3A_525] {strides = array<i32>} : memref<40x64xi32, #tpu.memory_space<vmem>>, vector<16xi32>,
        %shift_left3A_527 = arith.constant 16 : i32
        %shift_left3A_528 = vector.broadcast %shift_left3A_527 : i32 to vector<16xi32>
        %shift_left3A_529 = arith.shli %get3A_523, %shift_left3A_528 : vector<16xi32>
        %bitcast3A_530 = vector.bitcast %shift_left3A_529 : vector<16xi32> to vector<16xf32>
        %shift_left3A_531 = arith.constant 16 : i32
        %shift_left3A_532 = vector.broadcast %shift_left3A_531 : i32 to vector<16xi32>
        %shift_left3A_533 = arith.shli %get3A_526, %shift_left3A_532 : vector<16xi32>
        %bitcast3A_534 = vector.bitcast %shift_left3A_533 : vector<16xi32> to vector<16xf32>
        %and3A_535 = vector.broadcast %scan3A_97 : i32 to vector<16xi32>
        %and3A_536 = arith.andi %get3A_523, %and3A_535 : vector<16xi32>
        %bitcast3A_537 = vector.bitcast %and3A_536 : vector<16xi32> to vector<16xf32>
        %and3A_538 = vector.broadcast %scan3A_97 : i32 to vector<16xi32>
        %and3A_539 = arith.andi %get3A_526, %and3A_538 : vector<16xi32>
        %bitcast3A_540 = vector.bitcast %and3A_539 : vector<16xi32> to vector<16xf32>
        %mul3A_541 = arith.mulf %bitcast3A_530, %bitcast3A_534 : vector<16xf32>
        %mul3A_542 = vector.broadcast %squeeze3A_516 : f32 to vector<16xf32>
        %mul3A_543 = arith.mulf %mul3A_541, %mul3A_542 : vector<16xf32>
        %swap3A_544 = arith.index_cast %add3A_520 : i32 to index
        %swap3A_545 = arith.constant 0 : index
        %swap3A_546 = tpu.vector_load %arg14[%swap3A_544, %swap3A_545] {strides = array<i32>} : memref<40x128xf32, #tpu.memory_space<vmem>>, vector<16xf32>,
        tpu.vector_store %arg14[%swap3A_544, %swap3A_545], %mul3A_543 {strides = array<i32>} : memref<40x128xf32, #tpu.memory_space<vmem>>, vector<16xf32>,
        %mul3A_547 = arith.mulf %bitcast3A_537, %bitcast3A_540 : vector<16xf32>
        %mul3A_548 = vector.broadcast %squeeze3A_516 : f32 to vector<16xf32>
        %mul3A_549 = arith.mulf %mul3A_547, %mul3A_548 : vector<16xf32>
        %swap3A_550 = arith.index_cast %add3A_520 : i32 to index
        %swap3A_551 = arith.constant 16 : index
        %swap3A_552 = tpu.vector_load %arg14[%swap3A_550, %swap3A_551] {strides = array<i32>} : memref<40x128xf32, #tpu.memory_space<vmem>>, vector<16xf32>,
        tpu.vector_store %arg14[%swap3A_550, %swap3A_551], %mul3A_549 {strides = array<i32>} : memref<40x128xf32, #tpu.memory_space<vmem>>, vector<16xf32>,
        %get3A_553 = arith.index_cast %add3A_520 : i32 to index
        %get3A_554 = arith.constant 16 : index
        %get3A_555 = tpu.vector_load %arg12[%get3A_553, %get3A_554] {strides = array<i32>} : memref<40x64xi32, #tpu.memory_space<vmem>>, vector<16xi32>,
        %get3A_556 = arith.index_cast %add3A_520 : i32 to index
        %get3A_557 = arith.constant 16 : index
        %get3A_558 = tpu.vector_load %arg10[%get3A_556, %get3A_557] {strides = array<i32>} : memref<40x64xi32, #tpu.memory_space<vmem>>, vector<16xi32>,
        %shift_left3A_559 = arith.constant 16 : i32
        %shift_left3A_560 = vector.broadcast %shift_left3A_559 : i32 to vector<16xi32>
        %shift_left3A_561 = arith.shli %get3A_555, %shift_left3A_560 : vector<16xi32>
        %bitcast3A_562 = vector.bitcast %shift_left3A_561 : vector<16xi32> to vector<16xf32>
        %shift_left3A_563 = arith.constant 16 : i32
        %shift_left3A_564 = vector.broadcast %shift_left3A_563 : i32 to vector<16xi32>
        %shift_left3A_565 = arith.shli %get3A_558, %shift_left3A_564 : vector<16xi32>
        %bitcast3A_566 = vector.bitcast %shift_left3A_565 : vector<16xi32> to vector<16xf32>
        %and3A_567 = vector.broadcast %scan3A_97 : i32 to vector<16xi32>
        %and3A_568 = arith.andi %get3A_555, %and3A_567 : vector<16xi32>
        %bitcast3A_569 = vector.bitcast %and3A_568 : vector<16xi32> to vector<16xf32>
        %and3A_570 = vector.broadcast %scan3A_97 : i32 to vector<16xi32>
        %and3A_571 = arith.andi %get3A_558, %and3A_570 : vector<16xi32>
        %bitcast3A_572 = vector.bitcast %and3A_571 : vector<16xi32> to vector<16xf32>
        %mul3A_573 = arith.mulf %bitcast3A_562, %bitcast3A_566 : vector<16xf32>
        %mul3A_574 = vector.broadcast %squeeze3A_516 : f32 to vector<16xf32>
        %mul3A_575 = arith.mulf %mul3A_573, %mul3A_574 : vector<16xf32>
        %swap3A_576 = arith.index_cast %add3A_520 : i32 to index
        %swap3A_577 = arith.constant 32 : index
        %swap3A_578 = tpu.vector_load %arg14[%swap3A_576, %swap3A_577] {strides = array<i32>} : memref<40x128xf32, #tpu.memory_space<vmem>>, vector<16xf32>,
        tpu.vector_store %arg14[%swap3A_576, %swap3A_577], %mul3A_575 {strides = array<i32>} : memref<40x128xf32, #tpu.memory_space<vmem>>, vector<16xf32>,
        %mul3A_579 = arith.mulf %bitcast3A_569, %bitcast3A_572 : vector<16xf32>
        %mul3A_580 = vector.broadcast %squeeze3A_516 : f32 to vector<16xf32>
        %mul3A_581 = arith.mulf %mul3A_579, %mul3A_580 : vector<16xf32>
        %swap3A_582 = arith.index_cast %add3A_520 : i32 to index
        %swap3A_583 = arith.constant 48 : index
        %swap3A_584 = tpu.vector_load %arg14[%swap3A_582, %swap3A_583] {strides = array<i32>} : memref<40x128xf32, #tpu.memory_space<vmem>>, vector<16xf32>,
        tpu.vector_store %arg14[%swap3A_582, %swap3A_583], %mul3A_581 {strides = array<i32>} : memref<40x128xf32, #tpu.memory_space<vmem>>, vector<16xf32>,
        %get3A_585 = arith.index_cast %add3A_520 : i32 to index
        %get3A_586 = arith.constant 32 : index
        %get3A_587 = tpu.vector_load %arg12[%get3A_585, %get3A_586] {strides = array<i32>} : memref<40x64xi32, #tpu.memory_space<vmem>>, vector<16xi32>,
        %get3A_588 = arith.index_cast %add3A_520 : i32 to index
        %get3A_589 = arith.constant 32 : index
        %get3A_590 = tpu.vector_load %arg10[%get3A_588, %get3A_589] {strides = array<i32>} : memref<40x64xi32, #tpu.memory_space<vmem>>, vector<16xi32>,
        %shift_left3A_591 = arith.constant 16 : i32
        %shift_left3A_592 = vector.broadcast %shift_left3A_591 : i32 to vector<16xi32>
        %shift_left3A_593 = arith.shli %get3A_587, %shift_left3A_592 : vector<16xi32>
        %bitcast3A_594 = vector.bitcast %shift_left3A_593 : vector<16xi32> to vector<16xf32>
        %shift_left3A_595 = arith.constant 16 : i32
        %shift_left3A_596 = vector.broadcast %shift_left3A_595 : i32 to vector<16xi32>
        %shift_left3A_597 = arith.shli %get3A_590, %shift_left3A_596 : vector<16xi32>
        %bitcast3A_598 = vector.bitcast %shift_left3A_597 : vector<16xi32> to vector<16xf32>
        %and3A_599 = vector.broadcast %scan3A_97 : i32 to vector<16xi32>
        %and3A_600 = arith.andi %get3A_587, %and3A_599 : vector<16xi32>
        %bitcast3A_601 = vector.bitcast %and3A_600 : vector<16xi32> to vector<16xf32>
        %and3A_602 = vector.broadcast %scan3A_97 : i32 to vector<16xi32>
        %and3A_603 = arith.andi %get3A_590, %and3A_602 : vector<16xi32>
        %bitcast3A_604 = vector.bitcast %and3A_603 : vector<16xi32> to vector<16xf32>
        %mul3A_605 = arith.mulf %bitcast3A_594, %bitcast3A_598 : vector<16xf32>
        %mul3A_606 = vector.broadcast %squeeze3A_516 : f32 to vector<16xf32>
        %mul3A_607 = arith.mulf %mul3A_605, %mul3A_606 : vector<16xf32>
        %swap3A_608 = arith.index_cast %add3A_520 : i32 to index
        %swap3A_609 = arith.constant 64 : index
        %swap3A_610 = tpu.vector_load %arg14[%swap3A_608, %swap3A_609] {strides = array<i32>} : memref<40x128xf32, #tpu.memory_space<vmem>>, vector<16xf32>,
        tpu.vector_store %arg14[%swap3A_608, %swap3A_609], %mul3A_607 {strides = array<i32>} : memref<40x128xf32, #tpu.memory_space<vmem>>, vector<16xf32>,
        %mul3A_611 = arith.mulf %bitcast3A_601, %bitcast3A_604 : vector<16xf32>
        %mul3A_612 = vector.broadcast %squeeze3A_516 : f32 to vector<16xf32>
        %mul3A_613 = arith.mulf %mul3A_611, %mul3A_612 : vector<16xf32>
        %swap3A_614 = arith.index_cast %add3A_520 : i32 to index
        %swap3A_615 = arith.constant 80 : index
        %swap3A_616 = tpu.vector_load %arg14[%swap3A_614, %swap3A_615] {strides = array<i32>} : memref<40x128xf32, #tpu.memory_space<vmem>>, vector<16xf32>,
        tpu.vector_store %arg14[%swap3A_614, %swap3A_615], %mul3A_613 {strides = array<i32>} : memref<40x128xf32, #tpu.memory_space<vmem>>, vector<16xf32>,
        %get3A_617 = arith.index_cast %add3A_520 : i32 to index
        %get3A_618 = arith.constant 48 : index
        %get3A_619 = tpu.vector_load %arg12[%get3A_617, %get3A_618] {strides = array<i32>} : memref<40x64xi32, #tpu.memory_space<vmem>>, vector<16xi32>,
        %get3A_620 = arith.index_cast %add3A_520 : i32 to index
        %get3A_621 = arith.constant 48 : index
        %get3A_622 = tpu.vector_load %arg10[%get3A_620, %get3A_621] {strides = array<i32>} : memref<40x64xi32, #tpu.memory_space<vmem>>, vector<16xi32>,
        %shift_left3A_623 = arith.constant 16 : i32
        %shift_left3A_624 = vector.broadcast %shift_left3A_623 : i32 to vector<16xi32>
        %shift_left3A_625 = arith.shli %get3A_619, %shift_left3A_624 : vector<16xi32>
        %bitcast3A_626 = vector.bitcast %shift_left3A_625 : vector<16xi32> to vector<16xf32>
        %shift_left3A_627 = arith.constant 16 : i32
        %shift_left3A_628 = vector.broadcast %shift_left3A_627 : i32 to vector<16xi32>
        %shift_left3A_629 = arith.shli %get3A_622, %shift_left3A_628 : vector<16xi32>
        %bitcast3A_630 = vector.bitcast %shift_left3A_629 : vector<16xi32> to vector<16xf32>
        %and3A_631 = vector.broadcast %scan3A_97 : i32 to vector<16xi32>
        %and3A_632 = arith.andi %get3A_619, %and3A_631 : vector<16xi32>
        %bitcast3A_633 = vector.bitcast %and3A_632 : vector<16xi32> to vector<16xf32>
        %and3A_634 = vector.broadcast %scan3A_97 : i32 to vector<16xi32>
        %and3A_635 = arith.andi %get3A_622, %and3A_634 : vector<16xi32>
        %bitcast3A_636 = vector.bitcast %and3A_635 : vector<16xi32> to vector<16xf32>
        %mul3A_637 = arith.mulf %bitcast3A_626, %bitcast3A_630 : vector<16xf32>
        %mul3A_638 = vector.broadcast %squeeze3A_516 : f32 to vector<16xf32>
        %mul3A_639 = arith.mulf %mul3A_637, %mul3A_638 : vector<16xf32>
        %swap3A_640 = arith.index_cast %add3A_520 : i32 to index
        %swap3A_641 = arith.constant 96 : index
        %swap3A_642 = tpu.vector_load %arg14[%swap3A_640, %swap3A_641] {strides = array<i32>} : memref<40x128xf32, #tpu.memory_space<vmem>>, vector<16xf32>,
        tpu.vector_store %arg14[%swap3A_640, %swap3A_641], %mul3A_639 {strides = array<i32>} : memref<40x128xf32, #tpu.memory_space<vmem>>, vector<16xf32>,
        %mul3A_643 = arith.mulf %bitcast3A_633, %bitcast3A_636 : vector<16xf32>
        %mul3A_644 = vector.broadcast %squeeze3A_516 : f32 to vector<16xf32>
        %mul3A_645 = arith.mulf %mul3A_643, %mul3A_644 : vector<16xf32>
        %swap3A_646 = arith.index_cast %add3A_520 : i32 to index
        %swap3A_647 = arith.constant 112 : index
        %swap3A_648 = tpu.vector_load %arg14[%swap3A_646, %swap3A_647] {strides = array<i32>} : memref<40x128xf32, #tpu.memory_space<vmem>>, vector<16xf32>,
        tpu.vector_store %arg14[%swap3A_646, %swap3A_647], %mul3A_645 {strides = array<i32>} : memref<40x128xf32, #tpu.memory_space<vmem>>, vector<16xf32>,
        %slice3A_649 = vector.extract_strided_slice %get3A_252 {offsets = [3], sizes = [1], strides = [1]} : vector<16xf32> to vector<1xf32>
        %squeeze3A_650 = vector.extract %slice3A_649[0] : f32 from vector<1xf32>
        %mul3A_651 = arith.constant 8 : i32
        %mul3A_652 = arith.muli %scan3A_248, %mul3A_651 : i32
        %add3A_653 = arith.constant 3 : i32
        %add3A_654 = arith.addi %mul3A_652, %add3A_653 : i32
        %get3A_655 = arith.index_cast %add3A_654 : i32 to index
        %get3A_656 = arith.constant 0 : index
        %get3A_657 = tpu.vector_load %arg12[%get3A_655, %get3A_656] {strides = array<i32>} : memref<40x64xi32, #tpu.memory_space<vmem>>, vector<16xi32>,
        %get3A_658 = arith.index_cast %add3A_654 : i32 to index
        %get3A_659 = arith.constant 0 : index
        %get3A_660 = tpu.vector_load %arg10[%get3A_658, %get3A_659] {strides = array<i32>} : memref<40x64xi32, #tpu.memory_space<vmem>>, vector<16xi32>,
        %shift_left3A_661 = arith.constant 16 : i32
        %shift_left3A_662 = vector.broadcast %shift_left3A_661 : i32 to vector<16xi32>
        %shift_left3A_663 = arith.shli %get3A_657, %shift_left3A_662 : vector<16xi32>
        %bitcast3A_664 = vector.bitcast %shift_left3A_663 : vector<16xi32> to vector<16xf32>
        %shift_left3A_665 = arith.constant 16 : i32
        %shift_left3A_666 = vector.broadcast %shift_left3A_665 : i32 to vector<16xi32>
        %shift_left3A_667 = arith.shli %get3A_660, %shift_left3A_666 : vector<16xi32>
        %bitcast3A_668 = vector.bitcast %shift_left3A_667 : vector<16xi32> to vector<16xf32>
        %and3A_669 = vector.broadcast %scan3A_97 : i32 to vector<16xi32>
        %and3A_670 = arith.andi %get3A_657, %and3A_669 : vector<16xi32>
        %bitcast3A_671 = vector.bitcast %and3A_670 : vector<16xi32> to vector<16xf32>
        %and3A_672 = vector.broadcast %scan3A_97 : i32 to vector<16xi32>
        %and3A_673 = arith.andi %get3A_660, %and3A_672 : vector<16xi32>
        %bitcast3A_674 = vector.bitcast %and3A_673 : vector<16xi32> to vector<16xf32>
        %mul3A_675 = arith.mulf %bitcast3A_664, %bitcast3A_668 : vector<16xf32>
        %mul3A_676 = vector.broadcast %squeeze3A_650 : f32 to vector<16xf32>
        %mul3A_677 = arith.mulf %mul3A_675, %mul3A_676 : vector<16xf32>
        %swap3A_678 = arith.index_cast %add3A_654 : i32 to index
        %swap3A_679 = arith.constant 0 : index
        %swap3A_680 = tpu.vector_load %arg14[%swap3A_678, %swap3A_679] {strides = array<i32>} : memref<40x128xf32, #tpu.memory_space<vmem>>, vector<16xf32>,
        tpu.vector_store %arg14[%swap3A_678, %swap3A_679], %mul3A_677 {strides = array<i32>} : memref<40x128xf32, #tpu.memory_space<vmem>>, vector<16xf32>,
        %mul3A_681 = arith.mulf %bitcast3A_671, %bitcast3A_674 : vector<16xf32>
        %mul3A_682 = vector.broadcast %squeeze3A_650 : f32 to vector<16xf32>
        %mul3A_683 = arith.mulf %mul3A_681, %mul3A_682 : vector<16xf32>
        %swap3A_684 = arith.index_cast %add3A_654 : i32 to index
        %swap3A_685 = arith.constant 16 : index
        %swap3A_686 = tpu.vector_load %arg14[%swap3A_684, %swap3A_685] {strides = array<i32>} : memref<40x128xf32, #tpu.memory_space<vmem>>, vector<16xf32>,
        tpu.vector_store %arg14[%swap3A_684, %swap3A_685], %mul3A_683 {strides = array<i32>} : memref<40x128xf32, #tpu.memory_space<vmem>>, vector<16xf32>,
        %get3A_687 = arith.index_cast %add3A_654 : i32 to index
        %get3A_688 = arith.constant 16 : index
        %get3A_689 = tpu.vector_load %arg12[%get3A_687, %get3A_688] {strides = array<i32>} : memref<40x64xi32, #tpu.memory_space<vmem>>, vector<16xi32>,
        %get3A_690 = arith.index_cast %add3A_654 : i32 to index
        %get3A_691 = arith.constant 16 : index
        %get3A_692 = tpu.vector_load %arg10[%get3A_690, %get3A_691] {strides = array<i32>} : memref<40x64xi32, #tpu.memory_space<vmem>>, vector<16xi32>,
        %shift_left3A_693 = arith.constant 16 : i32
        %shift_left3A_694 = vector.broadcast %shift_left3A_693 : i32 to vector<16xi32>
        %shift_left3A_695 = arith.shli %get3A_689, %shift_left3A_694 : vector<16xi32>
        %bitcast3A_696 = vector.bitcast %shift_left3A_695 : vector<16xi32> to vector<16xf32>
        %shift_left3A_697 = arith.constant 16 : i32
        %shift_left3A_698 = vector.broadcast %shift_left3A_697 : i32 to vector<16xi32>
        %shift_left3A_699 = arith.shli %get3A_692, %shift_left3A_698 : vector<16xi32>
        %bitcast3A_700 = vector.bitcast %shift_left3A_699 : vector<16xi32> to vector<16xf32>
        %and3A_701 = vector.broadcast %scan3A_97 : i32 to vector<16xi32>
        %and3A_702 = arith.andi %get3A_689, %and3A_701 : vector<16xi32>
        %bitcast3A_703 = vector.bitcast %and3A_702 : vector<16xi32> to vector<16xf32>
        %and3A_704 = vector.broadcast %scan3A_97 : i32 to vector<16xi32>
        %and3A_705 = arith.andi %get3A_692, %and3A_704 : vector<16xi32>
        %bitcast3A_706 = vector.bitcast %and3A_705 : vector<16xi32> to vector<16xf32>
        %mul3A_707 = arith.mulf %bitcast3A_696, %bitcast3A_700 : vector<16xf32>
        %mul3A_708 = vector.broadcast %squeeze3A_650 : f32 to vector<16xf32>
        %mul3A_709 = arith.mulf %mul3A_707, %mul3A_708 : vector<16xf32>
        %swap3A_710 = arith.index_cast %add3A_654 : i32 to index
        %swap3A_711 = arith.constant 32 : index
        %swap3A_712 = tpu.vector_load %arg14[%swap3A_710, %swap3A_711] {strides = array<i32>} : memref<40x128xf32, #tpu.memory_space<vmem>>, vector<16xf32>,
        tpu.vector_store %arg14[%swap3A_710, %swap3A_711], %mul3A_709 {strides = array<i32>} : memref<40x128xf32, #tpu.memory_space<vmem>>, vector<16xf32>,
        %mul3A_713 = arith.mulf %bitcast3A_703, %bitcast3A_706 : vector<16xf32>
        %mul3A_714 = vector.broadcast %squeeze3A_650 : f32 to vector<16xf32>
        %mul3A_715 = arith.mulf %mul3A_713, %mul3A_714 : vector<16xf32>
        %swap3A_716 = arith.index_cast %add3A_654 : i32 to index
        %swap3A_717 = arith.constant 48 : index
        %swap3A_718 = tpu.vector_load %arg14[%swap3A_716, %swap3A_717] {strides = array<i32>} : memref<40x128xf32, #tpu.memory_space<vmem>>, vector<16xf32>,
        tpu.vector_store %arg14[%swap3A_716, %swap3A_717], %mul3A_715 {strides = array<i32>} : memref<40x128xf32, #tpu.memory_space<vmem>>, vector<16xf32>,
        %get3A_719 = arith.index_cast %add3A_654 : i32 to index
        %get3A_720 = arith.constant 32 : index
        %get3A_721 = tpu.vector_load %arg12[%get3A_719, %get3A_720] {strides = array<i32>} : memref<40x64xi32, #tpu.memory_space<vmem>>, vector<16xi32>,
        %get3A_722 = arith.index_cast %add3A_654 : i32 to index
        %get3A_723 = arith.constant 32 : index
        %get3A_724 = tpu.vector_load %arg10[%get3A_722, %get3A_723] {strides = array<i32>} : memref<40x64xi32, #tpu.memory_space<vmem>>, vector<16xi32>,
        %shift_left3A_725 = arith.constant 16 : i32
        %shift_left3A_726 = vector.broadcast %shift_left3A_725 : i32 to vector<16xi32>
        %shift_left3A_727 = arith.shli %get3A_721, %shift_left3A_726 : vector<16xi32>
        %bitcast3A_728 = vector.bitcast %shift_left3A_727 : vector<16xi32> to vector<16xf32>
        %shift_left3A_729 = arith.constant 16 : i32
        %shift_left3A_730 = vector.broadcast %shift_left3A_729 : i32 to vector<16xi32>
        %shift_left3A_731 = arith.shli %get3A_724, %shift_left3A_730 : vector<16xi32>
        %bitcast3A_732 = vector.bitcast %shift_left3A_731 : vector<16xi32> to vector<16xf32>
        %and3A_733 = vector.broadcast %scan3A_97 : i32 to vector<16xi32>
        %and3A_734 = arith.andi %get3A_721, %and3A_733 : vector<16xi32>
        %bitcast3A_735 = vector.bitcast %and3A_734 : vector<16xi32> to vector<16xf32>
        %and3A_736 = vector.broadcast %scan3A_97 : i32 to vector<16xi32>
        %and3A_737 = arith.andi %get3A_724, %and3A_736 : vector<16xi32>
        %bitcast3A_738 = vector.bitcast %and3A_737 : vector<16xi32> to vector<16xf32>
        %mul3A_739 = arith.mulf %bitcast3A_728, %bitcast3A_732 : vector<16xf32>
        %mul3A_740 = vector.broadcast %squeeze3A_650 : f32 to vector<16xf32>
        %mul3A_741 = arith.mulf %mul3A_739, %mul3A_740 : vector<16xf32>
        %swap3A_742 = arith.index_cast %add3A_654 : i32 to index
        %swap3A_743 = arith.constant 64 : index
        %swap3A_744 = tpu.vector_load %arg14[%swap3A_742, %swap3A_743] {strides = array<i32>} : memref<40x128xf32, #tpu.memory_space<vmem>>, vector<16xf32>,
        tpu.vector_store %arg14[%swap3A_742, %swap3A_743], %mul3A_741 {strides = array<i32>} : memref<40x128xf32, #tpu.memory_space<vmem>>, vector<16xf32>,
        %mul3A_745 = arith.mulf %bitcast3A_735, %bitcast3A_738 : vector<16xf32>
        %mul3A_746 = vector.broadcast %squeeze3A_650 : f32 to vector<16xf32>
        %mul3A_747 = arith.mulf %mul3A_745, %mul3A_746 : vector<16xf32>
        %swap3A_748 = arith.index_cast %add3A_654 : i32 to index
        %swap3A_749 = arith.constant 80 : index
        %swap3A_750 = tpu.vector_load %arg14[%swap3A_748, %swap3A_749] {strides = array<i32>} : memref<40x128xf32, #tpu.memory_space<vmem>>, vector<16xf32>,
        tpu.vector_store %arg14[%swap3A_748, %swap3A_749], %mul3A_747 {strides = array<i32>} : memref<40x128xf32, #tpu.memory_space<vmem>>, vector<16xf32>,
        %get3A_751 = arith.index_cast %add3A_654 : i32 to index
        %get3A_752 = arith.constant 48 : index
        %get3A_753 = tpu.vector_load %arg12[%get3A_751, %get3A_752] {strides = array<i32>} : memref<40x64xi32, #tpu.memory_space<vmem>>, vector<16xi32>,
        %get3A_754 = arith.index_cast %add3A_654 : i32 to index
        %get3A_755 = arith.constant 48 : index
        %get3A_756 = tpu.vector_load %arg10[%get3A_754, %get3A_755] {strides = array<i32>} : memref<40x64xi32, #tpu.memory_space<vmem>>, vector<16xi32>,
        %shift_left3A_757 = arith.constant 16 : i32
        %shift_left3A_758 = vector.broadcast %shift_left3A_757 : i32 to vector<16xi32>
        %shift_left3A_759 = arith.shli %get3A_753, %shift_left3A_758 : vector<16xi32>
        %bitcast3A_760 = vector.bitcast %shift_left3A_759 : vector<16xi32> to vector<16xf32>
        %shift_left3A_761 = arith.constant 16 : i32
        %shift_left3A_762 = vector.broadcast %shift_left3A_761 : i32 to vector<16xi32>
        %shift_left3A_763 = arith.shli %get3A_756, %shift_left3A_762 : vector<16xi32>
        %bitcast3A_764 = vector.bitcast %shift_left3A_763 : vector<16xi32> to vector<16xf32>
        %and3A_765 = vector.broadcast %scan3A_97 : i32 to vector<16xi32>
        %and3A_766 = arith.andi %get3A_753, %and3A_765 : vector<16xi32>
        %bitcast3A_767 = vector.bitcast %and3A_766 : vector<16xi32> to vector<16xf32>
        %and3A_768 = vector.broadcast %scan3A_97 : i32 to vector<16xi32>
        %and3A_769 = arith.andi %get3A_756, %and3A_768 : vector<16xi32>
        %bitcast3A_770 = vector.bitcast %and3A_769 : vector<16xi32> to vector<16xf32>
        %mul3A_771 = arith.mulf %bitcast3A_760, %bitcast3A_764 : vector<16xf32>
        %mul3A_772 = vector.broadcast %squeeze3A_650 : f32 to vector<16xf32>
        %mul3A_773 = arith.mulf %mul3A_771, %mul3A_772 : vector<16xf32>
        %swap3A_774 = arith.index_cast %add3A_654 : i32 to index
        %swap3A_775 = arith.constant 96 : index
        %swap3A_776 = tpu.vector_load %arg14[%swap3A_774, %swap3A_775] {strides = array<i32>} : memref<40x128xf32, #tpu.memory_space<vmem>>, vector<16xf32>,
        tpu.vector_store %arg14[%swap3A_774, %swap3A_775], %mul3A_773 {strides = array<i32>} : memref<40x128xf32, #tpu.memory_space<vmem>>, vector<16xf32>,
        %mul3A_777 = arith.mulf %bitcast3A_767, %bitcast3A_770 : vector<16xf32>
        %mul3A_778 = vector.broadcast %squeeze3A_650 : f32 to vector<16xf32>
        %mul3A_779 = arith.mulf %mul3A_777, %mul3A_778 : vector<16xf32>
        %swap3A_780 = arith.index_cast %add3A_654 : i32 to index
        %swap3A_781 = arith.constant 112 : index
        %swap3A_782 = tpu.vector_load %arg14[%swap3A_780, %swap3A_781] {strides = array<i32>} : memref<40x128xf32, #tpu.memory_space<vmem>>, vector<16xf32>,
        tpu.vector_store %arg14[%swap3A_780, %swap3A_781], %mul3A_779 {strides = array<i32>} : memref<40x128xf32, #tpu.memory_space<vmem>>, vector<16xf32>,
        %slice3A_783 = vector.extract_strided_slice %get3A_252 {offsets = [4], sizes = [1], strides = [1]} : vector<16xf32> to vector<1xf32>
        %squeeze3A_784 = vector.extract %slice3A_783[0] : f32 from vector<1xf32>
        %mul3A_785 = arith.constant 8 : i32
        %mul3A_786 = arith.muli %scan3A_248, %mul3A_785 : i32
        %add3A_787 = arith.constant 4 : i32
        %add3A_788 = arith.addi %mul3A_786, %add3A_787 : i32
        %get3A_789 = arith.index_cast %add3A_788 : i32 to index
        %get3A_790 = arith.constant 0 : index
        %get3A_791 = tpu.vector_load %arg12[%get3A_789, %get3A_790] {strides = array<i32>} : memref<40x64xi32, #tpu.memory_space<vmem>>, vector<16xi32>,
        %get3A_792 = arith.index_cast %add3A_788 : i32 to index
        %get3A_793 = arith.constant 0 : index
        %get3A_794 = tpu.vector_load %arg10[%get3A_792, %get3A_793] {strides = array<i32>} : memref<40x64xi32, #tpu.memory_space<vmem>>, vector<16xi32>,
        %shift_left3A_795 = arith.constant 16 : i32
        %shift_left3A_796 = vector.broadcast %shift_left3A_795 : i32 to vector<16xi32>
        %shift_left3A_797 = arith.shli %get3A_791, %shift_left3A_796 : vector<16xi32>
        %bitcast3A_798 = vector.bitcast %shift_left3A_797 : vector<16xi32> to vector<16xf32>
        %shift_left3A_799 = arith.constant 16 : i32
        %shift_left3A_800 = vector.broadcast %shift_left3A_799 : i32 to vector<16xi32>
        %shift_left3A_801 = arith.shli %get3A_794, %shift_left3A_800 : vector<16xi32>
        %bitcast3A_802 = vector.bitcast %shift_left3A_801 : vector<16xi32> to vector<16xf32>
        %and3A_803 = vector.broadcast %scan3A_97 : i32 to vector<16xi32>
        %and3A_804 = arith.andi %get3A_791, %and3A_803 : vector<16xi32>
        %bitcast3A_805 = vector.bitcast %and3A_804 : vector<16xi32> to vector<16xf32>
        %and3A_806 = vector.broadcast %scan3A_97 : i32 to vector<16xi32>
        %and3A_807 = arith.andi %get3A_794, %and3A_806 : vector<16xi32>
        %bitcast3A_808 = vector.bitcast %and3A_807 : vector<16xi32> to vector<16xf32>
        %mul3A_809 = arith.mulf %bitcast3A_798, %bitcast3A_802 : vector<16xf32>
        %mul3A_810 = vector.broadcast %squeeze3A_784 : f32 to vector<16xf32>
        %mul3A_811 = arith.mulf %mul3A_809, %mul3A_810 : vector<16xf32>
        %swap3A_812 = arith.index_cast %add3A_788 : i32 to index
        %swap3A_813 = arith.constant 0 : index
        %swap3A_814 = tpu.vector_load %arg14[%swap3A_812, %swap3A_813] {strides = array<i32>} : memref<40x128xf32, #tpu.memory_space<vmem>>, vector<16xf32>,
        tpu.vector_store %arg14[%swap3A_812, %swap3A_813], %mul3A_811 {strides = array<i32>} : memref<40x128xf32, #tpu.memory_space<vmem>>, vector<16xf32>,
        %mul3A_815 = arith.mulf %bitcast3A_805, %bitcast3A_808 : vector<16xf32>
        %mul3A_816 = vector.broadcast %squeeze3A_784 : f32 to vector<16xf32>
        %mul3A_817 = arith.mulf %mul3A_815, %mul3A_816 : vector<16xf32>
        %swap3A_818 = arith.index_cast %add3A_788 : i32 to index
        %swap3A_819 = arith.constant 16 : index
        %swap3A_820 = tpu.vector_load %arg14[%swap3A_818, %swap3A_819] {strides = array<i32>} : memref<40x128xf32, #tpu.memory_space<vmem>>, vector<16xf32>,
        tpu.vector_store %arg14[%swap3A_818, %swap3A_819], %mul3A_817 {strides = array<i32>} : memref<40x128xf32, #tpu.memory_space<vmem>>, vector<16xf32>,
        %get3A_821 = arith.index_cast %add3A_788 : i32 to index
        %get3A_822 = arith.constant 16 : index
        %get3A_823 = tpu.vector_load %arg12[%get3A_821, %get3A_822] {strides = array<i32>} : memref<40x64xi32, #tpu.memory_space<vmem>>, vector<16xi32>,
        %get3A_824 = arith.index_cast %add3A_788 : i32 to index
        %get3A_825 = arith.constant 16 : index
        %get3A_826 = tpu.vector_load %arg10[%get3A_824, %get3A_825] {strides = array<i32>} : memref<40x64xi32, #tpu.memory_space<vmem>>, vector<16xi32>,
        %shift_left3A_827 = arith.constant 16 : i32
        %shift_left3A_828 = vector.broadcast %shift_left3A_827 : i32 to vector<16xi32>
        %shift_left3A_829 = arith.shli %get3A_823, %shift_left3A_828 : vector<16xi32>
        %bitcast3A_830 = vector.bitcast %shift_left3A_829 : vector<16xi32> to vector<16xf32>
        %shift_left3A_831 = arith.constant 16 : i32
        %shift_left3A_832 = vector.broadcast %shift_left3A_831 : i32 to vector<16xi32>
        %shift_left3A_833 = arith.shli %get3A_826, %shift_left3A_832 : vector<16xi32>
        %bitcast3A_834 = vector.bitcast %shift_left3A_833 : vector<16xi32> to vector<16xf32>
        %and3A_835 = vector.broadcast %scan3A_97 : i32 to vector<16xi32>
        %and3A_836 = arith.andi %get3A_823, %and3A_835 : vector<16xi32>
        %bitcast3A_837 = vector.bitcast %and3A_836 : vector<16xi32> to vector<16xf32>
        %and3A_838 = vector.broadcast %scan3A_97 : i32 to vector<16xi32>
        %and3A_839 = arith.andi %get3A_826, %and3A_838 : vector<16xi32>
        %bitcast3A_840 = vector.bitcast %and3A_839 : vector<16xi32> to vector<16xf32>
        %mul3A_841 = arith.mulf %bitcast3A_830, %bitcast3A_834 : vector<16xf32>
        %mul3A_842 = vector.broadcast %squeeze3A_784 : f32 to vector<16xf32>
        %mul3A_843 = arith.mulf %mul3A_841, %mul3A_842 : vector<16xf32>
        %swap3A_844 = arith.index_cast %add3A_788 : i32 to index
        %swap3A_845 = arith.constant 32 : index
        %swap3A_846 = tpu.vector_load %arg14[%swap3A_844, %swap3A_845] {strides = array<i32>} : memref<40x128xf32, #tpu.memory_space<vmem>>, vector<16xf32>,
        tpu.vector_store %arg14[%swap3A_844, %swap3A_845], %mul3A_843 {strides = array<i32>} : memref<40x128xf32, #tpu.memory_space<vmem>>, vector<16xf32>,
        %mul3A_847 = arith.mulf %bitcast3A_837, %bitcast3A_840 : vector<16xf32>
        %mul3A_848 = vector.broadcast %squeeze3A_784 : f32 to vector<16xf32>
        %mul3A_849 = arith.mulf %mul3A_847, %mul3A_848 : vector<16xf32>
        %swap3A_850 = arith.index_cast %add3A_788 : i32 to index
        %swap3A_851 = arith.constant 48 : index
        %swap3A_852 = tpu.vector_load %arg14[%swap3A_850, %swap3A_851] {strides = array<i32>} : memref<40x128xf32, #tpu.memory_space<vmem>>, vector<16xf32>,
        tpu.vector_store %arg14[%swap3A_850, %swap3A_851], %mul3A_849 {strides = array<i32>} : memref<40x128xf32, #tpu.memory_space<vmem>>, vector<16xf32>,
        %get3A_853 = arith.index_cast %add3A_788 : i32 to index
        %get3A_854 = arith.constant 32 : index
        %get3A_855 = tpu.vector_load %arg12[%get3A_853, %get3A_854] {strides = array<i32>} : memref<40x64xi32, #tpu.memory_space<vmem>>, vector<16xi32>,
        %get3A_856 = arith.index_cast %add3A_788 : i32 to index
        %get3A_857 = arith.constant 32 : index
        %get3A_858 = tpu.vector_load %arg10[%get3A_856, %get3A_857] {strides = array<i32>} : memref<40x64xi32, #tpu.memory_space<vmem>>, vector<16xi32>,
        %shift_left3A_859 = arith.constant 16 : i32
        %shift_left3A_860 = vector.broadcast %shift_left3A_859 : i32 to vector<16xi32>
        %shift_left3A_861 = arith.shli %get3A_855, %shift_left3A_860 : vector<16xi32>
        %bitcast3A_862 = vector.bitcast %shift_left3A_861 : vector<16xi32> to vector<16xf32>
        %shift_left3A_863 = arith.constant 16 : i32
        %shift_left3A_864 = vector.broadcast %shift_left3A_863 : i32 to vector<16xi32>
        %shift_left3A_865 = arith.shli %get3A_858, %shift_left3A_864 : vector<16xi32>
        %bitcast3A_866 = vector.bitcast %shift_left3A_865 : vector<16xi32> to vector<16xf32>
        %and3A_867 = vector.broadcast %scan3A_97 : i32 to vector<16xi32>
        %and3A_868 = arith.andi %get3A_855, %and3A_867 : vector<16xi32>
        %bitcast3A_869 = vector.bitcast %and3A_868 : vector<16xi32> to vector<16xf32>
        %and3A_870 = vector.broadcast %scan3A_97 : i32 to vector<16xi32>
        %and3A_871 = arith.andi %get3A_858, %and3A_870 : vector<16xi32>
        %bitcast3A_872 = vector.bitcast %and3A_871 : vector<16xi32> to vector<16xf32>
        %mul3A_873 = arith.mulf %bitcast3A_862, %bitcast3A_866 : vector<16xf32>
        %mul3A_874 = vector.broadcast %squeeze3A_784 : f32 to vector<16xf32>
        %mul3A_875 = arith.mulf %mul3A_873, %mul3A_874 : vector<16xf32>
        %swap3A_876 = arith.index_cast %add3A_788 : i32 to index
        %swap3A_877 = arith.constant 64 : index
        %swap3A_878 = tpu.vector_load %arg14[%swap3A_876, %swap3A_877] {strides = array<i32>} : memref<40x128xf32, #tpu.memory_space<vmem>>, vector<16xf32>,
        tpu.vector_store %arg14[%swap3A_876, %swap3A_877], %mul3A_875 {strides = array<i32>} : memref<40x128xf32, #tpu.memory_space<vmem>>, vector<16xf32>,
        %mul3A_879 = arith.mulf %bitcast3A_869, %bitcast3A_872 : vector<16xf32>
        %mul3A_880 = vector.broadcast %squeeze3A_784 : f32 to vector<16xf32>
        %mul3A_881 = arith.mulf %mul3A_879, %mul3A_880 : vector<16xf32>
        %swap3A_882 = arith.index_cast %add3A_788 : i32 to index
        %swap3A_883 = arith.constant 80 : index
        %swap3A_884 = tpu.vector_load %arg14[%swap3A_882, %swap3A_883] {strides = array<i32>} : memref<40x128xf32, #tpu.memory_space<vmem>>, vector<16xf32>,
        tpu.vector_store %arg14[%swap3A_882, %swap3A_883], %mul3A_881 {strides = array<i32>} : memref<40x128xf32, #tpu.memory_space<vmem>>, vector<16xf32>,
        %get3A_885 = arith.index_cast %add3A_788 : i32 to index
        %get3A_886 = arith.constant 48 : index
        %get3A_887 = tpu.vector_load %arg12[%get3A_885, %get3A_886] {strides = array<i32>} : memref<40x64xi32, #tpu.memory_space<vmem>>, vector<16xi32>,
        %get3A_888 = arith.index_cast %add3A_788 : i32 to index
        %get3A_889 = arith.constant 48 : index
        %get3A_890 = tpu.vector_load %arg10[%get3A_888, %get3A_889] {strides = array<i32>} : memref<40x64xi32, #tpu.memory_space<vmem>>, vector<16xi32>,
        %shift_left3A_891 = arith.constant 16 : i32
        %shift_left3A_892 = vector.broadcast %shift_left3A_891 : i32 to vector<16xi32>
        %shift_left3A_893 = arith.shli %get3A_887, %shift_left3A_892 : vector<16xi32>
        %bitcast3A_894 = vector.bitcast %shift_left3A_893 : vector<16xi32> to vector<16xf32>
        %shift_left3A_895 = arith.constant 16 : i32
        %shift_left3A_896 = vector.broadcast %shift_left3A_895 : i32 to vector<16xi32>
        %shift_left3A_897 = arith.shli %get3A_890, %shift_left3A_896 : vector<16xi32>
        %bitcast3A_898 = vector.bitcast %shift_left3A_897 : vector<16xi32> to vector<16xf32>
        %and3A_899 = vector.broadcast %scan3A_97 : i32 to vector<16xi32>
        %and3A_900 = arith.andi %get3A_887, %and3A_899 : vector<16xi32>
        %bitcast3A_901 = vector.bitcast %and3A_900 : vector<16xi32> to vector<16xf32>
        %and3A_902 = vector.broadcast %scan3A_97 : i32 to vector<16xi32>
        %and3A_903 = arith.andi %get3A_890, %and3A_902 : vector<16xi32>
        %bitcast3A_904 = vector.bitcast %and3A_903 : vector<16xi32> to vector<16xf32>
        %mul3A_905 = arith.mulf %bitcast3A_894, %bitcast3A_898 : vector<16xf32>
        %mul3A_906 = vector.broadcast %squeeze3A_784 : f32 to vector<16xf32>
        %mul3A_907 = arith.mulf %mul3A_905, %mul3A_906 : vector<16xf32>
        %swap3A_908 = arith.index_cast %add3A_788 : i32 to index
        %swap3A_909 = arith.constant 96 : index
        %swap3A_910 = tpu.vector_load %arg14[%swap3A_908, %swap3A_909] {strides = array<i32>} : memref<40x128xf32, #tpu.memory_space<vmem>>, vector<16xf32>,
        tpu.vector_store %arg14[%swap3A_908, %swap3A_909], %mul3A_907 {strides = array<i32>} : memref<40x128xf32, #tpu.memory_space<vmem>>, vector<16xf32>,
        %mul3A_911 = arith.mulf %bitcast3A_901, %bitcast3A_904 : vector<16xf32>
        %mul3A_912 = vector.broadcast %squeeze3A_784 : f32 to vector<16xf32>
        %mul3A_913 = arith.mulf %mul3A_911, %mul3A_912 : vector<16xf32>
        %swap3A_914 = arith.index_cast %add3A_788 : i32 to index
        %swap3A_915 = arith.constant 112 : index
        %swap3A_916 = tpu.vector_load %arg14[%swap3A_914, %swap3A_915] {strides = array<i32>} : memref<40x128xf32, #tpu.memory_space<vmem>>, vector<16xf32>,
        tpu.vector_store %arg14[%swap3A_914, %swap3A_915], %mul3A_913 {strides = array<i32>} : memref<40x128xf32, #tpu.memory_space<vmem>>, vector<16xf32>,
        %slice3A_917 = vector.extract_strided_slice %get3A_252 {offsets = [5], sizes = [1], strides = [1]} : vector<16xf32> to vector<1xf32>
        %squeeze3A_918 = vector.extract %slice3A_917[0] : f32 from vector<1xf32>
        %mul3A_919 = arith.constant 8 : i32
        %mul3A_920 = arith.muli %scan3A_248, %mul3A_919 : i32
        %add3A_921 = arith.constant 5 : i32
        %add3A_922 = arith.addi %mul3A_920, %add3A_921 : i32
        %get3A_923 = arith.index_cast %add3A_922 : i32 to index
        %get3A_924 = arith.constant 0 : index
        %get3A_925 = tpu.vector_load %arg12[%get3A_923, %get3A_924] {strides = array<i32>} : memref<40x64xi32, #tpu.memory_space<vmem>>, vector<16xi32>,
        %get3A_926 = arith.index_cast %add3A_922 : i32 to index
        %get3A_927 = arith.constant 0 : index
        %get3A_928 = tpu.vector_load %arg10[%get3A_926, %get3A_927] {strides = array<i32>} : memref<40x64xi32, #tpu.memory_space<vmem>>, vector<16xi32>,
        %shift_left3A_929 = arith.constant 16 : i32
        %shift_left3A_930 = vector.broadcast %shift_left3A_929 : i32 to vector<16xi32>
        %shift_left3A_931 = arith.shli %get3A_925, %shift_left3A_930 : vector<16xi32>
        %bitcast3A_932 = vector.bitcast %shift_left3A_931 : vector<16xi32> to vector<16xf32>
        %shift_left3A_933 = arith.constant 16 : i32
        %shift_left3A_934 = vector.broadcast %shift_left3A_933 : i32 to vector<16xi32>
        %shift_left3A_935 = arith.shli %get3A_928, %shift_left3A_934 : vector<16xi32>
        %bitcast3A_936 = vector.bitcast %shift_left3A_935 : vector<16xi32> to vector<16xf32>
        %and3A_937 = vector.broadcast %scan3A_97 : i32 to vector<16xi32>
        %and3A_938 = arith.andi %get3A_925, %and3A_937 : vector<16xi32>
        %bitcast3A_939 = vector.bitcast %and3A_938 : vector<16xi32> to vector<16xf32>
        %and3A_940 = vector.broadcast %scan3A_97 : i32 to vector<16xi32>
        %and3A_941 = arith.andi %get3A_928, %and3A_940 : vector<16xi32>
        %bitcast3A_942 = vector.bitcast %and3A_941 : vector<16xi32> to vector<16xf32>
        %mul3A_943 = arith.mulf %bitcast3A_932, %bitcast3A_936 : vector<16xf32>
        %mul3A_944 = vector.broadcast %squeeze3A_918 : f32 to vector<16xf32>
        %mul3A_945 = arith.mulf %mul3A_943, %mul3A_944 : vector<16xf32>
        %swap3A_946 = arith.index_cast %add3A_922 : i32 to index
        %swap3A_947 = arith.constant 0 : index
        %swap3A_948 = tpu.vector_load %arg14[%swap3A_946, %swap3A_947] {strides = array<i32>} : memref<40x128xf32, #tpu.memory_space<vmem>>, vector<16xf32>,
        tpu.vector_store %arg14[%swap3A_946, %swap3A_947], %mul3A_945 {strides = array<i32>} : memref<40x128xf32, #tpu.memory_space<vmem>>, vector<16xf32>,
        %mul3A_949 = arith.mulf %bitcast3A_939, %bitcast3A_942 : vector<16xf32>
        %mul3A_950 = vector.broadcast %squeeze3A_918 : f32 to vector<16xf32>
        %mul3A_951 = arith.mulf %mul3A_949, %mul3A_950 : vector<16xf32>
        %swap3A_952 = arith.index_cast %add3A_922 : i32 to index
        %swap3A_953 = arith.constant 16 : index
        %swap3A_954 = tpu.vector_load %arg14[%swap3A_952, %swap3A_953] {strides = array<i32>} : memref<40x128xf32, #tpu.memory_space<vmem>>, vector<16xf32>,
        tpu.vector_store %arg14[%swap3A_952, %swap3A_953], %mul3A_951 {strides = array<i32>} : memref<40x128xf32, #tpu.memory_space<vmem>>, vector<16xf32>,
        %get3A_955 = arith.index_cast %add3A_922 : i32 to index
        %get3A_956 = arith.constant 16 : index
        %get3A_957 = tpu.vector_load %arg12[%get3A_955, %get3A_956] {strides = array<i32>} : memref<40x64xi32, #tpu.memory_space<vmem>>, vector<16xi32>,
        %get3A_958 = arith.index_cast %add3A_922 : i32 to index
        %get3A_959 = arith.constant 16 : index
        %get3A_960 = tpu.vector_load %arg10[%get3A_958, %get3A_959] {strides = array<i32>} : memref<40x64xi32, #tpu.memory_space<vmem>>, vector<16xi32>,
        %shift_left3A_961 = arith.constant 16 : i32
        %shift_left3A_962 = vector.broadcast %shift_left3A_961 : i32 to vector<16xi32>
        %shift_left3A_963 = arith.shli %get3A_957, %shift_left3A_962 : vector<16xi32>
        %bitcast3A_964 = vector.bitcast %shift_left3A_963 : vector<16xi32> to vector<16xf32>
        %shift_left3A_965 = arith.constant 16 : i32
        %shift_left3A_966 = vector.broadcast %shift_left3A_965 : i32 to vector<16xi32>
        %shift_left3A_967 = arith.shli %get3A_960, %shift_left3A_966 : vector<16xi32>
        %bitcast3A_968 = vector.bitcast %shift_left3A_967 : vector<16xi32> to vector<16xf32>
        %and3A_969 = vector.broadcast %scan3A_97 : i32 to vector<16xi32>
        %and3A_970 = arith.andi %get3A_957, %and3A_969 : vector<16xi32>
        %bitcast3A_971 = vector.bitcast %and3A_970 : vector<16xi32> to vector<16xf32>
        %and3A_972 = vector.broadcast %scan3A_97 : i32 to vector<16xi32>
        %and3A_973 = arith.andi %get3A_960, %and3A_972 : vector<16xi32>
        %bitcast3A_974 = vector.bitcast %and3A_973 : vector<16xi32> to vector<16xf32>
        %mul3A_975 = arith.mulf %bitcast3A_964, %bitcast3A_968 : vector<16xf32>
        %mul3A_976 = vector.broadcast %squeeze3A_918 : f32 to vector<16xf32>
        %mul3A_977 = arith.mulf %mul3A_975, %mul3A_976 : vector<16xf32>
        %swap3A_978 = arith.index_cast %add3A_922 : i32 to index
        %swap3A_979 = arith.constant 32 : index
        %swap3A_980 = tpu.vector_load %arg14[%swap3A_978, %swap3A_979] {strides = array<i32>} : memref<40x128xf32, #tpu.memory_space<vmem>>, vector<16xf32>,
        tpu.vector_store %arg14[%swap3A_978, %swap3A_979], %mul3A_977 {strides = array<i32>} : memref<40x128xf32, #tpu.memory_space<vmem>>, vector<16xf32>,
        %mul3A_981 = arith.mulf %bitcast3A_971, %bitcast3A_974 : vector<16xf32>
        %mul3A_982 = vector.broadcast %squeeze3A_918 : f32 to vector<16xf32>
        %mul3A_983 = arith.mulf %mul3A_981, %mul3A_982 : vector<16xf32>
        %swap3A_984 = arith.index_cast %add3A_922 : i32 to index
        %swap3A_985 = arith.constant 48 : index
        %swap3A_986 = tpu.vector_load %arg14[%swap3A_984, %swap3A_985] {strides = array<i32>} : memref<40x128xf32, #tpu.memory_space<vmem>>, vector<16xf32>,
        tpu.vector_store %arg14[%swap3A_984, %swap3A_985], %mul3A_983 {strides = array<i32>} : memref<40x128xf32, #tpu.memory_space<vmem>>, vector<16xf32>,
        %get3A_987 = arith.index_cast %add3A_922 : i32 to index
        %get3A_988 = arith.constant 32 : index
        %get3A_989 = tpu.vector_load %arg12[%get3A_987, %get3A_988] {strides = array<i32>} : memref<40x64xi32, #tpu.memory_space<vmem>>, vector<16xi32>,
        %get3A_990 = arith.index_cast %add3A_922 : i32 to index
        %get3A_991 = arith.constant 32 : index
        %get3A_992 = tpu.vector_load %arg10[%get3A_990, %get3A_991] {strides = array<i32>} : memref<40x64xi32, #tpu.memory_space<vmem>>, vector<16xi32>,
        %shift_left3A_993 = arith.constant 16 : i32
        %shift_left3A_994 = vector.broadcast %shift_left3A_993 : i32 to vector<16xi32>
        %shift_left3A_995 = arith.shli %get3A_989, %shift_left3A_994 : vector<16xi32>
        %bitcast3A_996 = vector.bitcast %shift_left3A_995 : vector<16xi32> to vector<16xf32>
        %shift_left3A_997 = arith.constant 16 : i32
        %shift_left3A_998 = vector.broadcast %shift_left3A_997 : i32 to vector<16xi32>
        %shift_left3A_999 = arith.shli %get3A_992, %shift_left3A_998 : vector<16xi32>
        %bitcast3A_1000 = vector.bitcast %shift_left3A_999 : vector<16xi32> to vector<16xf32>
        %and3A_1001 = vector.broadcast %scan3A_97 : i32 to vector<16xi32>
        %and3A_1002 = arith.andi %get3A_989, %and3A_1001 : vector<16xi32>
        %bitcast3A_1003 = vector.bitcast %and3A_1002 : vector<16xi32> to vector<16xf32>
        %and3A_1004 = vector.broadcast %scan3A_97 : i32 to vector<16xi32>
        %and3A_1005 = arith.andi %get3A_992, %and3A_1004 : vector<16xi32>
        %bitcast3A_1006 = vector.bitcast %and3A_1005 : vector<16xi32> to vector<16xf32>
        %mul3A_1007 = arith.mulf %bitcast3A_996, %bitcast3A_1000 : vector<16xf32>
        %mul3A_1008 = vector.broadcast %squeeze3A_918 : f32 to vector<16xf32>
        %mul3A_1009 = arith.mulf %mul3A_1007, %mul3A_1008 : vector<16xf32>
        %swap3A_1010 = arith.index_cast %add3A_922 : i32 to index
        %swap3A_1011 = arith.constant 64 : index
        %swap3A_1012 = tpu.vector_load %arg14[%swap3A_1010, %swap3A_1011] {strides = array<i32>} : memref<40x128xf32, #tpu.memory_space<vmem>>, vector<16xf32>,
        tpu.vector_store %arg14[%swap3A_1010, %swap3A_1011], %mul3A_1009 {strides = array<i32>} : memref<40x128xf32, #tpu.memory_space<vmem>>, vector<16xf32>,
        %mul3A_1013 = arith.mulf %bitcast3A_1003, %bitcast3A_1006 : vector<16xf32>
        %mul3A_1014 = vector.broadcast %squeeze3A_918 : f32 to vector<16xf32>
        %mul3A_1015 = arith.mulf %mul3A_1013, %mul3A_1014 : vector<16xf32>
        %swap3A_1016 = arith.index_cast %add3A_922 : i32 to index
        %swap3A_1017 = arith.constant 80 : index
        %swap3A_1018 = tpu.vector_load %arg14[%swap3A_1016, %swap3A_1017] {strides = array<i32>} : memref<40x128xf32, #tpu.memory_space<vmem>>, vector<16xf32>,
        tpu.vector_store %arg14[%swap3A_1016, %swap3A_1017], %mul3A_1015 {strides = array<i32>} : memref<40x128xf32, #tpu.memory_space<vmem>>, vector<16xf32>,
        %get3A_1019 = arith.index_cast %add3A_922 : i32 to index
        %get3A_1020 = arith.constant 48 : index
        %get3A_1021 = tpu.vector_load %arg12[%get3A_1019, %get3A_1020] {strides = array<i32>} : memref<40x64xi32, #tpu.memory_space<vmem>>, vector<16xi32>,
        %get3A_1022 = arith.index_cast %add3A_922 : i32 to index
        %get3A_1023 = arith.constant 48 : index
        %get3A_1024 = tpu.vector_load %arg10[%get3A_1022, %get3A_1023] {strides = array<i32>} : memref<40x64xi32, #tpu.memory_space<vmem>>, vector<16xi32>,
        %shift_left3A_1025 = arith.constant 16 : i32
        %shift_left3A_1026 = vector.broadcast %shift_left3A_1025 : i32 to vector<16xi32>
        %shift_left3A_1027 = arith.shli %get3A_1021, %shift_left3A_1026 : vector<16xi32>
        %bitcast3A_1028 = vector.bitcast %shift_left3A_1027 : vector<16xi32> to vector<16xf32>
        %shift_left3A_1029 = arith.constant 16 : i32
        %shift_left3A_1030 = vector.broadcast %shift_left3A_1029 : i32 to vector<16xi32>
        %shift_left3A_1031 = arith.shli %get3A_1024, %shift_left3A_1030 : vector<16xi32>
        %bitcast3A_1032 = vector.bitcast %shift_left3A_1031 : vector<16xi32> to vector<16xf32>
        %and3A_1033 = vector.broadcast %scan3A_97 : i32 to vector<16xi32>
        %and3A_1034 = arith.andi %get3A_1021, %and3A_1033 : vector<16xi32>
        %bitcast3A_1035 = vector.bitcast %and3A_1034 : vector<16xi32> to vector<16xf32>
        %and3A_1036 = vector.broadcast %scan3A_97 : i32 to vector<16xi32>
        %and3A_1037 = arith.andi %get3A_1024, %and3A_1036 : vector<16xi32>
        %bitcast3A_1038 = vector.bitcast %and3A_1037 : vector<16xi32> to vector<16xf32>
        %mul3A_1039 = arith.mulf %bitcast3A_1028, %bitcast3A_1032 : vector<16xf32>
        %mul3A_1040 = vector.broadcast %squeeze3A_918 : f32 to vector<16xf32>
        %mul3A_1041 = arith.mulf %mul3A_1039, %mul3A_1040 : vector<16xf32>
        %swap3A_1042 = arith.index_cast %add3A_922 : i32 to index
        %swap3A_1043 = arith.constant 96 : index
        %swap3A_1044 = tpu.vector_load %arg14[%swap3A_1042, %swap3A_1043] {strides = array<i32>} : memref<40x128xf32, #tpu.memory_space<vmem>>, vector<16xf32>,
        tpu.vector_store %arg14[%swap3A_1042, %swap3A_1043], %mul3A_1041 {strides = array<i32>} : memref<40x128xf32, #tpu.memory_space<vmem>>, vector<16xf32>,
        %mul3A_1045 = arith.mulf %bitcast3A_1035, %bitcast3A_1038 : vector<16xf32>
        %mul3A_1046 = vector.broadcast %squeeze3A_918 : f32 to vector<16xf32>
        %mul3A_1047 = arith.mulf %mul3A_1045, %mul3A_1046 : vector<16xf32>
        %swap3A_1048 = arith.index_cast %add3A_922 : i32 to index
        %swap3A_1049 = arith.constant 112 : index
        %swap3A_1050 = tpu.vector_load %arg14[%swap3A_1048, %swap3A_1049] {strides = array<i32>} : memref<40x128xf32, #tpu.memory_space<vmem>>, vector<16xf32>,
        tpu.vector_store %arg14[%swap3A_1048, %swap3A_1049], %mul3A_1047 {strides = array<i32>} : memref<40x128xf32, #tpu.memory_space<vmem>>, vector<16xf32>,
        %slice3A_1051 = vector.extract_strided_slice %get3A_252 {offsets = [6], sizes = [1], strides = [1]} : vector<16xf32> to vector<1xf32>
        %squeeze3A_1052 = vector.extract %slice3A_1051[0] : f32 from vector<1xf32>
        %mul3A_1053 = arith.constant 8 : i32
        %mul3A_1054 = arith.muli %scan3A_248, %mul3A_1053 : i32
        %add3A_1055 = arith.constant 6 : i32
        %add3A_1056 = arith.addi %mul3A_1054, %add3A_1055 : i32
        %get3A_1057 = arith.index_cast %add3A_1056 : i32 to index
        %get3A_1058 = arith.constant 0 : index
        %get3A_1059 = tpu.vector_load %arg12[%get3A_1057, %get3A_1058] {strides = array<i32>} : memref<40x64xi32, #tpu.memory_space<vmem>>, vector<16xi32>,
        %get3A_1060 = arith.index_cast %add3A_1056 : i32 to index
        %get3A_1061 = arith.constant 0 : index
        %get3A_1062 = tpu.vector_load %arg10[%get3A_1060, %get3A_1061] {strides = array<i32>} : memref<40x64xi32, #tpu.memory_space<vmem>>, vector<16xi32>,
        %shift_left3A_1063 = arith.constant 16 : i32
        %shift_left3A_1064 = vector.broadcast %shift_left3A_1063 : i32 to vector<16xi32>
        %shift_left3A_1065 = arith.shli %get3A_1059, %shift_left3A_1064 : vector<16xi32>
        %bitcast3A_1066 = vector.bitcast %shift_left3A_1065 : vector<16xi32> to vector<16xf32>
        %shift_left3A_1067 = arith.constant 16 : i32
        %shift_left3A_1068 = vector.broadcast %shift_left3A_1067 : i32 to vector<16xi32>
        %shift_left3A_1069 = arith.shli %get3A_1062, %shift_left3A_1068 : vector<16xi32>
        %bitcast3A_1070 = vector.bitcast %shift_left3A_1069 : vector<16xi32> to vector<16xf32>
        %and3A_1071 = vector.broadcast %scan3A_97 : i32 to vector<16xi32>
        %and3A_1072 = arith.andi %get3A_1059, %and3A_1071 : vector<16xi32>
        %bitcast3A_1073 = vector.bitcast %and3A_1072 : vector<16xi32> to vector<16xf32>
        %and3A_1074 = vector.broadcast %scan3A_97 : i32 to vector<16xi32>
        %and3A_1075 = arith.andi %get3A_1062, %and3A_1074 : vector<16xi32>
        %bitcast3A_1076 = vector.bitcast %and3A_1075 : vector<16xi32> to vector<16xf32>
        %mul3A_1077 = arith.mulf %bitcast3A_1066, %bitcast3A_1070 : vector<16xf32>
        %mul3A_1078 = vector.broadcast %squeeze3A_1052 : f32 to vector<16xf32>
        %mul3A_1079 = arith.mulf %mul3A_1077, %mul3A_1078 : vector<16xf32>
        %swap3A_1080 = arith.index_cast %add3A_1056 : i32 to index
        %swap3A_1081 = arith.constant 0 : index
        %swap3A_1082 = tpu.vector_load %arg14[%swap3A_1080, %swap3A_1081] {strides = array<i32>} : memref<40x128xf32, #tpu.memory_space<vmem>>, vector<16xf32>,
        tpu.vector_store %arg14[%swap3A_1080, %swap3A_1081], %mul3A_1079 {strides = array<i32>} : memref<40x128xf32, #tpu.memory_space<vmem>>, vector<16xf32>,
        %mul3A_1083 = arith.mulf %bitcast3A_1073, %bitcast3A_1076 : vector<16xf32>
        %mul3A_1084 = vector.broadcast %squeeze3A_1052 : f32 to vector<16xf32>
        %mul3A_1085 = arith.mulf %mul3A_1083, %mul3A_1084 : vector<16xf32>
        %swap3A_1086 = arith.index_cast %add3A_1056 : i32 to index
        %swap3A_1087 = arith.constant 16 : index
        %swap3A_1088 = tpu.vector_load %arg14[%swap3A_1086, %swap3A_1087] {strides = array<i32>} : memref<40x128xf32, #tpu.memory_space<vmem>>, vector<16xf32>,
        tpu.vector_store %arg14[%swap3A_1086, %swap3A_1087], %mul3A_1085 {strides = array<i32>} : memref<40x128xf32, #tpu.memory_space<vmem>>, vector<16xf32>,
        %get3A_1089 = arith.index_cast %add3A_1056 : i32 to index
        %get3A_1090 = arith.constant 16 : index
        %get3A_1091 = tpu.vector_load %arg12[%get3A_1089, %get3A_1090] {strides = array<i32>} : memref<40x64xi32, #tpu.memory_space<vmem>>, vector<16xi32>,
        %get3A_1092 = arith.index_cast %add3A_1056 : i32 to index
        %get3A_1093 = arith.constant 16 : index
        %get3A_1094 = tpu.vector_load %arg10[%get3A_1092, %get3A_1093] {strides = array<i32>} : memref<40x64xi32, #tpu.memory_space<vmem>>, vector<16xi32>,
        %shift_left3A_1095 = arith.constant 16 : i32
        %shift_left3A_1096 = vector.broadcast %shift_left3A_1095 : i32 to vector<16xi32>
        %shift_left3A_1097 = arith.shli %get3A_1091, %shift_left3A_1096 : vector<16xi32>
        %bitcast3A_1098 = vector.bitcast %shift_left3A_1097 : vector<16xi32> to vector<16xf32>
        %shift_left3A_1099 = arith.constant 16 : i32
        %shift_left3A_1100 = vector.broadcast %shift_left3A_1099 : i32 to vector<16xi32>
        %shift_left3A_1101 = arith.shli %get3A_1094, %shift_left3A_1100 : vector<16xi32>
        %bitcast3A_1102 = vector.bitcast %shift_left3A_1101 : vector<16xi32> to vector<16xf32>
        %and3A_1103 = vector.broadcast %scan3A_97 : i32 to vector<16xi32>
        %and3A_1104 = arith.andi %get3A_1091, %and3A_1103 : vector<16xi32>
        %bitcast3A_1105 = vector.bitcast %and3A_1104 : vector<16xi32> to vector<16xf32>
        %and3A_1106 = vector.broadcast %scan3A_97 : i32 to vector<16xi32>
        %and3A_1107 = arith.andi %get3A_1094, %and3A_1106 : vector<16xi32>
        %bitcast3A_1108 = vector.bitcast %and3A_1107 : vector<16xi32> to vector<16xf32>
        %mul3A_1109 = arith.mulf %bitcast3A_1098, %bitcast3A_1102 : vector<16xf32>
        %mul3A_1110 = vector.broadcast %squeeze3A_1052 : f32 to vector<16xf32>
        %mul3A_1111 = arith.mulf %mul3A_1109, %mul3A_1110 : vector<16xf32>
        %swap3A_1112 = arith.index_cast %add3A_1056 : i32 to index
        %swap3A_1113 = arith.constant 32 : index
        %swap3A_1114 = tpu.vector_load %arg14[%swap3A_1112, %swap3A_1113] {strides = array<i32>} : memref<40x128xf32, #tpu.memory_space<vmem>>, vector<16xf32>,
        tpu.vector_store %arg14[%swap3A_1112, %swap3A_1113], %mul3A_1111 {strides = array<i32>} : memref<40x128xf32, #tpu.memory_space<vmem>>, vector<16xf32>,
        %mul3A_1115 = arith.mulf %bitcast3A_1105, %bitcast3A_1108 : vector<16xf32>
        %mul3A_1116 = vector.broadcast %squeeze3A_1052 : f32 to vector<16xf32>
        %mul3A_1117 = arith.mulf %mul3A_1115, %mul3A_1116 : vector<16xf32>
        %swap3A_1118 = arith.index_cast %add3A_1056 : i32 to index
        %swap3A_1119 = arith.constant 48 : index
        %swap3A_1120 = tpu.vector_load %arg14[%swap3A_1118, %swap3A_1119] {strides = array<i32>} : memref<40x128xf32, #tpu.memory_space<vmem>>, vector<16xf32>,
        tpu.vector_store %arg14[%swap3A_1118, %swap3A_1119], %mul3A_1117 {strides = array<i32>} : memref<40x128xf32, #tpu.memory_space<vmem>>, vector<16xf32>,
        %get3A_1121 = arith.index_cast %add3A_1056 : i32 to index
        %get3A_1122 = arith.constant 32 : index
        %get3A_1123 = tpu.vector_load %arg12[%get3A_1121, %get3A_1122] {strides = array<i32>} : memref<40x64xi32, #tpu.memory_space<vmem>>, vector<16xi32>,
        %get3A_1124 = arith.index_cast %add3A_1056 : i32 to index
        %get3A_1125 = arith.constant 32 : index
        %get3A_1126 = tpu.vector_load %arg10[%get3A_1124, %get3A_1125] {strides = array<i32>} : memref<40x64xi32, #tpu.memory_space<vmem>>, vector<16xi32>,
        %shift_left3A_1127 = arith.constant 16 : i32
        %shift_left3A_1128 = vector.broadcast %shift_left3A_1127 : i32 to vector<16xi32>
        %shift_left3A_1129 = arith.shli %get3A_1123, %shift_left3A_1128 : vector<16xi32>
        %bitcast3A_1130 = vector.bitcast %shift_left3A_1129 : vector<16xi32> to vector<16xf32>
        %shift_left3A_1131 = arith.constant 16 : i32
        %shift_left3A_1132 = vector.broadcast %shift_left3A_1131 : i32 to vector<16xi32>
        %shift_left3A_1133 = arith.shli %get3A_1126, %shift_left3A_1132 : vector<16xi32>
        %bitcast3A_1134 = vector.bitcast %shift_left3A_1133 : vector<16xi32> to vector<16xf32>
        %and3A_1135 = vector.broadcast %scan3A_97 : i32 to vector<16xi32>
        %and3A_1136 = arith.andi %get3A_1123, %and3A_1135 : vector<16xi32>
        %bitcast3A_1137 = vector.bitcast %and3A_1136 : vector<16xi32> to vector<16xf32>
        %and3A_1138 = vector.broadcast %scan3A_97 : i32 to vector<16xi32>
        %and3A_1139 = arith.andi %get3A_1126, %and3A_1138 : vector<16xi32>
        %bitcast3A_1140 = vector.bitcast %and3A_1139 : vector<16xi32> to vector<16xf32>
        %mul3A_1141 = arith.mulf %bitcast3A_1130, %bitcast3A_1134 : vector<16xf32>
        %mul3A_1142 = vector.broadcast %squeeze3A_1052 : f32 to vector<16xf32>
        %mul3A_1143 = arith.mulf %mul3A_1141, %mul3A_1142 : vector<16xf32>
        %swap3A_1144 = arith.index_cast %add3A_1056 : i32 to index
        %swap3A_1145 = arith.constant 64 : index
        %swap3A_1146 = tpu.vector_load %arg14[%swap3A_1144, %swap3A_1145] {strides = array<i32>} : memref<40x128xf32, #tpu.memory_space<vmem>>, vector<16xf32>,
        tpu.vector_store %arg14[%swap3A_1144, %swap3A_1145], %mul3A_1143 {strides = array<i32>} : memref<40x128xf32, #tpu.memory_space<vmem>>, vector<16xf32>,
        %mul3A_1147 = arith.mulf %bitcast3A_1137, %bitcast3A_1140 : vector<16xf32>
        %mul3A_1148 = vector.broadcast %squeeze3A_1052 : f32 to vector<16xf32>
        %mul3A_1149 = arith.mulf %mul3A_1147, %mul3A_1148 : vector<16xf32>
        %swap3A_1150 = arith.index_cast %add3A_1056 : i32 to index
        %swap3A_1151 = arith.constant 80 : index
        %swap3A_1152 = tpu.vector_load %arg14[%swap3A_1150, %swap3A_1151] {strides = array<i32>} : memref<40x128xf32, #tpu.memory_space<vmem>>, vector<16xf32>,
        tpu.vector_store %arg14[%swap3A_1150, %swap3A_1151], %mul3A_1149 {strides = array<i32>} : memref<40x128xf32, #tpu.memory_space<vmem>>, vector<16xf32>,
        %get3A_1153 = arith.index_cast %add3A_1056 : i32 to index
        %get3A_1154 = arith.constant 48 : index
        %get3A_1155 = tpu.vector_load %arg12[%get3A_1153, %get3A_1154] {strides = array<i32>} : memref<40x64xi32, #tpu.memory_space<vmem>>, vector<16xi32>,
        %get3A_1156 = arith.index_cast %add3A_1056 : i32 to index
        %get3A_1157 = arith.constant 48 : index
        %get3A_1158 = tpu.vector_load %arg10[%get3A_1156, %get3A_1157] {strides = array<i32>} : memref<40x64xi32, #tpu.memory_space<vmem>>, vector<16xi32>,
        %shift_left3A_1159 = arith.constant 16 : i32
        %shift_left3A_1160 = vector.broadcast %shift_left3A_1159 : i32 to vector<16xi32>
        %shift_left3A_1161 = arith.shli %get3A_1155, %shift_left3A_1160 : vector<16xi32>
        %bitcast3A_1162 = vector.bitcast %shift_left3A_1161 : vector<16xi32> to vector<16xf32>
        %shift_left3A_1163 = arith.constant 16 : i32
        %shift_left3A_1164 = vector.broadcast %shift_left3A_1163 : i32 to vector<16xi32>
        %shift_left3A_1165 = arith.shli %get3A_1158, %shift_left3A_1164 : vector<16xi32>
        %bitcast3A_1166 = vector.bitcast %shift_left3A_1165 : vector<16xi32> to vector<16xf32>
        %and3A_1167 = vector.broadcast %scan3A_97 : i32 to vector<16xi32>
        %and3A_1168 = arith.andi %get3A_1155, %and3A_1167 : vector<16xi32>
        %bitcast3A_1169 = vector.bitcast %and3A_1168 : vector<16xi32> to vector<16xf32>
        %and3A_1170 = vector.broadcast %scan3A_97 : i32 to vector<16xi32>
        %and3A_1171 = arith.andi %get3A_1158, %and3A_1170 : vector<16xi32>
        %bitcast3A_1172 = vector.bitcast %and3A_1171 : vector<16xi32> to vector<16xf32>
        %mul3A_1173 = arith.mulf %bitcast3A_1162, %bitcast3A_1166 : vector<16xf32>
        %mul3A_1174 = vector.broadcast %squeeze3A_1052 : f32 to vector<16xf32>
        %mul3A_1175 = arith.mulf %mul3A_1173, %mul3A_1174 : vector<16xf32>
        %swap3A_1176 = arith.index_cast %add3A_1056 : i32 to index
        %swap3A_1177 = arith.constant 96 : index
        %swap3A_1178 = tpu.vector_load %arg14[%swap3A_1176, %swap3A_1177] {strides = array<i32>} : memref<40x128xf32, #tpu.memory_space<vmem>>, vector<16xf32>,
        tpu.vector_store %arg14[%swap3A_1176, %swap3A_1177], %mul3A_1175 {strides = array<i32>} : memref<40x128xf32, #tpu.memory_space<vmem>>, vector<16xf32>,
        %mul3A_1179 = arith.mulf %bitcast3A_1169, %bitcast3A_1172 : vector<16xf32>
        %mul3A_1180 = vector.broadcast %squeeze3A_1052 : f32 to vector<16xf32>
        %mul3A_1181 = arith.mulf %mul3A_1179, %mul3A_1180 : vector<16xf32>
        %swap3A_1182 = arith.index_cast %add3A_1056 : i32 to index
        %swap3A_1183 = arith.constant 112 : index
        %swap3A_1184 = tpu.vector_load %arg14[%swap3A_1182, %swap3A_1183] {strides = array<i32>} : memref<40x128xf32, #tpu.memory_space<vmem>>, vector<16xf32>,
        tpu.vector_store %arg14[%swap3A_1182, %swap3A_1183], %mul3A_1181 {strides = array<i32>} : memref<40x128xf32, #tpu.memory_space<vmem>>, vector<16xf32>,
        %slice3A_1185 = vector.extract_strided_slice %get3A_252 {offsets = [7], sizes = [1], strides = [1]} : vector<16xf32> to vector<1xf32>
        %squeeze3A_1186 = vector.extract %slice3A_1185[0] : f32 from vector<1xf32>
        %mul3A_1187 = arith.constant 8 : i32
        %mul3A_1188 = arith.muli %scan3A_248, %mul3A_1187 : i32
        %add3A_1189 = arith.constant 7 : i32
        %add3A_1190 = arith.addi %mul3A_1188, %add3A_1189 : i32
        %get3A_1191 = arith.index_cast %add3A_1190 : i32 to index
        %get3A_1192 = arith.constant 0 : index
        %get3A_1193 = tpu.vector_load %arg12[%get3A_1191, %get3A_1192] {strides = array<i32>} : memref<40x64xi32, #tpu.memory_space<vmem>>, vector<16xi32>,
        %get3A_1194 = arith.index_cast %add3A_1190 : i32 to index
        %get3A_1195 = arith.constant 0 : index
        %get3A_1196 = tpu.vector_load %arg10[%get3A_1194, %get3A_1195] {strides = array<i32>} : memref<40x64xi32, #tpu.memory_space<vmem>>, vector<16xi32>,
        %shift_left3A_1197 = arith.constant 16 : i32
        %shift_left3A_1198 = vector.broadcast %shift_left3A_1197 : i32 to vector<16xi32>
        %shift_left3A_1199 = arith.shli %get3A_1193, %shift_left3A_1198 : vector<16xi32>
        %bitcast3A_1200 = vector.bitcast %shift_left3A_1199 : vector<16xi32> to vector<16xf32>
        %shift_left3A_1201 = arith.constant 16 : i32
        %shift_left3A_1202 = vector.broadcast %shift_left3A_1201 : i32 to vector<16xi32>
        %shift_left3A_1203 = arith.shli %get3A_1196, %shift_left3A_1202 : vector<16xi32>
        %bitcast3A_1204 = vector.bitcast %shift_left3A_1203 : vector<16xi32> to vector<16xf32>
        %and3A_1205 = vector.broadcast %scan3A_97 : i32 to vector<16xi32>
        %and3A_1206 = arith.andi %get3A_1193, %and3A_1205 : vector<16xi32>
        %bitcast3A_1207 = vector.bitcast %and3A_1206 : vector<16xi32> to vector<16xf32>
        %and3A_1208 = vector.broadcast %scan3A_97 : i32 to vector<16xi32>
        %and3A_1209 = arith.andi %get3A_1196, %and3A_1208 : vector<16xi32>
        %bitcast3A_1210 = vector.bitcast %and3A_1209 : vector<16xi32> to vector<16xf32>
        %mul3A_1211 = arith.mulf %bitcast3A_1200, %bitcast3A_1204 : vector<16xf32>
        %mul3A_1212 = vector.broadcast %squeeze3A_1186 : f32 to vector<16xf32>
        %mul3A_1213 = arith.mulf %mul3A_1211, %mul3A_1212 : vector<16xf32>
        %swap3A_1214 = arith.index_cast %add3A_1190 : i32 to index
        %swap3A_1215 = arith.constant 0 : index
        %swap3A_1216 = tpu.vector_load %arg14[%swap3A_1214, %swap3A_1215] {strides = array<i32>} : memref<40x128xf32, #tpu.memory_space<vmem>>, vector<16xf32>,
        tpu.vector_store %arg14[%swap3A_1214, %swap3A_1215], %mul3A_1213 {strides = array<i32>} : memref<40x128xf32, #tpu.memory_space<vmem>>, vector<16xf32>,
        %mul3A_1217 = arith.mulf %bitcast3A_1207, %bitcast3A_1210 : vector<16xf32>
        %mul3A_1218 = vector.broadcast %squeeze3A_1186 : f32 to vector<16xf32>
        %mul3A_1219 = arith.mulf %mul3A_1217, %mul3A_1218 : vector<16xf32>
        %swap3A_1220 = arith.index_cast %add3A_1190 : i32 to index
        %swap3A_1221 = arith.constant 16 : index
        %swap3A_1222 = tpu.vector_load %arg14[%swap3A_1220, %swap3A_1221] {strides = array<i32>} : memref<40x128xf32, #tpu.memory_space<vmem>>, vector<16xf32>,
        tpu.vector_store %arg14[%swap3A_1220, %swap3A_1221], %mul3A_1219 {strides = array<i32>} : memref<40x128xf32, #tpu.memory_space<vmem>>, vector<16xf32>,
        %get3A_1223 = arith.index_cast %add3A_1190 : i32 to index
        %get3A_1224 = arith.constant 16 : index
        %get3A_1225 = tpu.vector_load %arg12[%get3A_1223, %get3A_1224] {strides = array<i32>} : memref<40x64xi32, #tpu.memory_space<vmem>>, vector<16xi32>,
        %get3A_1226 = arith.index_cast %add3A_1190 : i32 to index
        %get3A_1227 = arith.constant 16 : index
        %get3A_1228 = tpu.vector_load %arg10[%get3A_1226, %get3A_1227] {strides = array<i32>} : memref<40x64xi32, #tpu.memory_space<vmem>>, vector<16xi32>,
        %shift_left3A_1229 = arith.constant 16 : i32
        %shift_left3A_1230 = vector.broadcast %shift_left3A_1229 : i32 to vector<16xi32>
        %shift_left3A_1231 = arith.shli %get3A_1225, %shift_left3A_1230 : vector<16xi32>
        %bitcast3A_1232 = vector.bitcast %shift_left3A_1231 : vector<16xi32> to vector<16xf32>
        %shift_left3A_1233 = arith.constant 16 : i32
        %shift_left3A_1234 = vector.broadcast %shift_left3A_1233 : i32 to vector<16xi32>
        %shift_left3A_1235 = arith.shli %get3A_1228, %shift_left3A_1234 : vector<16xi32>
        %bitcast3A_1236 = vector.bitcast %shift_left3A_1235 : vector<16xi32> to vector<16xf32>
        %and3A_1237 = vector.broadcast %scan3A_97 : i32 to vector<16xi32>
        %and3A_1238 = arith.andi %get3A_1225, %and3A_1237 : vector<16xi32>
        %bitcast3A_1239 = vector.bitcast %and3A_1238 : vector<16xi32> to vector<16xf32>
        %and3A_1240 = vector.broadcast %scan3A_97 : i32 to vector<16xi32>
        %and3A_1241 = arith.andi %get3A_1228, %and3A_1240 : vector<16xi32>
        %bitcast3A_1242 = vector.bitcast %and3A_1241 : vector<16xi32> to vector<16xf32>
        %mul3A_1243 = arith.mulf %bitcast3A_1232, %bitcast3A_1236 : vector<16xf32>
        %mul3A_1244 = vector.broadcast %squeeze3A_1186 : f32 to vector<16xf32>
        %mul3A_1245 = arith.mulf %mul3A_1243, %mul3A_1244 : vector<16xf32>
        %swap3A_1246 = arith.index_cast %add3A_1190 : i32 to index
        %swap3A_1247 = arith.constant 32 : index
        %swap3A_1248 = tpu.vector_load %arg14[%swap3A_1246, %swap3A_1247] {strides = array<i32>} : memref<40x128xf32, #tpu.memory_space<vmem>>, vector<16xf32>,
        tpu.vector_store %arg14[%swap3A_1246, %swap3A_1247], %mul3A_1245 {strides = array<i32>} : memref<40x128xf32, #tpu.memory_space<vmem>>, vector<16xf32>,
        %mul3A_1249 = arith.mulf %bitcast3A_1239, %bitcast3A_1242 : vector<16xf32>
        %mul3A_1250 = vector.broadcast %squeeze3A_1186 : f32 to vector<16xf32>
        %mul3A_1251 = arith.mulf %mul3A_1249, %mul3A_1250 : vector<16xf32>
        %swap3A_1252 = arith.index_cast %add3A_1190 : i32 to index
        %swap3A_1253 = arith.constant 48 : index
        %swap3A_1254 = tpu.vector_load %arg14[%swap3A_1252, %swap3A_1253] {strides = array<i32>} : memref<40x128xf32, #tpu.memory_space<vmem>>, vector<16xf32>,
        tpu.vector_store %arg14[%swap3A_1252, %swap3A_1253], %mul3A_1251 {strides = array<i32>} : memref<40x128xf32, #tpu.memory_space<vmem>>, vector<16xf32>,
        %get3A_1255 = arith.index_cast %add3A_1190 : i32 to index
        %get3A_1256 = arith.constant 32 : index
        %get3A_1257 = tpu.vector_load %arg12[%get3A_1255, %get3A_1256] {strides = array<i32>} : memref<40x64xi32, #tpu.memory_space<vmem>>, vector<16xi32>,
        %get3A_1258 = arith.index_cast %add3A_1190 : i32 to index
        %get3A_1259 = arith.constant 32 : index
        %get3A_1260 = tpu.vector_load %arg10[%get3A_1258, %get3A_1259] {strides = array<i32>} : memref<40x64xi32, #tpu.memory_space<vmem>>, vector<16xi32>,
        %shift_left3A_1261 = arith.constant 16 : i32
        %shift_left3A_1262 = vector.broadcast %shift_left3A_1261 : i32 to vector<16xi32>
        %shift_left3A_1263 = arith.shli %get3A_1257, %shift_left3A_1262 : vector<16xi32>
        %bitcast3A_1264 = vector.bitcast %shift_left3A_1263 : vector<16xi32> to vector<16xf32>
        %shift_left3A_1265 = arith.constant 16 : i32
        %shift_left3A_1266 = vector.broadcast %shift_left3A_1265 : i32 to vector<16xi32>
        %shift_left3A_1267 = arith.shli %get3A_1260, %shift_left3A_1266 : vector<16xi32>
        %bitcast3A_1268 = vector.bitcast %shift_left3A_1267 : vector<16xi32> to vector<16xf32>
        %and3A_1269 = vector.broadcast %scan3A_97 : i32 to vector<16xi32>
        %and3A_1270 = arith.andi %get3A_1257, %and3A_1269 : vector<16xi32>
        %bitcast3A_1271 = vector.bitcast %and3A_1270 : vector<16xi32> to vector<16xf32>
        %and3A_1272 = vector.broadcast %scan3A_97 : i32 to vector<16xi32>
        %and3A_1273 = arith.andi %get3A_1260, %and3A_1272 : vector<16xi32>
        %bitcast3A_1274 = vector.bitcast %and3A_1273 : vector<16xi32> to vector<16xf32>
        %mul3A_1275 = arith.mulf %bitcast3A_1264, %bitcast3A_1268 : vector<16xf32>
        %mul3A_1276 = vector.broadcast %squeeze3A_1186 : f32 to vector<16xf32>
        %mul3A_1277 = arith.mulf %mul3A_1275, %mul3A_1276 : vector<16xf32>
        %swap3A_1278 = arith.index_cast %add3A_1190 : i32 to index
        %swap3A_1279 = arith.constant 64 : index
        %swap3A_1280 = tpu.vector_load %arg14[%swap3A_1278, %swap3A_1279] {strides = array<i32>} : memref<40x128xf32, #tpu.memory_space<vmem>>, vector<16xf32>,
        tpu.vector_store %arg14[%swap3A_1278, %swap3A_1279], %mul3A_1277 {strides = array<i32>} : memref<40x128xf32, #tpu.memory_space<vmem>>, vector<16xf32>,
        %mul3A_1281 = arith.mulf %bitcast3A_1271, %bitcast3A_1274 : vector<16xf32>
        %mul3A_1282 = vector.broadcast %squeeze3A_1186 : f32 to vector<16xf32>
        %mul3A_1283 = arith.mulf %mul3A_1281, %mul3A_1282 : vector<16xf32>
        %swap3A_1284 = arith.index_cast %add3A_1190 : i32 to index
        %swap3A_1285 = arith.constant 80 : index
        %swap3A_1286 = tpu.vector_load %arg14[%swap3A_1284, %swap3A_1285] {strides = array<i32>} : memref<40x128xf32, #tpu.memory_space<vmem>>, vector<16xf32>,
        tpu.vector_store %arg14[%swap3A_1284, %swap3A_1285], %mul3A_1283 {strides = array<i32>} : memref<40x128xf32, #tpu.memory_space<vmem>>, vector<16xf32>,
        %get3A_1287 = arith.index_cast %add3A_1190 : i32 to index
        %get3A_1288 = arith.constant 48 : index
        %get3A_1289 = tpu.vector_load %arg12[%get3A_1287, %get3A_1288] {strides = array<i32>} : memref<40x64xi32, #tpu.memory_space<vmem>>, vector<16xi32>,
        %get3A_1290 = arith.index_cast %add3A_1190 : i32 to index
        %get3A_1291 = arith.constant 48 : index
        %get3A_1292 = tpu.vector_load %arg10[%get3A_1290, %get3A_1291] {strides = array<i32>} : memref<40x64xi32, #tpu.memory_space<vmem>>, vector<16xi32>,
        %shift_left3A_1293 = arith.constant 16 : i32
        %shift_left3A_1294 = vector.broadcast %shift_left3A_1293 : i32 to vector<16xi32>
        %shift_left3A_1295 = arith.shli %get3A_1289, %shift_left3A_1294 : vector<16xi32>
        %bitcast3A_1296 = vector.bitcast %shift_left3A_1295 : vector<16xi32> to vector<16xf32>
        %shift_left3A_1297 = arith.constant 16 : i32
        %shift_left3A_1298 = vector.broadcast %shift_left3A_1297 : i32 to vector<16xi32>
        %shift_left3A_1299 = arith.shli %get3A_1292, %shift_left3A_1298 : vector<16xi32>
        %bitcast3A_1300 = vector.bitcast %shift_left3A_1299 : vector<16xi32> to vector<16xf32>
        %and3A_1301 = vector.broadcast %scan3A_97 : i32 to vector<16xi32>
        %and3A_1302 = arith.andi %get3A_1289, %and3A_1301 : vector<16xi32>
        %bitcast3A_1303 = vector.bitcast %and3A_1302 : vector<16xi32> to vector<16xf32>
        %and3A_1304 = vector.broadcast %scan3A_97 : i32 to vector<16xi32>
        %and3A_1305 = arith.andi %get3A_1292, %and3A_1304 : vector<16xi32>
        %bitcast3A_1306 = vector.bitcast %and3A_1305 : vector<16xi32> to vector<16xf32>
        %mul3A_1307 = arith.mulf %bitcast3A_1296, %bitcast3A_1300 : vector<16xf32>
        %mul3A_1308 = vector.broadcast %squeeze3A_1186 : f32 to vector<16xf32>
        %mul3A_1309 = arith.mulf %mul3A_1307, %mul3A_1308 : vector<16xf32>
        %swap3A_1310 = arith.index_cast %add3A_1190 : i32 to index
        %swap3A_1311 = arith.constant 96 : index
        %swap3A_1312 = tpu.vector_load %arg14[%swap3A_1310, %swap3A_1311] {strides = array<i32>} : memref<40x128xf32, #tpu.memory_space<vmem>>, vector<16xf32>,
        tpu.vector_store %arg14[%swap3A_1310, %swap3A_1311], %mul3A_1309 {strides = array<i32>} : memref<40x128xf32, #tpu.memory_space<vmem>>, vector<16xf32>,
        %mul3A_1313 = arith.mulf %bitcast3A_1303, %bitcast3A_1306 : vector<16xf32>
        %mul3A_1314 = vector.broadcast %squeeze3A_1186 : f32 to vector<16xf32>
        %mul3A_1315 = arith.mulf %mul3A_1313, %mul3A_1314 : vector<16xf32>
        %swap3A_1316 = arith.index_cast %add3A_1190 : i32 to index
        %swap3A_1317 = arith.constant 112 : index
        %swap3A_1318 = tpu.vector_load %arg14[%swap3A_1316, %swap3A_1317] {strides = array<i32>} : memref<40x128xf32, #tpu.memory_space<vmem>>, vector<16xf32>,
        tpu.vector_store %arg14[%swap3A_1316, %swap3A_1317], %mul3A_1315 {strides = array<i32>} : memref<40x128xf32, #tpu.memory_space<vmem>>, vector<16xf32>,
        %scan3A_1319 = arith.constant 0 : i32
        scf.yield %scan3A_1319 : i32
      }
      %scan3A_238 = arith.constant 5 : i32
      %add3A_239 = arith.constant 1 : i32
      %add3A_240 = arith.addi %mul3A_130, %add3A_239 : i32
      %dma_start3A_241 = arith.constant 0 : i32
      %dma_start3A_242 = tpu.memref_slice %arg8[%add3A_240, %dma_start3A_241] : memref<250x40xi32, #tpu.memory_space<vmem>> -> memref<1x40xi32, #tpu.memory_space<vmem>>
      %dma_start3A_243 = tpu.memref_squeeze %dma_start3A_242 : memref<1x40xi32, #tpu.memory_space<vmem>> -> memref<40xi32, #tpu.memory_space<vmem>>
      %dma_start3A_244 = arith.constant 0 : i32
      %dma_start3A_245 = arith.constant 0 : i32
      %dma_start3A_246 = tpu.memref_slice %arg17[%dma_start3A_244, %dma_start3A_245] : memref<10240x128xf32, #tpu.memory_space<vmem_shared>> -> memref<10240x128xf32, #tpu.memory_space<vmem_shared>>
      tpu.enqueue_indirect_dma source(%arg14 : memref<40x128xf32, #tpu.memory_space<vmem>>) target(%dma_start3A_246 : memref<10240x128xf32, #tpu.memory_space<vmem_shared>>) offsets(%dma_start3A_243 : memref<40xi32, #tpu.memory_space<vmem>>) semaphore(%arg25 : memref<!tpu.dma_semaphore, #tpu.memory_space<semaphore_mem>>) {add = true}
      %scan3A_247 = arith.constant 0 : i32
      scf.yield %scan3A_247 : i32
    }
    %scan3A_104 = arith.constant 125 : i32
    %dma_wait3A = arith.constant 0 : i32
    %dma_wait3A_105 = arith.constant 0 : i32
    %dma_wait3A_106 = arith.constant 0 : i32
    %dma_wait3A_107 = tpu.memref_slice %arg6[%dma_wait3A, %dma_wait3A_105, %dma_wait3A_106] : memref<2x10240x128xf32, #tpu.memory_space<hbm>> -> memref<1x40x128xf32, #tpu.memory_space<hbm>>
    %dma_wait3A_108 = tpu.memref_squeeze %dma_wait3A_107 : memref<1x40x128xf32, #tpu.memory_space<hbm>> -> memref<40x128xf32, #tpu.memory_space<hbm>>
    %dma_wait3A_109 = arith.constant 0 : i32
    %dma_wait3A_110 = arith.constant 0 : i32
    %dma_wait3A_111 = tpu.memref_slice %arg6[%dma_wait3A, %dma_wait3A_109, %dma_wait3A_110] : memref<2x10240x128xf32, #tpu.memory_space<hbm>> -> memref<1x40x128xf32, #tpu.memory_space<hbm>>
    %dma_wait3A_112 = tpu.memref_squeeze %dma_wait3A_111 : memref<1x40x128xf32, #tpu.memory_space<hbm>> -> memref<40x128xf32, #tpu.memory_space<hbm>>
    tpu.wait_dma2 semaphore(%arg24 : memref<!tpu.dma_semaphore, #tpu.memory_space<semaphore_mem>>) src(%dma_wait3A_112 : memref<40x128xf32, #tpu.memory_space<hbm>>) dst(%arg13 : memref<40x128xf32, #tpu.memory_space<vmem>>)
    %dma_wait3A_113 = arith.constant 0 : i32
    %dma_wait3A_114 = arith.constant 0 : i32
    %dma_wait3A_115 = arith.constant 0 : i32
    %dma_wait3A_116 = tpu.memref_slice %arg6[%dma_wait3A_113, %dma_wait3A_114, %dma_wait3A_115] : memref<2x10240x128xf32, #tpu.memory_space<hbm>> -> memref<1x40x128xf32, #tpu.memory_space<hbm>>
    %dma_wait3A_117 = tpu.memref_squeeze %dma_wait3A_116 : memref<1x40x128xf32, #tpu.memory_space<hbm>> -> memref<40x128xf32, #tpu.memory_space<hbm>>
    %dma_wait3A_118 = arith.constant 0 : i32
    %dma_wait3A_119 = arith.constant 0 : i32
    %dma_wait3A_120 = tpu.memref_slice %arg6[%dma_wait3A_113, %dma_wait3A_118, %dma_wait3A_119] : memref<2x10240x128xf32, #tpu.memory_space<hbm>> -> memref<1x40x128xf32, #tpu.memory_space<hbm>>
    %dma_wait3A_121 = tpu.memref_squeeze %dma_wait3A_120 : memref<1x40x128xf32, #tpu.memory_space<hbm>> -> memref<40x128xf32, #tpu.memory_space<hbm>>
    tpu.wait_dma2 semaphore(%arg25 : memref<!tpu.dma_semaphore, #tpu.memory_space<semaphore_mem>>) src(%dma_wait3A_121 : memref<40x128xf32, #tpu.memory_space<hbm>>) dst(%arg14 : memref<40x128xf32, #tpu.memory_space<vmem>>)
    %barrier3A_122 = arith.constant 0 : index
    tpu.barrier barrier_id(%barrier3A_122)
    %mul3A_123 = arith.constant 640 : i32
    %mul3A_124 = arith.muli %arg1, %mul3A_123 : i32
    %mul3A_125 = arith.constant 640 : i32
    %mul3A_126 = arith.muli %arg1, %mul3A_125 : i32
    "tpu.region"() ({
      %run_scoped3A_127 = tpu.sem_alloc : memref<!tpu.dma_semaphore, #tpu.memory_space<semaphore_mem>>
      %dma_start3A_128 = arith.constant 0 : i32
      %dma_start3A_129 = tpu.memref_slice %arg6[%arg0, %mul3A_126, %dma_start3A_128] : memref<2x10240x128xf32, #tpu.memory_space<hbm>> -> memref<1x640x128xf32, #tpu.memory_space<hbm>>
      %dma_start3A_130 = tpu.memref_squeeze %dma_start3A_129 : memref<1x640x128xf32, #tpu.memory_space<hbm>> -> memref<640x128xf32, #tpu.memory_space<hbm>>
      %dma_start3A_131 = arith.constant 0 : i32
      %dma_start3A_132 = tpu.memref_slice %arg17[%mul3A_124, %dma_start3A_131] : memref<10240x128xf32, #tpu.memory_space<vmem_shared>> -> memref<640x128xf32, #tpu.memory_space<vmem_shared>>
      tpu.enqueue_dma source(%dma_start3A_132 : memref<640x128xf32, #tpu.memory_space<vmem_shared>>) target(%dma_start3A_130 : memref<640x128xf32, #tpu.memory_space<hbm>>) target_semaphore(%run_scoped3A_127 : memref<!tpu.dma_semaphore, #tpu.memory_space<semaphore_mem>>)
      %dma_wait3A_133 = arith.constant 0 : i32
      %dma_wait3A_134 = tpu.memref_slice %arg6[%arg0, %mul3A_126, %dma_wait3A_133] : memref<2x10240x128xf32, #tpu.memory_space<hbm>> -> memref<1x640x128xf32, #tpu.memory_space<hbm>>
      %dma_wait3A_135 = tpu.memref_squeeze %dma_wait3A_134 : memref<1x640x128xf32, #tpu.memory_space<hbm>> -> memref<640x128xf32, #tpu.memory_space<hbm>>
      %dma_wait3A_136 = arith.constant 0 : i32
      %dma_wait3A_137 = tpu.memref_slice %arg17[%mul3A_124, %dma_wait3A_136] : memref<10240x128xf32, #tpu.memory_space<vmem_shared>> -> memref<640x128xf32, #tpu.memory_space<vmem_shared>>
      tpu.wait_dma2 semaphore(%run_scoped3A_127 : memref<!tpu.dma_semaphore, #tpu.memory_space<semaphore_mem>>) src(%dma_wait3A_137 : memref<640x128xf32, #tpu.memory_space<vmem_shared>>) dst(%dma_wait3A_135 : memref<640x128xf32, #tpu.memory_space<hbm>>)
      tpu.yield
    }) : () -> ()
    return
  }
}

module attributes {stable_mosaic.version = 14 : i64} {
  func.func @_filter_body(%arg0: i32, %arg1: memref<50x2560xf32, #tpu.memory_space<vmem>>, %arg2: memref<1x8x320xf32, #tpu.memory_space<vmem>>, %arg3: memref<50x128xf32, #tpu.memory_space<vmem>>, %arg4: memref<1x128xf32, #tpu.memory_space<vmem>>, %arg5: memref<128x128xf32, #tpu.memory_space<vmem>>, %arg6: memref<1x128xf32, #tpu.memory_space<vmem>>, %arg7: memref<2560x64xi32, #tpu.memory_space<vmem>>, %arg8: memref<1x8x320xf32, #tpu.memory_space<vmem>>) attributes {dimension_semantics = [#tpu.dimension_semantics<arbitrary>], iteration_bounds = array<i64: 125>, scalar_prefetch = 0 : i64, scratch_operands = 0 : i64, tpu.core_type = #tpu.core_type<tc>, window_params = [{transform_indices = @transform_0, window_bounds = array<i64: 50, 2560>}, {transform_indices = @transform_1, window_bounds = array<i64: 1, 8, 320>}, {pipeline_mode = #tpu.pipeline_mode<synchronous>, transform_indices = @transform_2, window_bounds = array<i64: 50, 128>}, {pipeline_mode = #tpu.pipeline_mode<synchronous>, transform_indices = @transform_3, window_bounds = array<i64: 1, 128>}, {pipeline_mode = #tpu.pipeline_mode<synchronous>, transform_indices = @transform_4, window_bounds = array<i64: 128, 128>}, {pipeline_mode = #tpu.pipeline_mode<synchronous>, transform_indices = @transform_5, window_bounds = array<i64: 1, 128>}, {transform_indices = @transform_6, window_bounds = array<i64: 2560, 64>}, {transform_indices = @transform_7, window_bounds = array<i64: 1, 8, 320>}]} {
    %get3A = arith.constant 0 : index
    %get3A_0 = arith.constant 0 : index
    %get3A_1 = vector.load %arg1[%get3A, %get3A_0] : memref<50x2560xf32, #tpu.memory_space<vmem>>, vector<50x2560xf32>
    %get3A_2 = arith.constant 0 : index
    %get3A_3 = arith.constant 0 : index
    %get3A_4 = vector.load %arg3[%get3A_2, %get3A_3] : memref<50x128xf32, #tpu.memory_space<vmem>>, vector<50x128xf32>
    %dot_general3A = arith.constant dense<0.000000e+00> : vector<2560x128xf32>
    %dot_general3A_5 = tpu.matmul %get3A_1, %get3A_4, %dot_general3A {dimension_numbers = #tpu.dot_dimension_numbers<[0], [0], [1], [1], [0, 1, 1, 1], [], []>, transpose_lhs_hint = false} : vector<50x2560xf32>, vector<50x128xf32>, vector<2560x128xf32> -> vector<2560x128xf32>
    %get3A_6 = arith.constant 0 : index
    %get3A_7 = arith.constant 0 : index
    %get3A_8 = vector.load %arg4[%get3A_6, %get3A_7] : memref<1x128xf32, #tpu.memory_space<vmem>>, vector<1x128xf32>
    %add3A = vector.broadcast %get3A_8 : vector<1x128xf32> to vector<2560x128xf32>
    %add3A_9 = arith.addf %dot_general3A_5, %add3A : vector<2560x128xf32>
    %exp3A = math.exp %add3A_9 : vector<2560x128xf32>
    %mul3A = arith.constant 5.000000e-01 : f32
    %mul3A_10 = vector.broadcast %mul3A : f32 to vector<2560x128xf32>
    %mul3A_11 = arith.mulf %mul3A_10, %exp3A : vector<2560x128xf32>
    %add3A_12 = arith.constant 5.000000e-01 : f32
    %add3A_13 = vector.broadcast %add3A_12 : f32 to vector<2560x128xf32>
    %add3A_14 = arith.addf %add3A_13, %mul3A_11 : vector<2560x128xf32>
    %log3A = math.log %add3A_14 : vector<2560x128xf32>
    %get3A_15 = arith.constant 0 : index
    %get3A_16 = arith.constant 0 : index
    %get3A_17 = vector.load %arg5[%get3A_15, %get3A_16] : memref<128x128xf32, #tpu.memory_space<vmem>>, vector<128x128xf32>
    %dot_general3A_18 = arith.constant dense<0.000000e+00> : vector<2560x128xf32>
    %dot_general3A_19 = tpu.matmul %log3A, %get3A_17, %dot_general3A_18 {dimension_numbers = #tpu.dot_dimension_numbers<[1], [0], [0], [1], [0, 0, 1, 1], [], []>, transpose_lhs_hint = false} : vector<2560x128xf32>, vector<128x128xf32>, vector<2560x128xf32> -> vector<2560x128xf32>
    %get3A_20 = arith.constant 0 : index
    %get3A_21 = arith.constant 0 : index
    %get3A_22 = vector.load %arg6[%get3A_20, %get3A_21] : memref<1x128xf32, #tpu.memory_space<vmem>>, vector<1x128xf32>
    %add3A_23 = vector.broadcast %get3A_22 : vector<1x128xf32> to vector<2560x128xf32>
    %add3A_24 = arith.addf %dot_general3A_19, %add3A_23 : vector<2560x128xf32>
    %slice3A = vector.extract_strided_slice %add3A_24 {offsets = [0, 0], sizes = [2560, 64], strides = [1, 1]} : vector<2560x128xf32> to vector<2560x64xf32>
    %convert_element_type3A = arith.truncf %slice3A : vector<2560x64xf32> to vector<2560x64xbf16>
    %convert_element_type3A_25 = arith.extf %convert_element_type3A : vector<2560x64xbf16> to vector<2560x64xf32>
    %slice3A_26 = vector.extract_strided_slice %add3A_24 {offsets = [0, 64], sizes = [2560, 64], strides = [1, 1]} : vector<2560x128xf32> to vector<2560x64xf32>
    %convert_element_type3A_27 = arith.truncf %slice3A_26 : vector<2560x64xf32> to vector<2560x64xbf16>
    %convert_element_type3A_28 = arith.extf %convert_element_type3A_27 : vector<2560x64xbf16> to vector<2560x64xf32>
    %bitcast_convert_type3A = tpu.bitcast %convert_element_type3A_25 : vector<2560x64xf32> -> vector<2560x64xi32>
    %shift_right_logical3A = arith.constant 16 : i32
    %shift_right_logical3A_29 = vector.broadcast %shift_right_logical3A : i32 to vector<2560x64xi32>
    %shift_right_logical3A_30 = arith.shrui %bitcast_convert_type3A, %shift_right_logical3A_29 : vector<2560x64xi32>
    %bitcast_convert_type3A_31 = tpu.bitcast %convert_element_type3A_28 : vector<2560x64xf32> -> vector<2560x64xi32>
    %and3A = arith.constant -65536 : i32
    %and3A_32 = vector.broadcast %and3A : i32 to vector<2560x64xi32>
    %and3A_33 = arith.andi %bitcast_convert_type3A_31, %and3A_32 : vector<2560x64xi32>
    %or3A = arith.ori %shift_right_logical3A_30, %and3A_33 : vector<2560x64xi32>
    %swap3A = arith.constant 0 : index
    %swap3A_34 = arith.constant 0 : index
    %swap3A_35 = vector.load %arg7[%swap3A, %swap3A_34] : memref<2560x64xi32, #tpu.memory_space<vmem>>, vector<2560x64xi32>
    tpu.vector_store %arg7[%swap3A, %swap3A_34], %or3A {strides = array<i32>} : memref<2560x64xi32, #tpu.memory_space<vmem>>, vector<2560x64xi32>,
    %get3A_36 = arith.constant 0 : index
    %get3A_37 = arith.constant 0 : index
    %get3A_38 = arith.constant 0 : index
    %get3A_39 = vector.load %arg2[%get3A_36, %get3A_37, %get3A_38] : memref<1x8x320xf32, #tpu.memory_space<vmem>>, vector<1x8x320xf32>
    %mul3A_40 = arith.constant 0.314159274 : f32
    %mul3A_41 = vector.broadcast %mul3A_40 : f32 to vector<1x8x320xf32>
    %mul3A_42 = arith.mulf %get3A_39, %mul3A_41 : vector<1x8x320xf32>
    %cos3A = math.cos %mul3A_42 : vector<1x8x320xf32>
    %add3A_43 = arith.constant 1.000000e+00 : f32
    %add3A_44 = vector.broadcast %add3A_43 : f32 to vector<1x8x320xf32>
    %add3A_45 = arith.addf %cos3A, %add3A_44 : vector<1x8x320xf32>
    %mul3A_46 = arith.constant 5.000000e-01 : f32
    %mul3A_47 = vector.broadcast %mul3A_46 : f32 to vector<1x8x320xf32>
    %mul3A_48 = arith.mulf %mul3A_47, %add3A_45 : vector<1x8x320xf32>
    %swap3A_49 = arith.constant 0 : index
    %swap3A_50 = arith.constant 0 : index
    %swap3A_51 = arith.constant 0 : index
    %swap3A_52 = vector.load %arg8[%swap3A_49, %swap3A_50, %swap3A_51] : memref<1x8x320xf32, #tpu.memory_space<vmem>>, vector<1x8x320xf32>
    tpu.vector_store %arg8[%swap3A_49, %swap3A_50, %swap3A_51], %mul3A_48 {strides = array<i32>} : memref<1x8x320xf32, #tpu.memory_space<vmem>>, vector<1x8x320xf32>,
    return
  }
  func.func @transform_0(%arg0: i32) -> (i32, i32) {
    %c0_i32 = arith.constant 0 : i32
    %c0_i32_0 = arith.constant 0 : i32
    return %c0_i32, %arg0 : i32, i32
  }
  func.func @transform_1(%arg0: i32) -> (i32, i32, i32) {
    %c0_i32 = arith.constant 0 : i32
    %c0_i32_0 = arith.constant 0 : i32
    %c0_i32_1 = arith.constant 0 : i32
    return %arg0, %c0_i32, %c0_i32_0 : i32, i32, i32
  }
  func.func @transform_2(%arg0: i32) -> (i32, i32) {
    %c0_i32 = arith.constant 0 : i32
    %c0_i32_0 = arith.constant 0 : i32
    %c0_i32_1 = arith.constant 0 : i32
    return %c0_i32, %c0_i32_0 : i32, i32
  }
  func.func @transform_3(%arg0: i32) -> (i32, i32) {
    %c0_i32 = arith.constant 0 : i32
    %c0_i32_0 = arith.constant 0 : i32
    %c0_i32_1 = arith.constant 0 : i32
    return %c0_i32, %c0_i32_0 : i32, i32
  }
  func.func @transform_4(%arg0: i32) -> (i32, i32) {
    %c0_i32 = arith.constant 0 : i32
    %c0_i32_0 = arith.constant 0 : i32
    %c0_i32_1 = arith.constant 0 : i32
    return %c0_i32, %c0_i32_0 : i32, i32
  }
  func.func @transform_5(%arg0: i32) -> (i32, i32) {
    %c0_i32 = arith.constant 0 : i32
    %c0_i32_0 = arith.constant 0 : i32
    %c0_i32_1 = arith.constant 0 : i32
    return %c0_i32, %c0_i32_0 : i32, i32
  }
  func.func @transform_6(%arg0: i32) -> (i32, i32) {
    %c0_i32 = arith.constant 0 : i32
    %c0_i32_0 = arith.constant 0 : i32
    return %arg0, %c0_i32 : i32, i32
  }
  func.func @transform_7(%arg0: i32) -> (i32, i32, i32) {
    %c0_i32 = arith.constant 0 : i32
    %c0_i32_0 = arith.constant 0 : i32
    %c0_i32_1 = arith.constant 0 : i32
    return %arg0, %c0_i32, %c0_i32_0 : i32, i32, i32
  }
}

module attributes {stable_mosaic.version = 14 : i64} {
  func.func @_lin1_body(%arg0: i32, %arg1: memref<1000x128xf32, #tpu.memory_space<vmem>>, %arg2: memref<128x128xf32, #tpu.memory_space<vmem>>, %arg3: memref<1000x64xi32, #tpu.memory_space<vmem>>) attributes {dimension_semantics = [#tpu.dimension_semantics<arbitrary>], iteration_bounds = array<i64: 10>, scalar_prefetch = 0 : i64, scratch_operands = 0 : i64, tpu.core_type = #tpu.core_type<tc>, window_params = [{transform_indices = @transform_0, window_bounds = array<i64: 1000, 128>}, {pipeline_mode = #tpu.pipeline_mode<synchronous>, transform_indices = @transform_1, window_bounds = array<i64: 128, 128>}, {transform_indices = @transform_2, window_bounds = array<i64: 1000, 64>}]} {
    %get3A = arith.constant 0 : index
    %get3A_0 = arith.constant 0 : index
    %get3A_1 = vector.load %arg1[%get3A, %get3A_0] : memref<1000x128xf32, #tpu.memory_space<vmem>>, vector<1000x128xf32>
    %get3A_2 = arith.constant 0 : index
    %get3A_3 = arith.constant 0 : index
    %get3A_4 = vector.load %arg2[%get3A_2, %get3A_3] : memref<128x128xf32, #tpu.memory_space<vmem>>, vector<128x128xf32>
    %dot_general3A = arith.constant dense<0.000000e+00> : vector<1000x128xf32>
    %dot_general3A_5 = tpu.matmul %get3A_1, %get3A_4, %dot_general3A {dimension_numbers = #tpu.dot_dimension_numbers<[1], [0], [0], [1], [0, 0, 1, 1], [], []>, transpose_lhs_hint = false} : vector<1000x128xf32>, vector<128x128xf32>, vector<1000x128xf32> -> vector<1000x128xf32>
    %slice3A = vector.extract_strided_slice %dot_general3A_5 {offsets = [0, 0], sizes = [1000, 64], strides = [1, 1]} : vector<1000x128xf32> to vector<1000x64xf32>
    %convert_element_type3A = arith.truncf %slice3A : vector<1000x64xf32> to vector<1000x64xbf16>
    %convert_element_type3A_6 = arith.extf %convert_element_type3A : vector<1000x64xbf16> to vector<1000x64xf32>
    %slice3A_7 = vector.extract_strided_slice %dot_general3A_5 {offsets = [0, 64], sizes = [1000, 64], strides = [1, 1]} : vector<1000x128xf32> to vector<1000x64xf32>
    %convert_element_type3A_8 = arith.truncf %slice3A_7 : vector<1000x64xf32> to vector<1000x64xbf16>
    %convert_element_type3A_9 = arith.extf %convert_element_type3A_8 : vector<1000x64xbf16> to vector<1000x64xf32>
    %bitcast_convert_type3A = tpu.bitcast %convert_element_type3A_6 : vector<1000x64xf32> -> vector<1000x64xi32>
    %shift_right_logical3A = arith.constant 16 : i32
    %shift_right_logical3A_10 = vector.broadcast %shift_right_logical3A : i32 to vector<1000x64xi32>
    %shift_right_logical3A_11 = arith.shrui %bitcast_convert_type3A, %shift_right_logical3A_10 : vector<1000x64xi32>
    %bitcast_convert_type3A_12 = tpu.bitcast %convert_element_type3A_9 : vector<1000x64xf32> -> vector<1000x64xi32>
    %and3A = arith.constant -65536 : i32
    %and3A_13 = vector.broadcast %and3A : i32 to vector<1000x64xi32>
    %and3A_14 = arith.andi %bitcast_convert_type3A_12, %and3A_13 : vector<1000x64xi32>
    %or3A = arith.ori %shift_right_logical3A_11, %and3A_14 : vector<1000x64xi32>
    %swap3A = arith.constant 0 : index
    %swap3A_15 = arith.constant 0 : index
    %swap3A_16 = vector.load %arg3[%swap3A, %swap3A_15] : memref<1000x64xi32, #tpu.memory_space<vmem>>, vector<1000x64xi32>
    tpu.vector_store %arg3[%swap3A, %swap3A_15], %or3A {strides = array<i32>} : memref<1000x64xi32, #tpu.memory_space<vmem>>, vector<1000x64xi32>,
    return
  }
  func.func @transform_0(%arg0: i32) -> (i32, i32) {
    %c0_i32 = arith.constant 0 : i32
    %c0_i32_0 = arith.constant 0 : i32
    return %arg0, %c0_i32 : i32, i32
  }
  func.func @transform_1(%arg0: i32) -> (i32, i32) {
    %c0_i32 = arith.constant 0 : i32
    %c0_i32_0 = arith.constant 0 : i32
    %c0_i32_1 = arith.constant 0 : i32
    return %c0_i32, %c0_i32_0 : i32, i32
  }
  func.func @transform_2(%arg0: i32) -> (i32, i32) {
    %c0_i32 = arith.constant 0 : i32
    %c0_i32_0 = arith.constant 0 : i32
    return %arg0, %c0_i32 : i32, i32
  }
}

module attributes {stable_mosaic.version = 14 : i64} {
  func.func @_tail_body(%arg0: i32, %arg1: memref<2x1000x128xf32, #tpu.memory_space<vmem>>, %arg2: memref<128x128xf32, #tpu.memory_space<vmem>>, %arg3: memref<1x128xf32, #tpu.memory_space<vmem>>, %arg4: memref<128x128xf32, #tpu.memory_space<vmem>>, %arg5: memref<1x128xf32, #tpu.memory_space<vmem>>, %arg6: memref<1000x128xf32, #tpu.memory_space<vmem>>) attributes {dimension_semantics = [#tpu.dimension_semantics<arbitrary>], iteration_bounds = array<i64: 10>, scalar_prefetch = 0 : i64, scratch_operands = 0 : i64, tpu.core_type = #tpu.core_type<tc>, window_params = [{transform_indices = @transform_0, window_bounds = array<i64: 2, 1000, 128>}, {pipeline_mode = #tpu.pipeline_mode<synchronous>, transform_indices = @transform_1, window_bounds = array<i64: 128, 128>}, {pipeline_mode = #tpu.pipeline_mode<synchronous>, transform_indices = @transform_2, window_bounds = array<i64: 1, 128>}, {pipeline_mode = #tpu.pipeline_mode<synchronous>, transform_indices = @transform_3, window_bounds = array<i64: 128, 128>}, {pipeline_mode = #tpu.pipeline_mode<synchronous>, transform_indices = @transform_4, window_bounds = array<i64: 1, 128>}, {transform_indices = @transform_5, window_bounds = array<i64: 1000, 128>}]} {
    %get3A = arith.constant 0 : index
    %get3A_0 = arith.constant 0 : index
    %get3A_1 = arith.constant 0 : index
    %get3A_2 = vector.load %arg1[%get3A, %get3A_0, %get3A_1] : memref<2x1000x128xf32, #tpu.memory_space<vmem>>, vector<1x1000x128xf32>
    %get3A_3 = vector.shape_cast %get3A_2 : vector<1x1000x128xf32> to vector<1000x128xf32>
    %get3A_4 = arith.constant 1 : index
    %get3A_5 = arith.constant 0 : index
    %get3A_6 = arith.constant 0 : index
    %get3A_7 = vector.load %arg1[%get3A_4, %get3A_5, %get3A_6] : memref<2x1000x128xf32, #tpu.memory_space<vmem>>, vector<1x1000x128xf32>
    %get3A_8 = vector.shape_cast %get3A_7 : vector<1x1000x128xf32> to vector<1000x128xf32>
    %add3A = arith.addf %get3A_3, %get3A_8 : vector<1000x128xf32>
    %get3A_9 = arith.constant 0 : index
    %get3A_10 = arith.constant 0 : index
    %get3A_11 = vector.load %arg2[%get3A_9, %get3A_10] : memref<128x128xf32, #tpu.memory_space<vmem>>, vector<128x128xf32>
    %dot_general3A = arith.constant dense<0.000000e+00> : vector<1000x128xf32>
    %dot_general3A_12 = tpu.matmul %add3A, %get3A_11, %dot_general3A {dimension_numbers = #tpu.dot_dimension_numbers<[1], [0], [0], [1], [0, 0, 1, 1], [], []>, transpose_lhs_hint = false} : vector<1000x128xf32>, vector<128x128xf32>, vector<1000x128xf32> -> vector<1000x128xf32>
    %get3A_13 = arith.constant 0 : index
    %get3A_14 = arith.constant 0 : index
    %get3A_15 = vector.load %arg3[%get3A_13, %get3A_14] : memref<1x128xf32, #tpu.memory_space<vmem>>, vector<1x128xf32>
    %add3A_16 = vector.broadcast %get3A_15 : vector<1x128xf32> to vector<1000x128xf32>
    %add3A_17 = arith.addf %dot_general3A_12, %add3A_16 : vector<1000x128xf32>
    %max3A = arith.constant 0.000000e+00 : f32
    %max3A_18 = vector.broadcast %max3A : f32 to vector<1000x128xf32>
    %max3A_19 = arith.maximumf %add3A_17, %max3A_18 : vector<1000x128xf32>
    %abs3A = math.absf %add3A_17 : vector<1000x128xf32>
    %neg3A = arith.constant 0.000000e+00 : f32
    %neg3A_20 = vector.broadcast %neg3A : f32 to vector<1000x128xf32>
    %neg3A_21 = arith.subf %neg3A_20, %abs3A : vector<1000x128xf32>
    %exp3A = math.exp %neg3A_21 : vector<1000x128xf32>
    %add3A_22 = arith.constant 1.000000e+00 : f32
    %add3A_23 = vector.broadcast %add3A_22 : f32 to vector<1000x128xf32>
    %add3A_24 = arith.addf %add3A_23, %exp3A : vector<1000x128xf32>
    %log3A = math.log %add3A_24 : vector<1000x128xf32>
    %add3A_25 = arith.addf %max3A_19, %log3A : vector<1000x128xf32>
    %sub3A = arith.constant 0.693147182 : f32
    %sub3A_26 = vector.broadcast %sub3A : f32 to vector<1000x128xf32>
    %sub3A_27 = arith.subf %add3A_25, %sub3A_26 : vector<1000x128xf32>
    %get3A_28 = arith.constant 0 : index
    %get3A_29 = arith.constant 0 : index
    %get3A_30 = vector.load %arg4[%get3A_28, %get3A_29] : memref<128x128xf32, #tpu.memory_space<vmem>>, vector<128x128xf32>
    %dot_general3A_31 = arith.constant dense<0.000000e+00> : vector<1000x128xf32>
    %dot_general3A_32 = tpu.matmul %sub3A_27, %get3A_30, %dot_general3A_31 {dimension_numbers = #tpu.dot_dimension_numbers<[1], [0], [0], [1], [0, 0, 1, 1], [], []>, transpose_lhs_hint = false} : vector<1000x128xf32>, vector<128x128xf32>, vector<1000x128xf32> -> vector<1000x128xf32>
    %get3A_33 = arith.constant 0 : index
    %get3A_34 = arith.constant 0 : index
    %get3A_35 = vector.load %arg5[%get3A_33, %get3A_34] : memref<1x128xf32, #tpu.memory_space<vmem>>, vector<1x128xf32>
    %add3A_36 = vector.broadcast %get3A_35 : vector<1x128xf32> to vector<1000x128xf32>
    %add3A_37 = arith.addf %dot_general3A_32, %add3A_36 : vector<1000x128xf32>
    %swap3A = arith.constant 0 : index
    %swap3A_38 = arith.constant 0 : index
    %swap3A_39 = vector.load %arg6[%swap3A, %swap3A_38] : memref<1000x128xf32, #tpu.memory_space<vmem>>, vector<1000x128xf32>
    tpu.vector_store %arg6[%swap3A, %swap3A_38], %add3A_37 {strides = array<i32>} : memref<1000x128xf32, #tpu.memory_space<vmem>>, vector<1000x128xf32>,
    return
  }
  func.func @transform_0(%arg0: i32) -> (i32, i32, i32) {
    %c0_i32 = arith.constant 0 : i32
    %c0_i32_0 = arith.constant 0 : i32
    %c0_i32_1 = arith.constant 0 : i32
    return %c0_i32, %arg0, %c0_i32_0 : i32, i32, i32
  }
  func.func @transform_1(%arg0: i32) -> (i32, i32) {
    %c0_i32 = arith.constant 0 : i32
    %c0_i32_0 = arith.constant 0 : i32
    %c0_i32_1 = arith.constant 0 : i32
    return %c0_i32, %c0_i32_0 : i32, i32
  }
  func.func @transform_2(%arg0: i32) -> (i32, i32) {
    %c0_i32 = arith.constant 0 : i32
    %c0_i32_0 = arith.constant 0 : i32
    %c0_i32_1 = arith.constant 0 : i32
    return %c0_i32, %c0_i32_0 : i32, i32
  }
  func.func @transform_3(%arg0: i32) -> (i32, i32) {
    %c0_i32 = arith.constant 0 : i32
    %c0_i32_0 = arith.constant 0 : i32
    %c0_i32_1 = arith.constant 0 : i32
    return %c0_i32, %c0_i32_0 : i32, i32
  }
  func.func @transform_4(%arg0: i32) -> (i32, i32) {
    %c0_i32 = arith.constant 0 : i32
    %c0_i32_0 = arith.constant 0 : i32
    %c0_i32_1 = arith.constant 0 : i32
    return %c0_i32, %c0_i32_0 : i32, i32
  }
  func.func @transform_5(%arg0: i32) -> (i32, i32) {
    %c0_i32 = arith.constant 0 : i32
    %c0_i32_0 = arith.constant 0 : i32
    return %arg0, %c0_i32 : i32, i32
  }
}

</mosaic_0001>

<sc_bundles>
// kernel: kernel.6.cloned.1.call-start
scs
__scs_entry_jumppad:
0x0: {  	(pc) =	sbr.rel $0x88, $3  }
0x1: {  	(tag) =	ssettag $0x0;
	lr =	simm.s32 $0x1  }
0x2: {  	[smem:$0x3F94] =	sst lr;
	_ =	strace $0xD0000000  }
0x3: {  	_ = 	snop  }
0x4: {  	_ = 	snop  }
0x5: {  	_ = 	snop  }
0x6: {  	_ = 	snop  }
0x7: {  	_ = 	snop  }
__scs_overlays_trampoline_lowered:
0x8: {  	[smem:$0x3FA3] =	sst s0  }
0x9: {  	[smem:$0x3FA4] =	sst s1  }
0xa: {  	[smem:$0x3FA5] =	sst s2  }
0xb: {  	[smem:$0x3FA6] =	sst s3  }
0xc: {  	[smem:$0x3FA7] =	sst s4  }
0xd: {  	[smem:$0x3FA8] =	sst s5  }
0xe: {  	[smem:$0x3FA9] =	sst s6  }
0xf: {  	[smem:$0x3FAA] =	sst s7  }
0x10: {  	[smem:$0x3FAB] =	sst s8  }
0x11: {  	[smem:$0x3FAC] =	sst s9;
	s0 =	simm.s32 @!p0 $0x0  }
0x12: {  	s1 =	sld [smem:$0x3F92];
	s0 =	simm.s32 @p0 $0x1  }
0x13: {  	[smem:$0x3FAD] =	sst s0;
	s0 =	simm.s32 @!p1 $0x0  }
0x14: {  	s2 =	sld [smem:$0x3F91];
	s0 =	simm.s32 @p1 $0x1  }
0x15: {  	[smem:$0x3FAE] =	sst s0;
	s0 =	simm.s32 @!p2 $0x0  }
0x16: {  	s3 =	sld [smem:$0x3FDB];
	s0 =	simm.s32 @p2 $0x1  }
0x17: {  	s4 =	simm.s32 $0x1BF5;
	[smem:$0x3FB0] =	sst s0  }
0x18: {  	s0 =	sld [smem:$0x3F93];
	_ =	swait.ge [sflag:s4], $0x0  }
0x19: {  	s7 =	sld [smem:$0x3F94]  }
0x1a: {  	s8 =	sadd.s32 $0xFFFFE003, lr  }
0x1b: {  	s9 =	sadd.s32 $0xFFFFFEF7, lr;
	s5 =	simm.s32 $0xFFFFFFFF;
	p2 =	slt.u32 s8, $0xFFFFF086  }
0x1c: {  	p1 =	slt.u32 s9, $0xF7A;
	s5 =	simm.s32 @!p2 $0x0  }
0x1d: {  	s5 =	simm.s32 @p1 $0x1;
	p0 =	seq.s32 s7, s2  }
0x1e: {  	s7 =	smul.u32 @!p0 $0xF7A, s2;
	p2 =	seq.s32 @!p0 s5, $0x0  }
0x1f: {  	s9 =	smul.u32 $0xF7A, s1;
	s8 =	simm.s32 @!p0 $0x1BF5;
	p2 =	por !p2, p0  }
0x20: {  	[sflag:s8] =	ssyncset.s32 @!p0 $0xFFFFF086;
	s6 =	sadd.s32 @!p0 s3, s7;
	s7 =	simm.s32 @!p0 $0x108  }
0x21: {  	s3 =	sadd.s32 s3, s9;
	s6 =	sadd.s32 @!p0 $0x88, s6;
	s7 =	simm.s32 @p2 $0x1082  }
0x22: {  	[simem:s7], [sflag:s8] =	dma.local @!p0 [hbm:s6], $0xF7A  }
0x23: {  	s9 =	sor.u32 $0xD0000000, s2;
	s6 =	simm.s32 $0x108;
	_ =	swait.ge @!p0 [sflag:s8], $0x0  }
0x24: {  	s3 =	sadd.s32 $0x88, s3;
	s6 =	simm.s32 @!p1 $0x1082;
	[sflag:s4] =	ssyncset.s32 $0xFFFFF086  }
0x25: {  	[simem:s6], [sflag:s4] =	dma.local [hbm:s3], $0xF7A  }
0x26: {  	[smem:$0x3F94] =	sst s1;
	(tag) =	ssettag s2;
	_ =	strace s9  }
0x27: {  	s1 =	sld [smem:$0x3FA4]  }
0x28: {  	s2 =	sld [smem:$0x3FA5]  }
0x29: {  	s4 =	sld [smem:$0x3FA7]  }
0x2a: {  	p0 =	seq.s32 s5, $0x0;
	s5 =	sld [smem:$0x3FA8]  }
0x2b: {  	s6 =	sld [smem:$0x3FA9]  }
0x2c: {  	s7 =	sld [smem:$0x3FAA]  }
0x2d: {  	s3 =	simm.s32 $0x108;
	s8 =	sld [smem:$0x3FAB]  }
0x2e: {  	s3 =	simm.s32 @!p0 $0x1082;
	s9 =	sld [smem:$0x3FAC]  }
0x2f: {  	lr =	sadd.s32 s0, s3;
	s0 =	sld [smem:$0x3FA3]  }
0x30: {  	s3 =	sld [smem:$0x3FA6]  }
0x31: {  	[smem:$0x3FAF] =	sst s10  }
0x32: {  	s10 =	sld [smem:$0x3FAD];
	_ =	sdelay $0x3  }
0x33: {  	p0 =	seq.s32 s10, $0x1;
	s10 =	sld [smem:$0x3FAF];
	_ =	sdelay $0x3  }
0x34: {  	[smem:$0x3FAF] =	sst s10  }
0x35: {  	s10 =	sld [smem:$0x3FAE];
	_ =	sdelay $0x3  }
0x36: {  	p1 =	seq.s32 s10, $0x1;
	s10 =	sld [smem:$0x3FAF];
	_ =	sdelay $0x3  }
0x37: {  	[smem:$0x3FAF] =	sst s10  }
0x38: {  	s10 =	sld [smem:$0x3FB0]  }
0x39: {  	_ = 	snop;
	(pc) =	sbr.ind lr, $3  }
0x3a: {  	_ = 	snop  }
0x3b: {  	_ = 	snop  }
0x3c: {  	p2 =	seq.s32 s10, $0x1;
	s10 =	sld [smem:$0x3FAF]  }
0x3d: {  	_ =	shalt  }
0x3e: {  	_ =	shalt  }
0x3f: {  	_ =	shalt  }
0x40: {  	_ =	shalt  }
0x41: {  	_ =	shalt  }
0x42: {  	_ =	shalt  }
0x43: {  	_ =	shalt  }
0x44: {  	_ =	shalt  }
0x45: {  	_ =	shalt  }
0x46: {  	_ =	shalt  }
0x47: {  	_ =	shalt  }
0x48: {  	_ =	shalt  }
0x49: {  	_ =	shalt  }
0x4a: {  	_ =	shalt  }
0x4b: {  	_ =	shalt  }
0x4c: {  	_ =	shalt  }
0x4d: {  	_ =	shalt  }
0x4e: {  	_ =	shalt  }
0x4f: {  	_ =	shalt  }
0x50: {  	_ =	shalt  }
0x51: {  	_ =	shalt  }
0x52: {  	_ =	shalt  }
0x53: {  	_ =	shalt  }
0x54: {  	_ =	shalt  }
0x55: {  	_ =	shalt  }
0x56: {  	_ =	shalt  }
0x57: {  	_ =	shalt  }
0x58: {  	_ =	shalt  }
0x59: {  	_ =	shalt  }
0x5a: {  	_ =	shalt  }
0x5b: {  	_ =	shalt  }
0x5c: {  	_ =	shalt  }
0x5d: {  	_ =	shalt  }
0x5e: {  	_ =	shalt  }
0x5f: {  	_ =	shalt  }
0x60: {  	_ =	shalt  }
0x61: {  	_ =	shalt  }
0x62: {  	_ =	shalt  }
0x63: {  	_ =	shalt  }
0x64: {  	_ =	shalt  }
0x65: {  	_ =	shalt  }
0x66: {  	_ =	shalt  }
0x67: {  	_ =	shalt  }
0x68: {  	_ =	shalt  }
0x69: {  	_ =	shalt  }
0x6a: {  	_ =	shalt  }
0x6b: {  	_ =	shalt  }
0x6c: {  	_ =	shalt  }
0x6d: {  	_ =	shalt  }
0x6e: {  	_ =	shalt  }
0x6f: {  	_ =	shalt  }
0x70: {  	_ =	shalt  }
0x71: {  	_ =	shalt  }
0x72: {  	_ =	shalt  }
0x73: {  	_ =	shalt  }
0x74: {  	_ =	shalt  }
0x75: {  	_ =	shalt  }
0x76: {  	_ =	shalt  }
0x77: {  	_ =	shalt  }
0x78: {  	_ =	shalt  }
0x79: {  	_ =	shalt  }
0x7a: {  	_ =	shalt  }
0x7b: {  	_ =	shalt  }
0x7c: {  	_ =	shalt  }
0x7d: {  	_ =	shalt  }
0x7e: {  	_ =	shalt  }
0x7f: {  	_ =	shalt  }
0x80: {  	_ =	shalt  }
0x81: {  	_ =	shalt  }
0x82: {  	_ =	shalt  }
0x83: {  	_ =	shalt  }
0x84: {  	_ =	shalt  }
0x85: {  	_ =	shalt  }
0x86: {  	_ =	shalt  }
0x87: {  	_ =	shalt  }
.Lfunc_end0:
.L_simem_size_0:
called_computation_lowered:
.L_overlay_start_0:
0x88: {  	s2 =	sld [smem:$0x3FD9]  }
0x89: {  	s3 =	sld [smem:$0x3FFE];
	_ =	sdelay $0x1  }
0x8a: {  	s1 =	srdreg.scid  }
0x8b: {  	s0 =	sand.u32 $0x1, s1  }
0x8c: {  	s17 =	sshll.u32 s0, $0xA;
	s2 =	sadd.s32 s3, s2  }
0x8d: {  	s2 =	sadd.s32 s2, s17  }
0x8e: {  	[smem:$0x3FBB] =	sst s2  }
0x8f: {  	_ = 	snop  }
0x90: {  	s2 =	sld [smem:$0x3FD0];
	(tm) =	ssettm $0x1  }
0x91: {  	s18 =	sld [smem:$0x3FFB];
	_ =	sdelay $0x3  }
0x92: {  	_ =	strace s18  }
0x93: {  	s3 =	sld [smem:$0x3FFC];
	_ =	sdelay $0x3  }
0x94: {  	_ =	strace s3  }
0x95: {  	s3 =	sld [smem:$0x3FFD];
	_ =	sdelay $0x3  }
0x96: {  	_ =	strace s3  }
0x97: {  	_ =	strace $0x8FFFFFFF  }
0x98: {  	s19 =	sld [smem:$0x3FDB];
	_ =	sdelay $0x1  }
0x99: {  	s4 =	simm.s32 $_scs_section_size  }
0x9a: {  	s5 =	simm.s32 $_size__tile_overlayer_lowered;
	s6 =	simm.s32 $_tile_overlayer_lowered  }
0x9b: {  	s22 =	simm.s32 $0x1BFF;
	s21 =	sshll.u32 s6, $0x1;
	s3 =	sadd.s32 s4, s19  }
0x9c: {  	s7 =	simm.s32 $0x0;
	s20 =	sshll.u32 s5, $0x1;
	s5 =	sadd.s32 s21, s3  }
0x9d: {  	[timem:s7], [sflag:s22] =	dma.local [hbm:s5], s20  }
0x9e: {  	_ =	swait.ge [sflag:s22], s20  }
0x9f: {  	s4 =	ssub.s32 $0x0, s20;
	[sflag:s22] =	ssyncset.done $0x0  }
0xa0: {  	[sflag:s22] =	ssyncadd.s32 s4;
	_ =	sdelay $0x1  }
0xa1: {  	s23 =	simm.s32 $0x1B8B  }
0xa2: {  	_ =	swait.ge [sflag:s23], $0x1  }
0xa3: {  	[sflag:s23] =	ssyncset.done $0x0  }
0xa4: {  	s25 =	simm.s32 $0x1B8E;
	s24 =	sld [smem:$0x3FFE];
	[sflag:s23] =	ssyncadd.s32 $0xFFFFFFFF  }
0xa5: {  	s26 =	simm.s32 $execute0_lowered;
	[smem:$0x3FD2] =	sst s25  }
0xa6: {  	s5 =	sshll.u32 s26, $0x1;
	_ =	strace $0x80000046;
	[dreg:$0x1] =	wrdreg $0xFFFFFFFF  }
0xa7: {  	s28 =	simm.s32 $_size_execute0_lowered;
	s3 =	sadd.s32 s3, s5;
	[dreg:$0x0] =	wrdreg $0x0  }
0xa8: {  	s5 =	sshll.u32 s28, $0x1;
	[dreg:$0x2] =	wrdreg s3  }
0xa9: {  	[dreg:$0x3] =	wrdreg s5  }
0xaa: {  	[dreg:$0x4] =	wrdreg $0xC0  }
0xab: {  	_ =	task [dreg:s7], $0x5FFFF  }
0xac: {  	[dreg:$0x1] =	wrdreg $0xFFFFFFFF  }
0xad: {  	[dreg:$0x0] =	wrdreg $0x60  }
0xae: {  	[dreg:$0x2] =	wrdreg s2  }
0xaf: {  	[dreg:$0x3] =	wrdreg s24  }
0xb0: {  	[dreg:$0x4] =	wrdreg $0x9E800  }
0xb1: {  	[dreg:$0x5] =	wrdreg $0x9  }
0xb2: {  	_ =	task.clear_ibuf [dreg:s7], $0x6FFFF;
	_ =	strace $0x90000046  }
0xb3: {  	s29 =	simm.s32 $0x9;
	_ =	strace $0x80000048  }
0xb4: {  	_ =	swait.ge [sflag:s29], $0x1  }
0xb5: {  	[sflag:s29] =	ssyncadd.s32 $0xFFFFFFFF  }
0xb6: {  	_ =	strace $0x90000048  }
0xb7: {  	_ =	sfence  }
0xb8: {  	s30 =	sld [smem:$0x0];
	_ =	sdelay $0x2  }
0xb9: {  	s31 =	sshll.u32 s1, $0xD;
	s1 =	sshrl.u32 s1, $0x2  }
0xba: {  	s3 =	sand.u32 $0x4000, s31;
	s1 =	sadd.s32 s1, s30  }
0xbb: {  	s0 =	sor.u32 s3, s0;
	s1 =	sshll.u32 s1, $0x11  }
0xbc: {  	s0 =	sor.u32 s1, s0  }
0xbd: {  	s0 =	sadd.s32 $0x8F2B, s0  }
0xbe: {  	[sflag:s0] =	ssyncadd.remote.s32 $0x1  }
0xbf: {  	_ =	sfence.sel $0xFFFF  }
0xc0: {  	[dreg:$0x0] =	wrdreg $0xFFFFFFFF;
	(pc) =	sbr.abs _section_cstart, $3  }
0xc1: {  	[dreg:$0x1] =	wrdreg $0xFFFFFFFF  }
0xc2: {  	_ =	task.clear_ibuf [dreg:s7], $0x2FFFF;
	_ =	strace $0x9FFFFFFF  }
0xc3: {  	(tm) =	ssettm $0x7FFFFFFF  }
tec
execute0_lowered:
.L_overlay_start_1:
0x0: {  	(tag) =	ssettag $0x1  }
0x1: {  	s13 =	stileid.u32  }
0x2: {  	s1 =	rddreg [dreg:$0x0];
	s9 =	smul.u32 $0x14000, s13  }
0x3: {  	s8 =	rddreg [dreg:$0x1];
	s2 =	sshll.u32 s13, $0x1;
	s13 =	smul.u32 $0x50000, s13  }
0x4: {  	s0 =	srdreg.scid;
	s3 =	rddreg [dreg:$0x2]  }
0x5: {  	s5 =	simm.s32 $0x0;
	s31 =	simm.s32 $0x7620;
	s13 =	sshrl.u32 s13, $0x2  }
0x6: {  	[smem:$0x7FF] =	sst s5;
	s23 =	sadd.s32 s9, s3;
	s28 =	sadd.s32 s13, s3  }
0x7: {  	_ =	strace $0x80000047;
	[dreg:$0x4] =	wrdreg s23;
	s29 =	sadd.s32 $0x1400, s28  }
0x8: {  	s0 =	sand.u32 $0x1, s0;
	s30 =	sadd.s32 $0x2800, s28;
	[dreg:$0x5] =	wrdreg s29  }
0x9: {  	s6 =	sadd.s32 $0x4E4400, s8;
	s13 =	sadd.s32 $0x3C00, s28;
	[dreg:$0x6] =	wrdreg s30  }
0xa: {  	s2 =	sor.u32 s0, s2;
	s14 =	sadd.s32 $0x5000, s28;
	[dreg:$0x7] =	wrdreg s13  }
0xb: {  	s7 =	smul.u32 $0x140000, s0;
	s15 =	sadd.s32 $0x6400, s28;
	[dreg:$0x8] =	wrdreg s14  }
0xc: {  	s0 =	ssub.s32 $0x2, s0;
	s16 =	sadd.s32 $0x7800, s28;
	[dreg:$0x9] =	wrdreg s15  }
0xd: {  	s4 =	smul.u32 $0x2710, s2;
	s17 =	sadd.s32 $0x8C00, s28;
	[dreg:$0xa] =	wrdreg s16  }
0xe: {  	s26 =	sshrl.u32 s0, $0x1;
	s18 =	sadd.s32 $0xA000, s28;
	[dreg:$0xb] =	wrdreg s17  }
0xf: {  	s2 =	smul.u32 $0x13880, s2;
	s19 =	sadd.s32 $0xB400, s28;
	[dreg:$0xc] =	wrdreg s18  }
0x10: {  	s12 =	sadd.s32 s9, s7;
	s20 =	sadd.s32 $0xC800, s28;
	[dreg:$0xd] =	wrdreg s19  }
0x11: {  	s7 =	sadd.s32 $0x2400, s8;
	s21 =	sadd.s32 $0xDC00, s28;
	[dreg:$0xe] =	wrdreg s20  }
0x12: {  	s0 =	ssub.s32 s0, s26;
	s22 =	sadd.s32 $0xF000, s28;
	[dreg:$0xf] =	wrdreg s21  }
0x13: {  	s10 =	sshrl.u32 s4, $0x3;
	s24 =	sadd.s32 $0x10400, s28;
	[dreg:$0x10] =	wrdreg s22  }
0x14: {  	s12 =	sshrl.u32 s12, $0x3;
	s25 =	sadd.s32 $0x11800, s28;
	[dreg:$0x11] =	wrdreg s24  }
0x15: {  	s9 =	sadd.s32 $0x12C00, s28;
	s2 =	sadd.s32 s6, s2;
	[dreg:$0x12] =	wrdreg s25  }
0x16: {  	s0 =	smax.u32 s0, $0x1;
	s11 =	sadd.s32 s10, s8;
	[dreg:$0x13] =	wrdreg s9  }
0x17: {  	s8 =	sadd.s32 s12, s8;
	[dreg:$0x16] =	wrdreg s2;
	s29 =	sadd.s32 s7, s10  }
0x18: {  	[dreg:$0x19] =	wrdreg s0;
	s2 =	simm.s32 $0x9;
	s0 =	simm.s32 $0x6220  }
0x19: {  	s9 =	simm.s32 $0x28;
	s10 =	simm.s32 $0x4E20;
	s12 =	simm.s32 $0x6C20  }
0x1a: {  	s13 =	simm.s32 $0x5820;
	s14 =	simm.s32 $0x9E50;
	s15 =	simm.s32 $0x1  }
0x1b: {  	s16 =	simm.s32 $0x3;
	s17 =	simm.s32 $0x5;
	s18 =	simm.s32 $0x2  }
0x1c: {  	s19 =	simm.s32 $0x4;
	s26 =	sadd.s32 $0xC200, s11;
	[dreg:$0x17] =	wrdreg s29  }
0x1d: {  	s20 =	simm.s32 $0x6;
	s28 =	sadd.s32 $0x15E40, s11;
	[dreg:$0x14] =	wrdreg s26  }
0x1e: {  	s21 =	simm.s32 $0x8A20;
	s30 =	sadd.s32 $0x1FC00, s8;
	[dreg:$0x15] =	wrdreg s28  }
0x1f: {  	v0 =	vimm.f32 $0.0e+00;
	s24 =	simm.s32 $0x0;
	s11 =	simm.s32 $0x9E20;
	[dreg:$0x18] =	wrdreg s30  }
.LBB2_1:
0x20: {  	s8 =	simm.s32 $0x0;
	s22 =	simm.s32 $0x200  }
.LBB2_2:
0x21: {  	p0 =	sne.s32 s22, $0x4E00;
	[tilespmem:s8+$0x7690] =	vst v0  }
0x22: {  	[tilespmem:s8+$0x7620] =	vst v0  }
0x23: {  	[tilespmem:s8+$0x7630] =	vst v0  }
.Ltmp0:
0x24: {  	[tilespmem:s8+$0x7640] =	vst v0;
	(pc) =	sbr.rel @p0 .LBB2_2-.Ltmp0, $4  }
0x25: {  	[tilespmem:s8+$0x7650] =	vst v0  }
0x26: {  	[tilespmem:s8+$0x7660] =	vst v0  }
0x27: {  	[tilespmem:s8+$0x7670] =	vst v0  }
0x28: {  	[tilespmem:s8+$0x7680] =	vst v0;
	s8 =	sshra.s32 s22, $0x2;
	s22 =	sadd.s32 $0x200, s22  }
0x29: {  	[tilespmem:s8+$0x7690] =	vst v0  }
0x2a: {  	[tilespmem:s8+$0x7620] =	vst v0  }
0x2b: {  	[tilespmem:s8+$0x7630] =	vst v0  }
0x2c: {  	[tilespmem:s8+$0x7640] =	vst v0  }
0x2d: {  	[tilespmem:s8+$0x7650] =	vst v0  }
0x2e: {  	[tilespmem:s8+$0x7660] =	vst v0  }
0x2f: {  	[tilespmem:s8+$0x7670] =	vst v0  }
0x30: {  	[tilespmem:s8+$0x7680] =	vst v0  }
0x31: {  	[spmem:s23] =	stream.linear.scatter [tilespmem:s31], [sflag:$0x9], $0x1400, $0x38;
	[tilespmem:$0x1DE80] =	vst v63  }
0x32: {  	_ =	swait.ge [sflag:s2], $0x1400  }
0x33: {  	[sflag:s2] =	ssyncset.done $0x0  }
0x34: {  	s25 =	rddreg [dreg:$0x5];
	[sflag:s2] =	ssyncadd.s32 $0xFFFFEC00  }
0x35: {  	[spmem:s25] =	stream.linear.scatter [tilespmem:s31], [sflag:$0x9], $0x1400, $0x38;
	[tilespmem:$0x1DE80] =	vst v63  }
0x36: {  	_ =	swait.ge [sflag:s2], $0x1400  }
0x37: {  	[sflag:s2] =	ssyncset.done $0x0  }
0x38: {  	s26 =	rddreg [dreg:$0x6];
	[sflag:s2] =	ssyncadd.s32 $0xFFFFEC00  }
0x39: {  	[spmem:s26] =	stream.linear.scatter [tilespmem:s31], [sflag:$0x9], $0x1400, $0x38;
	[tilespmem:$0x1DE80] =	vst v63  }
0x3a: {  	_ =	swait.ge [sflag:s2], $0x1400  }
0x3b: {  	[sflag:s2] =	ssyncset.done $0x0  }
0x3c: {  	s28 =	rddreg [dreg:$0x7];
	[sflag:s2] =	ssyncadd.s32 $0xFFFFEC00  }
0x3d: {  	[spmem:s28] =	stream.linear.scatter [tilespmem:s31], [sflag:$0x9], $0x1400, $0x38;
	[tilespmem:$0x1DE80] =	vst v63  }
0x3e: {  	_ =	swait.ge [sflag:s2], $0x1400  }
0x3f: {  	[sflag:s2] =	ssyncset.done $0x0  }
0x40: {  	s29 =	rddreg [dreg:$0x8];
	[sflag:s2] =	ssyncadd.s32 $0xFFFFEC00  }
0x41: {  	[spmem:s29] =	stream.linear.scatter [tilespmem:s31], [sflag:$0x9], $0x1400, $0x38;
	[tilespmem:$0x1DE80] =	vst v63  }
0x42: {  	_ =	swait.ge [sflag:s2], $0x1400  }
0x43: {  	[sflag:s2] =	ssyncset.done $0x0  }
0x44: {  	s30 =	rddreg [dreg:$0x9];
	[sflag:s2] =	ssyncadd.s32 $0xFFFFEC00  }
0x45: {  	[spmem:s30] =	stream.linear.scatter [tilespmem:s31], [sflag:$0x9], $0x1400, $0x38;
	[tilespmem:$0x1DE80] =	vst v63  }
0x46: {  	_ =	swait.ge [sflag:s2], $0x1400  }
0x47: {  	[sflag:s2] =	ssyncset.done $0x0  }
0x48: {  	s22 =	rddreg [dreg:$0xa];
	[sflag:s2] =	ssyncadd.s32 $0xFFFFEC00  }
0x49: {  	[spmem:s22] =	stream.linear.scatter [tilespmem:s31], [sflag:$0x9], $0x1400, $0x38;
	[tilespmem:$0x1DE80] =	vst v63  }
0x4a: {  	_ =	swait.ge [sflag:s2], $0x1400  }
0x4b: {  	[sflag:s2] =	ssyncset.done $0x0  }
0x4c: {  	s23 =	rddreg [dreg:$0xb];
	[sflag:s2] =	ssyncadd.s32 $0xFFFFEC00  }
0x4d: {  	[spmem:s23] =	stream.linear.scatter [tilespmem:s31], [sflag:$0x9], $0x1400, $0x38;
	[tilespmem:$0x1DE80] =	vst v63  }
0x4e: {  	_ =	swait.ge [sflag:s2], $0x1400  }
0x4f: {  	[sflag:s2] =	ssyncset.done $0x0  }
0x50: {  	s25 =	rddreg [dreg:$0xc];
	[sflag:s2] =	ssyncadd.s32 $0xFFFFEC00  }
0x51: {  	[spmem:s25] =	stream.linear.scatter [tilespmem:s31], [sflag:$0x9], $0x1400, $0x38;
	[tilespmem:$0x1DE80] =	vst v63  }
0x52: {  	_ =	swait.ge [sflag:s2], $0x1400  }
0x53: {  	[sflag:s2] =	ssyncset.done $0x0  }
0x54: {  	s26 =	rddreg [dreg:$0xd];
	[sflag:s2] =	ssyncadd.s32 $0xFFFFEC00  }
0x55: {  	[spmem:s26] =	stream.linear.scatter [tilespmem:s31], [sflag:$0x9], $0x1400, $0x38;
	[tilespmem:$0x1DE80] =	vst v63  }
0x56: {  	_ =	swait.ge [sflag:s2], $0x1400  }
0x57: {  	[sflag:s2] =	ssyncset.done $0x0  }
0x58: {  	s28 =	rddreg [dreg:$0xe];
	[sflag:s2] =	ssyncadd.s32 $0xFFFFEC00  }
0x59: {  	[spmem:s28] =	stream.linear.scatter [tilespmem:s31], [sflag:$0x9], $0x1400, $0x38;
	[tilespmem:$0x1DE80] =	vst v63  }
0x5a: {  	_ =	swait.ge [sflag:s2], $0x1400  }
0x5b: {  	[sflag:s2] =	ssyncset.done $0x0  }
0x5c: {  	s29 =	rddreg [dreg:$0xf];
	[sflag:s2] =	ssyncadd.s32 $0xFFFFEC00  }
0x5d: {  	[spmem:s29] =	stream.linear.scatter [tilespmem:s31], [sflag:$0x9], $0x1400, $0x38;
	[tilespmem:$0x1DE80] =	vst v63  }
0x5e: {  	_ =	swait.ge [sflag:s2], $0x1400  }
0x5f: {  	[sflag:s2] =	ssyncset.done $0x0  }
0x60: {  	s30 =	rddreg [dreg:$0x10];
	[sflag:s2] =	ssyncadd.s32 $0xFFFFEC00  }
0x61: {  	[spmem:s30] =	stream.linear.scatter [tilespmem:s31], [sflag:$0x9], $0x1400, $0x38;
	[tilespmem:$0x1DE80] =	vst v63  }
0x62: {  	_ =	swait.ge [sflag:s2], $0x1400  }
0x63: {  	[sflag:s2] =	ssyncset.done $0x0  }
0x64: {  	s22 =	rddreg [dreg:$0x11];
	[sflag:s2] =	ssyncadd.s32 $0xFFFFEC00  }
0x65: {  	[spmem:s22] =	stream.linear.scatter [tilespmem:s31], [sflag:$0x9], $0x1400, $0x38;
	[tilespmem:$0x1DE80] =	vst v63  }
0x66: {  	_ =	swait.ge [sflag:s2], $0x1400  }
0x67: {  	[sflag:s2] =	ssyncset.done $0x0  }
0x68: {  	s23 =	rddreg [dreg:$0x12];
	[sflag:s2] =	ssyncadd.s32 $0xFFFFEC00  }
0x69: {  	[spmem:s23] =	stream.linear.scatter [tilespmem:s31], [sflag:$0x9], $0x1400, $0x38;
	[tilespmem:$0x1DE80] =	vst v63  }
0x6a: {  	_ =	swait.ge [sflag:s2], $0x1400  }
0x6b: {  	[sflag:s2] =	ssyncset.done $0x0  }
0x6c: {  	s25 =	rddreg [dreg:$0x13];
	[sflag:s2] =	ssyncadd.s32 $0xFFFFEC00  }
0x6d: {  	[spmem:s25] =	stream.linear.scatter [tilespmem:s31], [sflag:$0x9], $0x1400, $0x38;
	[tilespmem:$0x1DE80] =	vst v63  }
0x6e: {  	_ =	swait.ge [sflag:s2], $0x1400  }
0x6f: {  	[sflag:s2] =	ssyncset.done $0x0  }
0x70: {  	s25 =	simm.s32 $0x0;
	s26 =	rddreg [dreg:$0x14];
	[sflag:s2] =	ssyncadd.s32 $0xFFFFEC00  }
0x71: {  	[tilespmem:s25], [sflag:$0x9] =	stream.linear.gather [hbm4b:s26+s25], $0x2710, $0x38;
	[tilespmem:$0x1DE80] =	vst v63  }
0x72: {  	_ =	swait.ge [sflag:s2], $0x2710  }
0x73: {  	[sflag:s2] =	ssyncset.done $0x0  }
0x74: {  	s22 =	simm.s32 $0x2710;
	s28 =	rddreg [dreg:$0x15];
	[sflag:s2] =	ssyncadd.s32 $0xFFFFD8F0  }
0x75: {  	[tilespmem:s22], [sflag:$0x9] =	stream.linear.gather [hbm4b:s28+s25], $0x2710, $0x38;
	[tilespmem:$0x1DE80] =	vst v63  }
0x76: {  	_ =	swait.ge [sflag:s2], $0x2710  }
0x77: {  	[sflag:s2] =	ssyncset.done $0x0  }
0x78: {  	[sflag:s2] =	ssyncadd.s32 $0xFFFFD8F0  }
0x79: {  	[bflag:$0x0] =	sbarrier.arrive $0xFFFF  }
0x7a: {  	s29 =	rddreg [dreg:$0x16]  }
0x7b: {  	[tilespmem:s0], [sflag:$0x1] =	stream.linear.gather [hbm4b:s29+s25], $0xA00, $0x38;
	[tilespmem:$0x1DE80] =	vst v63  }
0x7c: {  	_ = 	snop  }
0x7d: {  	[tilespmem:s10], [sflag:$0x3] =	stream.indirect.gather [hbm4b:s1+s9], $0x40, s25, s9, $0xb8;
	[tilespmem:$0x1DE80] =	vst v63  }
0x7e: {  	s26 =	simm.s32 $0x0;
	s30 =	rddreg [dreg:$0x17]  }
0x7f: {  	[tilespmem:s11], [sflag:$0x5] =	stream.linear.gather [hbm4b:s30+s25], $0x28, $0x38;
	[tilespmem:$0x1DE80] =	vst v63  }
.LBB2_4:
0x80: {  	s29 =	smul.u32 $0x50, s26;
	_ =	sdelay $0x1  }
0x81: {  	p0 =	seq.s32 s26, $0x0;
	s28 =	sadd.s32 $0x28, s29  }
0x82: {  	s8 =	simm.s32 @!p0 $0x7;
	s22 =	sadd.s32 s4, s28  }
0x83: {  	_ =	swait.ge @!p0 [sflag:s8], $0x1400;
	s23 =	sshll.u32 s22, $0x3  }
0x84: {  	[sflag:s8] =	ssyncset.done @!p0 $0x0;
	s23 =	sand.u32 $0x1FFFFFC0, s23  }
0x85: {  	[sflag:s8] =	ssyncadd.s32 @!p0 $0xFFFFEC00;
	s23 =	sadd.s32 s6, s23  }
0x86: {  	[tilespmem:s12], [sflag:$0x2] =	stream.linear.gather [hbm4b:s23+s25], $0xA00, $0x38;
	[tilespmem:$0x1DE80] =	vst v63  }
0x87: {  	s23 =	sshrl.u32 s22, $0x3  }
0x88: {  	[tilespmem:s13], [sflag:$0x4] =	stream.indirect.gather [hbm4b:s1+s9], $0x40, s28, s9, $0xb8;
	[tilespmem:$0x1DE80] =	vst v63  }
0x89: {  	s8 =	sadd.s32 s7, s23  }
0x8a: {  	[tilespmem:s14], [sflag:$0x6] =	stream.linear.gather [hbm4b:s8+s25], $0x28, $0x38;
	[tilespmem:$0x1DE80] =	vst v63  }
0x8b: {  	_ =	swait.ge [sflag:s15], $0xA00  }
0x8c: {  	[sflag:s15] =	ssyncset.done $0x0  }
0x8d: {  	[sflag:s15] =	ssyncadd.s32 $0xFFFFF600  }
0x8e: {  	_ =	swait.ge [sflag:s16], $0xA00  }
0x8f: {  	[sflag:s16] =	ssyncset.done $0x0  }
0x90: {  	[sflag:s16] =	ssyncadd.s32 $0xFFFFF600  }
0x91: {  	_ =	swait.ge [sflag:s17], $0x28  }
0x92: {  	s30 =	simm.s32 $0x7820;
	[sflag:s17] =	ssyncset.done $0x0  }
0x93: {  	s22 =	simm.s32 $0x9E20;
	s23 =	simm.s32 $0x0;
	[sflag:s17] =	ssyncadd.s32 $0xFFFFFFD8  }
.LBB2_5:
0x94: {  	s8 =	sshra.s32 s23, $0x2;
	v1 =	vld [tilespmem:s22+$0x0]  }
0x95: {  	v2 =	vld [tilespmem:s8+$0x6220]  }
0x96: {  	v3 =	vld [tilespmem:s8+$0x4E20];
	_ =	sdelay $0x4  }
0x97: {  	v51 =	vbroadcast v1, $0x0;
	v4 =	vshll.u32 v2, $0x10;
	v5 =	vshll.u32 v3, $0x10  }
0x98: {  	v2 =	vand.u32 $0xFFFF0000, v2;
	v3 =	vand.u32 $0xFFFF0000, v3;
	v4 =	vmul.f32 v5, v4  }
0x99: {  	v2 =	vmul.f32 v3, v2  }
0x9a: {  	v3 =	vmul.f32 v4, v51  }
0x9b: {  	v2 =	vmul.f32 v2, v51  }
0x9c: {  	[tilespmem:s30+$0xFFFFFE00] =	vst v3  }
0x9d: {  	[tilespmem:s30+$0xFFFFFE10] =	vst v2  }
0x9e: {  	v2 =	vld [tilespmem:s8+$0x6230]  }
0x9f: {  	v3 =	vld [tilespmem:s8+$0x4E30];
	_ =	sdelay $0x4  }
0xa0: {  	v52 =	vshll.u32 v2, $0x10;
	v6 =	vshll.u32 v3, $0x10  }
0xa1: {  	v2 =	vand.u32 $0xFFFF0000, v2;
	v3 =	vand.u32 $0xFFFF0000, v3;
	v4 =	vmul.f32 v6, v52  }
0xa2: {  	v2 =	vmul.f32 v3, v2  }
0xa3: {  	v3 =	vmul.f32 v4, v51  }
0xa4: {  	v2 =	vmul.f32 v2, v51  }
0xa5: {  	[tilespmem:s30+$0xFFFFFE20] =	vst v3  }
0xa6: {  	[tilespmem:s30+$0xFFFFFE30] =	vst v2  }
0xa7: {  	v2 =	vld [tilespmem:s8+$0x6240]  }
0xa8: {  	v3 =	vld [tilespmem:s8+$0x4E40];
	_ =	sdelay $0x4  }
0xa9: {  	v53 =	vshll.u32 v2, $0x10;
	v54 =	vshll.u32 v3, $0x10  }
0xaa: {  	v2 =	vand.u32 $0xFFFF0000, v2;
	v3 =	vand.u32 $0xFFFF0000, v3;
	v4 =	vmul.f32 v54, v53  }
0xab: {  	v2 =	vmul.f32 v3, v2  }
0xac: {  	v3 =	vmul.f32 v4, v51  }
0xad: {  	v2 =	vmul.f32 v2, v51  }
0xae: {  	[tilespmem:s30+$0xFFFFFE40] =	vst v3  }
0xaf: {  	[tilespmem:s30+$0xFFFFFE50] =	vst v2  }
0xb0: {  	v2 =	vld [tilespmem:s8+$0x6250]  }
0xb1: {  	v3 =	vld [tilespmem:s8+$0x4E50];
	_ =	sdelay $0x4  }
0xb2: {  	v55 =	vshll.u32 v2, $0x10;
	v56 =	vshll.u32 v3, $0x10  }
0xb3: {  	v2 =	vand.u32 $0xFFFF0000, v2;
	v3 =	vand.u32 $0xFFFF0000, v3;
	v4 =	vmul.f32 v56, v55  }
0xb4: {  	v2 =	vmul.f32 v3, v2  }
0xb5: {  	v3 =	vmul.f32 v4, v51  }
0xb6: {  	v2 =	vmul.f32 v2, v51  }
0xb7: {  	[tilespmem:s30+$0xFFFFFE60] =	vst v3  }
0xb8: {  	[tilespmem:s30+$0xFFFFFE70] =	vst v2  }
0xb9: {  	v2 =	vld [tilespmem:s8+$0x6260]  }
0xba: {  	v3 =	vld [tilespmem:s8+$0x4E60];
	_ =	sdelay $0x4  }
0xbb: {  	v59 =	vbroadcast v1, $0x1;
	v57 =	vshll.u32 v2, $0x10;
	v58 =	vshll.u32 v3, $0x10  }
0xbc: {  	v2 =	vand.u32 $0xFFFF0000, v2;
	v3 =	vand.u32 $0xFFFF0000, v3;
	v4 =	vmul.f32 v58, v57  }
0xbd: {  	v2 =	vmul.f32 v3, v2  }
0xbe: {  	v3 =	vmul.f32 v4, v59  }
0xbf: {  	v2 =	vmul.f32 v2, v59  }
0xc0: {  	[tilespmem:s30+$0xFFFFFE80] =	vst v3  }
0xc1: {  	[tilespmem:s30+$0xFFFFFE90] =	vst v2  }
0xc2: {  	v2 =	vld [tilespmem:s8+$0x6270]  }
0xc3: {  	v3 =	vld [tilespmem:s8+$0x4E70];
	_ =	sdelay $0x4  }
0xc4: {  	v60 =	vshll.u32 v2, $0x10;
	v61 =	vshll.u32 v3, $0x10  }
0xc5: {  	v2 =	vand.u32 $0xFFFF0000, v2;
	v3 =	vand.u32 $0xFFFF0000, v3;
	v4 =	vmul.f32 v61, v60  }
0xc6: {  	v2 =	vmul.f32 v3, v2  }
0xc7: {  	v3 =	vmul.f32 v4, v59  }
0xc8: {  	v2 =	vmul.f32 v2, v59  }
0xc9: {  	[tilespmem:s30+$0xFFFFFEA0] =	vst v3  }
0xca: {  	[tilespmem:s30+$0xFFFFFEB0] =	vst v2  }
0xcb: {  	v2 =	vld [tilespmem:s8+$0x6280]  }
0xcc: {  	v3 =	vld [tilespmem:s8+$0x4E80];
	_ =	sdelay $0x4  }
0xcd: {  	v62 =	vshll.u32 v2, $0x10;
	v63 =	vshll.u32 v3, $0x10  }
0xce: {  	v2 =	vand.u32 $0xFFFF0000, v2;
	v3 =	vand.u32 $0xFFFF0000, v3;
	v4 =	vmul.f32 v63, v62  }
0xcf: {  	v2 =	vmul.f32 v3, v2  }
0xd0: {  	v3 =	vmul.f32 v4, v59  }
0xd1: {  	v2 =	vmul.f32 v2, v59  }
0xd2: {  	[tilespmem:s30+$0xFFFFFEC0] =	vst v3  }
0xd3: {  	[tilespmem:s30+$0xFFFFFED0] =	vst v2  }
0xd4: {  	v2 =	vld [tilespmem:s8+$0x6290]  }
0xd5: {  	v3 =	vld [tilespmem:s8+$0x4E90];
	_ =	sdelay $0x4  }
0xd6: {  	v9 =	vshll.u32 v2, $0x10;
	v10 =	vshll.u32 v3, $0x10  }
0xd7: {  	v2 =	vand.u32 $0xFFFF0000, v2;
	v3 =	vand.u32 $0xFFFF0000, v3;
	v4 =	vmul.f32 v10, v9  }
0xd8: {  	v2 =	vmul.f32 v3, v2  }
0xd9: {  	v3 =	vmul.f32 v4, v59  }
0xda: {  	v2 =	vmul.f32 v2, v59  }
0xdb: {  	[tilespmem:s30+$0xFFFFFEE0] =	vst v3  }
0xdc: {  	[tilespmem:s30+$0xFFFFFEF0] =	vst v2  }
0xdd: {  	v2 =	vld [tilespmem:s8+$0x62A0]  }
0xde: {  	v3 =	vld [tilespmem:s8+$0x4EA0];
	_ =	sdelay $0x4  }
0xdf: {  	v13 =	vbroadcast v1, $0x2;
	v11 =	vshll.u32 v2, $0x10;
	v12 =	vshll.u32 v3, $0x10  }
0xe0: {  	v2 =	vand.u32 $0xFFFF0000, v2;
	v3 =	vand.u32 $0xFFFF0000, v3;
	v4 =	vmul.f32 v12, v11  }
0xe1: {  	v2 =	vmul.f32 v3, v2  }
0xe2: {  	v3 =	vmul.f32 v4, v13  }
0xe3: {  	v2 =	vmul.f32 v2, v13  }
0xe4: {  	[tilespmem:s30+$0xFFFFFF00] =	vst v3  }
0xe5: {  	[tilespmem:s30+$0xFFFFFF10] =	vst v2  }
0xe6: {  	v2 =	vld [tilespmem:s8+$0x62B0]  }
0xe7: {  	v3 =	vld [tilespmem:s8+$0x4EB0];
	_ =	sdelay $0x4  }
0xe8: {  	v14 =	vshll.u32 v2, $0x10;
	v15 =	vshll.u32 v3, $0x10  }
0xe9: {  	v2 =	vand.u32 $0xFFFF0000, v2;
	v3 =	vand.u32 $0xFFFF0000, v3;
	v4 =	vmul.f32 v15, v14  }
0xea: {  	v2 =	vmul.f32 v3, v2  }
0xeb: {  	v3 =	vmul.f32 v4, v13  }
0xec: {  	v2 =	vmul.f32 v2, v13  }
0xed: {  	[tilespmem:s30+$0xFFFFFF20] =	vst v3  }
0xee: {  	[tilespmem:s30+$0xFFFFFF30] =	vst v2  }
0xef: {  	v2 =	vld [tilespmem:s8+$0x62C0]  }
0xf0: {  	v3 =	vld [tilespmem:s8+$0x4EC0];
	_ =	sdelay $0x4  }
0xf1: {  	v16 =	vshll.u32 v2, $0x10;
	v17 =	vshll.u32 v3, $0x10  }
0xf2: {  	v2 =	vand.u32 $0xFFFF0000, v2;
	v3 =	vand.u32 $0xFFFF0000, v3;
	v4 =	vmul.f32 v17, v16  }
0xf3: {  	v2 =	vmul.f32 v3, v2  }
0xf4: {  	v3 =	vmul.f32 v4, v13  }
0xf5: {  	v2 =	vmul.f32 v2, v13  }
0xf6: {  	[tilespmem:s30+$0xFFFFFF40] =	vst v3  }
0xf7: {  	[tilespmem:s30+$0xFFFFFF50] =	vst v2  }
0xf8: {  	v2 =	vld [tilespmem:s8+$0x62D0]  }
0xf9: {  	v3 =	vld [tilespmem:s8+$0x4ED0];
	_ =	sdelay $0x4  }
0xfa: {  	v18 =	vshll.u32 v2, $0x10;
	v19 =	vshll.u32 v3, $0x10  }
0xfb: {  	v2 =	vand.u32 $0xFFFF0000, v2;
	v3 =	vand.u32 $0xFFFF0000, v3;
	v4 =	vmul.f32 v19, v18  }
0xfc: {  	v2 =	vmul.f32 v3, v2  }
0xfd: {  	v3 =	vmul.f32 v4, v13  }
0xfe: {  	v2 =	vmul.f32 v2, v13  }
0xff: {  	[tilespmem:s30+$0xFFFFFF60] =	vst v3  }
0x100: {  	[tilespmem:s30+$0xFFFFFF70] =	vst v2  }
0x101: {  	v2 =	vld [tilespmem:s8+$0x62E0]  }
0x102: {  	v3 =	vld [tilespmem:s8+$0x4EE0];
	_ =	sdelay $0x4  }
0x103: {  	v22 =	vbroadcast v1, $0x3;
	v20 =	vshll.u32 v2, $0x10;
	v21 =	vshll.u32 v3, $0x10  }
0x104: {  	v2 =	vand.u32 $0xFFFF0000, v2;
	v3 =	vand.u32 $0xFFFF0000, v3;
	v4 =	vmul.f32 v21, v20  }
0x105: {  	v2 =	vmul.f32 v3, v2  }
0x106: {  	v3 =	vmul.f32 v4, v22  }
0x107: {  	v2 =	vmul.f32 v2, v22  }
0x108: {  	[tilespmem:s30+$0xFFFFFF80] =	vst v3  }
0x109: {  	[tilespmem:s30+$0xFFFFFF90] =	vst v2  }
0x10a: {  	v2 =	vld [tilespmem:s8+$0x62F0]  }
0x10b: {  	v3 =	vld [tilespmem:s8+$0x4EF0];
	_ =	sdelay $0x4  }
0x10c: {  	v23 =	vshll.u32 v2, $0x10;
	v24 =	vshll.u32 v3, $0x10  }
0x10d: {  	v2 =	vand.u32 $0xFFFF0000, v2;
	v3 =	vand.u32 $0xFFFF0000, v3;
	v4 =	vmul.f32 v24, v23  }
0x10e: {  	v2 =	vmul.f32 v3, v2  }
0x10f: {  	v3 =	vmul.f32 v4, v22  }
0x110: {  	v2 =	vmul.f32 v2, v22  }
0x111: {  	[tilespmem:s30+$0xFFFFFFA0] =	vst v3  }
0x112: {  	[tilespmem:s30+$0xFFFFFFB0] =	vst v2  }
0x113: {  	v2 =	vld [tilespmem:s8+$0x6300]  }
0x114: {  	v3 =	vld [tilespmem:s8+$0x4F00];
	_ =	sdelay $0x4  }
0x115: {  	v25 =	vshll.u32 v2, $0x10;
	v26 =	vshll.u32 v3, $0x10  }
0x116: {  	v2 =	vand.u32 $0xFFFF0000, v2;
	v3 =	vand.u32 $0xFFFF0000, v3;
	v4 =	vmul.f32 v26, v25  }
0x117: {  	v2 =	vmul.f32 v3, v2  }
0x118: {  	v3 =	vmul.f32 v4, v22  }
0x119: {  	v2 =	vmul.f32 v2, v22  }
0x11a: {  	[tilespmem:s30+$0xFFFFFFC0] =	vst v3  }
0x11b: {  	[tilespmem:s30+$0xFFFFFFD0] =	vst v2  }
0x11c: {  	v2 =	vld [tilespmem:s8+$0x6310]  }
0x11d: {  	v3 =	vld [tilespmem:s8+$0x4F10];
	_ =	sdelay $0x4  }
0x11e: {  	v27 =	vshll.u32 v2, $0x10;
	v28 =	vshll.u32 v3, $0x10  }
0x11f: {  	v2 =	vand.u32 $0xFFFF0000, v2;
	v3 =	vand.u32 $0xFFFF0000, v3;
	v4 =	vmul.f32 v28, v27  }
0x120: {  	v2 =	vmul.f32 v3, v2  }
0x121: {  	v3 =	vmul.f32 v4, v22  }
0x122: {  	v2 =	vmul.f32 v2, v22  }
0x123: {  	[tilespmem:s30+$0xFFFFFFE0] =	vst v3  }
0x124: {  	[tilespmem:s30+$0xFFFFFFF0] =	vst v2  }
0x125: {  	v2 =	vld [tilespmem:s8+$0x6320]  }
0x126: {  	v3 =	vld [tilespmem:s8+$0x4F20];
	_ =	sdelay $0x4  }
0x127: {  	v31 =	vbroadcast v1, $0x4;
	v29 =	vshll.u32 v2, $0x10;
	v30 =	vshll.u32 v3, $0x10  }
0x128: {  	v2 =	vand.u32 $0xFFFF0000, v2;
	v3 =	vand.u32 $0xFFFF0000, v3;
	v4 =	vmul.f32 v30, v29  }
0x129: {  	v2 =	vmul.f32 v3, v2  }
0x12a: {  	v3 =	vmul.f32 v4, v31  }
0x12b: {  	v2 =	vmul.f32 v2, v31  }
0x12c: {  	[tilespmem:s30+$0x0] =	vst v3  }
0x12d: {  	[tilespmem:s30+$0x10] =	vst v2  }
0x12e: {  	v2 =	vld [tilespmem:s8+$0x6330]  }
0x12f: {  	v3 =	vld [tilespmem:s8+$0x4F30];
	_ =	sdelay $0x4  }
0x130: {  	v32 =	vshll.u32 v2, $0x10;
	v33 =	vshll.u32 v3, $0x10  }
0x131: {  	v2 =	vand.u32 $0xFFFF0000, v2;
	v3 =	vand.u32 $0xFFFF0000, v3;
	v4 =	vmul.f32 v33, v32  }
0x132: {  	v2 =	vmul.f32 v3, v2  }
0x133: {  	v3 =	vmul.f32 v4, v31  }
0x134: {  	v2 =	vmul.f32 v2, v31  }
0x135: {  	[tilespmem:s30+$0x20] =	vst v3  }
0x136: {  	[tilespmem:s30+$0x30] =	vst v2  }
0x137: {  	v2 =	vld [tilespmem:s8+$0x6340]  }
0x138: {  	v3 =	vld [tilespmem:s8+$0x4F40];
	_ =	sdelay $0x4  }
0x139: {  	v34 =	vshll.u32 v2, $0x10;
	v35 =	vshll.u32 v3, $0x10  }
0x13a: {  	v2 =	vand.u32 $0xFFFF0000, v2;
	v3 =	vand.u32 $0xFFFF0000, v3;
	v4 =	vmul.f32 v35, v34  }
0x13b: {  	v2 =	vmul.f32 v3, v2  }
0x13c: {  	v3 =	vmul.f32 v4, v31  }
0x13d: {  	v2 =	vmul.f32 v2, v31  }
0x13e: {  	[tilespmem:s30+$0x40] =	vst v3  }
0x13f: {  	[tilespmem:s30+$0x50] =	vst v2  }
0x140: {  	v2 =	vld [tilespmem:s8+$0x6350]  }
0x141: {  	v3 =	vld [tilespmem:s8+$0x4F50];
	_ =	sdelay $0x4  }
0x142: {  	v36 =	vshll.u32 v2, $0x10;
	v37 =	vshll.u32 v3, $0x10  }
0x143: {  	v2 =	vand.u32 $0xFFFF0000, v2;
	v3 =	vand.u32 $0xFFFF0000, v3;
	v4 =	vmul.f32 v37, v36  }
0x144: {  	v2 =	vmul.f32 v3, v2  }
0x145: {  	v3 =	vmul.f32 v4, v31  }
0x146: {  	v2 =	vmul.f32 v2, v31  }
0x147: {  	[tilespmem:s30+$0x60] =	vst v3  }
0x148: {  	[tilespmem:s30+$0x70] =	vst v2  }
0x149: {  	v2 =	vld [tilespmem:s8+$0x6360]  }
0x14a: {  	v3 =	vld [tilespmem:s8+$0x4F60];
	_ =	sdelay $0x4  }
0x14b: {  	v40 =	vbroadcast v1, $0x5;
	v38 =	vshll.u32 v2, $0x10;
	v39 =	vshll.u32 v3, $0x10  }
0x14c: {  	v2 =	vand.u32 $0xFFFF0000, v2;
	v3 =	vand.u32 $0xFFFF0000, v3;
	v4 =	vmul.f32 v39, v38  }
0x14d: {  	v2 =	vmul.f32 v3, v2  }
0x14e: {  	v3 =	vmul.f32 v4, v40  }
0x14f: {  	v2 =	vmul.f32 v2, v40  }
0x150: {  	[tilespmem:s30+$0x80] =	vst v3  }
0x151: {  	[tilespmem:s30+$0x90] =	vst v2  }
0x152: {  	v2 =	vld [tilespmem:s8+$0x6370]  }
0x153: {  	v3 =	vld [tilespmem:s8+$0x4F70];
	_ =	sdelay $0x4  }
0x154: {  	v41 =	vshll.u32 v2, $0x10;
	v42 =	vshll.u32 v3, $0x10  }
0x155: {  	v2 =	vand.u32 $0xFFFF0000, v2;
	v3 =	vand.u32 $0xFFFF0000, v3;
	v4 =	vmul.f32 v42, v41  }
0x156: {  	v2 =	vmul.f32 v3, v2  }
0x157: {  	v3 =	vmul.f32 v4, v40  }
0x158: {  	v2 =	vmul.f32 v2, v40  }
0x159: {  	[tilespmem:s30+$0xA0] =	vst v3  }
0x15a: {  	[tilespmem:s30+$0xB0] =	vst v2  }
0x15b: {  	v2 =	vld [tilespmem:s8+$0x6380]  }
0x15c: {  	v3 =	vld [tilespmem:s8+$0x4F80];
	_ =	sdelay $0x4  }
0x15d: {  	v43 =	vshll.u32 v2, $0x10;
	v44 =	vshll.u32 v3, $0x10  }
0x15e: {  	v2 =	vand.u32 $0xFFFF0000, v2;
	v3 =	vand.u32 $0xFFFF0000, v3;
	v4 =	vmul.f32 v44, v43  }
0x15f: {  	v2 =	vmul.f32 v3, v2  }
0x160: {  	v3 =	vmul.f32 v4, v40  }
0x161: {  	v2 =	vmul.f32 v2, v40  }
0x162: {  	[tilespmem:s30+$0xC0] =	vst v3  }
0x163: {  	[tilespmem:s30+$0xD0] =	vst v2  }
0x164: {  	v2 =	vld [tilespmem:s8+$0x6390]  }
0x165: {  	v3 =	vld [tilespmem:s8+$0x4F90];
	_ =	sdelay $0x4  }
0x166: {  	v45 =	vshll.u32 v2, $0x10;
	v46 =	vshll.u32 v3, $0x10  }
0x167: {  	v2 =	vand.u32 $0xFFFF0000, v2;
	v3 =	vand.u32 $0xFFFF0000, v3;
	v4 =	vmul.f32 v46, v45  }
0x168: {  	v2 =	vmul.f32 v3, v2  }
0x169: {  	v3 =	vmul.f32 v4, v40  }
0x16a: {  	v2 =	vmul.f32 v2, v40  }
0x16b: {  	[tilespmem:s30+$0xE0] =	vst v3  }
0x16c: {  	[tilespmem:s30+$0xF0] =	vst v2  }
0x16d: {  	v2 =	vld [tilespmem:s8+$0x63A0]  }
0x16e: {  	v3 =	vld [tilespmem:s8+$0x4FA0];
	_ =	sdelay $0x4  }
0x16f: {  	v49 =	vbroadcast v1, $0x6;
	v47 =	vshll.u32 v2, $0x10;
	v48 =	vshll.u32 v3, $0x10  }
0x170: {  	v2 =	vand.u32 $0xFFFF0000, v2;
	v3 =	vand.u32 $0xFFFF0000, v3;
	v4 =	vmul.f32 v48, v47  }
0x171: {  	v2 =	vmul.f32 v3, v2  }
0x172: {  	v3 =	vmul.f32 v4, v49  }
0x173: {  	v2 =	vmul.f32 v2, v49  }
0x174: {  	[tilespmem:s30+$0x100] =	vst v3  }
0x175: {  	[tilespmem:s30+$0x110] =	vst v2  }
0x176: {  	v2 =	vld [tilespmem:s8+$0x63B0]  }
0x177: {  	v3 =	vld [tilespmem:s8+$0x4FB0];
	_ =	sdelay $0x4  }
0x178: {  	v50 =	vshll.u32 v2, $0x10;
	v51 =	vshll.u32 v3, $0x10  }
0x179: {  	v2 =	vand.u32 $0xFFFF0000, v2;
	v3 =	vand.u32 $0xFFFF0000, v3;
	v4 =	vmul.f32 v51, v50  }
0x17a: {  	v2 =	vmul.f32 v3, v2  }
0x17b: {  	v3 =	vmul.f32 v4, v49  }
0x17c: {  	v2 =	vmul.f32 v2, v49  }
0x17d: {  	[tilespmem:s30+$0x120] =	vst v3  }
0x17e: {  	[tilespmem:s30+$0x130] =	vst v2  }
0x17f: {  	v2 =	vld [tilespmem:s8+$0x63C0]  }
0x180: {  	v3 =	vld [tilespmem:s8+$0x4FC0];
	_ =	sdelay $0x4  }
0x181: {  	v52 =	vshll.u32 v2, $0x10;
	v53 =	vshll.u32 v3, $0x10  }
0x182: {  	v2 =	vand.u32 $0xFFFF0000, v2;
	v3 =	vand.u32 $0xFFFF0000, v3;
	v4 =	vmul.f32 v53, v52  }
0x183: {  	v2 =	vmul.f32 v3, v2  }
0x184: {  	v3 =	vmul.f32 v4, v49  }
0x185: {  	v2 =	vmul.f32 v2, v49  }
0x186: {  	[tilespmem:s30+$0x140] =	vst v3  }
0x187: {  	[tilespmem:s30+$0x150] =	vst v2  }
0x188: {  	v2 =	vld [tilespmem:s8+$0x63D0]  }
0x189: {  	v3 =	vld [tilespmem:s8+$0x4FD0];
	_ =	sdelay $0x4  }
0x18a: {  	v54 =	vshll.u32 v2, $0x10;
	v55 =	vshll.u32 v3, $0x10  }
0x18b: {  	v2 =	vand.u32 $0xFFFF0000, v2;
	v3 =	vand.u32 $0xFFFF0000, v3;
	v4 =	vmul.f32 v55, v54  }
0x18c: {  	v2 =	vmul.f32 v3, v2  }
0x18d: {  	v3 =	vmul.f32 v4, v49  }
0x18e: {  	v2 =	vmul.f32 v2, v49  }
0x18f: {  	[tilespmem:s30+$0x160] =	vst v3  }
0x190: {  	[tilespmem:s30+$0x170] =	vst v2  }
0x191: {  	v2 =	vld [tilespmem:s8+$0x63E0]  }
0x192: {  	v3 =	vld [tilespmem:s8+$0x4FE0];
	_ =	sdelay $0x4  }
0x193: {  	v1 =	vbroadcast v1, $0x7;
	v56 =	vshll.u32 v2, $0x10;
	v57 =	vshll.u32 v3, $0x10  }
0x194: {  	v2 =	vand.u32 $0xFFFF0000, v2;
	v3 =	vand.u32 $0xFFFF0000, v3;
	v4 =	vmul.f32 v57, v56  }
0x195: {  	v2 =	vmul.f32 v3, v2  }
0x196: {  	v3 =	vmul.f32 v4, v1  }
0x197: {  	v2 =	vmul.f32 v2, v1  }
0x198: {  	[tilespmem:s30+$0x180] =	vst v3  }
0x199: {  	[tilespmem:s30+$0x190] =	vst v2  }
0x19a: {  	v2 =	vld [tilespmem:s8+$0x63F0]  }
0x19b: {  	v3 =	vld [tilespmem:s8+$0x4FF0];
	_ =	sdelay $0x4  }
0x19c: {  	v58 =	vshll.u32 v2, $0x10;
	v59 =	vshll.u32 v3, $0x10  }
0x19d: {  	v2 =	vand.u32 $0xFFFF0000, v2;
	v3 =	vand.u32 $0xFFFF0000, v3;
	v4 =	vmul.f32 v59, v58  }
0x19e: {  	v2 =	vmul.f32 v3, v2  }
0x19f: {  	v3 =	vmul.f32 v4, v1  }
0x1a0: {  	v2 =	vmul.f32 v2, v1  }
0x1a1: {  	[tilespmem:s30+$0x1A0] =	vst v3  }
0x1a2: {  	[tilespmem:s30+$0x1B0] =	vst v2  }
0x1a3: {  	v2 =	vld [tilespmem:s8+$0x6400]  }
0x1a4: {  	v3 =	vld [tilespmem:s8+$0x5000];
	_ =	sdelay $0x4  }
0x1a5: {  	v60 =	vshll.u32 v2, $0x10;
	v61 =	vshll.u32 v3, $0x10  }
0x1a6: {  	v2 =	vand.u32 $0xFFFF0000, v2;
	v3 =	vand.u32 $0xFFFF0000, v3;
	v4 =	vmul.f32 v61, v60  }
0x1a7: {  	v2 =	vmul.f32 v3, v2  }
0x1a8: {  	v3 =	vmul.f32 v4, v1  }
0x1a9: {  	v2 =	vmul.f32 v2, v1  }
0x1aa: {  	[tilespmem:s30+$0x1C0] =	vst v3  }
0x1ab: {  	[tilespmem:s30+$0x1D0] =	vst v2  }
0x1ac: {  	v2 =	vld [tilespmem:s8+$0x6410]  }
0x1ad: {  	v3 =	vld [tilespmem:s8+$0x5010];
	_ =	sdelay $0x4  }
0x1ae: {  	v62 =	vshll.u32 v2, $0x10;
	v63 =	vshll.u32 v3, $0x10  }
0x1af: {  	p1 =	sne.s32 s23, $0x2000;
	v2 =	vand.u32 $0xFFFF0000, v2;
	v3 =	vand.u32 $0xFFFF0000, v3;
	v4 =	vmul.f32 v63, v62  }
.Ltmp1:
0x1b0: {  	v2 =	vmul.f32 v3, v2;
	(pc) =	sbr.rel @p1 .LBB2_5-.Ltmp1, $4  }
0x1b1: {  	v3 =	vmul.f32 v4, v1  }
0x1b2: {  	v1 =	vmul.f32 v2, v1  }
0x1b3: {  	[tilespmem:s30+$0x1E0] =	vst v3  }
0x1b4: {  	s22 =	sadd.s32 $0x8, s22;
	s23 =	sadd.s32 $0x800, s23;
	[tilespmem:s30+$0x1F0] =	vst v1;
	s30 =	sadd.s32 $0x400, s30  }
0x1b5: {  	s8 =	smul.u32 $0x140, s26;
	_ =	sdelay $0x1  }
0x1b6: {  	s8 =	sshra.s32 s8, $0x2  }
0x1b7: {  	s8 =	sadd.s32 $0x2710, s8  }
0x1b8: {  	[spmem:s3] =	stream.indirect.scatter.add.f32 [tilespmem:s31], [sflag:$0x7], $0x80, s8, s9, $0xb8;
	[tilespmem:$0x1DE80] =	vst v63  }
0x1b9: {  	s8 =	simm.s32 @!p0 $0x8  }
0x1ba: {  	p1 =	seq.s32 @!p0 s26, $0x7C;
	_ =	swait.ge @!p0 [sflag:s8], $0x1400  }
0x1bb: {  	p1 =	por p0, !p1;
	[sflag:s8] =	ssyncset.done @!p0 $0x0  }
0x1bc: {  	[sflag:s8] =	ssyncadd.s32 @!p0 $0xFFFFEC00;
	s8 =	sadd.s32 @p1 $0x50, s29  }
0x1bd: {  	s22 =	sadd.s32 @p1 s4, s8  }
0x1be: {  	s23 =	sshll.u32 @p1 s22, $0x3  }
0x1bf: {  	s23 =	sand.u32 @p1 $0x1FFFFF80, s23  }
0x1c0: {  	s23 =	sadd.s32 @p1 s6, s23  }
0x1c1: {  	[tilespmem:s0], [sflag:$0x1] =	stream.linear.gather @p1 [hbm4b:s23+s5], $0xA00, $0x38;
	[tilespmem:$0x1DE80] =	vst v63  }
0x1c2: {  	_ = 	snop  }
0x1c3: {  	[tilespmem:s10], [sflag:$0x3] =	stream.indirect.gather @p1 [hbm4b:s1+s9], $0x40, s8, s9, $0xb8;
	[tilespmem:$0x1DE80] =	vst v63  }
0x1c4: {  	s8 =	sshrl.u32 @p1 s22, $0x3  }
0x1c5: {  	s8 =	sadd.s32 @p1 s7, s8  }
0x1c6: {  	[tilespmem:s11], [sflag:$0x5] =	stream.linear.gather @p1 [hbm4b:s8+s5], $0x28, $0x38;
	[tilespmem:$0x1DE80] =	vst v63  }
0x1c7: {  	_ =	swait.ge [sflag:s18], $0xA00  }
0x1c8: {  	[sflag:s18] =	ssyncset.done $0x0  }
0x1c9: {  	[sflag:s18] =	ssyncadd.s32 $0xFFFFF600  }
0x1ca: {  	_ =	swait.ge [sflag:s19], $0xA00  }
0x1cb: {  	[sflag:s19] =	ssyncset.done $0x0  }
0x1cc: {  	[sflag:s19] =	ssyncadd.s32 $0xFFFFF600  }
0x1cd: {  	_ =	swait.ge [sflag:s20], $0x28  }
0x1ce: {  	s29 =	simm.s32 $0x0;
	[sflag:s20] =	ssyncset.done $0x0  }
0x1cf: {  	s23 =	simm.s32 $0x9E50;
	s22 =	simm.s32 $0x8C20;
	[sflag:s20] =	ssyncadd.s32 $0xFFFFFFD8  }
.LBB2_7:
0x1d0: {  	s8 =	sshra.s32 s29, $0x2;
	v1 =	vld [tilespmem:s23+$0x0]  }
0x1d1: {  	v2 =	vld [tilespmem:s8+$0x6C20]  }
0x1d2: {  	v3 =	vld [tilespmem:s8+$0x5820];
	_ =	sdelay $0x4  }
0x1d3: {  	v51 =	vbroadcast v1, $0x0;
	v4 =	vshll.u32 v2, $0x10;
	v5 =	vshll.u32 v3, $0x10  }
0x1d4: {  	v2 =	vand.u32 $0xFFFF0000, v2;
	v3 =	vand.u32 $0xFFFF0000, v3;
	v4 =	vmul.f32 v5, v4  }
0x1d5: {  	v2 =	vmul.f32 v3, v2  }
0x1d6: {  	v3 =	vmul.f32 v4, v51  }
0x1d7: {  	v2 =	vmul.f32 v2, v51  }
0x1d8: {  	[tilespmem:s22+$0xFFFFFE00] =	vst v3  }
0x1d9: {  	[tilespmem:s22+$0xFFFFFE10] =	vst v2  }
0x1da: {  	v2 =	vld [tilespmem:s8+$0x6C30]  }
0x1db: {  	v3 =	vld [tilespmem:s8+$0x5830];
	_ =	sdelay $0x4  }
0x1dc: {  	v52 =	vshll.u32 v2, $0x10;
	v6 =	vshll.u32 v3, $0x10  }
0x1dd: {  	v2 =	vand.u32 $0xFFFF0000, v2;
	v3 =	vand.u32 $0xFFFF0000, v3;
	v4 =	vmul.f32 v6, v52  }
0x1de: {  	v2 =	vmul.f32 v3, v2  }
0x1df: {  	v3 =	vmul.f32 v4, v51  }
0x1e0: {  	v2 =	vmul.f32 v2, v51  }
0x1e1: {  	[tilespmem:s22+$0xFFFFFE20] =	vst v3  }
0x1e2: {  	[tilespmem:s22+$0xFFFFFE30] =	vst v2  }
0x1e3: {  	v2 =	vld [tilespmem:s8+$0x6C40]  }
0x1e4: {  	v3 =	vld [tilespmem:s8+$0x5840];
	_ =	sdelay $0x4  }
0x1e5: {  	v53 =	vshll.u32 v2, $0x10;
	v54 =	vshll.u32 v3, $0x10  }
0x1e6: {  	v2 =	vand.u32 $0xFFFF0000, v2;
	v3 =	vand.u32 $0xFFFF0000, v3;
	v4 =	vmul.f32 v54, v53  }
0x1e7: {  	v2 =	vmul.f32 v3, v2  }
0x1e8: {  	v3 =	vmul.f32 v4, v51  }
0x1e9: {  	v2 =	vmul.f32 v2, v51  }
0x1ea: {  	[tilespmem:s22+$0xFFFFFE40] =	vst v3  }
0x1eb: {  	[tilespmem:s22+$0xFFFFFE50] =	vst v2  }
0x1ec: {  	v2 =	vld [tilespmem:s8+$0x6C50]  }
0x1ed: {  	v3 =	vld [tilespmem:s8+$0x5850];
	_ =	sdelay $0x4  }
0x1ee: {  	v55 =	vshll.u32 v2, $0x10;
	v56 =	vshll.u32 v3, $0x10  }
0x1ef: {  	v2 =	vand.u32 $0xFFFF0000, v2;
	v3 =	vand.u32 $0xFFFF0000, v3;
	v4 =	vmul.f32 v56, v55  }
0x1f0: {  	v2 =	vmul.f32 v3, v2  }
0x1f1: {  	v3 =	vmul.f32 v4, v51  }
0x1f2: {  	v2 =	vmul.f32 v2, v51  }
0x1f3: {  	[tilespmem:s22+$0xFFFFFE60] =	vst v3  }
0x1f4: {  	[tilespmem:s22+$0xFFFFFE70] =	vst v2  }
0x1f5: {  	v2 =	vld [tilespmem:s8+$0x6C60]  }
0x1f6: {  	v3 =	vld [tilespmem:s8+$0x5860];
	_ =	sdelay $0x4  }
0x1f7: {  	v59 =	vbroadcast v1, $0x1;
	v57 =	vshll.u32 v2, $0x10;
	v58 =	vshll.u32 v3, $0x10  }
0x1f8: {  	v2 =	vand.u32 $0xFFFF0000, v2;
	v3 =	vand.u32 $0xFFFF0000, v3;
	v4 =	vmul.f32 v58, v57  }
0x1f9: {  	v2 =	vmul.f32 v3, v2  }
0x1fa: {  	v3 =	vmul.f32 v4, v59  }
0x1fb: {  	v2 =	vmul.f32 v2, v59  }
0x1fc: {  	[tilespmem:s22+$0xFFFFFE80] =	vst v3  }
0x1fd: {  	[tilespmem:s22+$0xFFFFFE90] =	vst v2  }
0x1fe: {  	v2 =	vld [tilespmem:s8+$0x6C70]  }
0x1ff: {  	v3 =	vld [tilespmem:s8+$0x5870];
	_ =	sdelay $0x4  }
0x200: {  	v60 =	vshll.u32 v2, $0x10;
	v61 =	vshll.u32 v3, $0x10  }
0x201: {  	v2 =	vand.u32 $0xFFFF0000, v2;
	v3 =	vand.u32 $0xFFFF0000, v3;
	v4 =	vmul.f32 v61, v60  }
0x202: {  	v2 =	vmul.f32 v3, v2  }
0x203: {  	v3 =	vmul.f32 v4, v59  }
0x204: {  	v2 =	vmul.f32 v2, v59  }
0x205: {  	[tilespmem:s22+$0xFFFFFEA0] =	vst v3  }
0x206: {  	[tilespmem:s22+$0xFFFFFEB0] =	vst v2  }
0x207: {  	v2 =	vld [tilespmem:s8+$0x6C80]  }
0x208: {  	v3 =	vld [tilespmem:s8+$0x5880];
	_ =	sdelay $0x4  }
0x209: {  	v62 =	vshll.u32 v2, $0x10;
	v63 =	vshll.u32 v3, $0x10  }
0x20a: {  	v2 =	vand.u32 $0xFFFF0000, v2;
	v3 =	vand.u32 $0xFFFF0000, v3;
	v4 =	vmul.f32 v63, v62  }
0x20b: {  	v2 =	vmul.f32 v3, v2  }
0x20c: {  	v3 =	vmul.f32 v4, v59  }
0x20d: {  	v2 =	vmul.f32 v2, v59  }
0x20e: {  	[tilespmem:s22+$0xFFFFFEC0] =	vst v3  }
0x20f: {  	[tilespmem:s22+$0xFFFFFED0] =	vst v2  }
0x210: {  	v2 =	vld [tilespmem:s8+$0x6C90]  }
0x211: {  	v3 =	vld [tilespmem:s8+$0x5890];
	_ =	sdelay $0x4  }
0x212: {  	v9 =	vshll.u32 v2, $0x10;
	v10 =	vshll.u32 v3, $0x10  }
0x213: {  	v2 =	vand.u32 $0xFFFF0000, v2;
	v3 =	vand.u32 $0xFFFF0000, v3;
	v4 =	vmul.f32 v10, v9  }
0x214: {  	v2 =	vmul.f32 v3, v2  }
0x215: {  	v3 =	vmul.f32 v4, v59  }
0x216: {  	v2 =	vmul.f32 v2, v59  }
0x217: {  	[tilespmem:s22+$0xFFFFFEE0] =	vst v3  }
0x218: {  	[tilespmem:s22+$0xFFFFFEF0] =	vst v2  }
0x219: {  	v2 =	vld [tilespmem:s8+$0x6CA0]  }
0x21a: {  	v3 =	vld [tilespmem:s8+$0x58A0];
	_ =	sdelay $0x4  }
0x21b: {  	v13 =	vbroadcast v1, $0x2;
	v11 =	vshll.u32 v2, $0x10;
	v12 =	vshll.u32 v3, $0x10  }
0x21c: {  	v2 =	vand.u32 $0xFFFF0000, v2;
	v3 =	vand.u32 $0xFFFF0000, v3;
	v4 =	vmul.f32 v12, v11  }
0x21d: {  	v2 =	vmul.f32 v3, v2  }
0x21e: {  	v3 =	vmul.f32 v4, v13  }
0x21f: {  	v2 =	vmul.f32 v2, v13  }
0x220: {  	[tilespmem:s22+$0xFFFFFF00] =	vst v3  }
0x221: {  	[tilespmem:s22+$0xFFFFFF10] =	vst v2  }
0x222: {  	v2 =	vld [tilespmem:s8+$0x6CB0]  }
0x223: {  	v3 =	vld [tilespmem:s8+$0x58B0];
	_ =	sdelay $0x4  }
0x224: {  	v14 =	vshll.u32 v2, $0x10;
	v15 =	vshll.u32 v3, $0x10  }
0x225: {  	v2 =	vand.u32 $0xFFFF0000, v2;
	v3 =	vand.u32 $0xFFFF0000, v3;
	v4 =	vmul.f32 v15, v14  }
0x226: {  	v2 =	vmul.f32 v3, v2  }
0x227: {  	v3 =	vmul.f32 v4, v13  }
0x228: {  	v2 =	vmul.f32 v2, v13  }
0x229: {  	[tilespmem:s22+$0xFFFFFF20] =	vst v3  }
0x22a: {  	[tilespmem:s22+$0xFFFFFF30] =	vst v2  }
0x22b: {  	v2 =	vld [tilespmem:s8+$0x6CC0]  }
0x22c: {  	v3 =	vld [tilespmem:s8+$0x58C0];
	_ =	sdelay $0x4  }
0x22d: {  	v16 =	vshll.u32 v2, $0x10;
	v17 =	vshll.u32 v3, $0x10  }
0x22e: {  	v2 =	vand.u32 $0xFFFF0000, v2;
	v3 =	vand.u32 $0xFFFF0000, v3;
	v4 =	vmul.f32 v17, v16  }
0x22f: {  	v2 =	vmul.f32 v3, v2  }
0x230: {  	v3 =	vmul.f32 v4, v13  }
0x231: {  	v2 =	vmul.f32 v2, v13  }
0x232: {  	[tilespmem:s22+$0xFFFFFF40] =	vst v3  }
0x233: {  	[tilespmem:s22+$0xFFFFFF50] =	vst v2  }
0x234: {  	v2 =	vld [tilespmem:s8+$0x6CD0]  }
0x235: {  	v3 =	vld [tilespmem:s8+$0x58D0];
	_ =	sdelay $0x4  }
0x236: {  	v18 =	vshll.u32 v2, $0x10;
	v19 =	vshll.u32 v3, $0x10  }
0x237: {  	v2 =	vand.u32 $0xFFFF0000, v2;
	v3 =	vand.u32 $0xFFFF0000, v3;
	v4 =	vmul.f32 v19, v18  }
0x238: {  	v2 =	vmul.f32 v3, v2  }
0x239: {  	v3 =	vmul.f32 v4, v13  }
0x23a: {  	v2 =	vmul.f32 v2, v13  }
0x23b: {  	[tilespmem:s22+$0xFFFFFF60] =	vst v3  }
0x23c: {  	[tilespmem:s22+$0xFFFFFF70] =	vst v2  }
0x23d: {  	v2 =	vld [tilespmem:s8+$0x6CE0]  }
0x23e: {  	v3 =	vld [tilespmem:s8+$0x58E0];
	_ =	sdelay $0x4  }
0x23f: {  	v22 =	vbroadcast v1, $0x3;
	v20 =	vshll.u32 v2, $0x10;
	v21 =	vshll.u32 v3, $0x10  }
0x240: {  	v2 =	vand.u32 $0xFFFF0000, v2;
	v3 =	vand.u32 $0xFFFF0000, v3;
	v4 =	vmul.f32 v21, v20  }
0x241: {  	v2 =	vmul.f32 v3, v2  }
0x242: {  	v3 =	vmul.f32 v4, v22  }
0x243: {  	v2 =	vmul.f32 v2, v22  }
0x244: {  	[tilespmem:s22+$0xFFFFFF80] =	vst v3  }
0x245: {  	[tilespmem:s22+$0xFFFFFF90] =	vst v2  }
0x246: {  	v2 =	vld [tilespmem:s8+$0x6CF0]  }
0x247: {  	v3 =	vld [tilespmem:s8+$0x58F0];
	_ =	sdelay $0x4  }
0x248: {  	v23 =	vshll.u32 v2, $0x10;
	v24 =	vshll.u32 v3, $0x10  }
0x249: {  	v2 =	vand.u32 $0xFFFF0000, v2;
	v3 =	vand.u32 $0xFFFF0000, v3;
	v4 =	vmul.f32 v24, v23  }
0x24a: {  	v2 =	vmul.f32 v3, v2  }
0x24b: {  	v3 =	vmul.f32 v4, v22  }
0x24c: {  	v2 =	vmul.f32 v2, v22  }
0x24d: {  	[tilespmem:s22+$0xFFFFFFA0] =	vst v3  }
0x24e: {  	[tilespmem:s22+$0xFFFFFFB0] =	vst v2  }
0x24f: {  	v2 =	vld [tilespmem:s8+$0x6D00]  }
0x250: {  	v3 =	vld [tilespmem:s8+$0x5900];
	_ =	sdelay $0x4  }
0x251: {  	v25 =	vshll.u32 v2, $0x10;
	v26 =	vshll.u32 v3, $0x10  }
0x252: {  	v2 =	vand.u32 $0xFFFF0000, v2;
	v3 =	vand.u32 $0xFFFF0000, v3;
	v4 =	vmul.f32 v26, v25  }
0x253: {  	v2 =	vmul.f32 v3, v2  }
0x254: {  	v3 =	vmul.f32 v4, v22  }
0x255: {  	v2 =	vmul.f32 v2, v22  }
0x256: {  	[tilespmem:s22+$0xFFFFFFC0] =	vst v3  }
0x257: {  	[tilespmem:s22+$0xFFFFFFD0] =	vst v2  }
0x258: {  	v2 =	vld [tilespmem:s8+$0x6D10]  }
0x259: {  	v3 =	vld [tilespmem:s8+$0x5910];
	_ =	sdelay $0x4  }
0x25a: {  	v27 =	vshll.u32 v2, $0x10;
	v28 =	vshll.u32 v3, $0x10  }
0x25b: {  	v2 =	vand.u32 $0xFFFF0000, v2;
	v3 =	vand.u32 $0xFFFF0000, v3;
	v4 =	vmul.f32 v28, v27  }
0x25c: {  	v2 =	vmul.f32 v3, v2  }
0x25d: {  	v3 =	vmul.f32 v4, v22  }
0x25e: {  	v2 =	vmul.f32 v2, v22  }
0x25f: {  	[tilespmem:s22+$0xFFFFFFE0] =	vst v3  }
0x260: {  	[tilespmem:s22+$0xFFFFFFF0] =	vst v2  }
0x261: {  	v2 =	vld [tilespmem:s8+$0x6D20]  }
0x262: {  	v3 =	vld [tilespmem:s8+$0x5920];
	_ =	sdelay $0x4  }
0x263: {  	v31 =	vbroadcast v1, $0x4;
	v29 =	vshll.u32 v2, $0x10;
	v30 =	vshll.u32 v3, $0x10  }
0x264: {  	v2 =	vand.u32 $0xFFFF0000, v2;
	v3 =	vand.u32 $0xFFFF0000, v3;
	v4 =	vmul.f32 v30, v29  }
0x265: {  	v2 =	vmul.f32 v3, v2  }
0x266: {  	v3 =	vmul.f32 v4, v31  }
0x267: {  	v2 =	vmul.f32 v2, v31  }
0x268: {  	[tilespmem:s22+$0x0] =	vst v3  }
0x269: {  	[tilespmem:s22+$0x10] =	vst v2  }
0x26a: {  	v2 =	vld [tilespmem:s8+$0x6D30]  }
0x26b: {  	v3 =	vld [tilespmem:s8+$0x5930];
	_ =	sdelay $0x4  }
0x26c: {  	v32 =	vshll.u32 v2, $0x10;
	v33 =	vshll.u32 v3, $0x10  }
0x26d: {  	v2 =	vand.u32 $0xFFFF0000, v2;
	v3 =	vand.u32 $0xFFFF0000, v3;
	v4 =	vmul.f32 v33, v32  }
0x26e: {  	v2 =	vmul.f32 v3, v2  }
0x26f: {  	v3 =	vmul.f32 v4, v31  }
0x270: {  	v2 =	vmul.f32 v2, v31  }
0x271: {  	[tilespmem:s22+$0x20] =	vst v3  }
0x272: {  	[tilespmem:s22+$0x30] =	vst v2  }
0x273: {  	v2 =	vld [tilespmem:s8+$0x6D40]  }
0x274: {  	v3 =	vld [tilespmem:s8+$0x5940];
	_ =	sdelay $0x4  }
0x275: {  	v34 =	vshll.u32 v2, $0x10;
	v35 =	vshll.u32 v3, $0x10  }
0x276: {  	v2 =	vand.u32 $0xFFFF0000, v2;
	v3 =	vand.u32 $0xFFFF0000, v3;
	v4 =	vmul.f32 v35, v34  }
0x277: {  	v2 =	vmul.f32 v3, v2  }
0x278: {  	v3 =	vmul.f32 v4, v31  }
0x279: {  	v2 =	vmul.f32 v2, v31  }
0x27a: {  	[tilespmem:s22+$0x40] =	vst v3  }
0x27b: {  	[tilespmem:s22+$0x50] =	vst v2  }
0x27c: {  	v2 =	vld [tilespmem:s8+$0x6D50]  }
0x27d: {  	v3 =	vld [tilespmem:s8+$0x5950];
	_ =	sdelay $0x4  }
0x27e: {  	v36 =	vshll.u32 v2, $0x10;
	v37 =	vshll.u32 v3, $0x10  }
0x27f: {  	v2 =	vand.u32 $0xFFFF0000, v2;
	v3 =	vand.u32 $0xFFFF0000, v3;
	v4 =	vmul.f32 v37, v36  }
0x280: {  	v2 =	vmul.f32 v3, v2  }
0x281: {  	v3 =	vmul.f32 v4, v31  }
0x282: {  	v2 =	vmul.f32 v2, v31  }
0x283: {  	[tilespmem:s22+$0x60] =	vst v3  }
0x284: {  	[tilespmem:s22+$0x70] =	vst v2  }
0x285: {  	v2 =	vld [tilespmem:s8+$0x6D60]  }
0x286: {  	v3 =	vld [tilespmem:s8+$0x5960];
	_ =	sdelay $0x4  }
0x287: {  	v40 =	vbroadcast v1, $0x5;
	v38 =	vshll.u32 v2, $0x10;
	v39 =	vshll.u32 v3, $0x10  }
0x288: {  	v2 =	vand.u32 $0xFFFF0000, v2;
	v3 =	vand.u32 $0xFFFF0000, v3;
	v4 =	vmul.f32 v39, v38  }
0x289: {  	v2 =	vmul.f32 v3, v2  }
0x28a: {  	v3 =	vmul.f32 v4, v40  }
0x28b: {  	v2 =	vmul.f32 v2, v40  }
0x28c: {  	[tilespmem:s22+$0x80] =	vst v3  }
0x28d: {  	[tilespmem:s22+$0x90] =	vst v2  }
0x28e: {  	v2 =	vld [tilespmem:s8+$0x6D70]  }
0x28f: {  	v3 =	vld [tilespmem:s8+$0x5970];
	_ =	sdelay $0x4  }
0x290: {  	v41 =	vshll.u32 v2, $0x10;
	v42 =	vshll.u32 v3, $0x10  }
0x291: {  	v2 =	vand.u32 $0xFFFF0000, v2;
	v3 =	vand.u32 $0xFFFF0000, v3;
	v4 =	vmul.f32 v42, v41  }
0x292: {  	v2 =	vmul.f32 v3, v2  }
0x293: {  	v3 =	vmul.f32 v4, v40  }
0x294: {  	v2 =	vmul.f32 v2, v40  }
0x295: {  	[tilespmem:s22+$0xA0] =	vst v3  }
0x296: {  	[tilespmem:s22+$0xB0] =	vst v2  }
0x297: {  	v2 =	vld [tilespmem:s8+$0x6D80]  }
0x298: {  	v3 =	vld [tilespmem:s8+$0x5980];
	_ =	sdelay $0x4  }
0x299: {  	v43 =	vshll.u32 v2, $0x10;
	v44 =	vshll.u32 v3, $0x10  }
0x29a: {  	v2 =	vand.u32 $0xFFFF0000, v2;
	v3 =	vand.u32 $0xFFFF0000, v3;
	v4 =	vmul.f32 v44, v43  }
0x29b: {  	v2 =	vmul.f32 v3, v2  }
0x29c: {  	v3 =	vmul.f32 v4, v40  }
0x29d: {  	v2 =	vmul.f32 v2, v40  }
0x29e: {  	[tilespmem:s22+$0xC0] =	vst v3  }
0x29f: {  	[tilespmem:s22+$0xD0] =	vst v2  }
0x2a0: {  	v2 =	vld [tilespmem:s8+$0x6D90]  }
0x2a1: {  	v3 =	vld [tilespmem:s8+$0x5990];
	_ =	sdelay $0x4  }
0x2a2: {  	v45 =	vshll.u32 v2, $0x10;
	v46 =	vshll.u32 v3, $0x10  }
0x2a3: {  	v2 =	vand.u32 $0xFFFF0000, v2;
	v3 =	vand.u32 $0xFFFF0000, v3;
	v4 =	vmul.f32 v46, v45  }
0x2a4: {  	v2 =	vmul.f32 v3, v2  }
0x2a5: {  	v3 =	vmul.f32 v4, v40  }
0x2a6: {  	v2 =	vmul.f32 v2, v40  }
0x2a7: {  	[tilespmem:s22+$0xE0] =	vst v3  }
0x2a8: {  	[tilespmem:s22+$0xF0] =	vst v2  }
0x2a9: {  	v2 =	vld [tilespmem:s8+$0x6DA0]  }
0x2aa: {  	v3 =	vld [tilespmem:s8+$0x59A0];
	_ =	sdelay $0x4  }
0x2ab: {  	v49 =	vbroadcast v1, $0x6;
	v47 =	vshll.u32 v2, $0x10;
	v48 =	vshll.u32 v3, $0x10  }
0x2ac: {  	v2 =	vand.u32 $0xFFFF0000, v2;
	v3 =	vand.u32 $0xFFFF0000, v3;
	v4 =	vmul.f32 v48, v47  }
0x2ad: {  	v2 =	vmul.f32 v3, v2  }
0x2ae: {  	v3 =	vmul.f32 v4, v49  }
0x2af: {  	v2 =	vmul.f32 v2, v49  }
0x2b0: {  	[tilespmem:s22+$0x100] =	vst v3  }
0x2b1: {  	[tilespmem:s22+$0x110] =	vst v2  }
0x2b2: {  	v2 =	vld [tilespmem:s8+$0x6DB0]  }
0x2b3: {  	v3 =	vld [tilespmem:s8+$0x59B0];
	_ =	sdelay $0x4  }
0x2b4: {  	v50 =	vshll.u32 v2, $0x10;
	v51 =	vshll.u32 v3, $0x10  }
0x2b5: {  	v2 =	vand.u32 $0xFFFF0000, v2;
	v3 =	vand.u32 $0xFFFF0000, v3;
	v4 =	vmul.f32 v51, v50  }
0x2b6: {  	v2 =	vmul.f32 v3, v2  }
0x2b7: {  	v3 =	vmul.f32 v4, v49  }
0x2b8: {  	v2 =	vmul.f32 v2, v49  }
0x2b9: {  	[tilespmem:s22+$0x120] =	vst v3  }
0x2ba: {  	[tilespmem:s22+$0x130] =	vst v2  }
0x2bb: {  	v2 =	vld [tilespmem:s8+$0x6DC0]  }
0x2bc: {  	v3 =	vld [tilespmem:s8+$0x59C0];
	_ =	sdelay $0x4  }
0x2bd: {  	v52 =	vshll.u32 v2, $0x10;
	v53 =	vshll.u32 v3, $0x10  }
0x2be: {  	v2 =	vand.u32 $0xFFFF0000, v2;
	v3 =	vand.u32 $0xFFFF0000, v3;
	v4 =	vmul.f32 v53, v52  }
0x2bf: {  	v2 =	vmul.f32 v3, v2  }
0x2c0: {  	v3 =	vmul.f32 v4, v49  }
0x2c1: {  	v2 =	vmul.f32 v2, v49  }
0x2c2: {  	[tilespmem:s22+$0x140] =	vst v3  }
0x2c3: {  	[tilespmem:s22+$0x150] =	vst v2  }
0x2c4: {  	v2 =	vld [tilespmem:s8+$0x6DD0]  }
0x2c5: {  	v3 =	vld [tilespmem:s8+$0x59D0];
	_ =	sdelay $0x4  }
0x2c6: {  	v54 =	vshll.u32 v2, $0x10;
	v55 =	vshll.u32 v3, $0x10  }
0x2c7: {  	v2 =	vand.u32 $0xFFFF0000, v2;
	v3 =	vand.u32 $0xFFFF0000, v3;
	v4 =	vmul.f32 v55, v54  }
0x2c8: {  	v2 =	vmul.f32 v3, v2  }
0x2c9: {  	v3 =	vmul.f32 v4, v49  }
0x2ca: {  	v2 =	vmul.f32 v2, v49  }
0x2cb: {  	[tilespmem:s22+$0x160] =	vst v3  }
0x2cc: {  	[tilespmem:s22+$0x170] =	vst v2  }
0x2cd: {  	v2 =	vld [tilespmem:s8+$0x6DE0]  }
0x2ce: {  	v3 =	vld [tilespmem:s8+$0x59E0];
	_ =	sdelay $0x4  }
0x2cf: {  	v1 =	vbroadcast v1, $0x7;
	v56 =	vshll.u32 v2, $0x10;
	v57 =	vshll.u32 v3, $0x10  }
0x2d0: {  	v2 =	vand.u32 $0xFFFF0000, v2;
	v3 =	vand.u32 $0xFFFF0000, v3;
	v4 =	vmul.f32 v57, v56  }
0x2d1: {  	v2 =	vmul.f32 v3, v2  }
0x2d2: {  	v3 =	vmul.f32 v4, v1  }
0x2d3: {  	v2 =	vmul.f32 v2, v1  }
0x2d4: {  	[tilespmem:s22+$0x180] =	vst v3  }
0x2d5: {  	[tilespmem:s22+$0x190] =	vst v2  }
0x2d6: {  	v2 =	vld [tilespmem:s8+$0x6DF0]  }
0x2d7: {  	v3 =	vld [tilespmem:s8+$0x59F0];
	_ =	sdelay $0x4  }
0x2d8: {  	v58 =	vshll.u32 v2, $0x10;
	v59 =	vshll.u32 v3, $0x10  }
0x2d9: {  	v2 =	vand.u32 $0xFFFF0000, v2;
	v3 =	vand.u32 $0xFFFF0000, v3;
	v4 =	vmul.f32 v59, v58  }
0x2da: {  	v2 =	vmul.f32 v3, v2  }
0x2db: {  	v3 =	vmul.f32 v4, v1  }
0x2dc: {  	v2 =	vmul.f32 v2, v1  }
0x2dd: {  	[tilespmem:s22+$0x1A0] =	vst v3  }
0x2de: {  	[tilespmem:s22+$0x1B0] =	vst v2  }
0x2df: {  	v2 =	vld [tilespmem:s8+$0x6E00]  }
0x2e0: {  	v3 =	vld [tilespmem:s8+$0x5A00];
	_ =	sdelay $0x4  }
0x2e1: {  	v60 =	vshll.u32 v2, $0x10;
	v61 =	vshll.u32 v3, $0x10  }
0x2e2: {  	v2 =	vand.u32 $0xFFFF0000, v2;
	v3 =	vand.u32 $0xFFFF0000, v3;
	v4 =	vmul.f32 v61, v60  }
0x2e3: {  	v2 =	vmul.f32 v3, v2  }
0x2e4: {  	v3 =	vmul.f32 v4, v1  }
0x2e5: {  	v2 =	vmul.f32 v2, v1  }
0x2e6: {  	[tilespmem:s22+$0x1C0] =	vst v3  }
0x2e7: {  	[tilespmem:s22+$0x1D0] =	vst v2  }
0x2e8: {  	v2 =	vld [tilespmem:s8+$0x6E10]  }
0x2e9: {  	v3 =	vld [tilespmem:s8+$0x5A10];
	_ =	sdelay $0x4  }
0x2ea: {  	v62 =	vshll.u32 v2, $0x10;
	v63 =	vshll.u32 v3, $0x10  }
0x2eb: {  	p0 =	sne.s32 s29, $0x2000;
	v2 =	vand.u32 $0xFFFF0000, v2;
	v3 =	vand.u32 $0xFFFF0000, v3;
	v4 =	vmul.f32 v63, v62  }
.Ltmp2:
0x2ec: {  	v2 =	vmul.f32 v3, v2;
	(pc) =	sbr.rel @p0 .LBB2_7-.Ltmp2, $4  }
0x2ed: {  	v3 =	vmul.f32 v4, v1  }
0x2ee: {  	v1 =	vmul.f32 v2, v1  }
0x2ef: {  	[tilespmem:s22+$0x1E0] =	vst v3  }
0x2f0: {  	s23 =	sadd.s32 $0x8, s23;
	s29 =	sadd.s32 $0x800, s29;
	[tilespmem:s22+$0x1F0] =	vst v1;
	s22 =	sadd.s32 $0x400, s22  }
0x2f1: {  	s26 =	sadd.s32 $0x1, s26  }
0x2f2: {  	p0 =	sne.s32 s26, $0x7D  }
.Ltmp3:
0x2f3: {  	_ = 	snop;
	(pc) =	sbr.rel @p0 .LBB2_4-.Ltmp3, $3  }
0x2f4: {  	_ =	sdelay $0x1  }
0x2f5: {  	s8 =	sadd.s32 $0x2710, s28  }
0x2f6: {  	[spmem:s3] =	stream.indirect.scatter.add.f32 [tilespmem:s21], [sflag:$0x8], $0x80, s8, s9, $0xb8;
	[tilespmem:$0x1DE80] =	vst v63  }
0x2f7: {  	s8 =	simm.s32 $0x7  }
0x2f8: {  	_ =	swait.ge [sflag:s8], $0x1400  }
0x2f9: {  	[sflag:s8] =	ssyncset.done $0x0  }
0x2fa: {  	s28 =	simm.s32 $0x8;
	[sflag:s8] =	ssyncadd.s32 $0xFFFFEC00  }
0x2fb: {  	_ =	swait.ge [sflag:s28], $0x1400  }
0x2fc: {  	[sflag:s28] =	ssyncset.done $0x0  }
0x2fd: {  	[sflag:s28] =	ssyncadd.s32 $0xFFFFEC00  }
0x2fe: {  	s29 =	stileid.u32;
	[bflag:$0x0] =	sbarrier.arrive $0xFFFF  }
0x2ff: {  	s8 =	sshll.u32 s29, $0x6;
	s23 =	rddreg [dreg:$0x4]  }
0x300: {  	s8 =	sor.u32 $0x1C09, s8;
	s25 =	rddreg [dreg:$0x18];
	s22 =	sshrl.u32 s23, $0x3  }
0x301: {  	[hbm:s25], [sflag:s8] =	dma.local [spmem:s22], $0x2800  }
0x302: {  	_ =	swait.ge [sflag:s2], $0x2800  }
0x303: {  	s24 =	sadd.s32 $0x1, s24;
	s30 =	rddreg [dreg:$0x19]  }
0x304: {  	p0 =	sne.s32 s24, s30  }
.Ltmp4:
0x305: {  	_ = 	snop;
	(pc) =	sbr.rel @p0 .LBB2_1-.Ltmp4, $3  }
0x306: {  	_ =	sdelay $0x1  }
0x307: {  	[sflag:s2] =	ssyncset.done $0x0  }
0x308: {  	[sflag:s2] =	ssyncadd.s32 $0xFFFFD800  }
0x309: {  	_ =	sfence.sel $0x180000  }
0x30a: {  	[bflag:$0x0] =	sbarrier.arrive $0xFFFF  }
0x30b: {  	_ =	strace $0x90000047  }
0x30c: {  	s0 =	stileid.u32;
	[bflag:$0x2] =	sbarrier.arrive $0xFFFF  }
0x30d: {  	p0 =	sne.s32 s0, $0x0;
	s0 =	rddreg [dreg:$0x3]  }
0x30e: {  	s0 =	sadd.s32 @!p0 $0x100000, s0  }
0x30f: {  	[sflag:s0] =	ssyncadd.tile.s32 @!p0 $0x1;
	_ =	shalt  }
.Lfunc_end2:
_tile_overlayer_lowered:
.L_overlay_start_2:
0x310: {  	(tag) =	ssettag $0x2  }
0x311: {  	s0 =	rddreg [dreg:$0x0];
	s2 =	stileid.u32  }
0x312: {  	s1 =	rddreg [dreg:$0x1];
	p0 =	sne.s32 s2, $0x0  }
0x313: {  	s3 =	rddreg [dreg:$0x2];
	[bflag:$0x3] =	sbarrier.arrive $0xFFFF;
	s2 =	simm.s32 @!p0 $0x1C09  }
0x314: {  	[timem:s3], [sflag:s2] =	dma.local @!p0 [hbm:s0], s1  }
0x315: {  	s0 =	simm.s32 @!p0 $0x9  }
0x316: {  	_ =	swait.ge @!p0 [sflag:s0], s1  }
0x317: {  	s1 =	ssub.s32 @!p0 $0x0, s1;
	[sflag:s0] =	ssyncset.done @!p0 $0x0  }
0x318: {  	[sflag:s0] =	ssyncadd.s32 @!p0 s1  }
0x319: {  	[bflag:$0x3] =	sbarrier.arrive $0xFFFF  }
0x31a: {  	_ =	shalt  }

</sc_bundles>
